<compile_context>
chip_gen: v7x
topology: tpu7x:2x2x1
jax: 0.10.2.dev20260603
libtpu: 0.0.44.dev20260713+nightly
codegen_flags: <defaults>
</compile_context>

<pallas_src>
import functools

import jax
import jax.numpy as jnp
from jax import lax
from jax.experimental import pallas as pl
from jax.experimental.pallas import tpu as pltpu
from jax.experimental.pallas import tpu_sc as plsc

N = 10000
E = 160000
D = 256
ROW_BLK = 1000

NW = 32
RPT = 320
NPAD = NW * RPT
CAP = E + 128
GB = 128


def _widx():
    info = plsc.get_sparse_core_info()
    return lax.axis_index("s") * info.num_cores + lax.axis_index("c")


def _build_routing(src, dst):
    w = dst // RPT
    order = jnp.argsort(w)
    ssrc = src[order]
    sdst = dst[order]
    sw = w[order]
    wids = jnp.arange(NW, dtype=jnp.int32)
    starts = jnp.searchsorted(sw, wids, side="left")
    ends = jnp.searchsorted(sw, wids, side="right")
    counts = (ends - starts).astype(jnp.int32)
    pos = jnp.arange(E, dtype=jnp.int32) - starts[sw].astype(jnp.int32)
    slot = sw * CAP + pos
    lsrc = jnp.zeros((NW * CAP,), jnp.int32).at[slot].set(ssrc)
    ldst = jnp.full((NW * CAP,), RPT, jnp.int32).at[slot].set(
        (sdst - sw * RPT).astype(jnp.int32))
    cpad = ((counts + GB - 1) // GB) * GB
    cnts = jnp.repeat(cpad, 16).astype(jnp.int32)
    return lsrc, ldst, cnts


def _segmax_body(m_hbm, lsrc_hbm, ldst_hbm, cnt_hbm, out_hbm,
                 acc, idxv, dstv, rows, cntv, sem):
    wid = _widx()
    base = wid * CAP

    zrow = jnp.zeros((16,), jnp.float32)

    def zero_body(r, _):
        for c in range(D // 16):
            acc[r, pl.ds(c * 16, 16)] = zrow
        return 0

    lax.fori_loop(0, RPT + 1, zero_body, 0)

    pltpu.sync_copy(cnt_hbm.at[pl.ds(pl.multiple_of(wid * 16, 8), 16)], cntv)
    cnt = cntv[...][0]

    def batch_body(b, _):
        @pl.when(b * GB < cnt)
        def _():
            g = pl.multiple_of(base + b * GB, 8)
            pltpu.sync_copy(lsrc_hbm.at[pl.ds(g, GB)], idxv)
            pltpu.sync_copy(ldst_hbm.at[pl.ds(g, GB)], dstv)
            pltpu.async_copy(m_hbm.at[idxv], rows, sem).wait()

            def grp_body(t, _):
                dvec = dstv[pl.ds(t * 16, 16)]
                for k in range(16):
                    dl = dvec[k]
                    j = t * 16 + k

                    def col_body(c, _):
                        sl = pl.ds(pl.multiple_of(c * 16, 16), 16)
                        acc[dl, sl] = jnp.maximum(acc[dl, sl], rows[j, sl])
                        return 0

                    lax.fori_loop(0, D // 16, col_body, 0)
                return 0

            lax.fori_loop(0, GB // 16, grp_body, 0)

        return 0

    lax.fori_loop(0, CAP // GB, batch_body, 0)
    pltpu.sync_copy(acc.at[pl.ds(0, RPT)], out_hbm.at[pl.ds(wid * RPT, RPT)])


def _segmax_sc(m, lsrc, ldst, cnts):
    mesh = plsc.VectorSubcoreMesh(core_axis_name="c", subcore_axis_name="s")
    f = pl.kernel(
        _segmax_body,
        out_type=jax.ShapeDtypeStruct((NPAD, D), jnp.float32),
        mesh=mesh,
        scratch_types=(
            pltpu.VMEM((RPT + 1, D), jnp.float32),
            pltpu.VMEM((GB,), jnp.int32),
            pltpu.VMEM((GB,), jnp.int32),
            pltpu.VMEM((GB, D), jnp.float32),
            pltpu.VMEM((16,), jnp.int32),
            pltpu.SemaphoreType.DMA,
        ),
    )
    return f(m, lsrc, ldst, cnts)


def _pool_mm_body(h_ref, w_ref, b_ref, o_ref):
    o_ref[...] = jnp.maximum(
        jnp.dot(h_ref[...], w_ref[...], preferred_element_type=jnp.float32)
        + b_ref[...], 0.0)


def _pool_mm(h, w, b):
    return pl.pallas_call(
        _pool_mm_body,
        grid=(N // ROW_BLK,),
        in_specs=[
            pl.BlockSpec((ROW_BLK, D), lambda i: (i, 0)),
            pl.BlockSpec((D, D), lambda i: (0, 0)),
            pl.BlockSpec((D,), lambda i: (0,)),
        ],
        out_specs=pl.BlockSpec((ROW_BLK, D), lambda i: (i, 0)),
        out_shape=jax.ShapeDtypeStruct((N, D), jnp.float32),
    )(h, w, b)


def _out_mm_body(h_ref, hn_ref, ws_ref, wn_ref, b_ref, o_ref, *, act):
    r = (jnp.dot(h_ref[...], ws_ref[...], preferred_element_type=jnp.float32)
         + jnp.dot(hn_ref[...], wn_ref[...], preferred_element_type=jnp.float32)
         + b_ref[...])
    o_ref[...] = jnp.tanh(r) if act else r


def _out_mm(h, hn, ws, wn, b, act):
    return pl.pallas_call(
        functools.partial(_out_mm_body, act=act),
        grid=(N // ROW_BLK,),
        in_specs=[
            pl.BlockSpec((ROW_BLK, D), lambda i: (i, 0)),
            pl.BlockSpec((ROW_BLK, D), lambda i: (i, 0)),
            pl.BlockSpec((D, D), lambda i: (0, 0)),
            pl.BlockSpec((D, D), lambda i: (0, 0)),
            pl.BlockSpec((D,), lambda i: (0,)),
        ],
        out_specs=pl.BlockSpec((ROW_BLK, D), lambda i: (i, 0)),
        out_shape=jax.ShapeDtypeStruct((N, D), jnp.float32),
    )(h, hn, ws, wn, b)


def kernel(x, edge_index,
           W_pool1, b_pool1, W_self1, W_neigh1, b1,
           W_pool2, b_pool2, W_self2, W_neigh2, b2,
           W_pool3, b_pool3, W_self3, W_neigh3, b3):
    src = edge_index[0]
    dst = edge_index[1]
    lsrc, ldst, cnts = _build_routing(src, dst)
    params = [
        (W_pool1, b_pool1, W_self1, W_neigh1, b1, True),
        (W_pool2, b_pool2, W_self2, W_neigh2, b2, True),
        (W_pool3, b_pool3, W_self3, W_neigh3, b3, False),
    ]
    h = x
    for wp, bp, ws, wn, b, act in params:
        m = _pool_mm(h, wp, bp)
        hn = _segmax_sc(m, lsrc, ldst, cnts)[:N]
        h = _out_mm(h, hn, ws, wn, b, act)
    return h

# --- scband reference (transcript-rebuilt; emitter-appended) ---
"""Pipeline reference for scband-sage-2834678415935 (READ-ONLY COPY).

The authoritative reference and input builder live on the scoring server;
editing this copy changes nothing except your own understanding.
"""

import jax, jax.numpy as jnp
import numpy as np

N = 10000
E = 160000
D_IN = 256
D_HID = 256
D_OUT = 256
HID_LAYER = 1


def _mk_linear(key, d_in, d_out):
    s = 1.0 / np.sqrt(d_in)
    return jax.random.uniform(key, (d_in, d_out), dtype=jnp.float32, minval=-s, maxval=s)


def setup_inputs(seed: int = 0) -> dict:
    key = jax.random.key(seed)
    ks = jax.random.split(key, 32)
    inp = {}
    inp["x"] = jax.random.normal(ks[0], (N, D_IN), dtype=jnp.float32)
    inp["edge_index"] = jax.random.randint(ks[1], (2, E), 0, N, dtype=jnp.int32)
    # DGL SAGEConv(aggregator_type='pool') params per layer:
    #   fc_pool: Linear(in, in) with bias; fc_self: Linear(in, out, bias=False);
    #   fc_neigh: Linear(in, out, bias=False); bias: (out,)
    dims = [(D_IN, D_HID), (D_HID, D_HID), (D_HID, D_OUT)]
    for li, (di, do) in enumerate(dims, start=1):
        inp[f"W_pool{li}"] = _mk_linear(ks[2 + li * 5 + 0], di, di)
        inp[f"b_pool{li}"] = jnp.zeros((di,), dtype=jnp.float32)
        inp[f"W_self{li}"] = _mk_linear(ks[2 + li * 5 + 1], di, do)
        inp[f"W_neigh{li}"] = _mk_linear(ks[2 + li * 5 + 2], di, do)
        inp[f"b{li}"] = jnp.zeros((do,), dtype=jnp.float32)
    return inp


def _sage_pool(h, src, dst, W_pool, b_pool, W_self, W_neigh, b):
    # fc_pool applied per source node, then relu, then max-aggregate over in-edges
    m = jax.nn.relu(h @ W_pool + b_pool)
    msgs = m[src]
    h_neigh = jax.ops.segment_max(msgs, dst, num_segments=N)
    # zero-in-degree nodes get -inf from segment_max; DGL semantics -> 0
    h_neigh = jnp.where(jnp.isneginf(h_neigh), 0.0, h_neigh)
    return h @ W_self + h_neigh @ W_neigh + b


def reference(x, edge_index,
              W_pool1, b_pool1, W_self1, W_neigh1, b1,
              W_pool2, b_pool2, W_self2, W_neigh2, b2,
              W_pool3, b_pool3, W_self3, W_neigh3, b3):
    src = edge_index[0]
    dst = edge_index[1]
    h = _sage_pool(x, src, dst, W_pool1, b_pool1, W_self1, W_neigh1, b1)
    h = jnp.tanh(h)
    # dropout p=0.0 -> identity
    for _ in range(HID_LAYER):
        h = _sage_pool(h, src, dst, W_pool2, b_pool2, W_self2, W_neigh2, b2)
        h = jnp.tanh(h)
    h = _sage_pool(h, src, dst, W_pool3, b_pool3, W_self3, W_neigh3, b3)
    return h

if __name__ == "__main__":
    import jax
    _d = setup_inputs()
    print(jax.jit(kernel)(*tuple(_d.values())))

</pallas_src>

<mosaic_0001>
#map = affine_map<(d0, d1) -> (0, 0)>
#map1 = affine_map<(d0, d1) -> (0)>
module attributes {stable_mosaic.version = 14 : i64} {
  func.func @_segmax_body(%arg0: i32, %arg1: i32, %arg2: memref<10000x256xf32, #tpu.memory_space<hbm>>, %arg3: memref<5124096xi32, #tpu.memory_space<hbm>>, %arg4: memref<5124096xi32, #tpu.memory_space<hbm>>, %arg5: memref<512xi32, #tpu.memory_space<hbm>>, %arg6: memref<10240x256xf32, #tpu.memory_space<hbm>>, %arg7: memref<321x256xf32, #tpu.memory_space<vmem>>, %arg8: memref<128xi32, #tpu.memory_space<vmem>>, %arg9: memref<128xi32, #tpu.memory_space<vmem>>, %arg10: memref<128x256xf32, #tpu.memory_space<vmem>>, %arg11: memref<16xi32, #tpu.memory_space<vmem>>, %arg12: memref<!tpu.dma_semaphore, #tpu.memory_space<semaphore_mem>>) attributes {dimension_semantics = [#tpu.dimension_semantics<core_parallel>, #tpu.dimension_semantics<subcore_parallel>], iteration_bounds = array<i64: 2, 16>, scalar_prefetch = 0 : i64, scratch_operands = 6 : i64, tpu.core_type = #tpu.core_type<sc_vector_subcore>, window_params = [{transform_indices = #map}, {transform_indices = #map1}, {transform_indices = #map1}, {transform_indices = #map1}, {transform_indices = #map}]} {
    %mul3A = arith.constant 2 : i32
    %mul3A_0 = arith.muli %arg1, %mul3A : i32
    %add3A = arith.addi %mul3A_0, %arg0 : i32
    %mul3A_1 = arith.constant 160128 : i32
    %mul3A_2 = arith.muli %add3A, %mul3A_1 : i32
    %broadcast_in_dim3A = arith.constant 0.000000e+00 : f32
    %broadcast_in_dim3A_3 = vector.broadcast %broadcast_in_dim3A : f32 to vector<16xf32>
    %scan3A = arith.constant 0 : i32
    %scan3A_4 = arith.constant 0 : i32
    %scan3A_5 = arith.constant 321 : i32
    %scan3A_6 = arith.addi %scan3A_4, %scan3A_5 : i32
    %scan3A_7 = arith.constant 1 : i32
    %scan3A_8 = scf.for %scan3A_23 = %scan3A_4 to %scan3A_6 step %scan3A_7 iter_args(%scan3A_24 = %scan3A) -> (i32)  : i32 {
      %swap3A = arith.index_cast %scan3A_23 : i32 to index
      %swap3A_25 = arith.constant 0 : index
      %swap3A_26 = tpu.vector_load %arg7[%swap3A, %swap3A_25] {strides = array<i32>} : memref<321x256xf32, #tpu.memory_space<vmem>>, vector<1x16xf32>,
      %swap3A_27 = vector.shape_cast %swap3A_26 : vector<1x16xf32> to vector<16xf32>
      %swap3A_28 = vector.shape_cast %broadcast_in_dim3A_3 : vector<16xf32> to vector<1x16xf32>
      tpu.vector_store %arg7[%swap3A, %swap3A_25], %swap3A_28 {strides = array<i32>} : memref<321x256xf32, #tpu.memory_space<vmem>>, vector<1x16xf32>,
      %swap3A_29 = arith.index_cast %scan3A_23 : i32 to index
      %swap3A_30 = arith.constant 16 : index
      %swap3A_31 = tpu.vector_load %arg7[%swap3A_29, %swap3A_30] {strides = array<i32>} : memref<321x256xf32, #tpu.memory_space<vmem>>, vector<1x16xf32>,
      %swap3A_32 = vector.shape_cast %swap3A_31 : vector<1x16xf32> to vector<16xf32>
      %swap3A_33 = vector.shape_cast %broadcast_in_dim3A_3 : vector<16xf32> to vector<1x16xf32>
      tpu.vector_store %arg7[%swap3A_29, %swap3A_30], %swap3A_33 {strides = array<i32>} : memref<321x256xf32, #tpu.memory_space<vmem>>, vector<1x16xf32>,
      %swap3A_34 = arith.index_cast %scan3A_23 : i32 to index
      %swap3A_35 = arith.constant 32 : index
      %swap3A_36 = tpu.vector_load %arg7[%swap3A_34, %swap3A_35] {strides = array<i32>} : memref<321x256xf32, #tpu.memory_space<vmem>>, vector<1x16xf32>,
      %swap3A_37 = vector.shape_cast %swap3A_36 : vector<1x16xf32> to vector<16xf32>
      %swap3A_38 = vector.shape_cast %broadcast_in_dim3A_3 : vector<16xf32> to vector<1x16xf32>
      tpu.vector_store %arg7[%swap3A_34, %swap3A_35], %swap3A_38 {strides = array<i32>} : memref<321x256xf32, #tpu.memory_space<vmem>>, vector<1x16xf32>,
      %swap3A_39 = arith.index_cast %scan3A_23 : i32 to index
      %swap3A_40 = arith.constant 48 : index
      %swap3A_41 = tpu.vector_load %arg7[%swap3A_39, %swap3A_40] {strides = array<i32>} : memref<321x256xf32, #tpu.memory_space<vmem>>, vector<1x16xf32>,
      %swap3A_42 = vector.shape_cast %swap3A_41 : vector<1x16xf32> to vector<16xf32>
      %swap3A_43 = vector.shape_cast %broadcast_in_dim3A_3 : vector<16xf32> to vector<1x16xf32>
      tpu.vector_store %arg7[%swap3A_39, %swap3A_40], %swap3A_43 {strides = array<i32>} : memref<321x256xf32, #tpu.memory_space<vmem>>, vector<1x16xf32>,
      %swap3A_44 = arith.index_cast %scan3A_23 : i32 to index
      %swap3A_45 = arith.constant 64 : index
      %swap3A_46 = tpu.vector_load %arg7[%swap3A_44, %swap3A_45] {strides = array<i32>} : memref<321x256xf32, #tpu.memory_space<vmem>>, vector<1x16xf32>,
      %swap3A_47 = vector.shape_cast %swap3A_46 : vector<1x16xf32> to vector<16xf32>
      %swap3A_48 = vector.shape_cast %broadcast_in_dim3A_3 : vector<16xf32> to vector<1x16xf32>
      tpu.vector_store %arg7[%swap3A_44, %swap3A_45], %swap3A_48 {strides = array<i32>} : memref<321x256xf32, #tpu.memory_space<vmem>>, vector<1x16xf32>,
      %swap3A_49 = arith.index_cast %scan3A_23 : i32 to index
      %swap3A_50 = arith.constant 80 : index
      %swap3A_51 = tpu.vector_load %arg7[%swap3A_49, %swap3A_50] {strides = array<i32>} : memref<321x256xf32, #tpu.memory_space<vmem>>, vector<1x16xf32>,
      %swap3A_52 = vector.shape_cast %swap3A_51 : vector<1x16xf32> to vector<16xf32>
      %swap3A_53 = vector.shape_cast %broadcast_in_dim3A_3 : vector<16xf32> to vector<1x16xf32>
      tpu.vector_store %arg7[%swap3A_49, %swap3A_50], %swap3A_53 {strides = array<i32>} : memref<321x256xf32, #tpu.memory_space<vmem>>, vector<1x16xf32>,
      %swap3A_54 = arith.index_cast %scan3A_23 : i32 to index
      %swap3A_55 = arith.constant 96 : index
      %swap3A_56 = tpu.vector_load %arg7[%swap3A_54, %swap3A_55] {strides = array<i32>} : memref<321x256xf32, #tpu.memory_space<vmem>>, vector<1x16xf32>,
      %swap3A_57 = vector.shape_cast %swap3A_56 : vector<1x16xf32> to vector<16xf32>
      %swap3A_58 = vector.shape_cast %broadcast_in_dim3A_3 : vector<16xf32> to vector<1x16xf32>
      tpu.vector_store %arg7[%swap3A_54, %swap3A_55], %swap3A_58 {strides = array<i32>} : memref<321x256xf32, #tpu.memory_space<vmem>>, vector<1x16xf32>,
      %swap3A_59 = arith.index_cast %scan3A_23 : i32 to index
      %swap3A_60 = arith.constant 112 : index
      %swap3A_61 = tpu.vector_load %arg7[%swap3A_59, %swap3A_60] {strides = array<i32>} : memref<321x256xf32, #tpu.memory_space<vmem>>, vector<1x16xf32>,
      %swap3A_62 = vector.shape_cast %swap3A_61 : vector<1x16xf32> to vector<16xf32>
      %swap3A_63 = vector.shape_cast %broadcast_in_dim3A_3 : vector<16xf32> to vector<1x16xf32>
      tpu.vector_store %arg7[%swap3A_59, %swap3A_60], %swap3A_63 {strides = array<i32>} : memref<321x256xf32, #tpu.memory_space<vmem>>, vector<1x16xf32>,
      %swap3A_64 = arith.index_cast %scan3A_23 : i32 to index
      %swap3A_65 = arith.constant 128 : index
      %swap3A_66 = tpu.vector_load %arg7[%swap3A_64, %swap3A_65] {strides = array<i32>} : memref<321x256xf32, #tpu.memory_space<vmem>>, vector<1x16xf32>,
      %swap3A_67 = vector.shape_cast %swap3A_66 : vector<1x16xf32> to vector<16xf32>
      %swap3A_68 = vector.shape_cast %broadcast_in_dim3A_3 : vector<16xf32> to vector<1x16xf32>
      tpu.vector_store %arg7[%swap3A_64, %swap3A_65], %swap3A_68 {strides = array<i32>} : memref<321x256xf32, #tpu.memory_space<vmem>>, vector<1x16xf32>,
      %swap3A_69 = arith.index_cast %scan3A_23 : i32 to index
      %swap3A_70 = arith.constant 144 : index
      %swap3A_71 = tpu.vector_load %arg7[%swap3A_69, %swap3A_70] {strides = array<i32>} : memref<321x256xf32, #tpu.memory_space<vmem>>, vector<1x16xf32>,
      %swap3A_72 = vector.shape_cast %swap3A_71 : vector<1x16xf32> to vector<16xf32>
      %swap3A_73 = vector.shape_cast %broadcast_in_dim3A_3 : vector<16xf32> to vector<1x16xf32>
      tpu.vector_store %arg7[%swap3A_69, %swap3A_70], %swap3A_73 {strides = array<i32>} : memref<321x256xf32, #tpu.memory_space<vmem>>, vector<1x16xf32>,
      %swap3A_74 = arith.index_cast %scan3A_23 : i32 to index
      %swap3A_75 = arith.constant 160 : index
      %swap3A_76 = tpu.vector_load %arg7[%swap3A_74, %swap3A_75] {strides = array<i32>} : memref<321x256xf32, #tpu.memory_space<vmem>>, vector<1x16xf32>,
      %swap3A_77 = vector.shape_cast %swap3A_76 : vector<1x16xf32> to vector<16xf32>
      %swap3A_78 = vector.shape_cast %broadcast_in_dim3A_3 : vector<16xf32> to vector<1x16xf32>
      tpu.vector_store %arg7[%swap3A_74, %swap3A_75], %swap3A_78 {strides = array<i32>} : memref<321x256xf32, #tpu.memory_space<vmem>>, vector<1x16xf32>,
      %swap3A_79 = arith.index_cast %scan3A_23 : i32 to index
      %swap3A_80 = arith.constant 176 : index
      %swap3A_81 = tpu.vector_load %arg7[%swap3A_79, %swap3A_80] {strides = array<i32>} : memref<321x256xf32, #tpu.memory_space<vmem>>, vector<1x16xf32>,
      %swap3A_82 = vector.shape_cast %swap3A_81 : vector<1x16xf32> to vector<16xf32>
      %swap3A_83 = vector.shape_cast %broadcast_in_dim3A_3 : vector<16xf32> to vector<1x16xf32>
      tpu.vector_store %arg7[%swap3A_79, %swap3A_80], %swap3A_83 {strides = array<i32>} : memref<321x256xf32, #tpu.memory_space<vmem>>, vector<1x16xf32>,
      %swap3A_84 = arith.index_cast %scan3A_23 : i32 to index
      %swap3A_85 = arith.constant 192 : index
      %swap3A_86 = tpu.vector_load %arg7[%swap3A_84, %swap3A_85] {strides = array<i32>} : memref<321x256xf32, #tpu.memory_space<vmem>>, vector<1x16xf32>,
      %swap3A_87 = vector.shape_cast %swap3A_86 : vector<1x16xf32> to vector<16xf32>
      %swap3A_88 = vector.shape_cast %broadcast_in_dim3A_3 : vector<16xf32> to vector<1x16xf32>
      tpu.vector_store %arg7[%swap3A_84, %swap3A_85], %swap3A_88 {strides = array<i32>} : memref<321x256xf32, #tpu.memory_space<vmem>>, vector<1x16xf32>,
      %swap3A_89 = arith.index_cast %scan3A_23 : i32 to index
      %swap3A_90 = arith.constant 208 : index
      %swap3A_91 = tpu.vector_load %arg7[%swap3A_89, %swap3A_90] {strides = array<i32>} : memref<321x256xf32, #tpu.memory_space<vmem>>, vector<1x16xf32>,
      %swap3A_92 = vector.shape_cast %swap3A_91 : vector<1x16xf32> to vector<16xf32>
      %swap3A_93 = vector.shape_cast %broadcast_in_dim3A_3 : vector<16xf32> to vector<1x16xf32>
      tpu.vector_store %arg7[%swap3A_89, %swap3A_90], %swap3A_93 {strides = array<i32>} : memref<321x256xf32, #tpu.memory_space<vmem>>, vector<1x16xf32>,
      %swap3A_94 = arith.index_cast %scan3A_23 : i32 to index
      %swap3A_95 = arith.constant 224 : index
      %swap3A_96 = tpu.vector_load %arg7[%swap3A_94, %swap3A_95] {strides = array<i32>} : memref<321x256xf32, #tpu.memory_space<vmem>>, vector<1x16xf32>,
      %swap3A_97 = vector.shape_cast %swap3A_96 : vector<1x16xf32> to vector<16xf32>
      %swap3A_98 = vector.shape_cast %broadcast_in_dim3A_3 : vector<16xf32> to vector<1x16xf32>
      tpu.vector_store %arg7[%swap3A_94, %swap3A_95], %swap3A_98 {strides = array<i32>} : memref<321x256xf32, #tpu.memory_space<vmem>>, vector<1x16xf32>,
      %swap3A_99 = arith.index_cast %scan3A_23 : i32 to index
      %swap3A_100 = arith.constant 240 : index
      %swap3A_101 = tpu.vector_load %arg7[%swap3A_99, %swap3A_100] {strides = array<i32>} : memref<321x256xf32, #tpu.memory_space<vmem>>, vector<1x16xf32>,
      %swap3A_102 = vector.shape_cast %swap3A_101 : vector<1x16xf32> to vector<16xf32>
      %swap3A_103 = vector.shape_cast %broadcast_in_dim3A_3 : vector<16xf32> to vector<1x16xf32>
      tpu.vector_store %arg7[%swap3A_99, %swap3A_100], %swap3A_103 {strides = array<i32>} : memref<321x256xf32, #tpu.memory_space<vmem>>, vector<1x16xf32>,
      %scan3A_104 = arith.constant 0 : i32
      scf.yield %scan3A_104 : i32
    }
    %scan3A_9 = arith.constant 321 : i32
    %mul3A_10 = arith.constant 16 : i32
    %mul3A_11 = arith.muli %add3A, %mul3A_10 : i32
    %multiple_of3A = tpu.assume_multiple %mul3A_11, 8 : i32
    "tpu.region"() ({
      %run_scoped3A = tpu.sem_alloc : memref<!tpu.dma_semaphore, #tpu.memory_space<semaphore_mem>>
      %dma_start3A = tpu.memref_slice %arg5[%multiple_of3A] : memref<512xi32, #tpu.memory_space<hbm>> -> memref<16xi32, #tpu.memory_space<hbm>>
      %dma_start3A_23 = tpu.memref_slice %arg5[%multiple_of3A] : memref<512xi32, #tpu.memory_space<hbm>> -> memref<16xi32, #tpu.memory_space<hbm>>
      tpu.enqueue_dma source(%dma_start3A_23 : memref<16xi32, #tpu.memory_space<hbm>>) target(%arg11 : memref<16xi32, #tpu.memory_space<vmem>>) target_semaphore(%run_scoped3A : memref<!tpu.dma_semaphore, #tpu.memory_space<semaphore_mem>>)
      %dma_wait3A = tpu.memref_slice %arg5[%multiple_of3A] : memref<512xi32, #tpu.memory_space<hbm>> -> memref<16xi32, #tpu.memory_space<hbm>>
      %dma_wait3A_24 = tpu.memref_slice %arg5[%multiple_of3A] : memref<512xi32, #tpu.memory_space<hbm>> -> memref<16xi32, #tpu.memory_space<hbm>>
      tpu.wait_dma2 semaphore(%run_scoped3A : memref<!tpu.dma_semaphore, #tpu.memory_space<semaphore_mem>>) src(%dma_wait3A_24 : memref<16xi32, #tpu.memory_space<hbm>>) dst(%arg11 : memref<16xi32, #tpu.memory_space<vmem>>)
      tpu.yield
    }) : () -> ()
    %get3A = arith.constant 0 : index
    %get3A_12 = tpu.vector_load %arg11[%get3A] {strides = array<i32>} : memref<16xi32, #tpu.memory_space<vmem>>, vector<16xi32>,
    %get3A_13 = vector.shape_cast %get3A_12 : vector<16xi32> to vector<16xi32>
    %slice3A = vector.extract_strided_slice %get3A_13 {offsets = [0], sizes = [1], strides = [1]} : vector<16xi32> to vector<1xi32>
    %squeeze3A = vector.extract %slice3A[0] : i32 from vector<1xi32>
    %scan3A_14 = arith.constant 0 : i32
    %scan3A_15 = arith.constant 0 : i32
    %scan3A_16 = arith.constant 1251 : i32
    %scan3A_17 = arith.addi %scan3A_15, %scan3A_16 : i32
    %scan3A_18 = arith.constant 1 : i32
    %scan3A_19 = scf.for %scan3A_23 = %scan3A_15 to %scan3A_17 step %scan3A_18 iter_args(%scan3A_24 = %scan3A_14) -> (i32)  : i32 {
      %mul3A_25 = arith.constant 128 : i32
      %mul3A_26 = arith.muli %scan3A_23, %mul3A_25 : i32
      %lt3A = arith.cmpi slt, %mul3A_26, %squeeze3A : i32
      %convert_element_type3A = arith.extui %lt3A : i1 to i32
      %cond3A = arith.constant 0 : i32
      %cond3A_27 = arith.cmpi ne, %convert_element_type3A, %cond3A : i32
      scf.if %cond3A_27 {
        %mul3A_29 = arith.constant 128 : i32
        %mul3A_30 = arith.muli %scan3A_23, %mul3A_29 : i32
        %add3A_31 = arith.addi %mul3A_2, %mul3A_30 : i32
        %multiple_of3A_32 = tpu.assume_multiple %add3A_31, 8 : i32
        "tpu.region"() ({
          %run_scoped3A = tpu.sem_alloc : memref<!tpu.dma_semaphore, #tpu.memory_space<semaphore_mem>>
          %dma_start3A_44 = tpu.memref_slice %arg3[%multiple_of3A_32] : memref<5124096xi32, #tpu.memory_space<hbm>> -> memref<128xi32, #tpu.memory_space<hbm>>
          %dma_start3A_45 = tpu.memref_slice %arg3[%multiple_of3A_32] : memref<5124096xi32, #tpu.memory_space<hbm>> -> memref<128xi32, #tpu.memory_space<hbm>>
          tpu.enqueue_dma source(%dma_start3A_45 : memref<128xi32, #tpu.memory_space<hbm>>) target(%arg8 : memref<128xi32, #tpu.memory_space<vmem>>) target_semaphore(%run_scoped3A : memref<!tpu.dma_semaphore, #tpu.memory_space<semaphore_mem>>)
          %dma_wait3A_46 = tpu.memref_slice %arg3[%multiple_of3A_32] : memref<5124096xi32, #tpu.memory_space<hbm>> -> memref<128xi32, #tpu.memory_space<hbm>>
          %dma_wait3A_47 = tpu.memref_slice %arg3[%multiple_of3A_32] : memref<5124096xi32, #tpu.memory_space<hbm>> -> memref<128xi32, #tpu.memory_space<hbm>>
          tpu.wait_dma2 semaphore(%run_scoped3A : memref<!tpu.dma_semaphore, #tpu.memory_space<semaphore_mem>>) src(%dma_wait3A_47 : memref<128xi32, #tpu.memory_space<hbm>>) dst(%arg8 : memref<128xi32, #tpu.memory_space<vmem>>)
          tpu.yield
        }) : () -> ()
        "tpu.region"() ({
          %run_scoped3A = tpu.sem_alloc : memref<!tpu.dma_semaphore, #tpu.memory_space<semaphore_mem>>
          %dma_start3A_44 = tpu.memref_slice %arg4[%multiple_of3A_32] : memref<5124096xi32, #tpu.memory_space<hbm>> -> memref<128xi32, #tpu.memory_space<hbm>>
          %dma_start3A_45 = tpu.memref_slice %arg4[%multiple_of3A_32] : memref<5124096xi32, #tpu.memory_space<hbm>> -> memref<128xi32, #tpu.memory_space<hbm>>
          tpu.enqueue_dma source(%dma_start3A_45 : memref<128xi32, #tpu.memory_space<hbm>>) target(%arg9 : memref<128xi32, #tpu.memory_space<vmem>>) target_semaphore(%run_scoped3A : memref<!tpu.dma_semaphore, #tpu.memory_space<semaphore_mem>>)
          %dma_wait3A_46 = tpu.memref_slice %arg4[%multiple_of3A_32] : memref<5124096xi32, #tpu.memory_space<hbm>> -> memref<128xi32, #tpu.memory_space<hbm>>
          %dma_wait3A_47 = tpu.memref_slice %arg4[%multiple_of3A_32] : memref<5124096xi32, #tpu.memory_space<hbm>> -> memref<128xi32, #tpu.memory_space<hbm>>
          tpu.wait_dma2 semaphore(%run_scoped3A : memref<!tpu.dma_semaphore, #tpu.memory_space<semaphore_mem>>) src(%dma_wait3A_47 : memref<128xi32, #tpu.memory_space<hbm>>) dst(%arg9 : memref<128xi32, #tpu.memory_space<vmem>>)
          tpu.yield
        }) : () -> ()
        %dma_start3A = arith.constant 0 : i32
        %dma_start3A_33 = arith.constant 0 : i32
        %dma_start3A_34 = tpu.memref_slice %arg2[%dma_start3A, %dma_start3A_33] : memref<10000x256xf32, #tpu.memory_space<hbm>> -> memref<10000x256xf32, #tpu.memory_space<hbm>>
        tpu.enqueue_indirect_dma source(%dma_start3A_34 : memref<10000x256xf32, #tpu.memory_space<hbm>>) target(%arg10 : memref<128x256xf32, #tpu.memory_space<vmem>>) offsets(%arg8 : memref<128xi32, #tpu.memory_space<vmem>>) semaphore(%arg12 : memref<!tpu.dma_semaphore, #tpu.memory_space<semaphore_mem>>)
        %dma_wait3A = arith.constant 0 : i32
        %dma_wait3A_35 = arith.constant 0 : i32
        %dma_wait3A_36 = tpu.memref_slice %arg2[%dma_wait3A, %dma_wait3A_35] : memref<10000x256xf32, #tpu.memory_space<hbm>> -> memref<10000x256xf32, #tpu.memory_space<hbm>>
        tpu.wait_indirect_dma semaphore(%arg12 : memref<!tpu.dma_semaphore, #tpu.memory_space<semaphore_mem>>) src(%dma_wait3A_36 : memref<10000x256xf32, #tpu.memory_space<hbm>>) dst(%arg10 : memref<128x256xf32, #tpu.memory_space<vmem>>)
        %scan3A_37 = arith.constant 0 : i32
        %scan3A_38 = arith.constant 0 : i32
        %scan3A_39 = arith.constant 8 : i32
        %scan3A_40 = arith.addi %scan3A_38, %scan3A_39 : i32
        %scan3A_41 = arith.constant 1 : i32
        %scan3A_42 = scf.for %scan3A_44 = %scan3A_38 to %scan3A_40 step %scan3A_41 iter_args(%scan3A_45 = %scan3A_37) -> (i32)  : i32 {
          %mul3A_46 = arith.constant 16 : i32
          %mul3A_47 = arith.muli %scan3A_44, %mul3A_46 : i32
          %get3A_48 = arith.index_cast %mul3A_47 : i32 to index
          %get3A_49 = tpu.vector_load %arg9[%get3A_48] {strides = array<i32>} : memref<128xi32, #tpu.memory_space<vmem>>, vector<16xi32>,
          %get3A_50 = vector.shape_cast %get3A_49 : vector<16xi32> to vector<16xi32>
          %slice3A_51 = vector.extract_strided_slice %get3A_50 {offsets = [0], sizes = [1], strides = [1]} : vector<16xi32> to vector<1xi32>
          %squeeze3A_52 = vector.extract %slice3A_51[0] : i32 from vector<1xi32>
          %mul3A_53 = arith.constant 16 : i32
          %mul3A_54 = arith.muli %scan3A_44, %mul3A_53 : i32
          %add3A_55 = arith.constant 0 : i32
          %add3A_56 = arith.addi %mul3A_54, %add3A_55 : i32
          %scan3A_57 = arith.constant 0 : i32
          %scan3A_58 = arith.constant 0 : i32
          %scan3A_59 = arith.constant 16 : i32
          %scan3A_60 = arith.addi %scan3A_58, %scan3A_59 : i32
          %scan3A_61 = arith.constant 1 : i32
          %scan3A_62 = scf.for %scan3A_260 = %scan3A_58 to %scan3A_60 step %scan3A_61 iter_args(%scan3A_261 = %scan3A_57) -> (i32)  : i32 {
            %mul3A_262 = arith.constant 16 : i32
            %mul3A_263 = arith.muli %scan3A_260, %mul3A_262 : i32
            %multiple_of3A_264 = tpu.assume_multiple %mul3A_263, 16 : i32
            %get3A_265 = arith.index_cast %squeeze3A_52 : i32 to index
            %get3A_266 = arith.index_cast %multiple_of3A_264 : i32 to index
            %get3A_267 = tpu.vector_load %arg7[%get3A_265, %get3A_266] {strides = array<i32>} : memref<321x256xf32, #tpu.memory_space<vmem>>, vector<1x16xf32>,
            %get3A_268 = vector.shape_cast %get3A_267 : vector<1x16xf32> to vector<16xf32>
            %get3A_269 = arith.index_cast %add3A_56 : i32 to index
            %get3A_270 = arith.index_cast %multiple_of3A_264 : i32 to index
            %get3A_271 = tpu.vector_load %arg10[%get3A_269, %get3A_270] {strides = array<i32>} : memref<128x256xf32, #tpu.memory_space<vmem>>, vector<1x16xf32>,
            %get3A_272 = vector.shape_cast %get3A_271 : vector<1x16xf32> to vector<16xf32>
            %max3A = arith.maximumf %get3A_268, %get3A_272 : vector<16xf32>
            %swap3A = arith.index_cast %squeeze3A_52 : i32 to index
            %swap3A_273 = arith.index_cast %multiple_of3A_264 : i32 to index
            %swap3A_274 = tpu.vector_load %arg7[%swap3A, %swap3A_273] {strides = array<i32>} : memref<321x256xf32, #tpu.memory_space<vmem>>, vector<1x16xf32>,
            %swap3A_275 = vector.shape_cast %swap3A_274 : vector<1x16xf32> to vector<16xf32>
            %swap3A_276 = vector.shape_cast %max3A : vector<16xf32> to vector<1x16xf32>
            tpu.vector_store %arg7[%swap3A, %swap3A_273], %swap3A_276 {strides = array<i32>} : memref<321x256xf32, #tpu.memory_space<vmem>>, vector<1x16xf32>,
            %scan3A_277 = arith.constant 0 : i32
            scf.yield %scan3A_277 : i32
          }
          %scan3A_63 = arith.constant 16 : i32
          %slice3A_64 = vector.extract_strided_slice %get3A_50 {offsets = [1], sizes = [1], strides = [1]} : vector<16xi32> to vector<1xi32>
          %squeeze3A_65 = vector.extract %slice3A_64[0] : i32 from vector<1xi32>
          %mul3A_66 = arith.constant 16 : i32
          %mul3A_67 = arith.muli %scan3A_44, %mul3A_66 : i32
          %add3A_68 = arith.constant 1 : i32
          %add3A_69 = arith.addi %mul3A_67, %add3A_68 : i32
          %scan3A_70 = arith.constant 0 : i32
          %scan3A_71 = arith.constant 0 : i32
          %scan3A_72 = arith.constant 16 : i32
          %scan3A_73 = arith.addi %scan3A_71, %scan3A_72 : i32
          %scan3A_74 = arith.constant 1 : i32
          %scan3A_75 = scf.for %scan3A_260 = %scan3A_71 to %scan3A_73 step %scan3A_74 iter_args(%scan3A_261 = %scan3A_70) -> (i32)  : i32 {
            %mul3A_262 = arith.constant 16 : i32
            %mul3A_263 = arith.muli %scan3A_260, %mul3A_262 : i32
            %multiple_of3A_264 = tpu.assume_multiple %mul3A_263, 16 : i32
            %get3A_265 = arith.index_cast %squeeze3A_65 : i32 to index
            %get3A_266 = arith.index_cast %multiple_of3A_264 : i32 to index
            %get3A_267 = tpu.vector_load %arg7[%get3A_265, %get3A_266] {strides = array<i32>} : memref<321x256xf32, #tpu.memory_space<vmem>>, vector<1x16xf32>,
            %get3A_268 = vector.shape_cast %get3A_267 : vector<1x16xf32> to vector<16xf32>
            %get3A_269 = arith.index_cast %add3A_69 : i32 to index
            %get3A_270 = arith.index_cast %multiple_of3A_264 : i32 to index
            %get3A_271 = tpu.vector_load %arg10[%get3A_269, %get3A_270] {strides = array<i32>} : memref<128x256xf32, #tpu.memory_space<vmem>>, vector<1x16xf32>,
            %get3A_272 = vector.shape_cast %get3A_271 : vector<1x16xf32> to vector<16xf32>
            %max3A = arith.maximumf %get3A_268, %get3A_272 : vector<16xf32>
            %swap3A = arith.index_cast %squeeze3A_65 : i32 to index
            %swap3A_273 = arith.index_cast %multiple_of3A_264 : i32 to index
            %swap3A_274 = tpu.vector_load %arg7[%swap3A, %swap3A_273] {strides = array<i32>} : memref<321x256xf32, #tpu.memory_space<vmem>>, vector<1x16xf32>,
            %swap3A_275 = vector.shape_cast %swap3A_274 : vector<1x16xf32> to vector<16xf32>
            %swap3A_276 = vector.shape_cast %max3A : vector<16xf32> to vector<1x16xf32>
            tpu.vector_store %arg7[%swap3A, %swap3A_273], %swap3A_276 {strides = array<i32>} : memref<321x256xf32, #tpu.memory_space<vmem>>, vector<1x16xf32>,
            %scan3A_277 = arith.constant 0 : i32
            scf.yield %scan3A_277 : i32
          }
          %scan3A_76 = arith.constant 16 : i32
          %slice3A_77 = vector.extract_strided_slice %get3A_50 {offsets = [2], sizes = [1], strides = [1]} : vector<16xi32> to vector<1xi32>
          %squeeze3A_78 = vector.extract %slice3A_77[0] : i32 from vector<1xi32>
          %mul3A_79 = arith.constant 16 : i32
          %mul3A_80 = arith.muli %scan3A_44, %mul3A_79 : i32
          %add3A_81 = arith.constant 2 : i32
          %add3A_82 = arith.addi %mul3A_80, %add3A_81 : i32
          %scan3A_83 = arith.constant 0 : i32
          %scan3A_84 = arith.constant 0 : i32
          %scan3A_85 = arith.constant 16 : i32
          %scan3A_86 = arith.addi %scan3A_84, %scan3A_85 : i32
          %scan3A_87 = arith.constant 1 : i32
          %scan3A_88 = scf.for %scan3A_260 = %scan3A_84 to %scan3A_86 step %scan3A_87 iter_args(%scan3A_261 = %scan3A_83) -> (i32)  : i32 {
            %mul3A_262 = arith.constant 16 : i32
            %mul3A_263 = arith.muli %scan3A_260, %mul3A_262 : i32
            %multiple_of3A_264 = tpu.assume_multiple %mul3A_263, 16 : i32
            %get3A_265 = arith.index_cast %squeeze3A_78 : i32 to index
            %get3A_266 = arith.index_cast %multiple_of3A_264 : i32 to index
            %get3A_267 = tpu.vector_load %arg7[%get3A_265, %get3A_266] {strides = array<i32>} : memref<321x256xf32, #tpu.memory_space<vmem>>, vector<1x16xf32>,
            %get3A_268 = vector.shape_cast %get3A_267 : vector<1x16xf32> to vector<16xf32>
            %get3A_269 = arith.index_cast %add3A_82 : i32 to index
            %get3A_270 = arith.index_cast %multiple_of3A_264 : i32 to index
            %get3A_271 = tpu.vector_load %arg10[%get3A_269, %get3A_270] {strides = array<i32>} : memref<128x256xf32, #tpu.memory_space<vmem>>, vector<1x16xf32>,
            %get3A_272 = vector.shape_cast %get3A_271 : vector<1x16xf32> to vector<16xf32>
            %max3A = arith.maximumf %get3A_268, %get3A_272 : vector<16xf32>
            %swap3A = arith.index_cast %squeeze3A_78 : i32 to index
            %swap3A_273 = arith.index_cast %multiple_of3A_264 : i32 to index
            %swap3A_274 = tpu.vector_load %arg7[%swap3A, %swap3A_273] {strides = array<i32>} : memref<321x256xf32, #tpu.memory_space<vmem>>, vector<1x16xf32>,
            %swap3A_275 = vector.shape_cast %swap3A_274 : vector<1x16xf32> to vector<16xf32>
            %swap3A_276 = vector.shape_cast %max3A : vector<16xf32> to vector<1x16xf32>
            tpu.vector_store %arg7[%swap3A, %swap3A_273], %swap3A_276 {strides = array<i32>} : memref<321x256xf32, #tpu.memory_space<vmem>>, vector<1x16xf32>,
            %scan3A_277 = arith.constant 0 : i32
            scf.yield %scan3A_277 : i32
          }
          %scan3A_89 = arith.constant 16 : i32
          %slice3A_90 = vector.extract_strided_slice %get3A_50 {offsets = [3], sizes = [1], strides = [1]} : vector<16xi32> to vector<1xi32>
          %squeeze3A_91 = vector.extract %slice3A_90[0] : i32 from vector<1xi32>
          %mul3A_92 = arith.constant 16 : i32
          %mul3A_93 = arith.muli %scan3A_44, %mul3A_92 : i32
          %add3A_94 = arith.constant 3 : i32
          %add3A_95 = arith.addi %mul3A_93, %add3A_94 : i32
          %scan3A_96 = arith.constant 0 : i32
          %scan3A_97 = arith.constant 0 : i32
          %scan3A_98 = arith.constant 16 : i32
          %scan3A_99 = arith.addi %scan3A_97, %scan3A_98 : i32
          %scan3A_100 = arith.constant 1 : i32
          %scan3A_101 = scf.for %scan3A_260 = %scan3A_97 to %scan3A_99 step %scan3A_100 iter_args(%scan3A_261 = %scan3A_96) -> (i32)  : i32 {
            %mul3A_262 = arith.constant 16 : i32
            %mul3A_263 = arith.muli %scan3A_260, %mul3A_262 : i32
            %multiple_of3A_264 = tpu.assume_multiple %mul3A_263, 16 : i32
            %get3A_265 = arith.index_cast %squeeze3A_91 : i32 to index
            %get3A_266 = arith.index_cast %multiple_of3A_264 : i32 to index
            %get3A_267 = tpu.vector_load %arg7[%get3A_265, %get3A_266] {strides = array<i32>} : memref<321x256xf32, #tpu.memory_space<vmem>>, vector<1x16xf32>,
            %get3A_268 = vector.shape_cast %get3A_267 : vector<1x16xf32> to vector<16xf32>
            %get3A_269 = arith.index_cast %add3A_95 : i32 to index
            %get3A_270 = arith.index_cast %multiple_of3A_264 : i32 to index
            %get3A_271 = tpu.vector_load %arg10[%get3A_269, %get3A_270] {strides = array<i32>} : memref<128x256xf32, #tpu.memory_space<vmem>>, vector<1x16xf32>,
            %get3A_272 = vector.shape_cast %get3A_271 : vector<1x16xf32> to vector<16xf32>
            %max3A = arith.maximumf %get3A_268, %get3A_272 : vector<16xf32>
            %swap3A = arith.index_cast %squeeze3A_91 : i32 to index
            %swap3A_273 = arith.index_cast %multiple_of3A_264 : i32 to index
            %swap3A_274 = tpu.vector_load %arg7[%swap3A, %swap3A_273] {strides = array<i32>} : memref<321x256xf32, #tpu.memory_space<vmem>>, vector<1x16xf32>,
            %swap3A_275 = vector.shape_cast %swap3A_274 : vector<1x16xf32> to vector<16xf32>
            %swap3A_276 = vector.shape_cast %max3A : vector<16xf32> to vector<1x16xf32>
            tpu.vector_store %arg7[%swap3A, %swap3A_273], %swap3A_276 {strides = array<i32>} : memref<321x256xf32, #tpu.memory_space<vmem>>, vector<1x16xf32>,
            %scan3A_277 = arith.constant 0 : i32
            scf.yield %scan3A_277 : i32
          }
          %scan3A_102 = arith.constant 16 : i32
          %slice3A_103 = vector.extract_strided_slice %get3A_50 {offsets = [4], sizes = [1], strides = [1]} : vector<16xi32> to vector<1xi32>
          %squeeze3A_104 = vector.extract %slice3A_103[0] : i32 from vector<1xi32>
          %mul3A_105 = arith.constant 16 : i32
          %mul3A_106 = arith.muli %scan3A_44, %mul3A_105 : i32
          %add3A_107 = arith.constant 4 : i32
          %add3A_108 = arith.addi %mul3A_106, %add3A_107 : i32
          %scan3A_109 = arith.constant 0 : i32
          %scan3A_110 = arith.constant 0 : i32
          %scan3A_111 = arith.constant 16 : i32
          %scan3A_112 = arith.addi %scan3A_110, %scan3A_111 : i32
          %scan3A_113 = arith.constant 1 : i32
          %scan3A_114 = scf.for %scan3A_260 = %scan3A_110 to %scan3A_112 step %scan3A_113 iter_args(%scan3A_261 = %scan3A_109) -> (i32)  : i32 {
            %mul3A_262 = arith.constant 16 : i32
            %mul3A_263 = arith.muli %scan3A_260, %mul3A_262 : i32
            %multiple_of3A_264 = tpu.assume_multiple %mul3A_263, 16 : i32
            %get3A_265 = arith.index_cast %squeeze3A_104 : i32 to index
            %get3A_266 = arith.index_cast %multiple_of3A_264 : i32 to index
            %get3A_267 = tpu.vector_load %arg7[%get3A_265, %get3A_266] {strides = array<i32>} : memref<321x256xf32, #tpu.memory_space<vmem>>, vector<1x16xf32>,
            %get3A_268 = vector.shape_cast %get3A_267 : vector<1x16xf32> to vector<16xf32>
            %get3A_269 = arith.index_cast %add3A_108 : i32 to index
            %get3A_270 = arith.index_cast %multiple_of3A_264 : i32 to index
            %get3A_271 = tpu.vector_load %arg10[%get3A_269, %get3A_270] {strides = array<i32>} : memref<128x256xf32, #tpu.memory_space<vmem>>, vector<1x16xf32>,
            %get3A_272 = vector.shape_cast %get3A_271 : vector<1x16xf32> to vector<16xf32>
            %max3A = arith.maximumf %get3A_268, %get3A_272 : vector<16xf32>
            %swap3A = arith.index_cast %squeeze3A_104 : i32 to index
            %swap3A_273 = arith.index_cast %multiple_of3A_264 : i32 to index
            %swap3A_274 = tpu.vector_load %arg7[%swap3A, %swap3A_273] {strides = array<i32>} : memref<321x256xf32, #tpu.memory_space<vmem>>, vector<1x16xf32>,
            %swap3A_275 = vector.shape_cast %swap3A_274 : vector<1x16xf32> to vector<16xf32>
            %swap3A_276 = vector.shape_cast %max3A : vector<16xf32> to vector<1x16xf32>
            tpu.vector_store %arg7[%swap3A, %swap3A_273], %swap3A_276 {strides = array<i32>} : memref<321x256xf32, #tpu.memory_space<vmem>>, vector<1x16xf32>,
            %scan3A_277 = arith.constant 0 : i32
            scf.yield %scan3A_277 : i32
          }
          %scan3A_115 = arith.constant 16 : i32
          %slice3A_116 = vector.extract_strided_slice %get3A_50 {offsets = [5], sizes = [1], strides = [1]} : vector<16xi32> to vector<1xi32>
          %squeeze3A_117 = vector.extract %slice3A_116[0] : i32 from vector<1xi32>
          %mul3A_118 = arith.constant 16 : i32
          %mul3A_119 = arith.muli %scan3A_44, %mul3A_118 : i32
          %add3A_120 = arith.constant 5 : i32
          %add3A_121 = arith.addi %mul3A_119, %add3A_120 : i32
          %scan3A_122 = arith.constant 0 : i32
          %scan3A_123 = arith.constant 0 : i32
          %scan3A_124 = arith.constant 16 : i32
          %scan3A_125 = arith.addi %scan3A_123, %scan3A_124 : i32
          %scan3A_126 = arith.constant 1 : i32
          %scan3A_127 = scf.for %scan3A_260 = %scan3A_123 to %scan3A_125 step %scan3A_126 iter_args(%scan3A_261 = %scan3A_122) -> (i32)  : i32 {
            %mul3A_262 = arith.constant 16 : i32
            %mul3A_263 = arith.muli %scan3A_260, %mul3A_262 : i32
            %multiple_of3A_264 = tpu.assume_multiple %mul3A_263, 16 : i32
            %get3A_265 = arith.index_cast %squeeze3A_117 : i32 to index
            %get3A_266 = arith.index_cast %multiple_of3A_264 : i32 to index
            %get3A_267 = tpu.vector_load %arg7[%get3A_265, %get3A_266] {strides = array<i32>} : memref<321x256xf32, #tpu.memory_space<vmem>>, vector<1x16xf32>,
            %get3A_268 = vector.shape_cast %get3A_267 : vector<1x16xf32> to vector<16xf32>
            %get3A_269 = arith.index_cast %add3A_121 : i32 to index
            %get3A_270 = arith.index_cast %multiple_of3A_264 : i32 to index
            %get3A_271 = tpu.vector_load %arg10[%get3A_269, %get3A_270] {strides = array<i32>} : memref<128x256xf32, #tpu.memory_space<vmem>>, vector<1x16xf32>,
            %get3A_272 = vector.shape_cast %get3A_271 : vector<1x16xf32> to vector<16xf32>
            %max3A = arith.maximumf %get3A_268, %get3A_272 : vector<16xf32>
            %swap3A = arith.index_cast %squeeze3A_117 : i32 to index
            %swap3A_273 = arith.index_cast %multiple_of3A_264 : i32 to index
            %swap3A_274 = tpu.vector_load %arg7[%swap3A, %swap3A_273] {strides = array<i32>} : memref<321x256xf32, #tpu.memory_space<vmem>>, vector<1x16xf32>,
            %swap3A_275 = vector.shape_cast %swap3A_274 : vector<1x16xf32> to vector<16xf32>
            %swap3A_276 = vector.shape_cast %max3A : vector<16xf32> to vector<1x16xf32>
            tpu.vector_store %arg7[%swap3A, %swap3A_273], %swap3A_276 {strides = array<i32>} : memref<321x256xf32, #tpu.memory_space<vmem>>, vector<1x16xf32>,
            %scan3A_277 = arith.constant 0 : i32
            scf.yield %scan3A_277 : i32
          }
          %scan3A_128 = arith.constant 16 : i32
          %slice3A_129 = vector.extract_strided_slice %get3A_50 {offsets = [6], sizes = [1], strides = [1]} : vector<16xi32> to vector<1xi32>
          %squeeze3A_130 = vector.extract %slice3A_129[0] : i32 from vector<1xi32>
          %mul3A_131 = arith.constant 16 : i32
          %mul3A_132 = arith.muli %scan3A_44, %mul3A_131 : i32
          %add3A_133 = arith.constant 6 : i32
          %add3A_134 = arith.addi %mul3A_132, %add3A_133 : i32
          %scan3A_135 = arith.constant 0 : i32
          %scan3A_136 = arith.constant 0 : i32
          %scan3A_137 = arith.constant 16 : i32
          %scan3A_138 = arith.addi %scan3A_136, %scan3A_137 : i32
          %scan3A_139 = arith.constant 1 : i32
          %scan3A_140 = scf.for %scan3A_260 = %scan3A_136 to %scan3A_138 step %scan3A_139 iter_args(%scan3A_261 = %scan3A_135) -> (i32)  : i32 {
            %mul3A_262 = arith.constant 16 : i32
            %mul3A_263 = arith.muli %scan3A_260, %mul3A_262 : i32
            %multiple_of3A_264 = tpu.assume_multiple %mul3A_263, 16 : i32
            %get3A_265 = arith.index_cast %squeeze3A_130 : i32 to index
            %get3A_266 = arith.index_cast %multiple_of3A_264 : i32 to index
            %get3A_267 = tpu.vector_load %arg7[%get3A_265, %get3A_266] {strides = array<i32>} : memref<321x256xf32, #tpu.memory_space<vmem>>, vector<1x16xf32>,
            %get3A_268 = vector.shape_cast %get3A_267 : vector<1x16xf32> to vector<16xf32>
            %get3A_269 = arith.index_cast %add3A_134 : i32 to index
            %get3A_270 = arith.index_cast %multiple_of3A_264 : i32 to index
            %get3A_271 = tpu.vector_load %arg10[%get3A_269, %get3A_270] {strides = array<i32>} : memref<128x256xf32, #tpu.memory_space<vmem>>, vector<1x16xf32>,
            %get3A_272 = vector.shape_cast %get3A_271 : vector<1x16xf32> to vector<16xf32>
            %max3A = arith.maximumf %get3A_268, %get3A_272 : vector<16xf32>
            %swap3A = arith.index_cast %squeeze3A_130 : i32 to index
            %swap3A_273 = arith.index_cast %multiple_of3A_264 : i32 to index
            %swap3A_274 = tpu.vector_load %arg7[%swap3A, %swap3A_273] {strides = array<i32>} : memref<321x256xf32, #tpu.memory_space<vmem>>, vector<1x16xf32>,
            %swap3A_275 = vector.shape_cast %swap3A_274 : vector<1x16xf32> to vector<16xf32>
            %swap3A_276 = vector.shape_cast %max3A : vector<16xf32> to vector<1x16xf32>
            tpu.vector_store %arg7[%swap3A, %swap3A_273], %swap3A_276 {strides = array<i32>} : memref<321x256xf32, #tpu.memory_space<vmem>>, vector<1x16xf32>,
            %scan3A_277 = arith.constant 0 : i32
            scf.yield %scan3A_277 : i32
          }
          %scan3A_141 = arith.constant 16 : i32
          %slice3A_142 = vector.extract_strided_slice %get3A_50 {offsets = [7], sizes = [1], strides = [1]} : vector<16xi32> to vector<1xi32>
          %squeeze3A_143 = vector.extract %slice3A_142[0] : i32 from vector<1xi32>
          %mul3A_144 = arith.constant 16 : i32
          %mul3A_145 = arith.muli %scan3A_44, %mul3A_144 : i32
          %add3A_146 = arith.constant 7 : i32
          %add3A_147 = arith.addi %mul3A_145, %add3A_146 : i32
          %scan3A_148 = arith.constant 0 : i32
          %scan3A_149 = arith.constant 0 : i32
          %scan3A_150 = arith.constant 16 : i32
          %scan3A_151 = arith.addi %scan3A_149, %scan3A_150 : i32
          %scan3A_152 = arith.constant 1 : i32
          %scan3A_153 = scf.for %scan3A_260 = %scan3A_149 to %scan3A_151 step %scan3A_152 iter_args(%scan3A_261 = %scan3A_148) -> (i32)  : i32 {
            %mul3A_262 = arith.constant 16 : i32
            %mul3A_263 = arith.muli %scan3A_260, %mul3A_262 : i32
            %multiple_of3A_264 = tpu.assume_multiple %mul3A_263, 16 : i32
            %get3A_265 = arith.index_cast %squeeze3A_143 : i32 to index
            %get3A_266 = arith.index_cast %multiple_of3A_264 : i32 to index
            %get3A_267 = tpu.vector_load %arg7[%get3A_265, %get3A_266] {strides = array<i32>} : memref<321x256xf32, #tpu.memory_space<vmem>>, vector<1x16xf32>,
            %get3A_268 = vector.shape_cast %get3A_267 : vector<1x16xf32> to vector<16xf32>
            %get3A_269 = arith.index_cast %add3A_147 : i32 to index
            %get3A_270 = arith.index_cast %multiple_of3A_264 : i32 to index
            %get3A_271 = tpu.vector_load %arg10[%get3A_269, %get3A_270] {strides = array<i32>} : memref<128x256xf32, #tpu.memory_space<vmem>>, vector<1x16xf32>,
            %get3A_272 = vector.shape_cast %get3A_271 : vector<1x16xf32> to vector<16xf32>
            %max3A = arith.maximumf %get3A_268, %get3A_272 : vector<16xf32>
            %swap3A = arith.index_cast %squeeze3A_143 : i32 to index
            %swap3A_273 = arith.index_cast %multiple_of3A_264 : i32 to index
            %swap3A_274 = tpu.vector_load %arg7[%swap3A, %swap3A_273] {strides = array<i32>} : memref<321x256xf32, #tpu.memory_space<vmem>>, vector<1x16xf32>,
            %swap3A_275 = vector.shape_cast %swap3A_274 : vector<1x16xf32> to vector<16xf32>
            %swap3A_276 = vector.shape_cast %max3A : vector<16xf32> to vector<1x16xf32>
            tpu.vector_store %arg7[%swap3A, %swap3A_273], %swap3A_276 {strides = array<i32>} : memref<321x256xf32, #tpu.memory_space<vmem>>, vector<1x16xf32>,
            %scan3A_277 = arith.constant 0 : i32
            scf.yield %scan3A_277 : i32
          }
          %scan3A_154 = arith.constant 16 : i32
          %slice3A_155 = vector.extract_strided_slice %get3A_50 {offsets = [8], sizes = [1], strides = [1]} : vector<16xi32> to vector<1xi32>
          %squeeze3A_156 = vector.extract %slice3A_155[0] : i32 from vector<1xi32>
          %mul3A_157 = arith.constant 16 : i32
          %mul3A_158 = arith.muli %scan3A_44, %mul3A_157 : i32
          %add3A_159 = arith.constant 8 : i32
          %add3A_160 = arith.addi %mul3A_158, %add3A_159 : i32
          %scan3A_161 = arith.constant 0 : i32
          %scan3A_162 = arith.constant 0 : i32
          %scan3A_163 = arith.constant 16 : i32
          %scan3A_164 = arith.addi %scan3A_162, %scan3A_163 : i32
          %scan3A_165 = arith.constant 1 : i32
          %scan3A_166 = scf.for %scan3A_260 = %scan3A_162 to %scan3A_164 step %scan3A_165 iter_args(%scan3A_261 = %scan3A_161) -> (i32)  : i32 {
            %mul3A_262 = arith.constant 16 : i32
            %mul3A_263 = arith.muli %scan3A_260, %mul3A_262 : i32
            %multiple_of3A_264 = tpu.assume_multiple %mul3A_263, 16 : i32
            %get3A_265 = arith.index_cast %squeeze3A_156 : i32 to index
            %get3A_266 = arith.index_cast %multiple_of3A_264 : i32 to index
            %get3A_267 = tpu.vector_load %arg7[%get3A_265, %get3A_266] {strides = array<i32>} : memref<321x256xf32, #tpu.memory_space<vmem>>, vector<1x16xf32>,
            %get3A_268 = vector.shape_cast %get3A_267 : vector<1x16xf32> to vector<16xf32>
            %get3A_269 = arith.index_cast %add3A_160 : i32 to index
            %get3A_270 = arith.index_cast %multiple_of3A_264 : i32 to index
            %get3A_271 = tpu.vector_load %arg10[%get3A_269, %get3A_270] {strides = array<i32>} : memref<128x256xf32, #tpu.memory_space<vmem>>, vector<1x16xf32>,
            %get3A_272 = vector.shape_cast %get3A_271 : vector<1x16xf32> to vector<16xf32>
            %max3A = arith.maximumf %get3A_268, %get3A_272 : vector<16xf32>
            %swap3A = arith.index_cast %squeeze3A_156 : i32 to index
            %swap3A_273 = arith.index_cast %multiple_of3A_264 : i32 to index
            %swap3A_274 = tpu.vector_load %arg7[%swap3A, %swap3A_273] {strides = array<i32>} : memref<321x256xf32, #tpu.memory_space<vmem>>, vector<1x16xf32>,
            %swap3A_275 = vector.shape_cast %swap3A_274 : vector<1x16xf32> to vector<16xf32>
            %swap3A_276 = vector.shape_cast %max3A : vector<16xf32> to vector<1x16xf32>
            tpu.vector_store %arg7[%swap3A, %swap3A_273], %swap3A_276 {strides = array<i32>} : memref<321x256xf32, #tpu.memory_space<vmem>>, vector<1x16xf32>,
            %scan3A_277 = arith.constant 0 : i32
            scf.yield %scan3A_277 : i32
          }
          %scan3A_167 = arith.constant 16 : i32
          %slice3A_168 = vector.extract_strided_slice %get3A_50 {offsets = [9], sizes = [1], strides = [1]} : vector<16xi32> to vector<1xi32>
          %squeeze3A_169 = vector.extract %slice3A_168[0] : i32 from vector<1xi32>
          %mul3A_170 = arith.constant 16 : i32
          %mul3A_171 = arith.muli %scan3A_44, %mul3A_170 : i32
          %add3A_172 = arith.constant 9 : i32
          %add3A_173 = arith.addi %mul3A_171, %add3A_172 : i32
          %scan3A_174 = arith.constant 0 : i32
          %scan3A_175 = arith.constant 0 : i32
          %scan3A_176 = arith.constant 16 : i32
          %scan3A_177 = arith.addi %scan3A_175, %scan3A_176 : i32
          %scan3A_178 = arith.constant 1 : i32
          %scan3A_179 = scf.for %scan3A_260 = %scan3A_175 to %scan3A_177 step %scan3A_178 iter_args(%scan3A_261 = %scan3A_174) -> (i32)  : i32 {
            %mul3A_262 = arith.constant 16 : i32
            %mul3A_263 = arith.muli %scan3A_260, %mul3A_262 : i32
            %multiple_of3A_264 = tpu.assume_multiple %mul3A_263, 16 : i32
            %get3A_265 = arith.index_cast %squeeze3A_169 : i32 to index
            %get3A_266 = arith.index_cast %multiple_of3A_264 : i32 to index
            %get3A_267 = tpu.vector_load %arg7[%get3A_265, %get3A_266] {strides = array<i32>} : memref<321x256xf32, #tpu.memory_space<vmem>>, vector<1x16xf32>,
            %get3A_268 = vector.shape_cast %get3A_267 : vector<1x16xf32> to vector<16xf32>
            %get3A_269 = arith.index_cast %add3A_173 : i32 to index
            %get3A_270 = arith.index_cast %multiple_of3A_264 : i32 to index
            %get3A_271 = tpu.vector_load %arg10[%get3A_269, %get3A_270] {strides = array<i32>} : memref<128x256xf32, #tpu.memory_space<vmem>>, vector<1x16xf32>,
            %get3A_272 = vector.shape_cast %get3A_271 : vector<1x16xf32> to vector<16xf32>
            %max3A = arith.maximumf %get3A_268, %get3A_272 : vector<16xf32>
            %swap3A = arith.index_cast %squeeze3A_169 : i32 to index
            %swap3A_273 = arith.index_cast %multiple_of3A_264 : i32 to index
            %swap3A_274 = tpu.vector_load %arg7[%swap3A, %swap3A_273] {strides = array<i32>} : memref<321x256xf32, #tpu.memory_space<vmem>>, vector<1x16xf32>,
            %swap3A_275 = vector.shape_cast %swap3A_274 : vector<1x16xf32> to vector<16xf32>
            %swap3A_276 = vector.shape_cast %max3A : vector<16xf32> to vector<1x16xf32>
            tpu.vector_store %arg7[%swap3A, %swap3A_273], %swap3A_276 {strides = array<i32>} : memref<321x256xf32, #tpu.memory_space<vmem>>, vector<1x16xf32>,
            %scan3A_277 = arith.constant 0 : i32
            scf.yield %scan3A_277 : i32
          }
          %scan3A_180 = arith.constant 16 : i32
          %slice3A_181 = vector.extract_strided_slice %get3A_50 {offsets = [10], sizes = [1], strides = [1]} : vector<16xi32> to vector<1xi32>
          %squeeze3A_182 = vector.extract %slice3A_181[0] : i32 from vector<1xi32>
          %mul3A_183 = arith.constant 16 : i32
          %mul3A_184 = arith.muli %scan3A_44, %mul3A_183 : i32
          %add3A_185 = arith.constant 10 : i32
          %add3A_186 = arith.addi %mul3A_184, %add3A_185 : i32
          %scan3A_187 = arith.constant 0 : i32
          %scan3A_188 = arith.constant 0 : i32
          %scan3A_189 = arith.constant 16 : i32
          %scan3A_190 = arith.addi %scan3A_188, %scan3A_189 : i32
          %scan3A_191 = arith.constant 1 : i32
          %scan3A_192 = scf.for %scan3A_260 = %scan3A_188 to %scan3A_190 step %scan3A_191 iter_args(%scan3A_261 = %scan3A_187) -> (i32)  : i32 {
            %mul3A_262 = arith.constant 16 : i32
            %mul3A_263 = arith.muli %scan3A_260, %mul3A_262 : i32
            %multiple_of3A_264 = tpu.assume_multiple %mul3A_263, 16 : i32
            %get3A_265 = arith.index_cast %squeeze3A_182 : i32 to index
            %get3A_266 = arith.index_cast %multiple_of3A_264 : i32 to index
            %get3A_267 = tpu.vector_load %arg7[%get3A_265, %get3A_266] {strides = array<i32>} : memref<321x256xf32, #tpu.memory_space<vmem>>, vector<1x16xf32>,
            %get3A_268 = vector.shape_cast %get3A_267 : vector<1x16xf32> to vector<16xf32>
            %get3A_269 = arith.index_cast %add3A_186 : i32 to index
            %get3A_270 = arith.index_cast %multiple_of3A_264 : i32 to index
            %get3A_271 = tpu.vector_load %arg10[%get3A_269, %get3A_270] {strides = array<i32>} : memref<128x256xf32, #tpu.memory_space<vmem>>, vector<1x16xf32>,
            %get3A_272 = vector.shape_cast %get3A_271 : vector<1x16xf32> to vector<16xf32>
            %max3A = arith.maximumf %get3A_268, %get3A_272 : vector<16xf32>
            %swap3A = arith.index_cast %squeeze3A_182 : i32 to index
            %swap3A_273 = arith.index_cast %multiple_of3A_264 : i32 to index
            %swap3A_274 = tpu.vector_load %arg7[%swap3A, %swap3A_273] {strides = array<i32>} : memref<321x256xf32, #tpu.memory_space<vmem>>, vector<1x16xf32>,
            %swap3A_275 = vector.shape_cast %swap3A_274 : vector<1x16xf32> to vector<16xf32>
            %swap3A_276 = vector.shape_cast %max3A : vector<16xf32> to vector<1x16xf32>
            tpu.vector_store %arg7[%swap3A, %swap3A_273], %swap3A_276 {strides = array<i32>} : memref<321x256xf32, #tpu.memory_space<vmem>>, vector<1x16xf32>,
            %scan3A_277 = arith.constant 0 : i32
            scf.yield %scan3A_277 : i32
          }
          %scan3A_193 = arith.constant 16 : i32
          %slice3A_194 = vector.extract_strided_slice %get3A_50 {offsets = [11], sizes = [1], strides = [1]} : vector<16xi32> to vector<1xi32>
          %squeeze3A_195 = vector.extract %slice3A_194[0] : i32 from vector<1xi32>
          %mul3A_196 = arith.constant 16 : i32
          %mul3A_197 = arith.muli %scan3A_44, %mul3A_196 : i32
          %add3A_198 = arith.constant 11 : i32
          %add3A_199 = arith.addi %mul3A_197, %add3A_198 : i32
          %scan3A_200 = arith.constant 0 : i32
          %scan3A_201 = arith.constant 0 : i32
          %scan3A_202 = arith.constant 16 : i32
          %scan3A_203 = arith.addi %scan3A_201, %scan3A_202 : i32
          %scan3A_204 = arith.constant 1 : i32
          %scan3A_205 = scf.for %scan3A_260 = %scan3A_201 to %scan3A_203 step %scan3A_204 iter_args(%scan3A_261 = %scan3A_200) -> (i32)  : i32 {
            %mul3A_262 = arith.constant 16 : i32
            %mul3A_263 = arith.muli %scan3A_260, %mul3A_262 : i32
            %multiple_of3A_264 = tpu.assume_multiple %mul3A_263, 16 : i32
            %get3A_265 = arith.index_cast %squeeze3A_195 : i32 to index
            %get3A_266 = arith.index_cast %multiple_of3A_264 : i32 to index
            %get3A_267 = tpu.vector_load %arg7[%get3A_265, %get3A_266] {strides = array<i32>} : memref<321x256xf32, #tpu.memory_space<vmem>>, vector<1x16xf32>,
            %get3A_268 = vector.shape_cast %get3A_267 : vector<1x16xf32> to vector<16xf32>
            %get3A_269 = arith.index_cast %add3A_199 : i32 to index
            %get3A_270 = arith.index_cast %multiple_of3A_264 : i32 to index
            %get3A_271 = tpu.vector_load %arg10[%get3A_269, %get3A_270] {strides = array<i32>} : memref<128x256xf32, #tpu.memory_space<vmem>>, vector<1x16xf32>,
            %get3A_272 = vector.shape_cast %get3A_271 : vector<1x16xf32> to vector<16xf32>
            %max3A = arith.maximumf %get3A_268, %get3A_272 : vector<16xf32>
            %swap3A = arith.index_cast %squeeze3A_195 : i32 to index
            %swap3A_273 = arith.index_cast %multiple_of3A_264 : i32 to index
            %swap3A_274 = tpu.vector_load %arg7[%swap3A, %swap3A_273] {strides = array<i32>} : memref<321x256xf32, #tpu.memory_space<vmem>>, vector<1x16xf32>,
            %swap3A_275 = vector.shape_cast %swap3A_274 : vector<1x16xf32> to vector<16xf32>
            %swap3A_276 = vector.shape_cast %max3A : vector<16xf32> to vector<1x16xf32>
            tpu.vector_store %arg7[%swap3A, %swap3A_273], %swap3A_276 {strides = array<i32>} : memref<321x256xf32, #tpu.memory_space<vmem>>, vector<1x16xf32>,
            %scan3A_277 = arith.constant 0 : i32
            scf.yield %scan3A_277 : i32
          }
          %scan3A_206 = arith.constant 16 : i32
          %slice3A_207 = vector.extract_strided_slice %get3A_50 {offsets = [12], sizes = [1], strides = [1]} : vector<16xi32> to vector<1xi32>
          %squeeze3A_208 = vector.extract %slice3A_207[0] : i32 from vector<1xi32>
          %mul3A_209 = arith.constant 16 : i32
          %mul3A_210 = arith.muli %scan3A_44, %mul3A_209 : i32
          %add3A_211 = arith.constant 12 : i32
          %add3A_212 = arith.addi %mul3A_210, %add3A_211 : i32
          %scan3A_213 = arith.constant 0 : i32
          %scan3A_214 = arith.constant 0 : i32
          %scan3A_215 = arith.constant 16 : i32
          %scan3A_216 = arith.addi %scan3A_214, %scan3A_215 : i32
          %scan3A_217 = arith.constant 1 : i32
          %scan3A_218 = scf.for %scan3A_260 = %scan3A_214 to %scan3A_216 step %scan3A_217 iter_args(%scan3A_261 = %scan3A_213) -> (i32)  : i32 {
            %mul3A_262 = arith.constant 16 : i32
            %mul3A_263 = arith.muli %scan3A_260, %mul3A_262 : i32
            %multiple_of3A_264 = tpu.assume_multiple %mul3A_263, 16 : i32
            %get3A_265 = arith.index_cast %squeeze3A_208 : i32 to index
            %get3A_266 = arith.index_cast %multiple_of3A_264 : i32 to index
            %get3A_267 = tpu.vector_load %arg7[%get3A_265, %get3A_266] {strides = array<i32>} : memref<321x256xf32, #tpu.memory_space<vmem>>, vector<1x16xf32>,
            %get3A_268 = vector.shape_cast %get3A_267 : vector<1x16xf32> to vector<16xf32>
            %get3A_269 = arith.index_cast %add3A_212 : i32 to index
            %get3A_270 = arith.index_cast %multiple_of3A_264 : i32 to index
            %get3A_271 = tpu.vector_load %arg10[%get3A_269, %get3A_270] {strides = array<i32>} : memref<128x256xf32, #tpu.memory_space<vmem>>, vector<1x16xf32>,
            %get3A_272 = vector.shape_cast %get3A_271 : vector<1x16xf32> to vector<16xf32>
            %max3A = arith.maximumf %get3A_268, %get3A_272 : vector<16xf32>
            %swap3A = arith.index_cast %squeeze3A_208 : i32 to index
            %swap3A_273 = arith.index_cast %multiple_of3A_264 : i32 to index
            %swap3A_274 = tpu.vector_load %arg7[%swap3A, %swap3A_273] {strides = array<i32>} : memref<321x256xf32, #tpu.memory_space<vmem>>, vector<1x16xf32>,
            %swap3A_275 = vector.shape_cast %swap3A_274 : vector<1x16xf32> to vector<16xf32>
            %swap3A_276 = vector.shape_cast %max3A : vector<16xf32> to vector<1x16xf32>
            tpu.vector_store %arg7[%swap3A, %swap3A_273], %swap3A_276 {strides = array<i32>} : memref<321x256xf32, #tpu.memory_space<vmem>>, vector<1x16xf32>,
            %scan3A_277 = arith.constant 0 : i32
            scf.yield %scan3A_277 : i32
          }
          %scan3A_219 = arith.constant 16 : i32
          %slice3A_220 = vector.extract_strided_slice %get3A_50 {offsets = [13], sizes = [1], strides = [1]} : vector<16xi32> to vector<1xi32>
          %squeeze3A_221 = vector.extract %slice3A_220[0] : i32 from vector<1xi32>
          %mul3A_222 = arith.constant 16 : i32
          %mul3A_223 = arith.muli %scan3A_44, %mul3A_222 : i32
          %add3A_224 = arith.constant 13 : i32
          %add3A_225 = arith.addi %mul3A_223, %add3A_224 : i32
          %scan3A_226 = arith.constant 0 : i32
          %scan3A_227 = arith.constant 0 : i32
          %scan3A_228 = arith.constant 16 : i32
          %scan3A_229 = arith.addi %scan3A_227, %scan3A_228 : i32
          %scan3A_230 = arith.constant 1 : i32
          %scan3A_231 = scf.for %scan3A_260 = %scan3A_227 to %scan3A_229 step %scan3A_230 iter_args(%scan3A_261 = %scan3A_226) -> (i32)  : i32 {
            %mul3A_262 = arith.constant 16 : i32
            %mul3A_263 = arith.muli %scan3A_260, %mul3A_262 : i32
            %multiple_of3A_264 = tpu.assume_multiple %mul3A_263, 16 : i32
            %get3A_265 = arith.index_cast %squeeze3A_221 : i32 to index
            %get3A_266 = arith.index_cast %multiple_of3A_264 : i32 to index
            %get3A_267 = tpu.vector_load %arg7[%get3A_265, %get3A_266] {strides = array<i32>} : memref<321x256xf32, #tpu.memory_space<vmem>>, vector<1x16xf32>,
            %get3A_268 = vector.shape_cast %get3A_267 : vector<1x16xf32> to vector<16xf32>
            %get3A_269 = arith.index_cast %add3A_225 : i32 to index
            %get3A_270 = arith.index_cast %multiple_of3A_264 : i32 to index
            %get3A_271 = tpu.vector_load %arg10[%get3A_269, %get3A_270] {strides = array<i32>} : memref<128x256xf32, #tpu.memory_space<vmem>>, vector<1x16xf32>,
            %get3A_272 = vector.shape_cast %get3A_271 : vector<1x16xf32> to vector<16xf32>
            %max3A = arith.maximumf %get3A_268, %get3A_272 : vector<16xf32>
            %swap3A = arith.index_cast %squeeze3A_221 : i32 to index
            %swap3A_273 = arith.index_cast %multiple_of3A_264 : i32 to index
            %swap3A_274 = tpu.vector_load %arg7[%swap3A, %swap3A_273] {strides = array<i32>} : memref<321x256xf32, #tpu.memory_space<vmem>>, vector<1x16xf32>,
            %swap3A_275 = vector.shape_cast %swap3A_274 : vector<1x16xf32> to vector<16xf32>
            %swap3A_276 = vector.shape_cast %max3A : vector<16xf32> to vector<1x16xf32>
            tpu.vector_store %arg7[%swap3A, %swap3A_273], %swap3A_276 {strides = array<i32>} : memref<321x256xf32, #tpu.memory_space<vmem>>, vector<1x16xf32>,
            %scan3A_277 = arith.constant 0 : i32
            scf.yield %scan3A_277 : i32
          }
          %scan3A_232 = arith.constant 16 : i32
          %slice3A_233 = vector.extract_strided_slice %get3A_50 {offsets = [14], sizes = [1], strides = [1]} : vector<16xi32> to vector<1xi32>
          %squeeze3A_234 = vector.extract %slice3A_233[0] : i32 from vector<1xi32>
          %mul3A_235 = arith.constant 16 : i32
          %mul3A_236 = arith.muli %scan3A_44, %mul3A_235 : i32
          %add3A_237 = arith.constant 14 : i32
          %add3A_238 = arith.addi %mul3A_236, %add3A_237 : i32
          %scan3A_239 = arith.constant 0 : i32
          %scan3A_240 = arith.constant 0 : i32
          %scan3A_241 = arith.constant 16 : i32
          %scan3A_242 = arith.addi %scan3A_240, %scan3A_241 : i32
          %scan3A_243 = arith.constant 1 : i32
          %scan3A_244 = scf.for %scan3A_260 = %scan3A_240 to %scan3A_242 step %scan3A_243 iter_args(%scan3A_261 = %scan3A_239) -> (i32)  : i32 {
            %mul3A_262 = arith.constant 16 : i32
            %mul3A_263 = arith.muli %scan3A_260, %mul3A_262 : i32
            %multiple_of3A_264 = tpu.assume_multiple %mul3A_263, 16 : i32
            %get3A_265 = arith.index_cast %squeeze3A_234 : i32 to index
            %get3A_266 = arith.index_cast %multiple_of3A_264 : i32 to index
            %get3A_267 = tpu.vector_load %arg7[%get3A_265, %get3A_266] {strides = array<i32>} : memref<321x256xf32, #tpu.memory_space<vmem>>, vector<1x16xf32>,
            %get3A_268 = vector.shape_cast %get3A_267 : vector<1x16xf32> to vector<16xf32>
            %get3A_269 = arith.index_cast %add3A_238 : i32 to index
            %get3A_270 = arith.index_cast %multiple_of3A_264 : i32 to index
            %get3A_271 = tpu.vector_load %arg10[%get3A_269, %get3A_270] {strides = array<i32>} : memref<128x256xf32, #tpu.memory_space<vmem>>, vector<1x16xf32>,
            %get3A_272 = vector.shape_cast %get3A_271 : vector<1x16xf32> to vector<16xf32>
            %max3A = arith.maximumf %get3A_268, %get3A_272 : vector<16xf32>
            %swap3A = arith.index_cast %squeeze3A_234 : i32 to index
            %swap3A_273 = arith.index_cast %multiple_of3A_264 : i32 to index
            %swap3A_274 = tpu.vector_load %arg7[%swap3A, %swap3A_273] {strides = array<i32>} : memref<321x256xf32, #tpu.memory_space<vmem>>, vector<1x16xf32>,
            %swap3A_275 = vector.shape_cast %swap3A_274 : vector<1x16xf32> to vector<16xf32>
            %swap3A_276 = vector.shape_cast %max3A : vector<16xf32> to vector<1x16xf32>
            tpu.vector_store %arg7[%swap3A, %swap3A_273], %swap3A_276 {strides = array<i32>} : memref<321x256xf32, #tpu.memory_space<vmem>>, vector<1x16xf32>,
            %scan3A_277 = arith.constant 0 : i32
            scf.yield %scan3A_277 : i32
          }
          %scan3A_245 = arith.constant 16 : i32
          %slice3A_246 = vector.extract_strided_slice %get3A_50 {offsets = [15], sizes = [1], strides = [1]} : vector<16xi32> to vector<1xi32>
          %squeeze3A_247 = vector.extract %slice3A_246[0] : i32 from vector<1xi32>
          %mul3A_248 = arith.constant 16 : i32
          %mul3A_249 = arith.muli %scan3A_44, %mul3A_248 : i32
          %add3A_250 = arith.constant 15 : i32
          %add3A_251 = arith.addi %mul3A_249, %add3A_250 : i32
          %scan3A_252 = arith.constant 0 : i32
          %scan3A_253 = arith.constant 0 : i32
          %scan3A_254 = arith.constant 16 : i32
          %scan3A_255 = arith.addi %scan3A_253, %scan3A_254 : i32
          %scan3A_256 = arith.constant 1 : i32
          %scan3A_257 = scf.for %scan3A_260 = %scan3A_253 to %scan3A_255 step %scan3A_256 iter_args(%scan3A_261 = %scan3A_252) -> (i32)  : i32 {
            %mul3A_262 = arith.constant 16 : i32
            %mul3A_263 = arith.muli %scan3A_260, %mul3A_262 : i32
            %multiple_of3A_264 = tpu.assume_multiple %mul3A_263, 16 : i32
            %get3A_265 = arith.index_cast %squeeze3A_247 : i32 to index
            %get3A_266 = arith.index_cast %multiple_of3A_264 : i32 to index
            %get3A_267 = tpu.vector_load %arg7[%get3A_265, %get3A_266] {strides = array<i32>} : memref<321x256xf32, #tpu.memory_space<vmem>>, vector<1x16xf32>,
            %get3A_268 = vector.shape_cast %get3A_267 : vector<1x16xf32> to vector<16xf32>
            %get3A_269 = arith.index_cast %add3A_251 : i32 to index
            %get3A_270 = arith.index_cast %multiple_of3A_264 : i32 to index
            %get3A_271 = tpu.vector_load %arg10[%get3A_269, %get3A_270] {strides = array<i32>} : memref<128x256xf32, #tpu.memory_space<vmem>>, vector<1x16xf32>,
            %get3A_272 = vector.shape_cast %get3A_271 : vector<1x16xf32> to vector<16xf32>
            %max3A = arith.maximumf %get3A_268, %get3A_272 : vector<16xf32>
            %swap3A = arith.index_cast %squeeze3A_247 : i32 to index
            %swap3A_273 = arith.index_cast %multiple_of3A_264 : i32 to index
            %swap3A_274 = tpu.vector_load %arg7[%swap3A, %swap3A_273] {strides = array<i32>} : memref<321x256xf32, #tpu.memory_space<vmem>>, vector<1x16xf32>,
            %swap3A_275 = vector.shape_cast %swap3A_274 : vector<1x16xf32> to vector<16xf32>
            %swap3A_276 = vector.shape_cast %max3A : vector<16xf32> to vector<1x16xf32>
            tpu.vector_store %arg7[%swap3A, %swap3A_273], %swap3A_276 {strides = array<i32>} : memref<321x256xf32, #tpu.memory_space<vmem>>, vector<1x16xf32>,
            %scan3A_277 = arith.constant 0 : i32
            scf.yield %scan3A_277 : i32
          }
          %scan3A_258 = arith.constant 16 : i32
          %scan3A_259 = arith.constant 0 : i32
          scf.yield %scan3A_259 : i32
        }
        %scan3A_43 = arith.constant 8 : i32
      } else {
      }
      %scan3A_28 = arith.constant 0 : i32
      scf.yield %scan3A_28 : i32
    }
    %scan3A_20 = arith.constant 1251 : i32
    %mul3A_21 = arith.constant 320 : i32
    %mul3A_22 = arith.muli %add3A, %mul3A_21 : i32
    "tpu.region"() ({
      %run_scoped3A = tpu.sem_alloc : memref<!tpu.dma_semaphore, #tpu.memory_space<semaphore_mem>>
      %dma_start3A = arith.constant 0 : i32
      %dma_start3A_23 = arith.constant 0 : i32
      %dma_start3A_24 = tpu.memref_slice %arg7[%dma_start3A, %dma_start3A_23] : memref<321x256xf32, #tpu.memory_space<vmem>> -> memref<320x256xf32, #tpu.memory_space<vmem>>
      %dma_start3A_25 = arith.constant 0 : i32
      %dma_start3A_26 = tpu.memref_slice %arg6[%mul3A_22, %dma_start3A_25] : memref<10240x256xf32, #tpu.memory_space<hbm>> -> memref<320x256xf32, #tpu.memory_space<hbm>>
      %dma_start3A_27 = arith.constant 0 : i32
      %dma_start3A_28 = tpu.memref_slice %arg6[%mul3A_22, %dma_start3A_27] : memref<10240x256xf32, #tpu.memory_space<hbm>> -> memref<320x256xf32, #tpu.memory_space<hbm>>
      %dma_start3A_29 = arith.constant 0 : i32
      %dma_start3A_30 = arith.constant 0 : i32
      %dma_start3A_31 = tpu.memref_slice %arg7[%dma_start3A_29, %dma_start3A_30] : memref<321x256xf32, #tpu.memory_space<vmem>> -> memref<320x256xf32, #tpu.memory_space<vmem>>
      tpu.enqueue_dma source(%dma_start3A_31 : memref<320x256xf32, #tpu.memory_space<vmem>>) target(%dma_start3A_28 : memref<320x256xf32, #tpu.memory_space<hbm>>) target_semaphore(%run_scoped3A : memref<!tpu.dma_semaphore, #tpu.memory_space<semaphore_mem>>)
      %dma_wait3A = arith.constant 0 : i32
      %dma_wait3A_32 = arith.constant 0 : i32
      %dma_wait3A_33 = tpu.memref_slice %arg7[%dma_wait3A, %dma_wait3A_32] : memref<321x256xf32, #tpu.memory_space<vmem>> -> memref<320x256xf32, #tpu.memory_space<vmem>>
      %dma_wait3A_34 = arith.constant 0 : i32
      %dma_wait3A_35 = tpu.memref_slice %arg6[%mul3A_22, %dma_wait3A_34] : memref<10240x256xf32, #tpu.memory_space<hbm>> -> memref<320x256xf32, #tpu.memory_space<hbm>>
      %dma_wait3A_36 = arith.constant 0 : i32
      %dma_wait3A_37 = tpu.memref_slice %arg6[%mul3A_22, %dma_wait3A_36] : memref<10240x256xf32, #tpu.memory_space<hbm>> -> memref<320x256xf32, #tpu.memory_space<hbm>>
      %dma_wait3A_38 = arith.constant 0 : i32
      %dma_wait3A_39 = arith.constant 0 : i32
      %dma_wait3A_40 = tpu.memref_slice %arg7[%dma_wait3A_38, %dma_wait3A_39] : memref<321x256xf32, #tpu.memory_space<vmem>> -> memref<320x256xf32, #tpu.memory_space<vmem>>
      tpu.wait_dma2 semaphore(%run_scoped3A : memref<!tpu.dma_semaphore, #tpu.memory_space<semaphore_mem>>) src(%dma_wait3A_40 : memref<320x256xf32, #tpu.memory_space<vmem>>) dst(%dma_wait3A_37 : memref<320x256xf32, #tpu.memory_space<hbm>>)
      tpu.yield
    }) : () -> ()
    return
  }
}

#map = affine_map<(d0, d1) -> (0, 0)>
#map1 = affine_map<(d0, d1) -> (0)>
module attributes {stable_mosaic.version = 14 : i64} {
  func.func @_segmax_body(%arg0: i32, %arg1: i32, %arg2: memref<10000x256xf32, #tpu.memory_space<hbm>>, %arg3: memref<5124096xi32, #tpu.memory_space<hbm>>, %arg4: memref<5124096xi32, #tpu.memory_space<hbm>>, %arg5: memref<512xi32, #tpu.memory_space<hbm>>, %arg6: memref<10240x256xf32, #tpu.memory_space<hbm>>, %arg7: memref<321x256xf32, #tpu.memory_space<vmem>>, %arg8: memref<128xi32, #tpu.memory_space<vmem>>, %arg9: memref<128xi32, #tpu.memory_space<vmem>>, %arg10: memref<128x256xf32, #tpu.memory_space<vmem>>, %arg11: memref<16xi32, #tpu.memory_space<vmem>>, %arg12: memref<!tpu.dma_semaphore, #tpu.memory_space<semaphore_mem>>) attributes {dimension_semantics = [#tpu.dimension_semantics<core_parallel>, #tpu.dimension_semantics<subcore_parallel>], iteration_bounds = array<i64: 2, 16>, scalar_prefetch = 0 : i64, scratch_operands = 6 : i64, tpu.core_type = #tpu.core_type<sc_vector_subcore>, window_params = [{transform_indices = #map}, {transform_indices = #map1}, {transform_indices = #map1}, {transform_indices = #map1}, {transform_indices = #map}]} {
    %mul3A = arith.constant 2 : i32
    %mul3A_0 = arith.muli %arg1, %mul3A : i32
    %add3A = arith.addi %mul3A_0, %arg0 : i32
    %mul3A_1 = arith.constant 160128 : i32
    %mul3A_2 = arith.muli %add3A, %mul3A_1 : i32
    %broadcast_in_dim3A = arith.constant 0.000000e+00 : f32
    %broadcast_in_dim3A_3 = vector.broadcast %broadcast_in_dim3A : f32 to vector<16xf32>
    %scan3A = arith.constant 0 : i32
    %scan3A_4 = arith.constant 0 : i32
    %scan3A_5 = arith.constant 321 : i32
    %scan3A_6 = arith.addi %scan3A_4, %scan3A_5 : i32
    %scan3A_7 = arith.constant 1 : i32
    %scan3A_8 = scf.for %scan3A_23 = %scan3A_4 to %scan3A_6 step %scan3A_7 iter_args(%scan3A_24 = %scan3A) -> (i32)  : i32 {
      %swap3A = arith.index_cast %scan3A_23 : i32 to index
      %swap3A_25 = arith.constant 0 : index
      %swap3A_26 = tpu.vector_load %arg7[%swap3A, %swap3A_25] {strides = array<i32>} : memref<321x256xf32, #tpu.memory_space<vmem>>, vector<1x16xf32>,
      %swap3A_27 = vector.shape_cast %swap3A_26 : vector<1x16xf32> to vector<16xf32>
      %swap3A_28 = vector.shape_cast %broadcast_in_dim3A_3 : vector<16xf32> to vector<1x16xf32>
      tpu.vector_store %arg7[%swap3A, %swap3A_25], %swap3A_28 {strides = array<i32>} : memref<321x256xf32, #tpu.memory_space<vmem>>, vector<1x16xf32>,
      %swap3A_29 = arith.index_cast %scan3A_23 : i32 to index
      %swap3A_30 = arith.constant 16 : index
      %swap3A_31 = tpu.vector_load %arg7[%swap3A_29, %swap3A_30] {strides = array<i32>} : memref<321x256xf32, #tpu.memory_space<vmem>>, vector<1x16xf32>,
      %swap3A_32 = vector.shape_cast %swap3A_31 : vector<1x16xf32> to vector<16xf32>
      %swap3A_33 = vector.shape_cast %broadcast_in_dim3A_3 : vector<16xf32> to vector<1x16xf32>
      tpu.vector_store %arg7[%swap3A_29, %swap3A_30], %swap3A_33 {strides = array<i32>} : memref<321x256xf32, #tpu.memory_space<vmem>>, vector<1x16xf32>,
      %swap3A_34 = arith.index_cast %scan3A_23 : i32 to index
      %swap3A_35 = arith.constant 32 : index
      %swap3A_36 = tpu.vector_load %arg7[%swap3A_34, %swap3A_35] {strides = array<i32>} : memref<321x256xf32, #tpu.memory_space<vmem>>, vector<1x16xf32>,
      %swap3A_37 = vector.shape_cast %swap3A_36 : vector<1x16xf32> to vector<16xf32>
      %swap3A_38 = vector.shape_cast %broadcast_in_dim3A_3 : vector<16xf32> to vector<1x16xf32>
      tpu.vector_store %arg7[%swap3A_34, %swap3A_35], %swap3A_38 {strides = array<i32>} : memref<321x256xf32, #tpu.memory_space<vmem>>, vector<1x16xf32>,
      %swap3A_39 = arith.index_cast %scan3A_23 : i32 to index
      %swap3A_40 = arith.constant 48 : index
      %swap3A_41 = tpu.vector_load %arg7[%swap3A_39, %swap3A_40] {strides = array<i32>} : memref<321x256xf32, #tpu.memory_space<vmem>>, vector<1x16xf32>,
      %swap3A_42 = vector.shape_cast %swap3A_41 : vector<1x16xf32> to vector<16xf32>
      %swap3A_43 = vector.shape_cast %broadcast_in_dim3A_3 : vector<16xf32> to vector<1x16xf32>
      tpu.vector_store %arg7[%swap3A_39, %swap3A_40], %swap3A_43 {strides = array<i32>} : memref<321x256xf32, #tpu.memory_space<vmem>>, vector<1x16xf32>,
      %swap3A_44 = arith.index_cast %scan3A_23 : i32 to index
      %swap3A_45 = arith.constant 64 : index
      %swap3A_46 = tpu.vector_load %arg7[%swap3A_44, %swap3A_45] {strides = array<i32>} : memref<321x256xf32, #tpu.memory_space<vmem>>, vector<1x16xf32>,
      %swap3A_47 = vector.shape_cast %swap3A_46 : vector<1x16xf32> to vector<16xf32>
      %swap3A_48 = vector.shape_cast %broadcast_in_dim3A_3 : vector<16xf32> to vector<1x16xf32>
      tpu.vector_store %arg7[%swap3A_44, %swap3A_45], %swap3A_48 {strides = array<i32>} : memref<321x256xf32, #tpu.memory_space<vmem>>, vector<1x16xf32>,
      %swap3A_49 = arith.index_cast %scan3A_23 : i32 to index
      %swap3A_50 = arith.constant 80 : index
      %swap3A_51 = tpu.vector_load %arg7[%swap3A_49, %swap3A_50] {strides = array<i32>} : memref<321x256xf32, #tpu.memory_space<vmem>>, vector<1x16xf32>,
      %swap3A_52 = vector.shape_cast %swap3A_51 : vector<1x16xf32> to vector<16xf32>
      %swap3A_53 = vector.shape_cast %broadcast_in_dim3A_3 : vector<16xf32> to vector<1x16xf32>
      tpu.vector_store %arg7[%swap3A_49, %swap3A_50], %swap3A_53 {strides = array<i32>} : memref<321x256xf32, #tpu.memory_space<vmem>>, vector<1x16xf32>,
      %swap3A_54 = arith.index_cast %scan3A_23 : i32 to index
      %swap3A_55 = arith.constant 96 : index
      %swap3A_56 = tpu.vector_load %arg7[%swap3A_54, %swap3A_55] {strides = array<i32>} : memref<321x256xf32, #tpu.memory_space<vmem>>, vector<1x16xf32>,
      %swap3A_57 = vector.shape_cast %swap3A_56 : vector<1x16xf32> to vector<16xf32>
      %swap3A_58 = vector.shape_cast %broadcast_in_dim3A_3 : vector<16xf32> to vector<1x16xf32>
      tpu.vector_store %arg7[%swap3A_54, %swap3A_55], %swap3A_58 {strides = array<i32>} : memref<321x256xf32, #tpu.memory_space<vmem>>, vector<1x16xf32>,
      %swap3A_59 = arith.index_cast %scan3A_23 : i32 to index
      %swap3A_60 = arith.constant 112 : index
      %swap3A_61 = tpu.vector_load %arg7[%swap3A_59, %swap3A_60] {strides = array<i32>} : memref<321x256xf32, #tpu.memory_space<vmem>>, vector<1x16xf32>,
      %swap3A_62 = vector.shape_cast %swap3A_61 : vector<1x16xf32> to vector<16xf32>
      %swap3A_63 = vector.shape_cast %broadcast_in_dim3A_3 : vector<16xf32> to vector<1x16xf32>
      tpu.vector_store %arg7[%swap3A_59, %swap3A_60], %swap3A_63 {strides = array<i32>} : memref<321x256xf32, #tpu.memory_space<vmem>>, vector<1x16xf32>,
      %swap3A_64 = arith.index_cast %scan3A_23 : i32 to index
      %swap3A_65 = arith.constant 128 : index
      %swap3A_66 = tpu.vector_load %arg7[%swap3A_64, %swap3A_65] {strides = array<i32>} : memref<321x256xf32, #tpu.memory_space<vmem>>, vector<1x16xf32>,
      %swap3A_67 = vector.shape_cast %swap3A_66 : vector<1x16xf32> to vector<16xf32>
      %swap3A_68 = vector.shape_cast %broadcast_in_dim3A_3 : vector<16xf32> to vector<1x16xf32>
      tpu.vector_store %arg7[%swap3A_64, %swap3A_65], %swap3A_68 {strides = array<i32>} : memref<321x256xf32, #tpu.memory_space<vmem>>, vector<1x16xf32>,
      %swap3A_69 = arith.index_cast %scan3A_23 : i32 to index
      %swap3A_70 = arith.constant 144 : index
      %swap3A_71 = tpu.vector_load %arg7[%swap3A_69, %swap3A_70] {strides = array<i32>} : memref<321x256xf32, #tpu.memory_space<vmem>>, vector<1x16xf32>,
      %swap3A_72 = vector.shape_cast %swap3A_71 : vector<1x16xf32> to vector<16xf32>
      %swap3A_73 = vector.shape_cast %broadcast_in_dim3A_3 : vector<16xf32> to vector<1x16xf32>
      tpu.vector_store %arg7[%swap3A_69, %swap3A_70], %swap3A_73 {strides = array<i32>} : memref<321x256xf32, #tpu.memory_space<vmem>>, vector<1x16xf32>,
      %swap3A_74 = arith.index_cast %scan3A_23 : i32 to index
      %swap3A_75 = arith.constant 160 : index
      %swap3A_76 = tpu.vector_load %arg7[%swap3A_74, %swap3A_75] {strides = array<i32>} : memref<321x256xf32, #tpu.memory_space<vmem>>, vector<1x16xf32>,
      %swap3A_77 = vector.shape_cast %swap3A_76 : vector<1x16xf32> to vector<16xf32>
      %swap3A_78 = vector.shape_cast %broadcast_in_dim3A_3 : vector<16xf32> to vector<1x16xf32>
      tpu.vector_store %arg7[%swap3A_74, %swap3A_75], %swap3A_78 {strides = array<i32>} : memref<321x256xf32, #tpu.memory_space<vmem>>, vector<1x16xf32>,
      %swap3A_79 = arith.index_cast %scan3A_23 : i32 to index
      %swap3A_80 = arith.constant 176 : index
      %swap3A_81 = tpu.vector_load %arg7[%swap3A_79, %swap3A_80] {strides = array<i32>} : memref<321x256xf32, #tpu.memory_space<vmem>>, vector<1x16xf32>,
      %swap3A_82 = vector.shape_cast %swap3A_81 : vector<1x16xf32> to vector<16xf32>
      %swap3A_83 = vector.shape_cast %broadcast_in_dim3A_3 : vector<16xf32> to vector<1x16xf32>
      tpu.vector_store %arg7[%swap3A_79, %swap3A_80], %swap3A_83 {strides = array<i32>} : memref<321x256xf32, #tpu.memory_space<vmem>>, vector<1x16xf32>,
      %swap3A_84 = arith.index_cast %scan3A_23 : i32 to index
      %swap3A_85 = arith.constant 192 : index
      %swap3A_86 = tpu.vector_load %arg7[%swap3A_84, %swap3A_85] {strides = array<i32>} : memref<321x256xf32, #tpu.memory_space<vmem>>, vector<1x16xf32>,
      %swap3A_87 = vector.shape_cast %swap3A_86 : vector<1x16xf32> to vector<16xf32>
      %swap3A_88 = vector.shape_cast %broadcast_in_dim3A_3 : vector<16xf32> to vector<1x16xf32>
      tpu.vector_store %arg7[%swap3A_84, %swap3A_85], %swap3A_88 {strides = array<i32>} : memref<321x256xf32, #tpu.memory_space<vmem>>, vector<1x16xf32>,
      %swap3A_89 = arith.index_cast %scan3A_23 : i32 to index
      %swap3A_90 = arith.constant 208 : index
      %swap3A_91 = tpu.vector_load %arg7[%swap3A_89, %swap3A_90] {strides = array<i32>} : memref<321x256xf32, #tpu.memory_space<vmem>>, vector<1x16xf32>,
      %swap3A_92 = vector.shape_cast %swap3A_91 : vector<1x16xf32> to vector<16xf32>
      %swap3A_93 = vector.shape_cast %broadcast_in_dim3A_3 : vector<16xf32> to vector<1x16xf32>
      tpu.vector_store %arg7[%swap3A_89, %swap3A_90], %swap3A_93 {strides = array<i32>} : memref<321x256xf32, #tpu.memory_space<vmem>>, vector<1x16xf32>,
      %swap3A_94 = arith.index_cast %scan3A_23 : i32 to index
      %swap3A_95 = arith.constant 224 : index
      %swap3A_96 = tpu.vector_load %arg7[%swap3A_94, %swap3A_95] {strides = array<i32>} : memref<321x256xf32, #tpu.memory_space<vmem>>, vector<1x16xf32>,
      %swap3A_97 = vector.shape_cast %swap3A_96 : vector<1x16xf32> to vector<16xf32>
      %swap3A_98 = vector.shape_cast %broadcast_in_dim3A_3 : vector<16xf32> to vector<1x16xf32>
      tpu.vector_store %arg7[%swap3A_94, %swap3A_95], %swap3A_98 {strides = array<i32>} : memref<321x256xf32, #tpu.memory_space<vmem>>, vector<1x16xf32>,
      %swap3A_99 = arith.index_cast %scan3A_23 : i32 to index
      %swap3A_100 = arith.constant 240 : index
      %swap3A_101 = tpu.vector_load %arg7[%swap3A_99, %swap3A_100] {strides = array<i32>} : memref<321x256xf32, #tpu.memory_space<vmem>>, vector<1x16xf32>,
      %swap3A_102 = vector.shape_cast %swap3A_101 : vector<1x16xf32> to vector<16xf32>
      %swap3A_103 = vector.shape_cast %broadcast_in_dim3A_3 : vector<16xf32> to vector<1x16xf32>
      tpu.vector_store %arg7[%swap3A_99, %swap3A_100], %swap3A_103 {strides = array<i32>} : memref<321x256xf32, #tpu.memory_space<vmem>>, vector<1x16xf32>,
      %scan3A_104 = arith.constant 0 : i32
      scf.yield %scan3A_104 : i32
    }
    %scan3A_9 = arith.constant 321 : i32
    %mul3A_10 = arith.constant 16 : i32
    %mul3A_11 = arith.muli %add3A, %mul3A_10 : i32
    %multiple_of3A = tpu.assume_multiple %mul3A_11, 8 : i32
    "tpu.region"() ({
      %run_scoped3A = tpu.sem_alloc : memref<!tpu.dma_semaphore, #tpu.memory_space<semaphore_mem>>
      %dma_start3A = tpu.memref_slice %arg5[%multiple_of3A] : memref<512xi32, #tpu.memory_space<hbm>> -> memref<16xi32, #tpu.memory_space<hbm>>
      %dma_start3A_23 = tpu.memref_slice %arg5[%multiple_of3A] : memref<512xi32, #tpu.memory_space<hbm>> -> memref<16xi32, #tpu.memory_space<hbm>>
      tpu.enqueue_dma source(%dma_start3A_23 : memref<16xi32, #tpu.memory_space<hbm>>) target(%arg11 : memref<16xi32, #tpu.memory_space<vmem>>) target_semaphore(%run_scoped3A : memref<!tpu.dma_semaphore, #tpu.memory_space<semaphore_mem>>)
      %dma_wait3A = tpu.memref_slice %arg5[%multiple_of3A] : memref<512xi32, #tpu.memory_space<hbm>> -> memref<16xi32, #tpu.memory_space<hbm>>
      %dma_wait3A_24 = tpu.memref_slice %arg5[%multiple_of3A] : memref<512xi32, #tpu.memory_space<hbm>> -> memref<16xi32, #tpu.memory_space<hbm>>
      tpu.wait_dma2 semaphore(%run_scoped3A : memref<!tpu.dma_semaphore, #tpu.memory_space<semaphore_mem>>) src(%dma_wait3A_24 : memref<16xi32, #tpu.memory_space<hbm>>) dst(%arg11 : memref<16xi32, #tpu.memory_space<vmem>>)
      tpu.yield
    }) : () -> ()
    %get3A = arith.constant 0 : index
    %get3A_12 = tpu.vector_load %arg11[%get3A] {strides = array<i32>} : memref<16xi32, #tpu.memory_space<vmem>>, vector<16xi32>,
    %get3A_13 = vector.shape_cast %get3A_12 : vector<16xi32> to vector<16xi32>
    %slice3A = vector.extract_strided_slice %get3A_13 {offsets = [0], sizes = [1], strides = [1]} : vector<16xi32> to vector<1xi32>
    %squeeze3A = vector.extract %slice3A[0] : i32 from vector<1xi32>
    %scan3A_14 = arith.constant 0 : i32
    %scan3A_15 = arith.constant 0 : i32
    %scan3A_16 = arith.constant 1251 : i32
    %scan3A_17 = arith.addi %scan3A_15, %scan3A_16 : i32
    %scan3A_18 = arith.constant 1 : i32
    %scan3A_19 = scf.for %scan3A_23 = %scan3A_15 to %scan3A_17 step %scan3A_18 iter_args(%scan3A_24 = %scan3A_14) -> (i32)  : i32 {
      %mul3A_25 = arith.constant 128 : i32
      %mul3A_26 = arith.muli %scan3A_23, %mul3A_25 : i32
      %lt3A = arith.cmpi slt, %mul3A_26, %squeeze3A : i32
      %convert_element_type3A = arith.extui %lt3A : i1 to i32
      %cond3A = arith.constant 0 : i32
      %cond3A_27 = arith.cmpi ne, %convert_element_type3A, %cond3A : i32
      scf.if %cond3A_27 {
        %mul3A_29 = arith.constant 128 : i32
        %mul3A_30 = arith.muli %scan3A_23, %mul3A_29 : i32
        %add3A_31 = arith.addi %mul3A_2, %mul3A_30 : i32
        %multiple_of3A_32 = tpu.assume_multiple %add3A_31, 8 : i32
        "tpu.region"() ({
          %run_scoped3A = tpu.sem_alloc : memref<!tpu.dma_semaphore, #tpu.memory_space<semaphore_mem>>
          %dma_start3A_44 = tpu.memref_slice %arg3[%multiple_of3A_32] : memref<5124096xi32, #tpu.memory_space<hbm>> -> memref<128xi32, #tpu.memory_space<hbm>>
          %dma_start3A_45 = tpu.memref_slice %arg3[%multiple_of3A_32] : memref<5124096xi32, #tpu.memory_space<hbm>> -> memref<128xi32, #tpu.memory_space<hbm>>
          tpu.enqueue_dma source(%dma_start3A_45 : memref<128xi32, #tpu.memory_space<hbm>>) target(%arg8 : memref<128xi32, #tpu.memory_space<vmem>>) target_semaphore(%run_scoped3A : memref<!tpu.dma_semaphore, #tpu.memory_space<semaphore_mem>>)
          %dma_wait3A_46 = tpu.memref_slice %arg3[%multiple_of3A_32] : memref<5124096xi32, #tpu.memory_space<hbm>> -> memref<128xi32, #tpu.memory_space<hbm>>
          %dma_wait3A_47 = tpu.memref_slice %arg3[%multiple_of3A_32] : memref<5124096xi32, #tpu.memory_space<hbm>> -> memref<128xi32, #tpu.memory_space<hbm>>
          tpu.wait_dma2 semaphore(%run_scoped3A : memref<!tpu.dma_semaphore, #tpu.memory_space<semaphore_mem>>) src(%dma_wait3A_47 : memref<128xi32, #tpu.memory_space<hbm>>) dst(%arg8 : memref<128xi32, #tpu.memory_space<vmem>>)
          tpu.yield
        }) : () -> ()
        "tpu.region"() ({
          %run_scoped3A = tpu.sem_alloc : memref<!tpu.dma_semaphore, #tpu.memory_space<semaphore_mem>>
          %dma_start3A_44 = tpu.memref_slice %arg4[%multiple_of3A_32] : memref<5124096xi32, #tpu.memory_space<hbm>> -> memref<128xi32, #tpu.memory_space<hbm>>
          %dma_start3A_45 = tpu.memref_slice %arg4[%multiple_of3A_32] : memref<5124096xi32, #tpu.memory_space<hbm>> -> memref<128xi32, #tpu.memory_space<hbm>>
          tpu.enqueue_dma source(%dma_start3A_45 : memref<128xi32, #tpu.memory_space<hbm>>) target(%arg9 : memref<128xi32, #tpu.memory_space<vmem>>) target_semaphore(%run_scoped3A : memref<!tpu.dma_semaphore, #tpu.memory_space<semaphore_mem>>)
          %dma_wait3A_46 = tpu.memref_slice %arg4[%multiple_of3A_32] : memref<5124096xi32, #tpu.memory_space<hbm>> -> memref<128xi32, #tpu.memory_space<hbm>>
          %dma_wait3A_47 = tpu.memref_slice %arg4[%multiple_of3A_32] : memref<5124096xi32, #tpu.memory_space<hbm>> -> memref<128xi32, #tpu.memory_space<hbm>>
          tpu.wait_dma2 semaphore(%run_scoped3A : memref<!tpu.dma_semaphore, #tpu.memory_space<semaphore_mem>>) src(%dma_wait3A_47 : memref<128xi32, #tpu.memory_space<hbm>>) dst(%arg9 : memref<128xi32, #tpu.memory_space<vmem>>)
          tpu.yield
        }) : () -> ()
        %dma_start3A = arith.constant 0 : i32
        %dma_start3A_33 = arith.constant 0 : i32
        %dma_start3A_34 = tpu.memref_slice %arg2[%dma_start3A, %dma_start3A_33] : memref<10000x256xf32, #tpu.memory_space<hbm>> -> memref<10000x256xf32, #tpu.memory_space<hbm>>
        tpu.enqueue_indirect_dma source(%dma_start3A_34 : memref<10000x256xf32, #tpu.memory_space<hbm>>) target(%arg10 : memref<128x256xf32, #tpu.memory_space<vmem>>) offsets(%arg8 : memref<128xi32, #tpu.memory_space<vmem>>) semaphore(%arg12 : memref<!tpu.dma_semaphore, #tpu.memory_space<semaphore_mem>>)
        %dma_wait3A = arith.constant 0 : i32
        %dma_wait3A_35 = arith.constant 0 : i32
        %dma_wait3A_36 = tpu.memref_slice %arg2[%dma_wait3A, %dma_wait3A_35] : memref<10000x256xf32, #tpu.memory_space<hbm>> -> memref<10000x256xf32, #tpu.memory_space<hbm>>
        tpu.wait_indirect_dma semaphore(%arg12 : memref<!tpu.dma_semaphore, #tpu.memory_space<semaphore_mem>>) src(%dma_wait3A_36 : memref<10000x256xf32, #tpu.memory_space<hbm>>) dst(%arg10 : memref<128x256xf32, #tpu.memory_space<vmem>>)
        %scan3A_37 = arith.constant 0 : i32
        %scan3A_38 = arith.constant 0 : i32
        %scan3A_39 = arith.constant 8 : i32
        %scan3A_40 = arith.addi %scan3A_38, %scan3A_39 : i32
        %scan3A_41 = arith.constant 1 : i32
        %scan3A_42 = scf.for %scan3A_44 = %scan3A_38 to %scan3A_40 step %scan3A_41 iter_args(%scan3A_45 = %scan3A_37) -> (i32)  : i32 {
          %mul3A_46 = arith.constant 16 : i32
          %mul3A_47 = arith.muli %scan3A_44, %mul3A_46 : i32
          %get3A_48 = arith.index_cast %mul3A_47 : i32 to index
          %get3A_49 = tpu.vector_load %arg9[%get3A_48] {strides = array<i32>} : memref<128xi32, #tpu.memory_space<vmem>>, vector<16xi32>,
          %get3A_50 = vector.shape_cast %get3A_49 : vector<16xi32> to vector<16xi32>
          %slice3A_51 = vector.extract_strided_slice %get3A_50 {offsets = [0], sizes = [1], strides = [1]} : vector<16xi32> to vector<1xi32>
          %squeeze3A_52 = vector.extract %slice3A_51[0] : i32 from vector<1xi32>
          %mul3A_53 = arith.constant 16 : i32
          %mul3A_54 = arith.muli %scan3A_44, %mul3A_53 : i32
          %add3A_55 = arith.constant 0 : i32
          %add3A_56 = arith.addi %mul3A_54, %add3A_55 : i32
          %scan3A_57 = arith.constant 0 : i32
          %scan3A_58 = arith.constant 0 : i32
          %scan3A_59 = arith.constant 16 : i32
          %scan3A_60 = arith.addi %scan3A_58, %scan3A_59 : i32
          %scan3A_61 = arith.constant 1 : i32
          %scan3A_62 = scf.for %scan3A_260 = %scan3A_58 to %scan3A_60 step %scan3A_61 iter_args(%scan3A_261 = %scan3A_57) -> (i32)  : i32 {
            %mul3A_262 = arith.constant 16 : i32
            %mul3A_263 = arith.muli %scan3A_260, %mul3A_262 : i32
            %multiple_of3A_264 = tpu.assume_multiple %mul3A_263, 16 : i32
            %get3A_265 = arith.index_cast %squeeze3A_52 : i32 to index
            %get3A_266 = arith.index_cast %multiple_of3A_264 : i32 to index
            %get3A_267 = tpu.vector_load %arg7[%get3A_265, %get3A_266] {strides = array<i32>} : memref<321x256xf32, #tpu.memory_space<vmem>>, vector<1x16xf32>,
            %get3A_268 = vector.shape_cast %get3A_267 : vector<1x16xf32> to vector<16xf32>
            %get3A_269 = arith.index_cast %add3A_56 : i32 to index
            %get3A_270 = arith.index_cast %multiple_of3A_264 : i32 to index
            %get3A_271 = tpu.vector_load %arg10[%get3A_269, %get3A_270] {strides = array<i32>} : memref<128x256xf32, #tpu.memory_space<vmem>>, vector<1x16xf32>,
            %get3A_272 = vector.shape_cast %get3A_271 : vector<1x16xf32> to vector<16xf32>
            %max3A = arith.maximumf %get3A_268, %get3A_272 : vector<16xf32>
            %swap3A = arith.index_cast %squeeze3A_52 : i32 to index
            %swap3A_273 = arith.index_cast %multiple_of3A_264 : i32 to index
            %swap3A_274 = tpu.vector_load %arg7[%swap3A, %swap3A_273] {strides = array<i32>} : memref<321x256xf32, #tpu.memory_space<vmem>>, vector<1x16xf32>,
            %swap3A_275 = vector.shape_cast %swap3A_274 : vector<1x16xf32> to vector<16xf32>
            %swap3A_276 = vector.shape_cast %max3A : vector<16xf32> to vector<1x16xf32>
            tpu.vector_store %arg7[%swap3A, %swap3A_273], %swap3A_276 {strides = array<i32>} : memref<321x256xf32, #tpu.memory_space<vmem>>, vector<1x16xf32>,
            %scan3A_277 = arith.constant 0 : i32
            scf.yield %scan3A_277 : i32
          }
          %scan3A_63 = arith.constant 16 : i32
          %slice3A_64 = vector.extract_strided_slice %get3A_50 {offsets = [1], sizes = [1], strides = [1]} : vector<16xi32> to vector<1xi32>
          %squeeze3A_65 = vector.extract %slice3A_64[0] : i32 from vector<1xi32>
          %mul3A_66 = arith.constant 16 : i32
          %mul3A_67 = arith.muli %scan3A_44, %mul3A_66 : i32
          %add3A_68 = arith.constant 1 : i32
          %add3A_69 = arith.addi %mul3A_67, %add3A_68 : i32
          %scan3A_70 = arith.constant 0 : i32
          %scan3A_71 = arith.constant 0 : i32
          %scan3A_72 = arith.constant 16 : i32
          %scan3A_73 = arith.addi %scan3A_71, %scan3A_72 : i32
          %scan3A_74 = arith.constant 1 : i32
          %scan3A_75 = scf.for %scan3A_260 = %scan3A_71 to %scan3A_73 step %scan3A_74 iter_args(%scan3A_261 = %scan3A_70) -> (i32)  : i32 {
            %mul3A_262 = arith.constant 16 : i32
            %mul3A_263 = arith.muli %scan3A_260, %mul3A_262 : i32
            %multiple_of3A_264 = tpu.assume_multiple %mul3A_263, 16 : i32
            %get3A_265 = arith.index_cast %squeeze3A_65 : i32 to index
            %get3A_266 = arith.index_cast %multiple_of3A_264 : i32 to index
            %get3A_267 = tpu.vector_load %arg7[%get3A_265, %get3A_266] {strides = array<i32>} : memref<321x256xf32, #tpu.memory_space<vmem>>, vector<1x16xf32>,
            %get3A_268 = vector.shape_cast %get3A_267 : vector<1x16xf32> to vector<16xf32>
            %get3A_269 = arith.index_cast %add3A_69 : i32 to index
            %get3A_270 = arith.index_cast %multiple_of3A_264 : i32 to index
            %get3A_271 = tpu.vector_load %arg10[%get3A_269, %get3A_270] {strides = array<i32>} : memref<128x256xf32, #tpu.memory_space<vmem>>, vector<1x16xf32>,
            %get3A_272 = vector.shape_cast %get3A_271 : vector<1x16xf32> to vector<16xf32>
            %max3A = arith.maximumf %get3A_268, %get3A_272 : vector<16xf32>
            %swap3A = arith.index_cast %squeeze3A_65 : i32 to index
            %swap3A_273 = arith.index_cast %multiple_of3A_264 : i32 to index
            %swap3A_274 = tpu.vector_load %arg7[%swap3A, %swap3A_273] {strides = array<i32>} : memref<321x256xf32, #tpu.memory_space<vmem>>, vector<1x16xf32>,
            %swap3A_275 = vector.shape_cast %swap3A_274 : vector<1x16xf32> to vector<16xf32>
            %swap3A_276 = vector.shape_cast %max3A : vector<16xf32> to vector<1x16xf32>
            tpu.vector_store %arg7[%swap3A, %swap3A_273], %swap3A_276 {strides = array<i32>} : memref<321x256xf32, #tpu.memory_space<vmem>>, vector<1x16xf32>,
            %scan3A_277 = arith.constant 0 : i32
            scf.yield %scan3A_277 : i32
          }
          %scan3A_76 = arith.constant 16 : i32
          %slice3A_77 = vector.extract_strided_slice %get3A_50 {offsets = [2], sizes = [1], strides = [1]} : vector<16xi32> to vector<1xi32>
          %squeeze3A_78 = vector.extract %slice3A_77[0] : i32 from vector<1xi32>
          %mul3A_79 = arith.constant 16 : i32
          %mul3A_80 = arith.muli %scan3A_44, %mul3A_79 : i32
          %add3A_81 = arith.constant 2 : i32
          %add3A_82 = arith.addi %mul3A_80, %add3A_81 : i32
          %scan3A_83 = arith.constant 0 : i32
          %scan3A_84 = arith.constant 0 : i32
          %scan3A_85 = arith.constant 16 : i32
          %scan3A_86 = arith.addi %scan3A_84, %scan3A_85 : i32
          %scan3A_87 = arith.constant 1 : i32
          %scan3A_88 = scf.for %scan3A_260 = %scan3A_84 to %scan3A_86 step %scan3A_87 iter_args(%scan3A_261 = %scan3A_83) -> (i32)  : i32 {
            %mul3A_262 = arith.constant 16 : i32
            %mul3A_263 = arith.muli %scan3A_260, %mul3A_262 : i32
            %multiple_of3A_264 = tpu.assume_multiple %mul3A_263, 16 : i32
            %get3A_265 = arith.index_cast %squeeze3A_78 : i32 to index
            %get3A_266 = arith.index_cast %multiple_of3A_264 : i32 to index
            %get3A_267 = tpu.vector_load %arg7[%get3A_265, %get3A_266] {strides = array<i32>} : memref<321x256xf32, #tpu.memory_space<vmem>>, vector<1x16xf32>,
            %get3A_268 = vector.shape_cast %get3A_267 : vector<1x16xf32> to vector<16xf32>
            %get3A_269 = arith.index_cast %add3A_82 : i32 to index
            %get3A_270 = arith.index_cast %multiple_of3A_264 : i32 to index
            %get3A_271 = tpu.vector_load %arg10[%get3A_269, %get3A_270] {strides = array<i32>} : memref<128x256xf32, #tpu.memory_space<vmem>>, vector<1x16xf32>,
            %get3A_272 = vector.shape_cast %get3A_271 : vector<1x16xf32> to vector<16xf32>
            %max3A = arith.maximumf %get3A_268, %get3A_272 : vector<16xf32>
            %swap3A = arith.index_cast %squeeze3A_78 : i32 to index
            %swap3A_273 = arith.index_cast %multiple_of3A_264 : i32 to index
            %swap3A_274 = tpu.vector_load %arg7[%swap3A, %swap3A_273] {strides = array<i32>} : memref<321x256xf32, #tpu.memory_space<vmem>>, vector<1x16xf32>,
            %swap3A_275 = vector.shape_cast %swap3A_274 : vector<1x16xf32> to vector<16xf32>
            %swap3A_276 = vector.shape_cast %max3A : vector<16xf32> to vector<1x16xf32>
            tpu.vector_store %arg7[%swap3A, %swap3A_273], %swap3A_276 {strides = array<i32>} : memref<321x256xf32, #tpu.memory_space<vmem>>, vector<1x16xf32>,
            %scan3A_277 = arith.constant 0 : i32
            scf.yield %scan3A_277 : i32
          }
          %scan3A_89 = arith.constant 16 : i32
          %slice3A_90 = vector.extract_strided_slice %get3A_50 {offsets = [3], sizes = [1], strides = [1]} : vector<16xi32> to vector<1xi32>
          %squeeze3A_91 = vector.extract %slice3A_90[0] : i32 from vector<1xi32>
          %mul3A_92 = arith.constant 16 : i32
          %mul3A_93 = arith.muli %scan3A_44, %mul3A_92 : i32
          %add3A_94 = arith.constant 3 : i32
          %add3A_95 = arith.addi %mul3A_93, %add3A_94 : i32
          %scan3A_96 = arith.constant 0 : i32
          %scan3A_97 = arith.constant 0 : i32
          %scan3A_98 = arith.constant 16 : i32
          %scan3A_99 = arith.addi %scan3A_97, %scan3A_98 : i32
          %scan3A_100 = arith.constant 1 : i32
          %scan3A_101 = scf.for %scan3A_260 = %scan3A_97 to %scan3A_99 step %scan3A_100 iter_args(%scan3A_261 = %scan3A_96) -> (i32)  : i32 {
            %mul3A_262 = arith.constant 16 : i32
            %mul3A_263 = arith.muli %scan3A_260, %mul3A_262 : i32
            %multiple_of3A_264 = tpu.assume_multiple %mul3A_263, 16 : i32
            %get3A_265 = arith.index_cast %squeeze3A_91 : i32 to index
            %get3A_266 = arith.index_cast %multiple_of3A_264 : i32 to index
            %get3A_267 = tpu.vector_load %arg7[%get3A_265, %get3A_266] {strides = array<i32>} : memref<321x256xf32, #tpu.memory_space<vmem>>, vector<1x16xf32>,
            %get3A_268 = vector.shape_cast %get3A_267 : vector<1x16xf32> to vector<16xf32>
            %get3A_269 = arith.index_cast %add3A_95 : i32 to index
            %get3A_270 = arith.index_cast %multiple_of3A_264 : i32 to index
            %get3A_271 = tpu.vector_load %arg10[%get3A_269, %get3A_270] {strides = array<i32>} : memref<128x256xf32, #tpu.memory_space<vmem>>, vector<1x16xf32>,
            %get3A_272 = vector.shape_cast %get3A_271 : vector<1x16xf32> to vector<16xf32>
            %max3A = arith.maximumf %get3A_268, %get3A_272 : vector<16xf32>
            %swap3A = arith.index_cast %squeeze3A_91 : i32 to index
            %swap3A_273 = arith.index_cast %multiple_of3A_264 : i32 to index
            %swap3A_274 = tpu.vector_load %arg7[%swap3A, %swap3A_273] {strides = array<i32>} : memref<321x256xf32, #tpu.memory_space<vmem>>, vector<1x16xf32>,
            %swap3A_275 = vector.shape_cast %swap3A_274 : vector<1x16xf32> to vector<16xf32>
            %swap3A_276 = vector.shape_cast %max3A : vector<16xf32> to vector<1x16xf32>
            tpu.vector_store %arg7[%swap3A, %swap3A_273], %swap3A_276 {strides = array<i32>} : memref<321x256xf32, #tpu.memory_space<vmem>>, vector<1x16xf32>,
            %scan3A_277 = arith.constant 0 : i32
            scf.yield %scan3A_277 : i32
          }
          %scan3A_102 = arith.constant 16 : i32
          %slice3A_103 = vector.extract_strided_slice %get3A_50 {offsets = [4], sizes = [1], strides = [1]} : vector<16xi32> to vector<1xi32>
          %squeeze3A_104 = vector.extract %slice3A_103[0] : i32 from vector<1xi32>
          %mul3A_105 = arith.constant 16 : i32
          %mul3A_106 = arith.muli %scan3A_44, %mul3A_105 : i32
          %add3A_107 = arith.constant 4 : i32
          %add3A_108 = arith.addi %mul3A_106, %add3A_107 : i32
          %scan3A_109 = arith.constant 0 : i32
          %scan3A_110 = arith.constant 0 : i32
          %scan3A_111 = arith.constant 16 : i32
          %scan3A_112 = arith.addi %scan3A_110, %scan3A_111 : i32
          %scan3A_113 = arith.constant 1 : i32
          %scan3A_114 = scf.for %scan3A_260 = %scan3A_110 to %scan3A_112 step %scan3A_113 iter_args(%scan3A_261 = %scan3A_109) -> (i32)  : i32 {
            %mul3A_262 = arith.constant 16 : i32
            %mul3A_263 = arith.muli %scan3A_260, %mul3A_262 : i32
            %multiple_of3A_264 = tpu.assume_multiple %mul3A_263, 16 : i32
            %get3A_265 = arith.index_cast %squeeze3A_104 : i32 to index
            %get3A_266 = arith.index_cast %multiple_of3A_264 : i32 to index
            %get3A_267 = tpu.vector_load %arg7[%get3A_265, %get3A_266] {strides = array<i32>} : memref<321x256xf32, #tpu.memory_space<vmem>>, vector<1x16xf32>,
            %get3A_268 = vector.shape_cast %get3A_267 : vector<1x16xf32> to vector<16xf32>
            %get3A_269 = arith.index_cast %add3A_108 : i32 to index
            %get3A_270 = arith.index_cast %multiple_of3A_264 : i32 to index
            %get3A_271 = tpu.vector_load %arg10[%get3A_269, %get3A_270] {strides = array<i32>} : memref<128x256xf32, #tpu.memory_space<vmem>>, vector<1x16xf32>,
            %get3A_272 = vector.shape_cast %get3A_271 : vector<1x16xf32> to vector<16xf32>
            %max3A = arith.maximumf %get3A_268, %get3A_272 : vector<16xf32>
            %swap3A = arith.index_cast %squeeze3A_104 : i32 to index
            %swap3A_273 = arith.index_cast %multiple_of3A_264 : i32 to index
            %swap3A_274 = tpu.vector_load %arg7[%swap3A, %swap3A_273] {strides = array<i32>} : memref<321x256xf32, #tpu.memory_space<vmem>>, vector<1x16xf32>,
            %swap3A_275 = vector.shape_cast %swap3A_274 : vector<1x16xf32> to vector<16xf32>
            %swap3A_276 = vector.shape_cast %max3A : vector<16xf32> to vector<1x16xf32>
            tpu.vector_store %arg7[%swap3A, %swap3A_273], %swap3A_276 {strides = array<i32>} : memref<321x256xf32, #tpu.memory_space<vmem>>, vector<1x16xf32>,
            %scan3A_277 = arith.constant 0 : i32
            scf.yield %scan3A_277 : i32
          }
          %scan3A_115 = arith.constant 16 : i32
          %slice3A_116 = vector.extract_strided_slice %get3A_50 {offsets = [5], sizes = [1], strides = [1]} : vector<16xi32> to vector<1xi32>
          %squeeze3A_117 = vector.extract %slice3A_116[0] : i32 from vector<1xi32>
          %mul3A_118 = arith.constant 16 : i32
          %mul3A_119 = arith.muli %scan3A_44, %mul3A_118 : i32
          %add3A_120 = arith.constant 5 : i32
          %add3A_121 = arith.addi %mul3A_119, %add3A_120 : i32
          %scan3A_122 = arith.constant 0 : i32
          %scan3A_123 = arith.constant 0 : i32
          %scan3A_124 = arith.constant 16 : i32
          %scan3A_125 = arith.addi %scan3A_123, %scan3A_124 : i32
          %scan3A_126 = arith.constant 1 : i32
          %scan3A_127 = scf.for %scan3A_260 = %scan3A_123 to %scan3A_125 step %scan3A_126 iter_args(%scan3A_261 = %scan3A_122) -> (i32)  : i32 {
            %mul3A_262 = arith.constant 16 : i32
            %mul3A_263 = arith.muli %scan3A_260, %mul3A_262 : i32
            %multiple_of3A_264 = tpu.assume_multiple %mul3A_263, 16 : i32
            %get3A_265 = arith.index_cast %squeeze3A_117 : i32 to index
            %get3A_266 = arith.index_cast %multiple_of3A_264 : i32 to index
            %get3A_267 = tpu.vector_load %arg7[%get3A_265, %get3A_266] {strides = array<i32>} : memref<321x256xf32, #tpu.memory_space<vmem>>, vector<1x16xf32>,
            %get3A_268 = vector.shape_cast %get3A_267 : vector<1x16xf32> to vector<16xf32>
            %get3A_269 = arith.index_cast %add3A_121 : i32 to index
            %get3A_270 = arith.index_cast %multiple_of3A_264 : i32 to index
            %get3A_271 = tpu.vector_load %arg10[%get3A_269, %get3A_270] {strides = array<i32>} : memref<128x256xf32, #tpu.memory_space<vmem>>, vector<1x16xf32>,
            %get3A_272 = vector.shape_cast %get3A_271 : vector<1x16xf32> to vector<16xf32>
            %max3A = arith.maximumf %get3A_268, %get3A_272 : vector<16xf32>
            %swap3A = arith.index_cast %squeeze3A_117 : i32 to index
            %swap3A_273 = arith.index_cast %multiple_of3A_264 : i32 to index
            %swap3A_274 = tpu.vector_load %arg7[%swap3A, %swap3A_273] {strides = array<i32>} : memref<321x256xf32, #tpu.memory_space<vmem>>, vector<1x16xf32>,
            %swap3A_275 = vector.shape_cast %swap3A_274 : vector<1x16xf32> to vector<16xf32>
            %swap3A_276 = vector.shape_cast %max3A : vector<16xf32> to vector<1x16xf32>
            tpu.vector_store %arg7[%swap3A, %swap3A_273], %swap3A_276 {strides = array<i32>} : memref<321x256xf32, #tpu.memory_space<vmem>>, vector<1x16xf32>,
            %scan3A_277 = arith.constant 0 : i32
            scf.yield %scan3A_277 : i32
          }
          %scan3A_128 = arith.constant 16 : i32
          %slice3A_129 = vector.extract_strided_slice %get3A_50 {offsets = [6], sizes = [1], strides = [1]} : vector<16xi32> to vector<1xi32>
          %squeeze3A_130 = vector.extract %slice3A_129[0] : i32 from vector<1xi32>
          %mul3A_131 = arith.constant 16 : i32
          %mul3A_132 = arith.muli %scan3A_44, %mul3A_131 : i32
          %add3A_133 = arith.constant 6 : i32
          %add3A_134 = arith.addi %mul3A_132, %add3A_133 : i32
          %scan3A_135 = arith.constant 0 : i32
          %scan3A_136 = arith.constant 0 : i32
          %scan3A_137 = arith.constant 16 : i32
          %scan3A_138 = arith.addi %scan3A_136, %scan3A_137 : i32
          %scan3A_139 = arith.constant 1 : i32
          %scan3A_140 = scf.for %scan3A_260 = %scan3A_136 to %scan3A_138 step %scan3A_139 iter_args(%scan3A_261 = %scan3A_135) -> (i32)  : i32 {
            %mul3A_262 = arith.constant 16 : i32
            %mul3A_263 = arith.muli %scan3A_260, %mul3A_262 : i32
            %multiple_of3A_264 = tpu.assume_multiple %mul3A_263, 16 : i32
            %get3A_265 = arith.index_cast %squeeze3A_130 : i32 to index
            %get3A_266 = arith.index_cast %multiple_of3A_264 : i32 to index
            %get3A_267 = tpu.vector_load %arg7[%get3A_265, %get3A_266] {strides = array<i32>} : memref<321x256xf32, #tpu.memory_space<vmem>>, vector<1x16xf32>,
            %get3A_268 = vector.shape_cast %get3A_267 : vector<1x16xf32> to vector<16xf32>
            %get3A_269 = arith.index_cast %add3A_134 : i32 to index
            %get3A_270 = arith.index_cast %multiple_of3A_264 : i32 to index
            %get3A_271 = tpu.vector_load %arg10[%get3A_269, %get3A_270] {strides = array<i32>} : memref<128x256xf32, #tpu.memory_space<vmem>>, vector<1x16xf32>,
            %get3A_272 = vector.shape_cast %get3A_271 : vector<1x16xf32> to vector<16xf32>
            %max3A = arith.maximumf %get3A_268, %get3A_272 : vector<16xf32>
            %swap3A = arith.index_cast %squeeze3A_130 : i32 to index
            %swap3A_273 = arith.index_cast %multiple_of3A_264 : i32 to index
            %swap3A_274 = tpu.vector_load %arg7[%swap3A, %swap3A_273] {strides = array<i32>} : memref<321x256xf32, #tpu.memory_space<vmem>>, vector<1x16xf32>,
            %swap3A_275 = vector.shape_cast %swap3A_274 : vector<1x16xf32> to vector<16xf32>
            %swap3A_276 = vector.shape_cast %max3A : vector<16xf32> to vector<1x16xf32>
            tpu.vector_store %arg7[%swap3A, %swap3A_273], %swap3A_276 {strides = array<i32>} : memref<321x256xf32, #tpu.memory_space<vmem>>, vector<1x16xf32>,
            %scan3A_277 = arith.constant 0 : i32
            scf.yield %scan3A_277 : i32
          }
          %scan3A_141 = arith.constant 16 : i32
          %slice3A_142 = vector.extract_strided_slice %get3A_50 {offsets = [7], sizes = [1], strides = [1]} : vector<16xi32> to vector<1xi32>
          %squeeze3A_143 = vector.extract %slice3A_142[0] : i32 from vector<1xi32>
          %mul3A_144 = arith.constant 16 : i32
          %mul3A_145 = arith.muli %scan3A_44, %mul3A_144 : i32
          %add3A_146 = arith.constant 7 : i32
          %add3A_147 = arith.addi %mul3A_145, %add3A_146 : i32
          %scan3A_148 = arith.constant 0 : i32
          %scan3A_149 = arith.constant 0 : i32
          %scan3A_150 = arith.constant 16 : i32
          %scan3A_151 = arith.addi %scan3A_149, %scan3A_150 : i32
          %scan3A_152 = arith.constant 1 : i32
          %scan3A_153 = scf.for %scan3A_260 = %scan3A_149 to %scan3A_151 step %scan3A_152 iter_args(%scan3A_261 = %scan3A_148) -> (i32)  : i32 {
            %mul3A_262 = arith.constant 16 : i32
            %mul3A_263 = arith.muli %scan3A_260, %mul3A_262 : i32
            %multiple_of3A_264 = tpu.assume_multiple %mul3A_263, 16 : i32
            %get3A_265 = arith.index_cast %squeeze3A_143 : i32 to index
            %get3A_266 = arith.index_cast %multiple_of3A_264 : i32 to index
            %get3A_267 = tpu.vector_load %arg7[%get3A_265, %get3A_266] {strides = array<i32>} : memref<321x256xf32, #tpu.memory_space<vmem>>, vector<1x16xf32>,
            %get3A_268 = vector.shape_cast %get3A_267 : vector<1x16xf32> to vector<16xf32>
            %get3A_269 = arith.index_cast %add3A_147 : i32 to index
            %get3A_270 = arith.index_cast %multiple_of3A_264 : i32 to index
            %get3A_271 = tpu.vector_load %arg10[%get3A_269, %get3A_270] {strides = array<i32>} : memref<128x256xf32, #tpu.memory_space<vmem>>, vector<1x16xf32>,
            %get3A_272 = vector.shape_cast %get3A_271 : vector<1x16xf32> to vector<16xf32>
            %max3A = arith.maximumf %get3A_268, %get3A_272 : vector<16xf32>
            %swap3A = arith.index_cast %squeeze3A_143 : i32 to index
            %swap3A_273 = arith.index_cast %multiple_of3A_264 : i32 to index
            %swap3A_274 = tpu.vector_load %arg7[%swap3A, %swap3A_273] {strides = array<i32>} : memref<321x256xf32, #tpu.memory_space<vmem>>, vector<1x16xf32>,
            %swap3A_275 = vector.shape_cast %swap3A_274 : vector<1x16xf32> to vector<16xf32>
            %swap3A_276 = vector.shape_cast %max3A : vector<16xf32> to vector<1x16xf32>
            tpu.vector_store %arg7[%swap3A, %swap3A_273], %swap3A_276 {strides = array<i32>} : memref<321x256xf32, #tpu.memory_space<vmem>>, vector<1x16xf32>,
            %scan3A_277 = arith.constant 0 : i32
            scf.yield %scan3A_277 : i32
          }
          %scan3A_154 = arith.constant 16 : i32
          %slice3A_155 = vector.extract_strided_slice %get3A_50 {offsets = [8], sizes = [1], strides = [1]} : vector<16xi32> to vector<1xi32>
          %squeeze3A_156 = vector.extract %slice3A_155[0] : i32 from vector<1xi32>
          %mul3A_157 = arith.constant 16 : i32
          %mul3A_158 = arith.muli %scan3A_44, %mul3A_157 : i32
          %add3A_159 = arith.constant 8 : i32
          %add3A_160 = arith.addi %mul3A_158, %add3A_159 : i32
          %scan3A_161 = arith.constant 0 : i32
          %scan3A_162 = arith.constant 0 : i32
          %scan3A_163 = arith.constant 16 : i32
          %scan3A_164 = arith.addi %scan3A_162, %scan3A_163 : i32
          %scan3A_165 = arith.constant 1 : i32
          %scan3A_166 = scf.for %scan3A_260 = %scan3A_162 to %scan3A_164 step %scan3A_165 iter_args(%scan3A_261 = %scan3A_161) -> (i32)  : i32 {
            %mul3A_262 = arith.constant 16 : i32
            %mul3A_263 = arith.muli %scan3A_260, %mul3A_262 : i32
            %multiple_of3A_264 = tpu.assume_multiple %mul3A_263, 16 : i32
            %get3A_265 = arith.index_cast %squeeze3A_156 : i32 to index
            %get3A_266 = arith.index_cast %multiple_of3A_264 : i32 to index
            %get3A_267 = tpu.vector_load %arg7[%get3A_265, %get3A_266] {strides = array<i32>} : memref<321x256xf32, #tpu.memory_space<vmem>>, vector<1x16xf32>,
            %get3A_268 = vector.shape_cast %get3A_267 : vector<1x16xf32> to vector<16xf32>
            %get3A_269 = arith.index_cast %add3A_160 : i32 to index
            %get3A_270 = arith.index_cast %multiple_of3A_264 : i32 to index
            %get3A_271 = tpu.vector_load %arg10[%get3A_269, %get3A_270] {strides = array<i32>} : memref<128x256xf32, #tpu.memory_space<vmem>>, vector<1x16xf32>,
            %get3A_272 = vector.shape_cast %get3A_271 : vector<1x16xf32> to vector<16xf32>
            %max3A = arith.maximumf %get3A_268, %get3A_272 : vector<16xf32>
            %swap3A = arith.index_cast %squeeze3A_156 : i32 to index
            %swap3A_273 = arith.index_cast %multiple_of3A_264 : i32 to index
            %swap3A_274 = tpu.vector_load %arg7[%swap3A, %swap3A_273] {strides = array<i32>} : memref<321x256xf32, #tpu.memory_space<vmem>>, vector<1x16xf32>,
            %swap3A_275 = vector.shape_cast %swap3A_274 : vector<1x16xf32> to vector<16xf32>
            %swap3A_276 = vector.shape_cast %max3A : vector<16xf32> to vector<1x16xf32>
            tpu.vector_store %arg7[%swap3A, %swap3A_273], %swap3A_276 {strides = array<i32>} : memref<321x256xf32, #tpu.memory_space<vmem>>, vector<1x16xf32>,
            %scan3A_277 = arith.constant 0 : i32
            scf.yield %scan3A_277 : i32
          }
          %scan3A_167 = arith.constant 16 : i32
          %slice3A_168 = vector.extract_strided_slice %get3A_50 {offsets = [9], sizes = [1], strides = [1]} : vector<16xi32> to vector<1xi32>
          %squeeze3A_169 = vector.extract %slice3A_168[0] : i32 from vector<1xi32>
          %mul3A_170 = arith.constant 16 : i32
          %mul3A_171 = arith.muli %scan3A_44, %mul3A_170 : i32
          %add3A_172 = arith.constant 9 : i32
          %add3A_173 = arith.addi %mul3A_171, %add3A_172 : i32
          %scan3A_174 = arith.constant 0 : i32
          %scan3A_175 = arith.constant 0 : i32
          %scan3A_176 = arith.constant 16 : i32
          %scan3A_177 = arith.addi %scan3A_175, %scan3A_176 : i32
          %scan3A_178 = arith.constant 1 : i32
          %scan3A_179 = scf.for %scan3A_260 = %scan3A_175 to %scan3A_177 step %scan3A_178 iter_args(%scan3A_261 = %scan3A_174) -> (i32)  : i32 {
            %mul3A_262 = arith.constant 16 : i32
            %mul3A_263 = arith.muli %scan3A_260, %mul3A_262 : i32
            %multiple_of3A_264 = tpu.assume_multiple %mul3A_263, 16 : i32
            %get3A_265 = arith.index_cast %squeeze3A_169 : i32 to index
            %get3A_266 = arith.index_cast %multiple_of3A_264 : i32 to index
            %get3A_267 = tpu.vector_load %arg7[%get3A_265, %get3A_266] {strides = array<i32>} : memref<321x256xf32, #tpu.memory_space<vmem>>, vector<1x16xf32>,
            %get3A_268 = vector.shape_cast %get3A_267 : vector<1x16xf32> to vector<16xf32>
            %get3A_269 = arith.index_cast %add3A_173 : i32 to index
            %get3A_270 = arith.index_cast %multiple_of3A_264 : i32 to index
            %get3A_271 = tpu.vector_load %arg10[%get3A_269, %get3A_270] {strides = array<i32>} : memref<128x256xf32, #tpu.memory_space<vmem>>, vector<1x16xf32>,
            %get3A_272 = vector.shape_cast %get3A_271 : vector<1x16xf32> to vector<16xf32>
            %max3A = arith.maximumf %get3A_268, %get3A_272 : vector<16xf32>
            %swap3A = arith.index_cast %squeeze3A_169 : i32 to index
            %swap3A_273 = arith.index_cast %multiple_of3A_264 : i32 to index
            %swap3A_274 = tpu.vector_load %arg7[%swap3A, %swap3A_273] {strides = array<i32>} : memref<321x256xf32, #tpu.memory_space<vmem>>, vector<1x16xf32>,
            %swap3A_275 = vector.shape_cast %swap3A_274 : vector<1x16xf32> to vector<16xf32>
            %swap3A_276 = vector.shape_cast %max3A : vector<16xf32> to vector<1x16xf32>
            tpu.vector_store %arg7[%swap3A, %swap3A_273], %swap3A_276 {strides = array<i32>} : memref<321x256xf32, #tpu.memory_space<vmem>>, vector<1x16xf32>,
            %scan3A_277 = arith.constant 0 : i32
            scf.yield %scan3A_277 : i32
          }
          %scan3A_180 = arith.constant 16 : i32
          %slice3A_181 = vector.extract_strided_slice %get3A_50 {offsets = [10], sizes = [1], strides = [1]} : vector<16xi32> to vector<1xi32>
          %squeeze3A_182 = vector.extract %slice3A_181[0] : i32 from vector<1xi32>
          %mul3A_183 = arith.constant 16 : i32
          %mul3A_184 = arith.muli %scan3A_44, %mul3A_183 : i32
          %add3A_185 = arith.constant 10 : i32
          %add3A_186 = arith.addi %mul3A_184, %add3A_185 : i32
          %scan3A_187 = arith.constant 0 : i32
          %scan3A_188 = arith.constant 0 : i32
          %scan3A_189 = arith.constant 16 : i32
          %scan3A_190 = arith.addi %scan3A_188, %scan3A_189 : i32
          %scan3A_191 = arith.constant 1 : i32
          %scan3A_192 = scf.for %scan3A_260 = %scan3A_188 to %scan3A_190 step %scan3A_191 iter_args(%scan3A_261 = %scan3A_187) -> (i32)  : i32 {
            %mul3A_262 = arith.constant 16 : i32
            %mul3A_263 = arith.muli %scan3A_260, %mul3A_262 : i32
            %multiple_of3A_264 = tpu.assume_multiple %mul3A_263, 16 : i32
            %get3A_265 = arith.index_cast %squeeze3A_182 : i32 to index
            %get3A_266 = arith.index_cast %multiple_of3A_264 : i32 to index
            %get3A_267 = tpu.vector_load %arg7[%get3A_265, %get3A_266] {strides = array<i32>} : memref<321x256xf32, #tpu.memory_space<vmem>>, vector<1x16xf32>,
            %get3A_268 = vector.shape_cast %get3A_267 : vector<1x16xf32> to vector<16xf32>
            %get3A_269 = arith.index_cast %add3A_186 : i32 to index
            %get3A_270 = arith.index_cast %multiple_of3A_264 : i32 to index
            %get3A_271 = tpu.vector_load %arg10[%get3A_269, %get3A_270] {strides = array<i32>} : memref<128x256xf32, #tpu.memory_space<vmem>>, vector<1x16xf32>,
            %get3A_272 = vector.shape_cast %get3A_271 : vector<1x16xf32> to vector<16xf32>
            %max3A = arith.maximumf %get3A_268, %get3A_272 : vector<16xf32>
            %swap3A = arith.index_cast %squeeze3A_182 : i32 to index
            %swap3A_273 = arith.index_cast %multiple_of3A_264 : i32 to index
            %swap3A_274 = tpu.vector_load %arg7[%swap3A, %swap3A_273] {strides = array<i32>} : memref<321x256xf32, #tpu.memory_space<vmem>>, vector<1x16xf32>,
            %swap3A_275 = vector.shape_cast %swap3A_274 : vector<1x16xf32> to vector<16xf32>
            %swap3A_276 = vector.shape_cast %max3A : vector<16xf32> to vector<1x16xf32>
            tpu.vector_store %arg7[%swap3A, %swap3A_273], %swap3A_276 {strides = array<i32>} : memref<321x256xf32, #tpu.memory_space<vmem>>, vector<1x16xf32>,
            %scan3A_277 = arith.constant 0 : i32
            scf.yield %scan3A_277 : i32
          }
          %scan3A_193 = arith.constant 16 : i32
          %slice3A_194 = vector.extract_strided_slice %get3A_50 {offsets = [11], sizes = [1], strides = [1]} : vector<16xi32> to vector<1xi32>
          %squeeze3A_195 = vector.extract %slice3A_194[0] : i32 from vector<1xi32>
          %mul3A_196 = arith.constant 16 : i32
          %mul3A_197 = arith.muli %scan3A_44, %mul3A_196 : i32
          %add3A_198 = arith.constant 11 : i32
          %add3A_199 = arith.addi %mul3A_197, %add3A_198 : i32
          %scan3A_200 = arith.constant 0 : i32
          %scan3A_201 = arith.constant 0 : i32
          %scan3A_202 = arith.constant 16 : i32
          %scan3A_203 = arith.addi %scan3A_201, %scan3A_202 : i32
          %scan3A_204 = arith.constant 1 : i32
          %scan3A_205 = scf.for %scan3A_260 = %scan3A_201 to %scan3A_203 step %scan3A_204 iter_args(%scan3A_261 = %scan3A_200) -> (i32)  : i32 {
            %mul3A_262 = arith.constant 16 : i32
            %mul3A_263 = arith.muli %scan3A_260, %mul3A_262 : i32
            %multiple_of3A_264 = tpu.assume_multiple %mul3A_263, 16 : i32
            %get3A_265 = arith.index_cast %squeeze3A_195 : i32 to index
            %get3A_266 = arith.index_cast %multiple_of3A_264 : i32 to index
            %get3A_267 = tpu.vector_load %arg7[%get3A_265, %get3A_266] {strides = array<i32>} : memref<321x256xf32, #tpu.memory_space<vmem>>, vector<1x16xf32>,
            %get3A_268 = vector.shape_cast %get3A_267 : vector<1x16xf32> to vector<16xf32>
            %get3A_269 = arith.index_cast %add3A_199 : i32 to index
            %get3A_270 = arith.index_cast %multiple_of3A_264 : i32 to index
            %get3A_271 = tpu.vector_load %arg10[%get3A_269, %get3A_270] {strides = array<i32>} : memref<128x256xf32, #tpu.memory_space<vmem>>, vector<1x16xf32>,
            %get3A_272 = vector.shape_cast %get3A_271 : vector<1x16xf32> to vector<16xf32>
            %max3A = arith.maximumf %get3A_268, %get3A_272 : vector<16xf32>
            %swap3A = arith.index_cast %squeeze3A_195 : i32 to index
            %swap3A_273 = arith.index_cast %multiple_of3A_264 : i32 to index
            %swap3A_274 = tpu.vector_load %arg7[%swap3A, %swap3A_273] {strides = array<i32>} : memref<321x256xf32, #tpu.memory_space<vmem>>, vector<1x16xf32>,
            %swap3A_275 = vector.shape_cast %swap3A_274 : vector<1x16xf32> to vector<16xf32>
            %swap3A_276 = vector.shape_cast %max3A : vector<16xf32> to vector<1x16xf32>
            tpu.vector_store %arg7[%swap3A, %swap3A_273], %swap3A_276 {strides = array<i32>} : memref<321x256xf32, #tpu.memory_space<vmem>>, vector<1x16xf32>,
            %scan3A_277 = arith.constant 0 : i32
            scf.yield %scan3A_277 : i32
          }
          %scan3A_206 = arith.constant 16 : i32
          %slice3A_207 = vector.extract_strided_slice %get3A_50 {offsets = [12], sizes = [1], strides = [1]} : vector<16xi32> to vector<1xi32>
          %squeeze3A_208 = vector.extract %slice3A_207[0] : i32 from vector<1xi32>
          %mul3A_209 = arith.constant 16 : i32
          %mul3A_210 = arith.muli %scan3A_44, %mul3A_209 : i32
          %add3A_211 = arith.constant 12 : i32
          %add3A_212 = arith.addi %mul3A_210, %add3A_211 : i32
          %scan3A_213 = arith.constant 0 : i32
          %scan3A_214 = arith.constant 0 : i32
          %scan3A_215 = arith.constant 16 : i32
          %scan3A_216 = arith.addi %scan3A_214, %scan3A_215 : i32
          %scan3A_217 = arith.constant 1 : i32
          %scan3A_218 = scf.for %scan3A_260 = %scan3A_214 to %scan3A_216 step %scan3A_217 iter_args(%scan3A_261 = %scan3A_213) -> (i32)  : i32 {
            %mul3A_262 = arith.constant 16 : i32
            %mul3A_263 = arith.muli %scan3A_260, %mul3A_262 : i32
            %multiple_of3A_264 = tpu.assume_multiple %mul3A_263, 16 : i32
            %get3A_265 = arith.index_cast %squeeze3A_208 : i32 to index
            %get3A_266 = arith.index_cast %multiple_of3A_264 : i32 to index
            %get3A_267 = tpu.vector_load %arg7[%get3A_265, %get3A_266] {strides = array<i32>} : memref<321x256xf32, #tpu.memory_space<vmem>>, vector<1x16xf32>,
            %get3A_268 = vector.shape_cast %get3A_267 : vector<1x16xf32> to vector<16xf32>
            %get3A_269 = arith.index_cast %add3A_212 : i32 to index
            %get3A_270 = arith.index_cast %multiple_of3A_264 : i32 to index
            %get3A_271 = tpu.vector_load %arg10[%get3A_269, %get3A_270] {strides = array<i32>} : memref<128x256xf32, #tpu.memory_space<vmem>>, vector<1x16xf32>,
            %get3A_272 = vector.shape_cast %get3A_271 : vector<1x16xf32> to vector<16xf32>
            %max3A = arith.maximumf %get3A_268, %get3A_272 : vector<16xf32>
            %swap3A = arith.index_cast %squeeze3A_208 : i32 to index
            %swap3A_273 = arith.index_cast %multiple_of3A_264 : i32 to index
            %swap3A_274 = tpu.vector_load %arg7[%swap3A, %swap3A_273] {strides = array<i32>} : memref<321x256xf32, #tpu.memory_space<vmem>>, vector<1x16xf32>,
            %swap3A_275 = vector.shape_cast %swap3A_274 : vector<1x16xf32> to vector<16xf32>
            %swap3A_276 = vector.shape_cast %max3A : vector<16xf32> to vector<1x16xf32>
            tpu.vector_store %arg7[%swap3A, %swap3A_273], %swap3A_276 {strides = array<i32>} : memref<321x256xf32, #tpu.memory_space<vmem>>, vector<1x16xf32>,
            %scan3A_277 = arith.constant 0 : i32
            scf.yield %scan3A_277 : i32
          }
          %scan3A_219 = arith.constant 16 : i32
          %slice3A_220 = vector.extract_strided_slice %get3A_50 {offsets = [13], sizes = [1], strides = [1]} : vector<16xi32> to vector<1xi32>
          %squeeze3A_221 = vector.extract %slice3A_220[0] : i32 from vector<1xi32>
          %mul3A_222 = arith.constant 16 : i32
          %mul3A_223 = arith.muli %scan3A_44, %mul3A_222 : i32
          %add3A_224 = arith.constant 13 : i32
          %add3A_225 = arith.addi %mul3A_223, %add3A_224 : i32
          %scan3A_226 = arith.constant 0 : i32
          %scan3A_227 = arith.constant 0 : i32
          %scan3A_228 = arith.constant 16 : i32
          %scan3A_229 = arith.addi %scan3A_227, %scan3A_228 : i32
          %scan3A_230 = arith.constant 1 : i32
          %scan3A_231 = scf.for %scan3A_260 = %scan3A_227 to %scan3A_229 step %scan3A_230 iter_args(%scan3A_261 = %scan3A_226) -> (i32)  : i32 {
            %mul3A_262 = arith.constant 16 : i32
            %mul3A_263 = arith.muli %scan3A_260, %mul3A_262 : i32
            %multiple_of3A_264 = tpu.assume_multiple %mul3A_263, 16 : i32
            %get3A_265 = arith.index_cast %squeeze3A_221 : i32 to index
            %get3A_266 = arith.index_cast %multiple_of3A_264 : i32 to index
            %get3A_267 = tpu.vector_load %arg7[%get3A_265, %get3A_266] {strides = array<i32>} : memref<321x256xf32, #tpu.memory_space<vmem>>, vector<1x16xf32>,
            %get3A_268 = vector.shape_cast %get3A_267 : vector<1x16xf32> to vector<16xf32>
            %get3A_269 = arith.index_cast %add3A_225 : i32 to index
            %get3A_270 = arith.index_cast %multiple_of3A_264 : i32 to index
            %get3A_271 = tpu.vector_load %arg10[%get3A_269, %get3A_270] {strides = array<i32>} : memref<128x256xf32, #tpu.memory_space<vmem>>, vector<1x16xf32>,
            %get3A_272 = vector.shape_cast %get3A_271 : vector<1x16xf32> to vector<16xf32>
            %max3A = arith.maximumf %get3A_268, %get3A_272 : vector<16xf32>
            %swap3A = arith.index_cast %squeeze3A_221 : i32 to index
            %swap3A_273 = arith.index_cast %multiple_of3A_264 : i32 to index
            %swap3A_274 = tpu.vector_load %arg7[%swap3A, %swap3A_273] {strides = array<i32>} : memref<321x256xf32, #tpu.memory_space<vmem>>, vector<1x16xf32>,
            %swap3A_275 = vector.shape_cast %swap3A_274 : vector<1x16xf32> to vector<16xf32>
            %swap3A_276 = vector.shape_cast %max3A : vector<16xf32> to vector<1x16xf32>
            tpu.vector_store %arg7[%swap3A, %swap3A_273], %swap3A_276 {strides = array<i32>} : memref<321x256xf32, #tpu.memory_space<vmem>>, vector<1x16xf32>,
            %scan3A_277 = arith.constant 0 : i32
            scf.yield %scan3A_277 : i32
          }
          %scan3A_232 = arith.constant 16 : i32
          %slice3A_233 = vector.extract_strided_slice %get3A_50 {offsets = [14], sizes = [1], strides = [1]} : vector<16xi32> to vector<1xi32>
          %squeeze3A_234 = vector.extract %slice3A_233[0] : i32 from vector<1xi32>
          %mul3A_235 = arith.constant 16 : i32
          %mul3A_236 = arith.muli %scan3A_44, %mul3A_235 : i32
          %add3A_237 = arith.constant 14 : i32
          %add3A_238 = arith.addi %mul3A_236, %add3A_237 : i32
          %scan3A_239 = arith.constant 0 : i32
          %scan3A_240 = arith.constant 0 : i32
          %scan3A_241 = arith.constant 16 : i32
          %scan3A_242 = arith.addi %scan3A_240, %scan3A_241 : i32
          %scan3A_243 = arith.constant 1 : i32
          %scan3A_244 = scf.for %scan3A_260 = %scan3A_240 to %scan3A_242 step %scan3A_243 iter_args(%scan3A_261 = %scan3A_239) -> (i32)  : i32 {
            %mul3A_262 = arith.constant 16 : i32
            %mul3A_263 = arith.muli %scan3A_260, %mul3A_262 : i32
            %multiple_of3A_264 = tpu.assume_multiple %mul3A_263, 16 : i32
            %get3A_265 = arith.index_cast %squeeze3A_234 : i32 to index
            %get3A_266 = arith.index_cast %multiple_of3A_264 : i32 to index
            %get3A_267 = tpu.vector_load %arg7[%get3A_265, %get3A_266] {strides = array<i32>} : memref<321x256xf32, #tpu.memory_space<vmem>>, vector<1x16xf32>,
            %get3A_268 = vector.shape_cast %get3A_267 : vector<1x16xf32> to vector<16xf32>
            %get3A_269 = arith.index_cast %add3A_238 : i32 to index
            %get3A_270 = arith.index_cast %multiple_of3A_264 : i32 to index
            %get3A_271 = tpu.vector_load %arg10[%get3A_269, %get3A_270] {strides = array<i32>} : memref<128x256xf32, #tpu.memory_space<vmem>>, vector<1x16xf32>,
            %get3A_272 = vector.shape_cast %get3A_271 : vector<1x16xf32> to vector<16xf32>
            %max3A = arith.maximumf %get3A_268, %get3A_272 : vector<16xf32>
            %swap3A = arith.index_cast %squeeze3A_234 : i32 to index
            %swap3A_273 = arith.index_cast %multiple_of3A_264 : i32 to index
            %swap3A_274 = tpu.vector_load %arg7[%swap3A, %swap3A_273] {strides = array<i32>} : memref<321x256xf32, #tpu.memory_space<vmem>>, vector<1x16xf32>,
            %swap3A_275 = vector.shape_cast %swap3A_274 : vector<1x16xf32> to vector<16xf32>
            %swap3A_276 = vector.shape_cast %max3A : vector<16xf32> to vector<1x16xf32>
            tpu.vector_store %arg7[%swap3A, %swap3A_273], %swap3A_276 {strides = array<i32>} : memref<321x256xf32, #tpu.memory_space<vmem>>, vector<1x16xf32>,
            %scan3A_277 = arith.constant 0 : i32
            scf.yield %scan3A_277 : i32
          }
          %scan3A_245 = arith.constant 16 : i32
          %slice3A_246 = vector.extract_strided_slice %get3A_50 {offsets = [15], sizes = [1], strides = [1]} : vector<16xi32> to vector<1xi32>
          %squeeze3A_247 = vector.extract %slice3A_246[0] : i32 from vector<1xi32>
          %mul3A_248 = arith.constant 16 : i32
          %mul3A_249 = arith.muli %scan3A_44, %mul3A_248 : i32
          %add3A_250 = arith.constant 15 : i32
          %add3A_251 = arith.addi %mul3A_249, %add3A_250 : i32
          %scan3A_252 = arith.constant 0 : i32
          %scan3A_253 = arith.constant 0 : i32
          %scan3A_254 = arith.constant 16 : i32
          %scan3A_255 = arith.addi %scan3A_253, %scan3A_254 : i32
          %scan3A_256 = arith.constant 1 : i32
          %scan3A_257 = scf.for %scan3A_260 = %scan3A_253 to %scan3A_255 step %scan3A_256 iter_args(%scan3A_261 = %scan3A_252) -> (i32)  : i32 {
            %mul3A_262 = arith.constant 16 : i32
            %mul3A_263 = arith.muli %scan3A_260, %mul3A_262 : i32
            %multiple_of3A_264 = tpu.assume_multiple %mul3A_263, 16 : i32
            %get3A_265 = arith.index_cast %squeeze3A_247 : i32 to index
            %get3A_266 = arith.index_cast %multiple_of3A_264 : i32 to index
            %get3A_267 = tpu.vector_load %arg7[%get3A_265, %get3A_266] {strides = array<i32>} : memref<321x256xf32, #tpu.memory_space<vmem>>, vector<1x16xf32>,
            %get3A_268 = vector.shape_cast %get3A_267 : vector<1x16xf32> to vector<16xf32>
            %get3A_269 = arith.index_cast %add3A_251 : i32 to index
            %get3A_270 = arith.index_cast %multiple_of3A_264 : i32 to index
            %get3A_271 = tpu.vector_load %arg10[%get3A_269, %get3A_270] {strides = array<i32>} : memref<128x256xf32, #tpu.memory_space<vmem>>, vector<1x16xf32>,
            %get3A_272 = vector.shape_cast %get3A_271 : vector<1x16xf32> to vector<16xf32>
            %max3A = arith.maximumf %get3A_268, %get3A_272 : vector<16xf32>
            %swap3A = arith.index_cast %squeeze3A_247 : i32 to index
            %swap3A_273 = arith.index_cast %multiple_of3A_264 : i32 to index
            %swap3A_274 = tpu.vector_load %arg7[%swap3A, %swap3A_273] {strides = array<i32>} : memref<321x256xf32, #tpu.memory_space<vmem>>, vector<1x16xf32>,
            %swap3A_275 = vector.shape_cast %swap3A_274 : vector<1x16xf32> to vector<16xf32>
            %swap3A_276 = vector.shape_cast %max3A : vector<16xf32> to vector<1x16xf32>
            tpu.vector_store %arg7[%swap3A, %swap3A_273], %swap3A_276 {strides = array<i32>} : memref<321x256xf32, #tpu.memory_space<vmem>>, vector<1x16xf32>,
            %scan3A_277 = arith.constant 0 : i32
            scf.yield %scan3A_277 : i32
          }
          %scan3A_258 = arith.constant 16 : i32
          %scan3A_259 = arith.constant 0 : i32
          scf.yield %scan3A_259 : i32
        }
        %scan3A_43 = arith.constant 8 : i32
      } else {
      }
      %scan3A_28 = arith.constant 0 : i32
      scf.yield %scan3A_28 : i32
    }
    %scan3A_20 = arith.constant 1251 : i32
    %mul3A_21 = arith.constant 320 : i32
    %mul3A_22 = arith.muli %add3A, %mul3A_21 : i32
    "tpu.region"() ({
      %run_scoped3A = tpu.sem_alloc : memref<!tpu.dma_semaphore, #tpu.memory_space<semaphore_mem>>
      %dma_start3A = arith.constant 0 : i32
      %dma_start3A_23 = arith.constant 0 : i32
      %dma_start3A_24 = tpu.memref_slice %arg7[%dma_start3A, %dma_start3A_23] : memref<321x256xf32, #tpu.memory_space<vmem>> -> memref<320x256xf32, #tpu.memory_space<vmem>>
      %dma_start3A_25 = arith.constant 0 : i32
      %dma_start3A_26 = tpu.memref_slice %arg6[%mul3A_22, %dma_start3A_25] : memref<10240x256xf32, #tpu.memory_space<hbm>> -> memref<320x256xf32, #tpu.memory_space<hbm>>
      %dma_start3A_27 = arith.constant 0 : i32
      %dma_start3A_28 = tpu.memref_slice %arg6[%mul3A_22, %dma_start3A_27] : memref<10240x256xf32, #tpu.memory_space<hbm>> -> memref<320x256xf32, #tpu.memory_space<hbm>>
      %dma_start3A_29 = arith.constant 0 : i32
      %dma_start3A_30 = arith.constant 0 : i32
      %dma_start3A_31 = tpu.memref_slice %arg7[%dma_start3A_29, %dma_start3A_30] : memref<321x256xf32, #tpu.memory_space<vmem>> -> memref<320x256xf32, #tpu.memory_space<vmem>>
      tpu.enqueue_dma source(%dma_start3A_31 : memref<320x256xf32, #tpu.memory_space<vmem>>) target(%dma_start3A_28 : memref<320x256xf32, #tpu.memory_space<hbm>>) target_semaphore(%run_scoped3A : memref<!tpu.dma_semaphore, #tpu.memory_space<semaphore_mem>>)
      %dma_wait3A = arith.constant 0 : i32
      %dma_wait3A_32 = arith.constant 0 : i32
      %dma_wait3A_33 = tpu.memref_slice %arg7[%dma_wait3A, %dma_wait3A_32] : memref<321x256xf32, #tpu.memory_space<vmem>> -> memref<320x256xf32, #tpu.memory_space<vmem>>
      %dma_wait3A_34 = arith.constant 0 : i32
      %dma_wait3A_35 = tpu.memref_slice %arg6[%mul3A_22, %dma_wait3A_34] : memref<10240x256xf32, #tpu.memory_space<hbm>> -> memref<320x256xf32, #tpu.memory_space<hbm>>
      %dma_wait3A_36 = arith.constant 0 : i32
      %dma_wait3A_37 = tpu.memref_slice %arg6[%mul3A_22, %dma_wait3A_36] : memref<10240x256xf32, #tpu.memory_space<hbm>> -> memref<320x256xf32, #tpu.memory_space<hbm>>
      %dma_wait3A_38 = arith.constant 0 : i32
      %dma_wait3A_39 = arith.constant 0 : i32
      %dma_wait3A_40 = tpu.memref_slice %arg7[%dma_wait3A_38, %dma_wait3A_39] : memref<321x256xf32, #tpu.memory_space<vmem>> -> memref<320x256xf32, #tpu.memory_space<vmem>>
      tpu.wait_dma2 semaphore(%run_scoped3A : memref<!tpu.dma_semaphore, #tpu.memory_space<semaphore_mem>>) src(%dma_wait3A_40 : memref<320x256xf32, #tpu.memory_space<vmem>>) dst(%dma_wait3A_37 : memref<320x256xf32, #tpu.memory_space<hbm>>)
      tpu.yield
    }) : () -> ()
    return
  }
}

#map = affine_map<(d0, d1) -> (0, 0)>
#map1 = affine_map<(d0, d1) -> (0)>
module attributes {stable_mosaic.version = 14 : i64} {
  func.func @_segmax_body(%arg0: i32, %arg1: i32, %arg2: memref<10000x256xf32, #tpu.memory_space<hbm>>, %arg3: memref<5124096xi32, #tpu.memory_space<hbm>>, %arg4: memref<5124096xi32, #tpu.memory_space<hbm>>, %arg5: memref<512xi32, #tpu.memory_space<hbm>>, %arg6: memref<10240x256xf32, #tpu.memory_space<hbm>>, %arg7: memref<321x256xf32, #tpu.memory_space<vmem>>, %arg8: memref<128xi32, #tpu.memory_space<vmem>>, %arg9: memref<128xi32, #tpu.memory_space<vmem>>, %arg10: memref<128x256xf32, #tpu.memory_space<vmem>>, %arg11: memref<16xi32, #tpu.memory_space<vmem>>, %arg12: memref<!tpu.dma_semaphore, #tpu.memory_space<semaphore_mem>>) attributes {dimension_semantics = [#tpu.dimension_semantics<core_parallel>, #tpu.dimension_semantics<subcore_parallel>], iteration_bounds = array<i64: 2, 16>, scalar_prefetch = 0 : i64, scratch_operands = 6 : i64, tpu.core_type = #tpu.core_type<sc_vector_subcore>, window_params = [{transform_indices = #map}, {transform_indices = #map1}, {transform_indices = #map1}, {transform_indices = #map1}, {transform_indices = #map}]} {
    %mul3A = arith.constant 2 : i32
    %mul3A_0 = arith.muli %arg1, %mul3A : i32
    %add3A = arith.addi %mul3A_0, %arg0 : i32
    %mul3A_1 = arith.constant 160128 : i32
    %mul3A_2 = arith.muli %add3A, %mul3A_1 : i32
    %broadcast_in_dim3A = arith.constant 0.000000e+00 : f32
    %broadcast_in_dim3A_3 = vector.broadcast %broadcast_in_dim3A : f32 to vector<16xf32>
    %scan3A = arith.constant 0 : i32
    %scan3A_4 = arith.constant 0 : i32
    %scan3A_5 = arith.constant 321 : i32
    %scan3A_6 = arith.addi %scan3A_4, %scan3A_5 : i32
    %scan3A_7 = arith.constant 1 : i32
    %scan3A_8 = scf.for %scan3A_23 = %scan3A_4 to %scan3A_6 step %scan3A_7 iter_args(%scan3A_24 = %scan3A) -> (i32)  : i32 {
      %swap3A = arith.index_cast %scan3A_23 : i32 to index
      %swap3A_25 = arith.constant 0 : index
      %swap3A_26 = tpu.vector_load %arg7[%swap3A, %swap3A_25] {strides = array<i32>} : memref<321x256xf32, #tpu.memory_space<vmem>>, vector<1x16xf32>,
      %swap3A_27 = vector.shape_cast %swap3A_26 : vector<1x16xf32> to vector<16xf32>
      %swap3A_28 = vector.shape_cast %broadcast_in_dim3A_3 : vector<16xf32> to vector<1x16xf32>
      tpu.vector_store %arg7[%swap3A, %swap3A_25], %swap3A_28 {strides = array<i32>} : memref<321x256xf32, #tpu.memory_space<vmem>>, vector<1x16xf32>,
      %swap3A_29 = arith.index_cast %scan3A_23 : i32 to index
      %swap3A_30 = arith.constant 16 : index
      %swap3A_31 = tpu.vector_load %arg7[%swap3A_29, %swap3A_30] {strides = array<i32>} : memref<321x256xf32, #tpu.memory_space<vmem>>, vector<1x16xf32>,
      %swap3A_32 = vector.shape_cast %swap3A_31 : vector<1x16xf32> to vector<16xf32>
      %swap3A_33 = vector.shape_cast %broadcast_in_dim3A_3 : vector<16xf32> to vector<1x16xf32>
      tpu.vector_store %arg7[%swap3A_29, %swap3A_30], %swap3A_33 {strides = array<i32>} : memref<321x256xf32, #tpu.memory_space<vmem>>, vector<1x16xf32>,
      %swap3A_34 = arith.index_cast %scan3A_23 : i32 to index
      %swap3A_35 = arith.constant 32 : index
      %swap3A_36 = tpu.vector_load %arg7[%swap3A_34, %swap3A_35] {strides = array<i32>} : memref<321x256xf32, #tpu.memory_space<vmem>>, vector<1x16xf32>,
      %swap3A_37 = vector.shape_cast %swap3A_36 : vector<1x16xf32> to vector<16xf32>
      %swap3A_38 = vector.shape_cast %broadcast_in_dim3A_3 : vector<16xf32> to vector<1x16xf32>
      tpu.vector_store %arg7[%swap3A_34, %swap3A_35], %swap3A_38 {strides = array<i32>} : memref<321x256xf32, #tpu.memory_space<vmem>>, vector<1x16xf32>,
      %swap3A_39 = arith.index_cast %scan3A_23 : i32 to index
      %swap3A_40 = arith.constant 48 : index
      %swap3A_41 = tpu.vector_load %arg7[%swap3A_39, %swap3A_40] {strides = array<i32>} : memref<321x256xf32, #tpu.memory_space<vmem>>, vector<1x16xf32>,
      %swap3A_42 = vector.shape_cast %swap3A_41 : vector<1x16xf32> to vector<16xf32>
      %swap3A_43 = vector.shape_cast %broadcast_in_dim3A_3 : vector<16xf32> to vector<1x16xf32>
      tpu.vector_store %arg7[%swap3A_39, %swap3A_40], %swap3A_43 {strides = array<i32>} : memref<321x256xf32, #tpu.memory_space<vmem>>, vector<1x16xf32>,
      %swap3A_44 = arith.index_cast %scan3A_23 : i32 to index
      %swap3A_45 = arith.constant 64 : index
      %swap3A_46 = tpu.vector_load %arg7[%swap3A_44, %swap3A_45] {strides = array<i32>} : memref<321x256xf32, #tpu.memory_space<vmem>>, vector<1x16xf32>,
      %swap3A_47 = vector.shape_cast %swap3A_46 : vector<1x16xf32> to vector<16xf32>
      %swap3A_48 = vector.shape_cast %broadcast_in_dim3A_3 : vector<16xf32> to vector<1x16xf32>
      tpu.vector_store %arg7[%swap3A_44, %swap3A_45], %swap3A_48 {strides = array<i32>} : memref<321x256xf32, #tpu.memory_space<vmem>>, vector<1x16xf32>,
      %swap3A_49 = arith.index_cast %scan3A_23 : i32 to index
      %swap3A_50 = arith.constant 80 : index
      %swap3A_51 = tpu.vector_load %arg7[%swap3A_49, %swap3A_50] {strides = array<i32>} : memref<321x256xf32, #tpu.memory_space<vmem>>, vector<1x16xf32>,
      %swap3A_52 = vector.shape_cast %swap3A_51 : vector<1x16xf32> to vector<16xf32>
      %swap3A_53 = vector.shape_cast %broadcast_in_dim3A_3 : vector<16xf32> to vector<1x16xf32>
      tpu.vector_store %arg7[%swap3A_49, %swap3A_50], %swap3A_53 {strides = array<i32>} : memref<321x256xf32, #tpu.memory_space<vmem>>, vector<1x16xf32>,
      %swap3A_54 = arith.index_cast %scan3A_23 : i32 to index
      %swap3A_55 = arith.constant 96 : index
      %swap3A_56 = tpu.vector_load %arg7[%swap3A_54, %swap3A_55] {strides = array<i32>} : memref<321x256xf32, #tpu.memory_space<vmem>>, vector<1x16xf32>,
      %swap3A_57 = vector.shape_cast %swap3A_56 : vector<1x16xf32> to vector<16xf32>
      %swap3A_58 = vector.shape_cast %broadcast_in_dim3A_3 : vector<16xf32> to vector<1x16xf32>
      tpu.vector_store %arg7[%swap3A_54, %swap3A_55], %swap3A_58 {strides = array<i32>} : memref<321x256xf32, #tpu.memory_space<vmem>>, vector<1x16xf32>,
      %swap3A_59 = arith.index_cast %scan3A_23 : i32 to index
      %swap3A_60 = arith.constant 112 : index
      %swap3A_61 = tpu.vector_load %arg7[%swap3A_59, %swap3A_60] {strides = array<i32>} : memref<321x256xf32, #tpu.memory_space<vmem>>, vector<1x16xf32>,
      %swap3A_62 = vector.shape_cast %swap3A_61 : vector<1x16xf32> to vector<16xf32>
      %swap3A_63 = vector.shape_cast %broadcast_in_dim3A_3 : vector<16xf32> to vector<1x16xf32>
      tpu.vector_store %arg7[%swap3A_59, %swap3A_60], %swap3A_63 {strides = array<i32>} : memref<321x256xf32, #tpu.memory_space<vmem>>, vector<1x16xf32>,
      %swap3A_64 = arith.index_cast %scan3A_23 : i32 to index
      %swap3A_65 = arith.constant 128 : index
      %swap3A_66 = tpu.vector_load %arg7[%swap3A_64, %swap3A_65] {strides = array<i32>} : memref<321x256xf32, #tpu.memory_space<vmem>>, vector<1x16xf32>,
      %swap3A_67 = vector.shape_cast %swap3A_66 : vector<1x16xf32> to vector<16xf32>
      %swap3A_68 = vector.shape_cast %broadcast_in_dim3A_3 : vector<16xf32> to vector<1x16xf32>
      tpu.vector_store %arg7[%swap3A_64, %swap3A_65], %swap3A_68 {strides = array<i32>} : memref<321x256xf32, #tpu.memory_space<vmem>>, vector<1x16xf32>,
      %swap3A_69 = arith.index_cast %scan3A_23 : i32 to index
      %swap3A_70 = arith.constant 144 : index
      %swap3A_71 = tpu.vector_load %arg7[%swap3A_69, %swap3A_70] {strides = array<i32>} : memref<321x256xf32, #tpu.memory_space<vmem>>, vector<1x16xf32>,
      %swap3A_72 = vector.shape_cast %swap3A_71 : vector<1x16xf32> to vector<16xf32>
      %swap3A_73 = vector.shape_cast %broadcast_in_dim3A_3 : vector<16xf32> to vector<1x16xf32>
      tpu.vector_store %arg7[%swap3A_69, %swap3A_70], %swap3A_73 {strides = array<i32>} : memref<321x256xf32, #tpu.memory_space<vmem>>, vector<1x16xf32>,
      %swap3A_74 = arith.index_cast %scan3A_23 : i32 to index
      %swap3A_75 = arith.constant 160 : index
      %swap3A_76 = tpu.vector_load %arg7[%swap3A_74, %swap3A_75] {strides = array<i32>} : memref<321x256xf32, #tpu.memory_space<vmem>>, vector<1x16xf32>,
      %swap3A_77 = vector.shape_cast %swap3A_76 : vector<1x16xf32> to vector<16xf32>
      %swap3A_78 = vector.shape_cast %broadcast_in_dim3A_3 : vector<16xf32> to vector<1x16xf32>
      tpu.vector_store %arg7[%swap3A_74, %swap3A_75], %swap3A_78 {strides = array<i32>} : memref<321x256xf32, #tpu.memory_space<vmem>>, vector<1x16xf32>,
      %swap3A_79 = arith.index_cast %scan3A_23 : i32 to index
      %swap3A_80 = arith.constant 176 : index
      %swap3A_81 = tpu.vector_load %arg7[%swap3A_79, %swap3A_80] {strides = array<i32>} : memref<321x256xf32, #tpu.memory_space<vmem>>, vector<1x16xf32>,
      %swap3A_82 = vector.shape_cast %swap3A_81 : vector<1x16xf32> to vector<16xf32>
      %swap3A_83 = vector.shape_cast %broadcast_in_dim3A_3 : vector<16xf32> to vector<1x16xf32>
      tpu.vector_store %arg7[%swap3A_79, %swap3A_80], %swap3A_83 {strides = array<i32>} : memref<321x256xf32, #tpu.memory_space<vmem>>, vector<1x16xf32>,
      %swap3A_84 = arith.index_cast %scan3A_23 : i32 to index
      %swap3A_85 = arith.constant 192 : index
      %swap3A_86 = tpu.vector_load %arg7[%swap3A_84, %swap3A_85] {strides = array<i32>} : memref<321x256xf32, #tpu.memory_space<vmem>>, vector<1x16xf32>,
      %swap3A_87 = vector.shape_cast %swap3A_86 : vector<1x16xf32> to vector<16xf32>
      %swap3A_88 = vector.shape_cast %broadcast_in_dim3A_3 : vector<16xf32> to vector<1x16xf32>
      tpu.vector_store %arg7[%swap3A_84, %swap3A_85], %swap3A_88 {strides = array<i32>} : memref<321x256xf32, #tpu.memory_space<vmem>>, vector<1x16xf32>,
      %swap3A_89 = arith.index_cast %scan3A_23 : i32 to index
      %swap3A_90 = arith.constant 208 : index
      %swap3A_91 = tpu.vector_load %arg7[%swap3A_89, %swap3A_90] {strides = array<i32>} : memref<321x256xf32, #tpu.memory_space<vmem>>, vector<1x16xf32>,
      %swap3A_92 = vector.shape_cast %swap3A_91 : vector<1x16xf32> to vector<16xf32>
      %swap3A_93 = vector.shape_cast %broadcast_in_dim3A_3 : vector<16xf32> to vector<1x16xf32>
      tpu.vector_store %arg7[%swap3A_89, %swap3A_90], %swap3A_93 {strides = array<i32>} : memref<321x256xf32, #tpu.memory_space<vmem>>, vector<1x16xf32>,
      %swap3A_94 = arith.index_cast %scan3A_23 : i32 to index
      %swap3A_95 = arith.constant 224 : index
      %swap3A_96 = tpu.vector_load %arg7[%swap3A_94, %swap3A_95] {strides = array<i32>} : memref<321x256xf32, #tpu.memory_space<vmem>>, vector<1x16xf32>,
      %swap3A_97 = vector.shape_cast %swap3A_96 : vector<1x16xf32> to vector<16xf32>
      %swap3A_98 = vector.shape_cast %broadcast_in_dim3A_3 : vector<16xf32> to vector<1x16xf32>
      tpu.vector_store %arg7[%swap3A_94, %swap3A_95], %swap3A_98 {strides = array<i32>} : memref<321x256xf32, #tpu.memory_space<vmem>>, vector<1x16xf32>,
      %swap3A_99 = arith.index_cast %scan3A_23 : i32 to index
      %swap3A_100 = arith.constant 240 : index
      %swap3A_101 = tpu.vector_load %arg7[%swap3A_99, %swap3A_100] {strides = array<i32>} : memref<321x256xf32, #tpu.memory_space<vmem>>, vector<1x16xf32>,
      %swap3A_102 = vector.shape_cast %swap3A_101 : vector<1x16xf32> to vector<16xf32>
      %swap3A_103 = vector.shape_cast %broadcast_in_dim3A_3 : vector<16xf32> to vector<1x16xf32>
      tpu.vector_store %arg7[%swap3A_99, %swap3A_100], %swap3A_103 {strides = array<i32>} : memref<321x256xf32, #tpu.memory_space<vmem>>, vector<1x16xf32>,
      %scan3A_104 = arith.constant 0 : i32
      scf.yield %scan3A_104 : i32
    }
    %scan3A_9 = arith.constant 321 : i32
    %mul3A_10 = arith.constant 16 : i32
    %mul3A_11 = arith.muli %add3A, %mul3A_10 : i32
    %multiple_of3A = tpu.assume_multiple %mul3A_11, 8 : i32
    "tpu.region"() ({
      %run_scoped3A = tpu.sem_alloc : memref<!tpu.dma_semaphore, #tpu.memory_space<semaphore_mem>>
      %dma_start3A = tpu.memref_slice %arg5[%multiple_of3A] : memref<512xi32, #tpu.memory_space<hbm>> -> memref<16xi32, #tpu.memory_space<hbm>>
      %dma_start3A_23 = tpu.memref_slice %arg5[%multiple_of3A] : memref<512xi32, #tpu.memory_space<hbm>> -> memref<16xi32, #tpu.memory_space<hbm>>
      tpu.enqueue_dma source(%dma_start3A_23 : memref<16xi32, #tpu.memory_space<hbm>>) target(%arg11 : memref<16xi32, #tpu.memory_space<vmem>>) target_semaphore(%run_scoped3A : memref<!tpu.dma_semaphore, #tpu.memory_space<semaphore_mem>>)
      %dma_wait3A = tpu.memref_slice %arg5[%multiple_of3A] : memref<512xi32, #tpu.memory_space<hbm>> -> memref<16xi32, #tpu.memory_space<hbm>>
      %dma_wait3A_24 = tpu.memref_slice %arg5[%multiple_of3A] : memref<512xi32, #tpu.memory_space<hbm>> -> memref<16xi32, #tpu.memory_space<hbm>>
      tpu.wait_dma2 semaphore(%run_scoped3A : memref<!tpu.dma_semaphore, #tpu.memory_space<semaphore_mem>>) src(%dma_wait3A_24 : memref<16xi32, #tpu.memory_space<hbm>>) dst(%arg11 : memref<16xi32, #tpu.memory_space<vmem>>)
      tpu.yield
    }) : () -> ()
    %get3A = arith.constant 0 : index
    %get3A_12 = tpu.vector_load %arg11[%get3A] {strides = array<i32>} : memref<16xi32, #tpu.memory_space<vmem>>, vector<16xi32>,
    %get3A_13 = vector.shape_cast %get3A_12 : vector<16xi32> to vector<16xi32>
    %slice3A = vector.extract_strided_slice %get3A_13 {offsets = [0], sizes = [1], strides = [1]} : vector<16xi32> to vector<1xi32>
    %squeeze3A = vector.extract %slice3A[0] : i32 from vector<1xi32>
    %scan3A_14 = arith.constant 0 : i32
    %scan3A_15 = arith.constant 0 : i32
    %scan3A_16 = arith.constant 1251 : i32
    %scan3A_17 = arith.addi %scan3A_15, %scan3A_16 : i32
    %scan3A_18 = arith.constant 1 : i32
    %scan3A_19 = scf.for %scan3A_23 = %scan3A_15 to %scan3A_17 step %scan3A_18 iter_args(%scan3A_24 = %scan3A_14) -> (i32)  : i32 {
      %mul3A_25 = arith.constant 128 : i32
      %mul3A_26 = arith.muli %scan3A_23, %mul3A_25 : i32
      %lt3A = arith.cmpi slt, %mul3A_26, %squeeze3A : i32
      %convert_element_type3A = arith.extui %lt3A : i1 to i32
      %cond3A = arith.constant 0 : i32
      %cond3A_27 = arith.cmpi ne, %convert_element_type3A, %cond3A : i32
      scf.if %cond3A_27 {
        %mul3A_29 = arith.constant 128 : i32
        %mul3A_30 = arith.muli %scan3A_23, %mul3A_29 : i32
        %add3A_31 = arith.addi %mul3A_2, %mul3A_30 : i32
        %multiple_of3A_32 = tpu.assume_multiple %add3A_31, 8 : i32
        "tpu.region"() ({
          %run_scoped3A = tpu.sem_alloc : memref<!tpu.dma_semaphore, #tpu.memory_space<semaphore_mem>>
          %dma_start3A_44 = tpu.memref_slice %arg3[%multiple_of3A_32] : memref<5124096xi32, #tpu.memory_space<hbm>> -> memref<128xi32, #tpu.memory_space<hbm>>
          %dma_start3A_45 = tpu.memref_slice %arg3[%multiple_of3A_32] : memref<5124096xi32, #tpu.memory_space<hbm>> -> memref<128xi32, #tpu.memory_space<hbm>>
          tpu.enqueue_dma source(%dma_start3A_45 : memref<128xi32, #tpu.memory_space<hbm>>) target(%arg8 : memref<128xi32, #tpu.memory_space<vmem>>) target_semaphore(%run_scoped3A : memref<!tpu.dma_semaphore, #tpu.memory_space<semaphore_mem>>)
          %dma_wait3A_46 = tpu.memref_slice %arg3[%multiple_of3A_32] : memref<5124096xi32, #tpu.memory_space<hbm>> -> memref<128xi32, #tpu.memory_space<hbm>>
          %dma_wait3A_47 = tpu.memref_slice %arg3[%multiple_of3A_32] : memref<5124096xi32, #tpu.memory_space<hbm>> -> memref<128xi32, #tpu.memory_space<hbm>>
          tpu.wait_dma2 semaphore(%run_scoped3A : memref<!tpu.dma_semaphore, #tpu.memory_space<semaphore_mem>>) src(%dma_wait3A_47 : memref<128xi32, #tpu.memory_space<hbm>>) dst(%arg8 : memref<128xi32, #tpu.memory_space<vmem>>)
          tpu.yield
        }) : () -> ()
        "tpu.region"() ({
          %run_scoped3A = tpu.sem_alloc : memref<!tpu.dma_semaphore, #tpu.memory_space<semaphore_mem>>
          %dma_start3A_44 = tpu.memref_slice %arg4[%multiple_of3A_32] : memref<5124096xi32, #tpu.memory_space<hbm>> -> memref<128xi32, #tpu.memory_space<hbm>>
          %dma_start3A_45 = tpu.memref_slice %arg4[%multiple_of3A_32] : memref<5124096xi32, #tpu.memory_space<hbm>> -> memref<128xi32, #tpu.memory_space<hbm>>
          tpu.enqueue_dma source(%dma_start3A_45 : memref<128xi32, #tpu.memory_space<hbm>>) target(%arg9 : memref<128xi32, #tpu.memory_space<vmem>>) target_semaphore(%run_scoped3A : memref<!tpu.dma_semaphore, #tpu.memory_space<semaphore_mem>>)
          %dma_wait3A_46 = tpu.memref_slice %arg4[%multiple_of3A_32] : memref<5124096xi32, #tpu.memory_space<hbm>> -> memref<128xi32, #tpu.memory_space<hbm>>
          %dma_wait3A_47 = tpu.memref_slice %arg4[%multiple_of3A_32] : memref<5124096xi32, #tpu.memory_space<hbm>> -> memref<128xi32, #tpu.memory_space<hbm>>
          tpu.wait_dma2 semaphore(%run_scoped3A : memref<!tpu.dma_semaphore, #tpu.memory_space<semaphore_mem>>) src(%dma_wait3A_47 : memref<128xi32, #tpu.memory_space<hbm>>) dst(%arg9 : memref<128xi32, #tpu.memory_space<vmem>>)
          tpu.yield
        }) : () -> ()
        %dma_start3A = arith.constant 0 : i32
        %dma_start3A_33 = arith.constant 0 : i32
        %dma_start3A_34 = tpu.memref_slice %arg2[%dma_start3A, %dma_start3A_33] : memref<10000x256xf32, #tpu.memory_space<hbm>> -> memref<10000x256xf32, #tpu.memory_space<hbm>>
        tpu.enqueue_indirect_dma source(%dma_start3A_34 : memref<10000x256xf32, #tpu.memory_space<hbm>>) target(%arg10 : memref<128x256xf32, #tpu.memory_space<vmem>>) offsets(%arg8 : memref<128xi32, #tpu.memory_space<vmem>>) semaphore(%arg12 : memref<!tpu.dma_semaphore, #tpu.memory_space<semaphore_mem>>)
        %dma_wait3A = arith.constant 0 : i32
        %dma_wait3A_35 = arith.constant 0 : i32
        %dma_wait3A_36 = tpu.memref_slice %arg2[%dma_wait3A, %dma_wait3A_35] : memref<10000x256xf32, #tpu.memory_space<hbm>> -> memref<10000x256xf32, #tpu.memory_space<hbm>>
        tpu.wait_indirect_dma semaphore(%arg12 : memref<!tpu.dma_semaphore, #tpu.memory_space<semaphore_mem>>) src(%dma_wait3A_36 : memref<10000x256xf32, #tpu.memory_space<hbm>>) dst(%arg10 : memref<128x256xf32, #tpu.memory_space<vmem>>)
        %scan3A_37 = arith.constant 0 : i32
        %scan3A_38 = arith.constant 0 : i32
        %scan3A_39 = arith.constant 8 : i32
        %scan3A_40 = arith.addi %scan3A_38, %scan3A_39 : i32
        %scan3A_41 = arith.constant 1 : i32
        %scan3A_42 = scf.for %scan3A_44 = %scan3A_38 to %scan3A_40 step %scan3A_41 iter_args(%scan3A_45 = %scan3A_37) -> (i32)  : i32 {
          %mul3A_46 = arith.constant 16 : i32
          %mul3A_47 = arith.muli %scan3A_44, %mul3A_46 : i32
          %get3A_48 = arith.index_cast %mul3A_47 : i32 to index
          %get3A_49 = tpu.vector_load %arg9[%get3A_48] {strides = array<i32>} : memref<128xi32, #tpu.memory_space<vmem>>, vector<16xi32>,
          %get3A_50 = vector.shape_cast %get3A_49 : vector<16xi32> to vector<16xi32>
          %slice3A_51 = vector.extract_strided_slice %get3A_50 {offsets = [0], sizes = [1], strides = [1]} : vector<16xi32> to vector<1xi32>
          %squeeze3A_52 = vector.extract %slice3A_51[0] : i32 from vector<1xi32>
          %mul3A_53 = arith.constant 16 : i32
          %mul3A_54 = arith.muli %scan3A_44, %mul3A_53 : i32
          %add3A_55 = arith.constant 0 : i32
          %add3A_56 = arith.addi %mul3A_54, %add3A_55 : i32
          %scan3A_57 = arith.constant 0 : i32
          %scan3A_58 = arith.constant 0 : i32
          %scan3A_59 = arith.constant 16 : i32
          %scan3A_60 = arith.addi %scan3A_58, %scan3A_59 : i32
          %scan3A_61 = arith.constant 1 : i32
          %scan3A_62 = scf.for %scan3A_260 = %scan3A_58 to %scan3A_60 step %scan3A_61 iter_args(%scan3A_261 = %scan3A_57) -> (i32)  : i32 {
            %mul3A_262 = arith.constant 16 : i32
            %mul3A_263 = arith.muli %scan3A_260, %mul3A_262 : i32
            %multiple_of3A_264 = tpu.assume_multiple %mul3A_263, 16 : i32
            %get3A_265 = arith.index_cast %squeeze3A_52 : i32 to index
            %get3A_266 = arith.index_cast %multiple_of3A_264 : i32 to index
            %get3A_267 = tpu.vector_load %arg7[%get3A_265, %get3A_266] {strides = array<i32>} : memref<321x256xf32, #tpu.memory_space<vmem>>, vector<1x16xf32>,
            %get3A_268 = vector.shape_cast %get3A_267 : vector<1x16xf32> to vector<16xf32>
            %get3A_269 = arith.index_cast %add3A_56 : i32 to index
            %get3A_270 = arith.index_cast %multiple_of3A_264 : i32 to index
            %get3A_271 = tpu.vector_load %arg10[%get3A_269, %get3A_270] {strides = array<i32>} : memref<128x256xf32, #tpu.memory_space<vmem>>, vector<1x16xf32>,
            %get3A_272 = vector.shape_cast %get3A_271 : vector<1x16xf32> to vector<16xf32>
            %max3A = arith.maximumf %get3A_268, %get3A_272 : vector<16xf32>
            %swap3A = arith.index_cast %squeeze3A_52 : i32 to index
            %swap3A_273 = arith.index_cast %multiple_of3A_264 : i32 to index
            %swap3A_274 = tpu.vector_load %arg7[%swap3A, %swap3A_273] {strides = array<i32>} : memref<321x256xf32, #tpu.memory_space<vmem>>, vector<1x16xf32>,
            %swap3A_275 = vector.shape_cast %swap3A_274 : vector<1x16xf32> to vector<16xf32>
            %swap3A_276 = vector.shape_cast %max3A : vector<16xf32> to vector<1x16xf32>
            tpu.vector_store %arg7[%swap3A, %swap3A_273], %swap3A_276 {strides = array<i32>} : memref<321x256xf32, #tpu.memory_space<vmem>>, vector<1x16xf32>,
            %scan3A_277 = arith.constant 0 : i32
            scf.yield %scan3A_277 : i32
          }
          %scan3A_63 = arith.constant 16 : i32
          %slice3A_64 = vector.extract_strided_slice %get3A_50 {offsets = [1], sizes = [1], strides = [1]} : vector<16xi32> to vector<1xi32>
          %squeeze3A_65 = vector.extract %slice3A_64[0] : i32 from vector<1xi32>
          %mul3A_66 = arith.constant 16 : i32
          %mul3A_67 = arith.muli %scan3A_44, %mul3A_66 : i32
          %add3A_68 = arith.constant 1 : i32
          %add3A_69 = arith.addi %mul3A_67, %add3A_68 : i32
          %scan3A_70 = arith.constant 0 : i32
          %scan3A_71 = arith.constant 0 : i32
          %scan3A_72 = arith.constant 16 : i32
          %scan3A_73 = arith.addi %scan3A_71, %scan3A_72 : i32
          %scan3A_74 = arith.constant 1 : i32
          %scan3A_75 = scf.for %scan3A_260 = %scan3A_71 to %scan3A_73 step %scan3A_74 iter_args(%scan3A_261 = %scan3A_70) -> (i32)  : i32 {
            %mul3A_262 = arith.constant 16 : i32
            %mul3A_263 = arith.muli %scan3A_260, %mul3A_262 : i32
            %multiple_of3A_264 = tpu.assume_multiple %mul3A_263, 16 : i32
            %get3A_265 = arith.index_cast %squeeze3A_65 : i32 to index
            %get3A_266 = arith.index_cast %multiple_of3A_264 : i32 to index
            %get3A_267 = tpu.vector_load %arg7[%get3A_265, %get3A_266] {strides = array<i32>} : memref<321x256xf32, #tpu.memory_space<vmem>>, vector<1x16xf32>,
            %get3A_268 = vector.shape_cast %get3A_267 : vector<1x16xf32> to vector<16xf32>
            %get3A_269 = arith.index_cast %add3A_69 : i32 to index
            %get3A_270 = arith.index_cast %multiple_of3A_264 : i32 to index
            %get3A_271 = tpu.vector_load %arg10[%get3A_269, %get3A_270] {strides = array<i32>} : memref<128x256xf32, #tpu.memory_space<vmem>>, vector<1x16xf32>,
            %get3A_272 = vector.shape_cast %get3A_271 : vector<1x16xf32> to vector<16xf32>
            %max3A = arith.maximumf %get3A_268, %get3A_272 : vector<16xf32>
            %swap3A = arith.index_cast %squeeze3A_65 : i32 to index
            %swap3A_273 = arith.index_cast %multiple_of3A_264 : i32 to index
            %swap3A_274 = tpu.vector_load %arg7[%swap3A, %swap3A_273] {strides = array<i32>} : memref<321x256xf32, #tpu.memory_space<vmem>>, vector<1x16xf32>,
            %swap3A_275 = vector.shape_cast %swap3A_274 : vector<1x16xf32> to vector<16xf32>
            %swap3A_276 = vector.shape_cast %max3A : vector<16xf32> to vector<1x16xf32>
            tpu.vector_store %arg7[%swap3A, %swap3A_273], %swap3A_276 {strides = array<i32>} : memref<321x256xf32, #tpu.memory_space<vmem>>, vector<1x16xf32>,
            %scan3A_277 = arith.constant 0 : i32
            scf.yield %scan3A_277 : i32
          }
          %scan3A_76 = arith.constant 16 : i32
          %slice3A_77 = vector.extract_strided_slice %get3A_50 {offsets = [2], sizes = [1], strides = [1]} : vector<16xi32> to vector<1xi32>
          %squeeze3A_78 = vector.extract %slice3A_77[0] : i32 from vector<1xi32>
          %mul3A_79 = arith.constant 16 : i32
          %mul3A_80 = arith.muli %scan3A_44, %mul3A_79 : i32
          %add3A_81 = arith.constant 2 : i32
          %add3A_82 = arith.addi %mul3A_80, %add3A_81 : i32
          %scan3A_83 = arith.constant 0 : i32
          %scan3A_84 = arith.constant 0 : i32
          %scan3A_85 = arith.constant 16 : i32
          %scan3A_86 = arith.addi %scan3A_84, %scan3A_85 : i32
          %scan3A_87 = arith.constant 1 : i32
          %scan3A_88 = scf.for %scan3A_260 = %scan3A_84 to %scan3A_86 step %scan3A_87 iter_args(%scan3A_261 = %scan3A_83) -> (i32)  : i32 {
            %mul3A_262 = arith.constant 16 : i32
            %mul3A_263 = arith.muli %scan3A_260, %mul3A_262 : i32
            %multiple_of3A_264 = tpu.assume_multiple %mul3A_263, 16 : i32
            %get3A_265 = arith.index_cast %squeeze3A_78 : i32 to index
            %get3A_266 = arith.index_cast %multiple_of3A_264 : i32 to index
            %get3A_267 = tpu.vector_load %arg7[%get3A_265, %get3A_266] {strides = array<i32>} : memref<321x256xf32, #tpu.memory_space<vmem>>, vector<1x16xf32>,
            %get3A_268 = vector.shape_cast %get3A_267 : vector<1x16xf32> to vector<16xf32>
            %get3A_269 = arith.index_cast %add3A_82 : i32 to index
            %get3A_270 = arith.index_cast %multiple_of3A_264 : i32 to index
            %get3A_271 = tpu.vector_load %arg10[%get3A_269, %get3A_270] {strides = array<i32>} : memref<128x256xf32, #tpu.memory_space<vmem>>, vector<1x16xf32>,
            %get3A_272 = vector.shape_cast %get3A_271 : vector<1x16xf32> to vector<16xf32>
            %max3A = arith.maximumf %get3A_268, %get3A_272 : vector<16xf32>
            %swap3A = arith.index_cast %squeeze3A_78 : i32 to index
            %swap3A_273 = arith.index_cast %multiple_of3A_264 : i32 to index
            %swap3A_274 = tpu.vector_load %arg7[%swap3A, %swap3A_273] {strides = array<i32>} : memref<321x256xf32, #tpu.memory_space<vmem>>, vector<1x16xf32>,
            %swap3A_275 = vector.shape_cast %swap3A_274 : vector<1x16xf32> to vector<16xf32>
            %swap3A_276 = vector.shape_cast %max3A : vector<16xf32> to vector<1x16xf32>
            tpu.vector_store %arg7[%swap3A, %swap3A_273], %swap3A_276 {strides = array<i32>} : memref<321x256xf32, #tpu.memory_space<vmem>>, vector<1x16xf32>,
            %scan3A_277 = arith.constant 0 : i32
            scf.yield %scan3A_277 : i32
          }
          %scan3A_89 = arith.constant 16 : i32
          %slice3A_90 = vector.extract_strided_slice %get3A_50 {offsets = [3], sizes = [1], strides = [1]} : vector<16xi32> to vector<1xi32>
          %squeeze3A_91 = vector.extract %slice3A_90[0] : i32 from vector<1xi32>
          %mul3A_92 = arith.constant 16 : i32
          %mul3A_93 = arith.muli %scan3A_44, %mul3A_92 : i32
          %add3A_94 = arith.constant 3 : i32
          %add3A_95 = arith.addi %mul3A_93, %add3A_94 : i32
          %scan3A_96 = arith.constant 0 : i32
          %scan3A_97 = arith.constant 0 : i32
          %scan3A_98 = arith.constant 16 : i32
          %scan3A_99 = arith.addi %scan3A_97, %scan3A_98 : i32
          %scan3A_100 = arith.constant 1 : i32
          %scan3A_101 = scf.for %scan3A_260 = %scan3A_97 to %scan3A_99 step %scan3A_100 iter_args(%scan3A_261 = %scan3A_96) -> (i32)  : i32 {
            %mul3A_262 = arith.constant 16 : i32
            %mul3A_263 = arith.muli %scan3A_260, %mul3A_262 : i32
            %multiple_of3A_264 = tpu.assume_multiple %mul3A_263, 16 : i32
            %get3A_265 = arith.index_cast %squeeze3A_91 : i32 to index
            %get3A_266 = arith.index_cast %multiple_of3A_264 : i32 to index
            %get3A_267 = tpu.vector_load %arg7[%get3A_265, %get3A_266] {strides = array<i32>} : memref<321x256xf32, #tpu.memory_space<vmem>>, vector<1x16xf32>,
            %get3A_268 = vector.shape_cast %get3A_267 : vector<1x16xf32> to vector<16xf32>
            %get3A_269 = arith.index_cast %add3A_95 : i32 to index
            %get3A_270 = arith.index_cast %multiple_of3A_264 : i32 to index
            %get3A_271 = tpu.vector_load %arg10[%get3A_269, %get3A_270] {strides = array<i32>} : memref<128x256xf32, #tpu.memory_space<vmem>>, vector<1x16xf32>,
            %get3A_272 = vector.shape_cast %get3A_271 : vector<1x16xf32> to vector<16xf32>
            %max3A = arith.maximumf %get3A_268, %get3A_272 : vector<16xf32>
            %swap3A = arith.index_cast %squeeze3A_91 : i32 to index
            %swap3A_273 = arith.index_cast %multiple_of3A_264 : i32 to index
            %swap3A_274 = tpu.vector_load %arg7[%swap3A, %swap3A_273] {strides = array<i32>} : memref<321x256xf32, #tpu.memory_space<vmem>>, vector<1x16xf32>,
            %swap3A_275 = vector.shape_cast %swap3A_274 : vector<1x16xf32> to vector<16xf32>
            %swap3A_276 = vector.shape_cast %max3A : vector<16xf32> to vector<1x16xf32>
            tpu.vector_store %arg7[%swap3A, %swap3A_273], %swap3A_276 {strides = array<i32>} : memref<321x256xf32, #tpu.memory_space<vmem>>, vector<1x16xf32>,
            %scan3A_277 = arith.constant 0 : i32
            scf.yield %scan3A_277 : i32
          }
          %scan3A_102 = arith.constant 16 : i32
          %slice3A_103 = vector.extract_strided_slice %get3A_50 {offsets = [4], sizes = [1], strides = [1]} : vector<16xi32> to vector<1xi32>
          %squeeze3A_104 = vector.extract %slice3A_103[0] : i32 from vector<1xi32>
          %mul3A_105 = arith.constant 16 : i32
          %mul3A_106 = arith.muli %scan3A_44, %mul3A_105 : i32
          %add3A_107 = arith.constant 4 : i32
          %add3A_108 = arith.addi %mul3A_106, %add3A_107 : i32
          %scan3A_109 = arith.constant 0 : i32
          %scan3A_110 = arith.constant 0 : i32
          %scan3A_111 = arith.constant 16 : i32
          %scan3A_112 = arith.addi %scan3A_110, %scan3A_111 : i32
          %scan3A_113 = arith.constant 1 : i32
          %scan3A_114 = scf.for %scan3A_260 = %scan3A_110 to %scan3A_112 step %scan3A_113 iter_args(%scan3A_261 = %scan3A_109) -> (i32)  : i32 {
            %mul3A_262 = arith.constant 16 : i32
            %mul3A_263 = arith.muli %scan3A_260, %mul3A_262 : i32
            %multiple_of3A_264 = tpu.assume_multiple %mul3A_263, 16 : i32
            %get3A_265 = arith.index_cast %squeeze3A_104 : i32 to index
            %get3A_266 = arith.index_cast %multiple_of3A_264 : i32 to index
            %get3A_267 = tpu.vector_load %arg7[%get3A_265, %get3A_266] {strides = array<i32>} : memref<321x256xf32, #tpu.memory_space<vmem>>, vector<1x16xf32>,
            %get3A_268 = vector.shape_cast %get3A_267 : vector<1x16xf32> to vector<16xf32>
            %get3A_269 = arith.index_cast %add3A_108 : i32 to index
            %get3A_270 = arith.index_cast %multiple_of3A_264 : i32 to index
            %get3A_271 = tpu.vector_load %arg10[%get3A_269, %get3A_270] {strides = array<i32>} : memref<128x256xf32, #tpu.memory_space<vmem>>, vector<1x16xf32>,
            %get3A_272 = vector.shape_cast %get3A_271 : vector<1x16xf32> to vector<16xf32>
            %max3A = arith.maximumf %get3A_268, %get3A_272 : vector<16xf32>
            %swap3A = arith.index_cast %squeeze3A_104 : i32 to index
            %swap3A_273 = arith.index_cast %multiple_of3A_264 : i32 to index
            %swap3A_274 = tpu.vector_load %arg7[%swap3A, %swap3A_273] {strides = array<i32>} : memref<321x256xf32, #tpu.memory_space<vmem>>, vector<1x16xf32>,
            %swap3A_275 = vector.shape_cast %swap3A_274 : vector<1x16xf32> to vector<16xf32>
            %swap3A_276 = vector.shape_cast %max3A : vector<16xf32> to vector<1x16xf32>
            tpu.vector_store %arg7[%swap3A, %swap3A_273], %swap3A_276 {strides = array<i32>} : memref<321x256xf32, #tpu.memory_space<vmem>>, vector<1x16xf32>,
            %scan3A_277 = arith.constant 0 : i32
            scf.yield %scan3A_277 : i32
          }
          %scan3A_115 = arith.constant 16 : i32
          %slice3A_116 = vector.extract_strided_slice %get3A_50 {offsets = [5], sizes = [1], strides = [1]} : vector<16xi32> to vector<1xi32>
          %squeeze3A_117 = vector.extract %slice3A_116[0] : i32 from vector<1xi32>
          %mul3A_118 = arith.constant 16 : i32
          %mul3A_119 = arith.muli %scan3A_44, %mul3A_118 : i32
          %add3A_120 = arith.constant 5 : i32
          %add3A_121 = arith.addi %mul3A_119, %add3A_120 : i32
          %scan3A_122 = arith.constant 0 : i32
          %scan3A_123 = arith.constant 0 : i32
          %scan3A_124 = arith.constant 16 : i32
          %scan3A_125 = arith.addi %scan3A_123, %scan3A_124 : i32
          %scan3A_126 = arith.constant 1 : i32
          %scan3A_127 = scf.for %scan3A_260 = %scan3A_123 to %scan3A_125 step %scan3A_126 iter_args(%scan3A_261 = %scan3A_122) -> (i32)  : i32 {
            %mul3A_262 = arith.constant 16 : i32
            %mul3A_263 = arith.muli %scan3A_260, %mul3A_262 : i32
            %multiple_of3A_264 = tpu.assume_multiple %mul3A_263, 16 : i32
            %get3A_265 = arith.index_cast %squeeze3A_117 : i32 to index
            %get3A_266 = arith.index_cast %multiple_of3A_264 : i32 to index
            %get3A_267 = tpu.vector_load %arg7[%get3A_265, %get3A_266] {strides = array<i32>} : memref<321x256xf32, #tpu.memory_space<vmem>>, vector<1x16xf32>,
            %get3A_268 = vector.shape_cast %get3A_267 : vector<1x16xf32> to vector<16xf32>
            %get3A_269 = arith.index_cast %add3A_121 : i32 to index
            %get3A_270 = arith.index_cast %multiple_of3A_264 : i32 to index
            %get3A_271 = tpu.vector_load %arg10[%get3A_269, %get3A_270] {strides = array<i32>} : memref<128x256xf32, #tpu.memory_space<vmem>>, vector<1x16xf32>,
            %get3A_272 = vector.shape_cast %get3A_271 : vector<1x16xf32> to vector<16xf32>
            %max3A = arith.maximumf %get3A_268, %get3A_272 : vector<16xf32>
            %swap3A = arith.index_cast %squeeze3A_117 : i32 to index
            %swap3A_273 = arith.index_cast %multiple_of3A_264 : i32 to index
            %swap3A_274 = tpu.vector_load %arg7[%swap3A, %swap3A_273] {strides = array<i32>} : memref<321x256xf32, #tpu.memory_space<vmem>>, vector<1x16xf32>,
            %swap3A_275 = vector.shape_cast %swap3A_274 : vector<1x16xf32> to vector<16xf32>
            %swap3A_276 = vector.shape_cast %max3A : vector<16xf32> to vector<1x16xf32>
            tpu.vector_store %arg7[%swap3A, %swap3A_273], %swap3A_276 {strides = array<i32>} : memref<321x256xf32, #tpu.memory_space<vmem>>, vector<1x16xf32>,
            %scan3A_277 = arith.constant 0 : i32
            scf.yield %scan3A_277 : i32
          }
          %scan3A_128 = arith.constant 16 : i32
          %slice3A_129 = vector.extract_strided_slice %get3A_50 {offsets = [6], sizes = [1], strides = [1]} : vector<16xi32> to vector<1xi32>
          %squeeze3A_130 = vector.extract %slice3A_129[0] : i32 from vector<1xi32>
          %mul3A_131 = arith.constant 16 : i32
          %mul3A_132 = arith.muli %scan3A_44, %mul3A_131 : i32
          %add3A_133 = arith.constant 6 : i32
          %add3A_134 = arith.addi %mul3A_132, %add3A_133 : i32
          %scan3A_135 = arith.constant 0 : i32
          %scan3A_136 = arith.constant 0 : i32
          %scan3A_137 = arith.constant 16 : i32
          %scan3A_138 = arith.addi %scan3A_136, %scan3A_137 : i32
          %scan3A_139 = arith.constant 1 : i32
          %scan3A_140 = scf.for %scan3A_260 = %scan3A_136 to %scan3A_138 step %scan3A_139 iter_args(%scan3A_261 = %scan3A_135) -> (i32)  : i32 {
            %mul3A_262 = arith.constant 16 : i32
            %mul3A_263 = arith.muli %scan3A_260, %mul3A_262 : i32
            %multiple_of3A_264 = tpu.assume_multiple %mul3A_263, 16 : i32
            %get3A_265 = arith.index_cast %squeeze3A_130 : i32 to index
            %get3A_266 = arith.index_cast %multiple_of3A_264 : i32 to index
            %get3A_267 = tpu.vector_load %arg7[%get3A_265, %get3A_266] {strides = array<i32>} : memref<321x256xf32, #tpu.memory_space<vmem>>, vector<1x16xf32>,
            %get3A_268 = vector.shape_cast %get3A_267 : vector<1x16xf32> to vector<16xf32>
            %get3A_269 = arith.index_cast %add3A_134 : i32 to index
            %get3A_270 = arith.index_cast %multiple_of3A_264 : i32 to index
            %get3A_271 = tpu.vector_load %arg10[%get3A_269, %get3A_270] {strides = array<i32>} : memref<128x256xf32, #tpu.memory_space<vmem>>, vector<1x16xf32>,
            %get3A_272 = vector.shape_cast %get3A_271 : vector<1x16xf32> to vector<16xf32>
            %max3A = arith.maximumf %get3A_268, %get3A_272 : vector<16xf32>
            %swap3A = arith.index_cast %squeeze3A_130 : i32 to index
            %swap3A_273 = arith.index_cast %multiple_of3A_264 : i32 to index
            %swap3A_274 = tpu.vector_load %arg7[%swap3A, %swap3A_273] {strides = array<i32>} : memref<321x256xf32, #tpu.memory_space<vmem>>, vector<1x16xf32>,
            %swap3A_275 = vector.shape_cast %swap3A_274 : vector<1x16xf32> to vector<16xf32>
            %swap3A_276 = vector.shape_cast %max3A : vector<16xf32> to vector<1x16xf32>
            tpu.vector_store %arg7[%swap3A, %swap3A_273], %swap3A_276 {strides = array<i32>} : memref<321x256xf32, #tpu.memory_space<vmem>>, vector<1x16xf32>,
            %scan3A_277 = arith.constant 0 : i32
            scf.yield %scan3A_277 : i32
          }
          %scan3A_141 = arith.constant 16 : i32
          %slice3A_142 = vector.extract_strided_slice %get3A_50 {offsets = [7], sizes = [1], strides = [1]} : vector<16xi32> to vector<1xi32>
          %squeeze3A_143 = vector.extract %slice3A_142[0] : i32 from vector<1xi32>
          %mul3A_144 = arith.constant 16 : i32
          %mul3A_145 = arith.muli %scan3A_44, %mul3A_144 : i32
          %add3A_146 = arith.constant 7 : i32
          %add3A_147 = arith.addi %mul3A_145, %add3A_146 : i32
          %scan3A_148 = arith.constant 0 : i32
          %scan3A_149 = arith.constant 0 : i32
          %scan3A_150 = arith.constant 16 : i32
          %scan3A_151 = arith.addi %scan3A_149, %scan3A_150 : i32
          %scan3A_152 = arith.constant 1 : i32
          %scan3A_153 = scf.for %scan3A_260 = %scan3A_149 to %scan3A_151 step %scan3A_152 iter_args(%scan3A_261 = %scan3A_148) -> (i32)  : i32 {
            %mul3A_262 = arith.constant 16 : i32
            %mul3A_263 = arith.muli %scan3A_260, %mul3A_262 : i32
            %multiple_of3A_264 = tpu.assume_multiple %mul3A_263, 16 : i32
            %get3A_265 = arith.index_cast %squeeze3A_143 : i32 to index
            %get3A_266 = arith.index_cast %multiple_of3A_264 : i32 to index
            %get3A_267 = tpu.vector_load %arg7[%get3A_265, %get3A_266] {strides = array<i32>} : memref<321x256xf32, #tpu.memory_space<vmem>>, vector<1x16xf32>,
            %get3A_268 = vector.shape_cast %get3A_267 : vector<1x16xf32> to vector<16xf32>
            %get3A_269 = arith.index_cast %add3A_147 : i32 to index
            %get3A_270 = arith.index_cast %multiple_of3A_264 : i32 to index
            %get3A_271 = tpu.vector_load %arg10[%get3A_269, %get3A_270] {strides = array<i32>} : memref<128x256xf32, #tpu.memory_space<vmem>>, vector<1x16xf32>,
            %get3A_272 = vector.shape_cast %get3A_271 : vector<1x16xf32> to vector<16xf32>
            %max3A = arith.maximumf %get3A_268, %get3A_272 : vector<16xf32>
            %swap3A = arith.index_cast %squeeze3A_143 : i32 to index
            %swap3A_273 = arith.index_cast %multiple_of3A_264 : i32 to index
            %swap3A_274 = tpu.vector_load %arg7[%swap3A, %swap3A_273] {strides = array<i32>} : memref<321x256xf32, #tpu.memory_space<vmem>>, vector<1x16xf32>,
            %swap3A_275 = vector.shape_cast %swap3A_274 : vector<1x16xf32> to vector<16xf32>
            %swap3A_276 = vector.shape_cast %max3A : vector<16xf32> to vector<1x16xf32>
            tpu.vector_store %arg7[%swap3A, %swap3A_273], %swap3A_276 {strides = array<i32>} : memref<321x256xf32, #tpu.memory_space<vmem>>, vector<1x16xf32>,
            %scan3A_277 = arith.constant 0 : i32
            scf.yield %scan3A_277 : i32
          }
          %scan3A_154 = arith.constant 16 : i32
          %slice3A_155 = vector.extract_strided_slice %get3A_50 {offsets = [8], sizes = [1], strides = [1]} : vector<16xi32> to vector<1xi32>
          %squeeze3A_156 = vector.extract %slice3A_155[0] : i32 from vector<1xi32>
          %mul3A_157 = arith.constant 16 : i32
          %mul3A_158 = arith.muli %scan3A_44, %mul3A_157 : i32
          %add3A_159 = arith.constant 8 : i32
          %add3A_160 = arith.addi %mul3A_158, %add3A_159 : i32
          %scan3A_161 = arith.constant 0 : i32
          %scan3A_162 = arith.constant 0 : i32
          %scan3A_163 = arith.constant 16 : i32
          %scan3A_164 = arith.addi %scan3A_162, %scan3A_163 : i32
          %scan3A_165 = arith.constant 1 : i32
          %scan3A_166 = scf.for %scan3A_260 = %scan3A_162 to %scan3A_164 step %scan3A_165 iter_args(%scan3A_261 = %scan3A_161) -> (i32)  : i32 {
            %mul3A_262 = arith.constant 16 : i32
            %mul3A_263 = arith.muli %scan3A_260, %mul3A_262 : i32
            %multiple_of3A_264 = tpu.assume_multiple %mul3A_263, 16 : i32
            %get3A_265 = arith.index_cast %squeeze3A_156 : i32 to index
            %get3A_266 = arith.index_cast %multiple_of3A_264 : i32 to index
            %get3A_267 = tpu.vector_load %arg7[%get3A_265, %get3A_266] {strides = array<i32>} : memref<321x256xf32, #tpu.memory_space<vmem>>, vector<1x16xf32>,
            %get3A_268 = vector.shape_cast %get3A_267 : vector<1x16xf32> to vector<16xf32>
            %get3A_269 = arith.index_cast %add3A_160 : i32 to index
            %get3A_270 = arith.index_cast %multiple_of3A_264 : i32 to index
            %get3A_271 = tpu.vector_load %arg10[%get3A_269, %get3A_270] {strides = array<i32>} : memref<128x256xf32, #tpu.memory_space<vmem>>, vector<1x16xf32>,
            %get3A_272 = vector.shape_cast %get3A_271 : vector<1x16xf32> to vector<16xf32>
            %max3A = arith.maximumf %get3A_268, %get3A_272 : vector<16xf32>
            %swap3A = arith.index_cast %squeeze3A_156 : i32 to index
            %swap3A_273 = arith.index_cast %multiple_of3A_264 : i32 to index
            %swap3A_274 = tpu.vector_load %arg7[%swap3A, %swap3A_273] {strides = array<i32>} : memref<321x256xf32, #tpu.memory_space<vmem>>, vector<1x16xf32>,
            %swap3A_275 = vector.shape_cast %swap3A_274 : vector<1x16xf32> to vector<16xf32>
            %swap3A_276 = vector.shape_cast %max3A : vector<16xf32> to vector<1x16xf32>
            tpu.vector_store %arg7[%swap3A, %swap3A_273], %swap3A_276 {strides = array<i32>} : memref<321x256xf32, #tpu.memory_space<vmem>>, vector<1x16xf32>,
            %scan3A_277 = arith.constant 0 : i32
            scf.yield %scan3A_277 : i32
          }
          %scan3A_167 = arith.constant 16 : i32
          %slice3A_168 = vector.extract_strided_slice %get3A_50 {offsets = [9], sizes = [1], strides = [1]} : vector<16xi32> to vector<1xi32>
          %squeeze3A_169 = vector.extract %slice3A_168[0] : i32 from vector<1xi32>
          %mul3A_170 = arith.constant 16 : i32
          %mul3A_171 = arith.muli %scan3A_44, %mul3A_170 : i32
          %add3A_172 = arith.constant 9 : i32
          %add3A_173 = arith.addi %mul3A_171, %add3A_172 : i32
          %scan3A_174 = arith.constant 0 : i32
          %scan3A_175 = arith.constant 0 : i32
          %scan3A_176 = arith.constant 16 : i32
          %scan3A_177 = arith.addi %scan3A_175, %scan3A_176 : i32
          %scan3A_178 = arith.constant 1 : i32
          %scan3A_179 = scf.for %scan3A_260 = %scan3A_175 to %scan3A_177 step %scan3A_178 iter_args(%scan3A_261 = %scan3A_174) -> (i32)  : i32 {
            %mul3A_262 = arith.constant 16 : i32
            %mul3A_263 = arith.muli %scan3A_260, %mul3A_262 : i32
            %multiple_of3A_264 = tpu.assume_multiple %mul3A_263, 16 : i32
            %get3A_265 = arith.index_cast %squeeze3A_169 : i32 to index
            %get3A_266 = arith.index_cast %multiple_of3A_264 : i32 to index
            %get3A_267 = tpu.vector_load %arg7[%get3A_265, %get3A_266] {strides = array<i32>} : memref<321x256xf32, #tpu.memory_space<vmem>>, vector<1x16xf32>,
            %get3A_268 = vector.shape_cast %get3A_267 : vector<1x16xf32> to vector<16xf32>
            %get3A_269 = arith.index_cast %add3A_173 : i32 to index
            %get3A_270 = arith.index_cast %multiple_of3A_264 : i32 to index
            %get3A_271 = tpu.vector_load %arg10[%get3A_269, %get3A_270] {strides = array<i32>} : memref<128x256xf32, #tpu.memory_space<vmem>>, vector<1x16xf32>,
            %get3A_272 = vector.shape_cast %get3A_271 : vector<1x16xf32> to vector<16xf32>
            %max3A = arith.maximumf %get3A_268, %get3A_272 : vector<16xf32>
            %swap3A = arith.index_cast %squeeze3A_169 : i32 to index
            %swap3A_273 = arith.index_cast %multiple_of3A_264 : i32 to index
            %swap3A_274 = tpu.vector_load %arg7[%swap3A, %swap3A_273] {strides = array<i32>} : memref<321x256xf32, #tpu.memory_space<vmem>>, vector<1x16xf32>,
            %swap3A_275 = vector.shape_cast %swap3A_274 : vector<1x16xf32> to vector<16xf32>
            %swap3A_276 = vector.shape_cast %max3A : vector<16xf32> to vector<1x16xf32>
            tpu.vector_store %arg7[%swap3A, %swap3A_273], %swap3A_276 {strides = array<i32>} : memref<321x256xf32, #tpu.memory_space<vmem>>, vector<1x16xf32>,
            %scan3A_277 = arith.constant 0 : i32
            scf.yield %scan3A_277 : i32
          }
          %scan3A_180 = arith.constant 16 : i32
          %slice3A_181 = vector.extract_strided_slice %get3A_50 {offsets = [10], sizes = [1], strides = [1]} : vector<16xi32> to vector<1xi32>
          %squeeze3A_182 = vector.extract %slice3A_181[0] : i32 from vector<1xi32>
          %mul3A_183 = arith.constant 16 : i32
          %mul3A_184 = arith.muli %scan3A_44, %mul3A_183 : i32
          %add3A_185 = arith.constant 10 : i32
          %add3A_186 = arith.addi %mul3A_184, %add3A_185 : i32
          %scan3A_187 = arith.constant 0 : i32
          %scan3A_188 = arith.constant 0 : i32
          %scan3A_189 = arith.constant 16 : i32
          %scan3A_190 = arith.addi %scan3A_188, %scan3A_189 : i32
          %scan3A_191 = arith.constant 1 : i32
          %scan3A_192 = scf.for %scan3A_260 = %scan3A_188 to %scan3A_190 step %scan3A_191 iter_args(%scan3A_261 = %scan3A_187) -> (i32)  : i32 {
            %mul3A_262 = arith.constant 16 : i32
            %mul3A_263 = arith.muli %scan3A_260, %mul3A_262 : i32
            %multiple_of3A_264 = tpu.assume_multiple %mul3A_263, 16 : i32
            %get3A_265 = arith.index_cast %squeeze3A_182 : i32 to index
            %get3A_266 = arith.index_cast %multiple_of3A_264 : i32 to index
            %get3A_267 = tpu.vector_load %arg7[%get3A_265, %get3A_266] {strides = array<i32>} : memref<321x256xf32, #tpu.memory_space<vmem>>, vector<1x16xf32>,
            %get3A_268 = vector.shape_cast %get3A_267 : vector<1x16xf32> to vector<16xf32>
            %get3A_269 = arith.index_cast %add3A_186 : i32 to index
            %get3A_270 = arith.index_cast %multiple_of3A_264 : i32 to index
            %get3A_271 = tpu.vector_load %arg10[%get3A_269, %get3A_270] {strides = array<i32>} : memref<128x256xf32, #tpu.memory_space<vmem>>, vector<1x16xf32>,
            %get3A_272 = vector.shape_cast %get3A_271 : vector<1x16xf32> to vector<16xf32>
            %max3A = arith.maximumf %get3A_268, %get3A_272 : vector<16xf32>
            %swap3A = arith.index_cast %squeeze3A_182 : i32 to index
            %swap3A_273 = arith.index_cast %multiple_of3A_264 : i32 to index
            %swap3A_274 = tpu.vector_load %arg7[%swap3A, %swap3A_273] {strides = array<i32>} : memref<321x256xf32, #tpu.memory_space<vmem>>, vector<1x16xf32>,
            %swap3A_275 = vector.shape_cast %swap3A_274 : vector<1x16xf32> to vector<16xf32>
            %swap3A_276 = vector.shape_cast %max3A : vector<16xf32> to vector<1x16xf32>
            tpu.vector_store %arg7[%swap3A, %swap3A_273], %swap3A_276 {strides = array<i32>} : memref<321x256xf32, #tpu.memory_space<vmem>>, vector<1x16xf32>,
            %scan3A_277 = arith.constant 0 : i32
            scf.yield %scan3A_277 : i32
          }
          %scan3A_193 = arith.constant 16 : i32
          %slice3A_194 = vector.extract_strided_slice %get3A_50 {offsets = [11], sizes = [1], strides = [1]} : vector<16xi32> to vector<1xi32>
          %squeeze3A_195 = vector.extract %slice3A_194[0] : i32 from vector<1xi32>
          %mul3A_196 = arith.constant 16 : i32
          %mul3A_197 = arith.muli %scan3A_44, %mul3A_196 : i32
          %add3A_198 = arith.constant 11 : i32
          %add3A_199 = arith.addi %mul3A_197, %add3A_198 : i32
          %scan3A_200 = arith.constant 0 : i32
          %scan3A_201 = arith.constant 0 : i32
          %scan3A_202 = arith.constant 16 : i32
          %scan3A_203 = arith.addi %scan3A_201, %scan3A_202 : i32
          %scan3A_204 = arith.constant 1 : i32
          %scan3A_205 = scf.for %scan3A_260 = %scan3A_201 to %scan3A_203 step %scan3A_204 iter_args(%scan3A_261 = %scan3A_200) -> (i32)  : i32 {
            %mul3A_262 = arith.constant 16 : i32
            %mul3A_263 = arith.muli %scan3A_260, %mul3A_262 : i32
            %multiple_of3A_264 = tpu.assume_multiple %mul3A_263, 16 : i32
            %get3A_265 = arith.index_cast %squeeze3A_195 : i32 to index
            %get3A_266 = arith.index_cast %multiple_of3A_264 : i32 to index
            %get3A_267 = tpu.vector_load %arg7[%get3A_265, %get3A_266] {strides = array<i32>} : memref<321x256xf32, #tpu.memory_space<vmem>>, vector<1x16xf32>,
            %get3A_268 = vector.shape_cast %get3A_267 : vector<1x16xf32> to vector<16xf32>
            %get3A_269 = arith.index_cast %add3A_199 : i32 to index
            %get3A_270 = arith.index_cast %multiple_of3A_264 : i32 to index
            %get3A_271 = tpu.vector_load %arg10[%get3A_269, %get3A_270] {strides = array<i32>} : memref<128x256xf32, #tpu.memory_space<vmem>>, vector<1x16xf32>,
            %get3A_272 = vector.shape_cast %get3A_271 : vector<1x16xf32> to vector<16xf32>
            %max3A = arith.maximumf %get3A_268, %get3A_272 : vector<16xf32>
            %swap3A = arith.index_cast %squeeze3A_195 : i32 to index
            %swap3A_273 = arith.index_cast %multiple_of3A_264 : i32 to index
            %swap3A_274 = tpu.vector_load %arg7[%swap3A, %swap3A_273] {strides = array<i32>} : memref<321x256xf32, #tpu.memory_space<vmem>>, vector<1x16xf32>,
            %swap3A_275 = vector.shape_cast %swap3A_274 : vector<1x16xf32> to vector<16xf32>
            %swap3A_276 = vector.shape_cast %max3A : vector<16xf32> to vector<1x16xf32>
            tpu.vector_store %arg7[%swap3A, %swap3A_273], %swap3A_276 {strides = array<i32>} : memref<321x256xf32, #tpu.memory_space<vmem>>, vector<1x16xf32>,
            %scan3A_277 = arith.constant 0 : i32
            scf.yield %scan3A_277 : i32
          }
          %scan3A_206 = arith.constant 16 : i32
          %slice3A_207 = vector.extract_strided_slice %get3A_50 {offsets = [12], sizes = [1], strides = [1]} : vector<16xi32> to vector<1xi32>
          %squeeze3A_208 = vector.extract %slice3A_207[0] : i32 from vector<1xi32>
          %mul3A_209 = arith.constant 16 : i32
          %mul3A_210 = arith.muli %scan3A_44, %mul3A_209 : i32
          %add3A_211 = arith.constant 12 : i32
          %add3A_212 = arith.addi %mul3A_210, %add3A_211 : i32
          %scan3A_213 = arith.constant 0 : i32
          %scan3A_214 = arith.constant 0 : i32
          %scan3A_215 = arith.constant 16 : i32
          %scan3A_216 = arith.addi %scan3A_214, %scan3A_215 : i32
          %scan3A_217 = arith.constant 1 : i32
          %scan3A_218 = scf.for %scan3A_260 = %scan3A_214 to %scan3A_216 step %scan3A_217 iter_args(%scan3A_261 = %scan3A_213) -> (i32)  : i32 {
            %mul3A_262 = arith.constant 16 : i32
            %mul3A_263 = arith.muli %scan3A_260, %mul3A_262 : i32
            %multiple_of3A_264 = tpu.assume_multiple %mul3A_263, 16 : i32
            %get3A_265 = arith.index_cast %squeeze3A_208 : i32 to index
            %get3A_266 = arith.index_cast %multiple_of3A_264 : i32 to index
            %get3A_267 = tpu.vector_load %arg7[%get3A_265, %get3A_266] {strides = array<i32>} : memref<321x256xf32, #tpu.memory_space<vmem>>, vector<1x16xf32>,
            %get3A_268 = vector.shape_cast %get3A_267 : vector<1x16xf32> to vector<16xf32>
            %get3A_269 = arith.index_cast %add3A_212 : i32 to index
            %get3A_270 = arith.index_cast %multiple_of3A_264 : i32 to index
            %get3A_271 = tpu.vector_load %arg10[%get3A_269, %get3A_270] {strides = array<i32>} : memref<128x256xf32, #tpu.memory_space<vmem>>, vector<1x16xf32>,
            %get3A_272 = vector.shape_cast %get3A_271 : vector<1x16xf32> to vector<16xf32>
            %max3A = arith.maximumf %get3A_268, %get3A_272 : vector<16xf32>
            %swap3A = arith.index_cast %squeeze3A_208 : i32 to index
            %swap3A_273 = arith.index_cast %multiple_of3A_264 : i32 to index
            %swap3A_274 = tpu.vector_load %arg7[%swap3A, %swap3A_273] {strides = array<i32>} : memref<321x256xf32, #tpu.memory_space<vmem>>, vector<1x16xf32>,
            %swap3A_275 = vector.shape_cast %swap3A_274 : vector<1x16xf32> to vector<16xf32>
            %swap3A_276 = vector.shape_cast %max3A : vector<16xf32> to vector<1x16xf32>
            tpu.vector_store %arg7[%swap3A, %swap3A_273], %swap3A_276 {strides = array<i32>} : memref<321x256xf32, #tpu.memory_space<vmem>>, vector<1x16xf32>,
            %scan3A_277 = arith.constant 0 : i32
            scf.yield %scan3A_277 : i32
          }
          %scan3A_219 = arith.constant 16 : i32
          %slice3A_220 = vector.extract_strided_slice %get3A_50 {offsets = [13], sizes = [1], strides = [1]} : vector<16xi32> to vector<1xi32>
          %squeeze3A_221 = vector.extract %slice3A_220[0] : i32 from vector<1xi32>
          %mul3A_222 = arith.constant 16 : i32
          %mul3A_223 = arith.muli %scan3A_44, %mul3A_222 : i32
          %add3A_224 = arith.constant 13 : i32
          %add3A_225 = arith.addi %mul3A_223, %add3A_224 : i32
          %scan3A_226 = arith.constant 0 : i32
          %scan3A_227 = arith.constant 0 : i32
          %scan3A_228 = arith.constant 16 : i32
          %scan3A_229 = arith.addi %scan3A_227, %scan3A_228 : i32
          %scan3A_230 = arith.constant 1 : i32
          %scan3A_231 = scf.for %scan3A_260 = %scan3A_227 to %scan3A_229 step %scan3A_230 iter_args(%scan3A_261 = %scan3A_226) -> (i32)  : i32 {
            %mul3A_262 = arith.constant 16 : i32
            %mul3A_263 = arith.muli %scan3A_260, %mul3A_262 : i32
            %multiple_of3A_264 = tpu.assume_multiple %mul3A_263, 16 : i32
            %get3A_265 = arith.index_cast %squeeze3A_221 : i32 to index
            %get3A_266 = arith.index_cast %multiple_of3A_264 : i32 to index
            %get3A_267 = tpu.vector_load %arg7[%get3A_265, %get3A_266] {strides = array<i32>} : memref<321x256xf32, #tpu.memory_space<vmem>>, vector<1x16xf32>,
            %get3A_268 = vector.shape_cast %get3A_267 : vector<1x16xf32> to vector<16xf32>
            %get3A_269 = arith.index_cast %add3A_225 : i32 to index
            %get3A_270 = arith.index_cast %multiple_of3A_264 : i32 to index
            %get3A_271 = tpu.vector_load %arg10[%get3A_269, %get3A_270] {strides = array<i32>} : memref<128x256xf32, #tpu.memory_space<vmem>>, vector<1x16xf32>,
            %get3A_272 = vector.shape_cast %get3A_271 : vector<1x16xf32> to vector<16xf32>
            %max3A = arith.maximumf %get3A_268, %get3A_272 : vector<16xf32>
            %swap3A = arith.index_cast %squeeze3A_221 : i32 to index
            %swap3A_273 = arith.index_cast %multiple_of3A_264 : i32 to index
            %swap3A_274 = tpu.vector_load %arg7[%swap3A, %swap3A_273] {strides = array<i32>} : memref<321x256xf32, #tpu.memory_space<vmem>>, vector<1x16xf32>,
            %swap3A_275 = vector.shape_cast %swap3A_274 : vector<1x16xf32> to vector<16xf32>
            %swap3A_276 = vector.shape_cast %max3A : vector<16xf32> to vector<1x16xf32>
            tpu.vector_store %arg7[%swap3A, %swap3A_273], %swap3A_276 {strides = array<i32>} : memref<321x256xf32, #tpu.memory_space<vmem>>, vector<1x16xf32>,
            %scan3A_277 = arith.constant 0 : i32
            scf.yield %scan3A_277 : i32
          }
          %scan3A_232 = arith.constant 16 : i32
          %slice3A_233 = vector.extract_strided_slice %get3A_50 {offsets = [14], sizes = [1], strides = [1]} : vector<16xi32> to vector<1xi32>
          %squeeze3A_234 = vector.extract %slice3A_233[0] : i32 from vector<1xi32>
          %mul3A_235 = arith.constant 16 : i32
          %mul3A_236 = arith.muli %scan3A_44, %mul3A_235 : i32
          %add3A_237 = arith.constant 14 : i32
          %add3A_238 = arith.addi %mul3A_236, %add3A_237 : i32
          %scan3A_239 = arith.constant 0 : i32
          %scan3A_240 = arith.constant 0 : i32
          %scan3A_241 = arith.constant 16 : i32
          %scan3A_242 = arith.addi %scan3A_240, %scan3A_241 : i32
          %scan3A_243 = arith.constant 1 : i32
          %scan3A_244 = scf.for %scan3A_260 = %scan3A_240 to %scan3A_242 step %scan3A_243 iter_args(%scan3A_261 = %scan3A_239) -> (i32)  : i32 {
            %mul3A_262 = arith.constant 16 : i32
            %mul3A_263 = arith.muli %scan3A_260, %mul3A_262 : i32
            %multiple_of3A_264 = tpu.assume_multiple %mul3A_263, 16 : i32
            %get3A_265 = arith.index_cast %squeeze3A_234 : i32 to index
            %get3A_266 = arith.index_cast %multiple_of3A_264 : i32 to index
            %get3A_267 = tpu.vector_load %arg7[%get3A_265, %get3A_266] {strides = array<i32>} : memref<321x256xf32, #tpu.memory_space<vmem>>, vector<1x16xf32>,
            %get3A_268 = vector.shape_cast %get3A_267 : vector<1x16xf32> to vector<16xf32>
            %get3A_269 = arith.index_cast %add3A_238 : i32 to index
            %get3A_270 = arith.index_cast %multiple_of3A_264 : i32 to index
            %get3A_271 = tpu.vector_load %arg10[%get3A_269, %get3A_270] {strides = array<i32>} : memref<128x256xf32, #tpu.memory_space<vmem>>, vector<1x16xf32>,
            %get3A_272 = vector.shape_cast %get3A_271 : vector<1x16xf32> to vector<16xf32>
            %max3A = arith.maximumf %get3A_268, %get3A_272 : vector<16xf32>
            %swap3A = arith.index_cast %squeeze3A_234 : i32 to index
            %swap3A_273 = arith.index_cast %multiple_of3A_264 : i32 to index
            %swap3A_274 = tpu.vector_load %arg7[%swap3A, %swap3A_273] {strides = array<i32>} : memref<321x256xf32, #tpu.memory_space<vmem>>, vector<1x16xf32>,
            %swap3A_275 = vector.shape_cast %swap3A_274 : vector<1x16xf32> to vector<16xf32>
            %swap3A_276 = vector.shape_cast %max3A : vector<16xf32> to vector<1x16xf32>
            tpu.vector_store %arg7[%swap3A, %swap3A_273], %swap3A_276 {strides = array<i32>} : memref<321x256xf32, #tpu.memory_space<vmem>>, vector<1x16xf32>,
            %scan3A_277 = arith.constant 0 : i32
            scf.yield %scan3A_277 : i32
          }
          %scan3A_245 = arith.constant 16 : i32
          %slice3A_246 = vector.extract_strided_slice %get3A_50 {offsets = [15], sizes = [1], strides = [1]} : vector<16xi32> to vector<1xi32>
          %squeeze3A_247 = vector.extract %slice3A_246[0] : i32 from vector<1xi32>
          %mul3A_248 = arith.constant 16 : i32
          %mul3A_249 = arith.muli %scan3A_44, %mul3A_248 : i32
          %add3A_250 = arith.constant 15 : i32
          %add3A_251 = arith.addi %mul3A_249, %add3A_250 : i32
          %scan3A_252 = arith.constant 0 : i32
          %scan3A_253 = arith.constant 0 : i32
          %scan3A_254 = arith.constant 16 : i32
          %scan3A_255 = arith.addi %scan3A_253, %scan3A_254 : i32
          %scan3A_256 = arith.constant 1 : i32
          %scan3A_257 = scf.for %scan3A_260 = %scan3A_253 to %scan3A_255 step %scan3A_256 iter_args(%scan3A_261 = %scan3A_252) -> (i32)  : i32 {
            %mul3A_262 = arith.constant 16 : i32
            %mul3A_263 = arith.muli %scan3A_260, %mul3A_262 : i32
            %multiple_of3A_264 = tpu.assume_multiple %mul3A_263, 16 : i32
            %get3A_265 = arith.index_cast %squeeze3A_247 : i32 to index
            %get3A_266 = arith.index_cast %multiple_of3A_264 : i32 to index
            %get3A_267 = tpu.vector_load %arg7[%get3A_265, %get3A_266] {strides = array<i32>} : memref<321x256xf32, #tpu.memory_space<vmem>>, vector<1x16xf32>,
            %get3A_268 = vector.shape_cast %get3A_267 : vector<1x16xf32> to vector<16xf32>
            %get3A_269 = arith.index_cast %add3A_251 : i32 to index
            %get3A_270 = arith.index_cast %multiple_of3A_264 : i32 to index
            %get3A_271 = tpu.vector_load %arg10[%get3A_269, %get3A_270] {strides = array<i32>} : memref<128x256xf32, #tpu.memory_space<vmem>>, vector<1x16xf32>,
            %get3A_272 = vector.shape_cast %get3A_271 : vector<1x16xf32> to vector<16xf32>
            %max3A = arith.maximumf %get3A_268, %get3A_272 : vector<16xf32>
            %swap3A = arith.index_cast %squeeze3A_247 : i32 to index
            %swap3A_273 = arith.index_cast %multiple_of3A_264 : i32 to index
            %swap3A_274 = tpu.vector_load %arg7[%swap3A, %swap3A_273] {strides = array<i32>} : memref<321x256xf32, #tpu.memory_space<vmem>>, vector<1x16xf32>,
            %swap3A_275 = vector.shape_cast %swap3A_274 : vector<1x16xf32> to vector<16xf32>
            %swap3A_276 = vector.shape_cast %max3A : vector<16xf32> to vector<1x16xf32>
            tpu.vector_store %arg7[%swap3A, %swap3A_273], %swap3A_276 {strides = array<i32>} : memref<321x256xf32, #tpu.memory_space<vmem>>, vector<1x16xf32>,
            %scan3A_277 = arith.constant 0 : i32
            scf.yield %scan3A_277 : i32
          }
          %scan3A_258 = arith.constant 16 : i32
          %scan3A_259 = arith.constant 0 : i32
          scf.yield %scan3A_259 : i32
        }
        %scan3A_43 = arith.constant 8 : i32
      } else {
      }
      %scan3A_28 = arith.constant 0 : i32
      scf.yield %scan3A_28 : i32
    }
    %scan3A_20 = arith.constant 1251 : i32
    %mul3A_21 = arith.constant 320 : i32
    %mul3A_22 = arith.muli %add3A, %mul3A_21 : i32
    "tpu.region"() ({
      %run_scoped3A = tpu.sem_alloc : memref<!tpu.dma_semaphore, #tpu.memory_space<semaphore_mem>>
      %dma_start3A = arith.constant 0 : i32
      %dma_start3A_23 = arith.constant 0 : i32
      %dma_start3A_24 = tpu.memref_slice %arg7[%dma_start3A, %dma_start3A_23] : memref<321x256xf32, #tpu.memory_space<vmem>> -> memref<320x256xf32, #tpu.memory_space<vmem>>
      %dma_start3A_25 = arith.constant 0 : i32
      %dma_start3A_26 = tpu.memref_slice %arg6[%mul3A_22, %dma_start3A_25] : memref<10240x256xf32, #tpu.memory_space<hbm>> -> memref<320x256xf32, #tpu.memory_space<hbm>>
      %dma_start3A_27 = arith.constant 0 : i32
      %dma_start3A_28 = tpu.memref_slice %arg6[%mul3A_22, %dma_start3A_27] : memref<10240x256xf32, #tpu.memory_space<hbm>> -> memref<320x256xf32, #tpu.memory_space<hbm>>
      %dma_start3A_29 = arith.constant 0 : i32
      %dma_start3A_30 = arith.constant 0 : i32
      %dma_start3A_31 = tpu.memref_slice %arg7[%dma_start3A_29, %dma_start3A_30] : memref<321x256xf32, #tpu.memory_space<vmem>> -> memref<320x256xf32, #tpu.memory_space<vmem>>
      tpu.enqueue_dma source(%dma_start3A_31 : memref<320x256xf32, #tpu.memory_space<vmem>>) target(%dma_start3A_28 : memref<320x256xf32, #tpu.memory_space<hbm>>) target_semaphore(%run_scoped3A : memref<!tpu.dma_semaphore, #tpu.memory_space<semaphore_mem>>)
      %dma_wait3A = arith.constant 0 : i32
      %dma_wait3A_32 = arith.constant 0 : i32
      %dma_wait3A_33 = tpu.memref_slice %arg7[%dma_wait3A, %dma_wait3A_32] : memref<321x256xf32, #tpu.memory_space<vmem>> -> memref<320x256xf32, #tpu.memory_space<vmem>>
      %dma_wait3A_34 = arith.constant 0 : i32
      %dma_wait3A_35 = tpu.memref_slice %arg6[%mul3A_22, %dma_wait3A_34] : memref<10240x256xf32, #tpu.memory_space<hbm>> -> memref<320x256xf32, #tpu.memory_space<hbm>>
      %dma_wait3A_36 = arith.constant 0 : i32
      %dma_wait3A_37 = tpu.memref_slice %arg6[%mul3A_22, %dma_wait3A_36] : memref<10240x256xf32, #tpu.memory_space<hbm>> -> memref<320x256xf32, #tpu.memory_space<hbm>>
      %dma_wait3A_38 = arith.constant 0 : i32
      %dma_wait3A_39 = arith.constant 0 : i32
      %dma_wait3A_40 = tpu.memref_slice %arg7[%dma_wait3A_38, %dma_wait3A_39] : memref<321x256xf32, #tpu.memory_space<vmem>> -> memref<320x256xf32, #tpu.memory_space<vmem>>
      tpu.wait_dma2 semaphore(%run_scoped3A : memref<!tpu.dma_semaphore, #tpu.memory_space<semaphore_mem>>) src(%dma_wait3A_40 : memref<320x256xf32, #tpu.memory_space<vmem>>) dst(%dma_wait3A_37 : memref<320x256xf32, #tpu.memory_space<hbm>>)
      tpu.yield
    }) : () -> ()
    return
  }
}

module attributes {stable_mosaic.version = 14 : i64} {
  func.func @_pool_mm_body(%arg0: i32, %arg1: memref<1000x256xf32, #tpu.memory_space<vmem>>, %arg2: memref<256x256xf32, #tpu.memory_space<vmem>>, %arg3: memref<256xf32, #tpu.memory_space<vmem>>, %arg4: memref<1000x256xf32, #tpu.memory_space<vmem>>) attributes {dimension_semantics = [#tpu.dimension_semantics<arbitrary>], iteration_bounds = array<i64: 10>, scalar_prefetch = 0 : i64, scratch_operands = 0 : i64, tpu.core_type = #tpu.core_type<tc>, window_params = [{transform_indices = @transform_0, window_bounds = array<i64: 1000, 256>}, {pipeline_mode = #tpu.pipeline_mode<synchronous>, transform_indices = @transform_1, window_bounds = array<i64: 256, 256>}, {pipeline_mode = #tpu.pipeline_mode<synchronous>, transform_indices = @transform_2, window_bounds = array<i64: 256>}, {transform_indices = @transform_3, window_bounds = array<i64: 1000, 256>}]} {
    %get3A = arith.constant 0 : index
    %get3A_0 = arith.constant 0 : index
    %get3A_1 = vector.load %arg1[%get3A, %get3A_0] : memref<1000x256xf32, #tpu.memory_space<vmem>>, vector<1000x256xf32>
    %get3A_2 = arith.constant 0 : index
    %get3A_3 = arith.constant 0 : index
    %get3A_4 = vector.load %arg2[%get3A_2, %get3A_3] : memref<256x256xf32, #tpu.memory_space<vmem>>, vector<256x256xf32>
    %dot_general3A = arith.constant dense<0.000000e+00> : vector<1000x256xf32>
    %dot_general3A_5 = tpu.matmul %get3A_1, %get3A_4, %dot_general3A {dimension_numbers = #tpu.dot_dimension_numbers<[1], [0], [0], [1], [0, 0, 1, 1], [], []>, transpose_lhs_hint = false} : vector<1000x256xf32>, vector<256x256xf32>, vector<1000x256xf32> -> vector<1000x256xf32>
    %get3A_6 = arith.constant 0 : index
    %get3A_7 = vector.load %arg3[%get3A_6] : memref<256xf32, #tpu.memory_space<vmem>>, vector<256xf32>
    %broadcast_in_dim3A = vector.shape_cast %get3A_7 : vector<256xf32> to vector<1x256xf32>
    %add3A = vector.broadcast %broadcast_in_dim3A : vector<1x256xf32> to vector<1000x256xf32>
    %add3A_8 = arith.addf %dot_general3A_5, %add3A : vector<1000x256xf32>
    %max3A = arith.constant 0.000000e+00 : f32
    %max3A_9 = vector.broadcast %max3A : f32 to vector<1000x256xf32>
    %max3A_10 = arith.maximumf %add3A_8, %max3A_9 : vector<1000x256xf32>
    %swap3A = arith.constant 0 : index
    %swap3A_11 = arith.constant 0 : index
    %swap3A_12 = vector.load %arg4[%swap3A, %swap3A_11] : memref<1000x256xf32, #tpu.memory_space<vmem>>, vector<1000x256xf32>
    tpu.vector_store %arg4[%swap3A, %swap3A_11], %max3A_10 {strides = array<i32>} : memref<1000x256xf32, #tpu.memory_space<vmem>>, vector<1000x256xf32>,
    return
  }
  func.func @transform_0(%arg0: i32) -> (i32, i32) {
    %c0_i32 = arith.constant 0 : i32
    %c0_i32_0 = arith.constant 0 : i32
    return %arg0, %c0_i32 : i32, i32
  }
  func.func @transform_1(%arg0: i32) -> (i32, i32) {
    %c0_i32 = arith.constant 0 : i32
    %c0_i32_0 = arith.constant 0 : i32
    %c0_i32_1 = arith.constant 0 : i32
    return %c0_i32, %c0_i32_0 : i32, i32
  }
  func.func @transform_2(%arg0: i32) -> i32 {
    %c0_i32 = arith.constant 0 : i32
    %c0_i32_0 = arith.constant 0 : i32
    return %c0_i32 : i32
  }
  func.func @transform_3(%arg0: i32) -> (i32, i32) {
    %c0_i32 = arith.constant 0 : i32
    %c0_i32_0 = arith.constant 0 : i32
    return %arg0, %c0_i32 : i32, i32
  }
}

module attributes {stable_mosaic.version = 14 : i64} {
  func.func @_out_mm_body(%arg0: i32, %arg1: memref<1000x256xf32, #tpu.memory_space<vmem>>, %arg2: memref<1000x256xf32, #tpu.memory_space<vmem>>, %arg3: memref<256x256xf32, #tpu.memory_space<vmem>>, %arg4: memref<256x256xf32, #tpu.memory_space<vmem>>, %arg5: memref<256xf32, #tpu.memory_space<vmem>>, %arg6: memref<1000x256xf32, #tpu.memory_space<vmem>>) attributes {dimension_semantics = [#tpu.dimension_semantics<arbitrary>], iteration_bounds = array<i64: 10>, scalar_prefetch = 0 : i64, scratch_operands = 0 : i64, tpu.core_type = #tpu.core_type<tc>, window_params = [{transform_indices = @transform_0, window_bounds = array<i64: 1000, 256>}, {transform_indices = @transform_1, window_bounds = array<i64: 1000, 256>}, {pipeline_mode = #tpu.pipeline_mode<synchronous>, transform_indices = @transform_2, window_bounds = array<i64: 256, 256>}, {pipeline_mode = #tpu.pipeline_mode<synchronous>, transform_indices = @transform_3, window_bounds = array<i64: 256, 256>}, {pipeline_mode = #tpu.pipeline_mode<synchronous>, transform_indices = @transform_4, window_bounds = array<i64: 256>}, {transform_indices = @transform_5, window_bounds = array<i64: 1000, 256>}]} {
    %get3A = arith.constant 0 : index
    %get3A_0 = arith.constant 0 : index
    %get3A_1 = vector.load %arg1[%get3A, %get3A_0] : memref<1000x256xf32, #tpu.memory_space<vmem>>, vector<1000x256xf32>
    %get3A_2 = arith.constant 0 : index
    %get3A_3 = arith.constant 0 : index
    %get3A_4 = vector.load %arg3[%get3A_2, %get3A_3] : memref<256x256xf32, #tpu.memory_space<vmem>>, vector<256x256xf32>
    %dot_general3A = arith.constant dense<0.000000e+00> : vector<1000x256xf32>
    %dot_general3A_5 = tpu.matmul %get3A_1, %get3A_4, %dot_general3A {dimension_numbers = #tpu.dot_dimension_numbers<[1], [0], [0], [1], [0, 0, 1, 1], [], []>, transpose_lhs_hint = false} : vector<1000x256xf32>, vector<256x256xf32>, vector<1000x256xf32> -> vector<1000x256xf32>
    %get3A_6 = arith.constant 0 : index
    %get3A_7 = arith.constant 0 : index
    %get3A_8 = vector.load %arg2[%get3A_6, %get3A_7] : memref<1000x256xf32, #tpu.memory_space<vmem>>, vector<1000x256xf32>
    %get3A_9 = arith.constant 0 : index
    %get3A_10 = arith.constant 0 : index
    %get3A_11 = vector.load %arg4[%get3A_9, %get3A_10] : memref<256x256xf32, #tpu.memory_space<vmem>>, vector<256x256xf32>
    %dot_general3A_12 = arith.constant dense<0.000000e+00> : vector<1000x256xf32>
    %dot_general3A_13 = tpu.matmul %get3A_8, %get3A_11, %dot_general3A_12 {dimension_numbers = #tpu.dot_dimension_numbers<[1], [0], [0], [1], [0, 0, 1, 1], [], []>, transpose_lhs_hint = false} : vector<1000x256xf32>, vector<256x256xf32>, vector<1000x256xf32> -> vector<1000x256xf32>
    %add3A = arith.addf %dot_general3A_5, %dot_general3A_13 : vector<1000x256xf32>
    %get3A_14 = arith.constant 0 : index
    %get3A_15 = vector.load %arg5[%get3A_14] : memref<256xf32, #tpu.memory_space<vmem>>, vector<256xf32>
    %broadcast_in_dim3A = vector.shape_cast %get3A_15 : vector<256xf32> to vector<1x256xf32>
    %add3A_16 = vector.broadcast %broadcast_in_dim3A : vector<1x256xf32> to vector<1000x256xf32>
    %add3A_17 = arith.addf %add3A, %add3A_16 : vector<1000x256xf32>
    %tanh3A = math.tanh %add3A_17 : vector<1000x256xf32>
    %swap3A = arith.constant 0 : index
    %swap3A_18 = arith.constant 0 : index
    %swap3A_19 = vector.load %arg6[%swap3A, %swap3A_18] : memref<1000x256xf32, #tpu.memory_space<vmem>>, vector<1000x256xf32>
    tpu.vector_store %arg6[%swap3A, %swap3A_18], %tanh3A {strides = array<i32>} : memref<1000x256xf32, #tpu.memory_space<vmem>>, vector<1000x256xf32>,
    return
  }
  func.func @transform_0(%arg0: i32) -> (i32, i32) {
    %c0_i32 = arith.constant 0 : i32
    %c0_i32_0 = arith.constant 0 : i32
    return %arg0, %c0_i32 : i32, i32
  }
  func.func @transform_1(%arg0: i32) -> (i32, i32) {
    %c0_i32 = arith.constant 0 : i32
    %c0_i32_0 = arith.constant 0 : i32
    return %arg0, %c0_i32 : i32, i32
  }
  func.func @transform_2(%arg0: i32) -> (i32, i32) {
    %c0_i32 = arith.constant 0 : i32
    %c0_i32_0 = arith.constant 0 : i32
    %c0_i32_1 = arith.constant 0 : i32
    return %c0_i32, %c0_i32_0 : i32, i32
  }
  func.func @transform_3(%arg0: i32) -> (i32, i32) {
    %c0_i32 = arith.constant 0 : i32
    %c0_i32_0 = arith.constant 0 : i32
    %c0_i32_1 = arith.constant 0 : i32
    return %c0_i32, %c0_i32_0 : i32, i32
  }
  func.func @transform_4(%arg0: i32) -> i32 {
    %c0_i32 = arith.constant 0 : i32
    %c0_i32_0 = arith.constant 0 : i32
    return %c0_i32 : i32
  }
  func.func @transform_5(%arg0: i32) -> (i32, i32) {
    %c0_i32 = arith.constant 0 : i32
    %c0_i32_0 = arith.constant 0 : i32
    return %arg0, %c0_i32 : i32, i32
  }
}

module attributes {stable_mosaic.version = 14 : i64} {
  func.func @_out_mm_body(%arg0: i32, %arg1: memref<1000x256xf32, #tpu.memory_space<vmem>>, %arg2: memref<1000x256xf32, #tpu.memory_space<vmem>>, %arg3: memref<256x256xf32, #tpu.memory_space<vmem>>, %arg4: memref<256x256xf32, #tpu.memory_space<vmem>>, %arg5: memref<256xf32, #tpu.memory_space<vmem>>, %arg6: memref<1000x256xf32, #tpu.memory_space<vmem>>) attributes {dimension_semantics = [#tpu.dimension_semantics<arbitrary>], iteration_bounds = array<i64: 10>, scalar_prefetch = 0 : i64, scratch_operands = 0 : i64, tpu.core_type = #tpu.core_type<tc>, window_params = [{transform_indices = @transform_0, window_bounds = array<i64: 1000, 256>}, {transform_indices = @transform_1, window_bounds = array<i64: 1000, 256>}, {pipeline_mode = #tpu.pipeline_mode<synchronous>, transform_indices = @transform_2, window_bounds = array<i64: 256, 256>}, {pipeline_mode = #tpu.pipeline_mode<synchronous>, transform_indices = @transform_3, window_bounds = array<i64: 256, 256>}, {pipeline_mode = #tpu.pipeline_mode<synchronous>, transform_indices = @transform_4, window_bounds = array<i64: 256>}, {transform_indices = @transform_5, window_bounds = array<i64: 1000, 256>}]} {
    %get3A = arith.constant 0 : index
    %get3A_0 = arith.constant 0 : index
    %get3A_1 = vector.load %arg1[%get3A, %get3A_0] : memref<1000x256xf32, #tpu.memory_space<vmem>>, vector<1000x256xf32>
    %get3A_2 = arith.constant 0 : index
    %get3A_3 = arith.constant 0 : index
    %get3A_4 = vector.load %arg3[%get3A_2, %get3A_3] : memref<256x256xf32, #tpu.memory_space<vmem>>, vector<256x256xf32>
    %dot_general3A = arith.constant dense<0.000000e+00> : vector<1000x256xf32>
    %dot_general3A_5 = tpu.matmul %get3A_1, %get3A_4, %dot_general3A {dimension_numbers = #tpu.dot_dimension_numbers<[1], [0], [0], [1], [0, 0, 1, 1], [], []>, transpose_lhs_hint = false} : vector<1000x256xf32>, vector<256x256xf32>, vector<1000x256xf32> -> vector<1000x256xf32>
    %get3A_6 = arith.constant 0 : index
    %get3A_7 = arith.constant 0 : index
    %get3A_8 = vector.load %arg2[%get3A_6, %get3A_7] : memref<1000x256xf32, #tpu.memory_space<vmem>>, vector<1000x256xf32>
    %get3A_9 = arith.constant 0 : index
    %get3A_10 = arith.constant 0 : index
    %get3A_11 = vector.load %arg4[%get3A_9, %get3A_10] : memref<256x256xf32, #tpu.memory_space<vmem>>, vector<256x256xf32>
    %dot_general3A_12 = arith.constant dense<0.000000e+00> : vector<1000x256xf32>
    %dot_general3A_13 = tpu.matmul %get3A_8, %get3A_11, %dot_general3A_12 {dimension_numbers = #tpu.dot_dimension_numbers<[1], [0], [0], [1], [0, 0, 1, 1], [], []>, transpose_lhs_hint = false} : vector<1000x256xf32>, vector<256x256xf32>, vector<1000x256xf32> -> vector<1000x256xf32>
    %add3A = arith.addf %dot_general3A_5, %dot_general3A_13 : vector<1000x256xf32>
    %get3A_14 = arith.constant 0 : index
    %get3A_15 = vector.load %arg5[%get3A_14] : memref<256xf32, #tpu.memory_space<vmem>>, vector<256xf32>
    %broadcast_in_dim3A = vector.shape_cast %get3A_15 : vector<256xf32> to vector<1x256xf32>
    %add3A_16 = vector.broadcast %broadcast_in_dim3A : vector<1x256xf32> to vector<1000x256xf32>
    %add3A_17 = arith.addf %add3A, %add3A_16 : vector<1000x256xf32>
    %swap3A = arith.constant 0 : index
    %swap3A_18 = arith.constant 0 : index
    %swap3A_19 = vector.load %arg6[%swap3A, %swap3A_18] : memref<1000x256xf32, #tpu.memory_space<vmem>>, vector<1000x256xf32>
    tpu.vector_store %arg6[%swap3A, %swap3A_18], %add3A_17 {strides = array<i32>} : memref<1000x256xf32, #tpu.memory_space<vmem>>, vector<1000x256xf32>,
    return
  }
  func.func @transform_0(%arg0: i32) -> (i32, i32) {
    %c0_i32 = arith.constant 0 : i32
    %c0_i32_0 = arith.constant 0 : i32
    return %arg0, %c0_i32 : i32, i32
  }
  func.func @transform_1(%arg0: i32) -> (i32, i32) {
    %c0_i32 = arith.constant 0 : i32
    %c0_i32_0 = arith.constant 0 : i32
    return %arg0, %c0_i32 : i32, i32
  }
  func.func @transform_2(%arg0: i32) -> (i32, i32) {
    %c0_i32 = arith.constant 0 : i32
    %c0_i32_0 = arith.constant 0 : i32
    %c0_i32_1 = arith.constant 0 : i32
    return %c0_i32, %c0_i32_0 : i32, i32
  }
  func.func @transform_3(%arg0: i32) -> (i32, i32) {
    %c0_i32 = arith.constant 0 : i32
    %c0_i32_0 = arith.constant 0 : i32
    %c0_i32_1 = arith.constant 0 : i32
    return %c0_i32, %c0_i32_0 : i32, i32
  }
  func.func @transform_4(%arg0: i32) -> i32 {
    %c0_i32 = arith.constant 0 : i32
    %c0_i32_0 = arith.constant 0 : i32
    return %c0_i32 : i32
  }
  func.func @transform_5(%arg0: i32) -> (i32, i32) {
    %c0_i32 = arith.constant 0 : i32
    %c0_i32_0 = arith.constant 0 : i32
    return %arg0, %c0_i32 : i32, i32
  }
}

</mosaic_0001>

<sc_bundles>
// kernel: gather_offload_async_start.1
scs
__scs_entry_jumppad:
0x0: {  	(pc) =	sbr.rel $0x88, $3  }
0x1: {  	(tag) =	ssettag $0x0;
	lr =	simm.s32 $0x1  }
0x2: {  	[smem:$0x3F90] =	sst lr;
	_ =	strace $0xD0000000  }
0x3: {  	_ = 	snop  }
0x4: {  	_ = 	snop  }
0x5: {  	_ = 	snop  }
0x6: {  	_ = 	snop  }
0x7: {  	_ = 	snop  }
__scs_overlays_trampoline_lowered:
0x8: {  	[smem:$0x3F9F] =	sst s0  }
0x9: {  	[smem:$0x3FA0] =	sst s1  }
0xa: {  	[smem:$0x3FA1] =	sst s2  }
0xb: {  	[smem:$0x3FA2] =	sst s3  }
0xc: {  	[smem:$0x3FA3] =	sst s4  }
0xd: {  	[smem:$0x3FA4] =	sst s5  }
0xe: {  	[smem:$0x3FA5] =	sst s6  }
0xf: {  	[smem:$0x3FA6] =	sst s7  }
0x10: {  	[smem:$0x3FA7] =	sst s8  }
0x11: {  	[smem:$0x3FA8] =	sst s9;
	s0 =	simm.s32 @!p0 $0x0  }
0x12: {  	s1 =	sld [smem:$0x3F8E];
	s0 =	simm.s32 @p0 $0x1  }
0x13: {  	[smem:$0x3FA9] =	sst s0;
	s0 =	simm.s32 @!p1 $0x0  }
0x14: {  	s2 =	sld [smem:$0x3F8D];
	s0 =	simm.s32 @p1 $0x1  }
0x15: {  	[smem:$0x3FAA] =	sst s0;
	s0 =	simm.s32 @!p2 $0x0  }
0x16: {  	s3 =	sld [smem:$0x3FDB];
	s0 =	simm.s32 @p2 $0x1  }
0x17: {  	s4 =	simm.s32 $0x1BF5;
	[smem:$0x3FAC] =	sst s0  }
0x18: {  	s0 =	sld [smem:$0x3F8F];
	_ =	swait.ge [sflag:s4], $0x0  }
0x19: {  	s7 =	sld [smem:$0x3F90]  }
0x1a: {  	s8 =	sadd.s32 $0xFFFFE003, lr  }
0x1b: {  	s9 =	sadd.s32 $0xFFFFFEF7, lr;
	s5 =	simm.s32 $0xFFFFFFFF;
	p2 =	slt.u32 s8, $0xFFFFF086  }
0x1c: {  	p1 =	slt.u32 s9, $0xF7A;
	s5 =	simm.s32 @!p2 $0x0  }
0x1d: {  	s5 =	simm.s32 @p1 $0x1;
	p0 =	seq.s32 s7, s2  }
0x1e: {  	s7 =	smul.u32 @!p0 $0xF7A, s2;
	p2 =	seq.s32 @!p0 s5, $0x0  }
0x1f: {  	s9 =	smul.u32 $0xF7A, s1;
	s8 =	simm.s32 @!p0 $0x1BF5;
	p2 =	por !p2, p0  }
0x20: {  	[sflag:s8] =	ssyncset.s32 @!p0 $0xFFFFF086;
	s6 =	sadd.s32 @!p0 s3, s7;
	s7 =	simm.s32 @!p0 $0x108  }
0x21: {  	s3 =	sadd.s32 s3, s9;
	s6 =	sadd.s32 @!p0 $0x88, s6;
	s7 =	simm.s32 @p2 $0x1082  }
0x22: {  	[simem:s7], [sflag:s8] =	dma.local @!p0 [hbm:s6], $0xF7A  }
0x23: {  	s9 =	sor.u32 $0xD0000000, s2;
	s6 =	simm.s32 $0x108;
	_ =	swait.ge @!p0 [sflag:s8], $0x0  }
0x24: {  	s3 =	sadd.s32 $0x88, s3;
	s6 =	simm.s32 @!p1 $0x1082;
	[sflag:s4] =	ssyncset.s32 $0xFFFFF086  }
0x25: {  	[simem:s6], [sflag:s4] =	dma.local [hbm:s3], $0xF7A  }
0x26: {  	[smem:$0x3F90] =	sst s1;
	(tag) =	ssettag s2;
	_ =	strace s9  }
0x27: {  	s1 =	sld [smem:$0x3FA0]  }
0x28: {  	s2 =	sld [smem:$0x3FA1]  }
0x29: {  	s4 =	sld [smem:$0x3FA3]  }
0x2a: {  	p0 =	seq.s32 s5, $0x0;
	s5 =	sld [smem:$0x3FA4]  }
0x2b: {  	s6 =	sld [smem:$0x3FA5]  }
0x2c: {  	s7 =	sld [smem:$0x3FA6]  }
0x2d: {  	s3 =	simm.s32 $0x108;
	s8 =	sld [smem:$0x3FA7]  }
0x2e: {  	s3 =	simm.s32 @!p0 $0x1082;
	s9 =	sld [smem:$0x3FA8]  }
0x2f: {  	lr =	sadd.s32 s0, s3;
	s0 =	sld [smem:$0x3F9F]  }
0x30: {  	s3 =	sld [smem:$0x3FA2]  }
0x31: {  	[smem:$0x3FAB] =	sst s10  }
0x32: {  	s10 =	sld [smem:$0x3FA9];
	_ =	sdelay $0x3  }
0x33: {  	p0 =	seq.s32 s10, $0x1;
	s10 =	sld [smem:$0x3FAB];
	_ =	sdelay $0x3  }
0x34: {  	[smem:$0x3FAB] =	sst s10  }
0x35: {  	s10 =	sld [smem:$0x3FAA];
	_ =	sdelay $0x3  }
0x36: {  	p1 =	seq.s32 s10, $0x1;
	s10 =	sld [smem:$0x3FAB];
	_ =	sdelay $0x3  }
0x37: {  	[smem:$0x3FAB] =	sst s10  }
0x38: {  	s10 =	sld [smem:$0x3FAC]  }
0x39: {  	_ = 	snop;
	(pc) =	sbr.ind lr, $3  }
0x3a: {  	_ = 	snop  }
0x3b: {  	_ = 	snop  }
0x3c: {  	p2 =	seq.s32 s10, $0x1;
	s10 =	sld [smem:$0x3FAB]  }
0x3d: {  	_ =	shalt  }
0x3e: {  	_ =	shalt  }
0x3f: {  	_ =	shalt  }
0x40: {  	_ =	shalt  }
0x41: {  	_ =	shalt  }
0x42: {  	_ =	shalt  }
0x43: {  	_ =	shalt  }
0x44: {  	_ =	shalt  }
0x45: {  	_ =	shalt  }
0x46: {  	_ =	shalt  }
0x47: {  	_ =	shalt  }
0x48: {  	_ =	shalt  }
0x49: {  	_ =	shalt  }
0x4a: {  	_ =	shalt  }
0x4b: {  	_ =	shalt  }
0x4c: {  	_ =	shalt  }
0x4d: {  	_ =	shalt  }
0x4e: {  	_ =	shalt  }
0x4f: {  	_ =	shalt  }
0x50: {  	_ =	shalt  }
0x51: {  	_ =	shalt  }
0x52: {  	_ =	shalt  }
0x53: {  	_ =	shalt  }
0x54: {  	_ =	shalt  }
0x55: {  	_ =	shalt  }
0x56: {  	_ =	shalt  }
0x57: {  	_ =	shalt  }
0x58: {  	_ =	shalt  }
0x59: {  	_ =	shalt  }
0x5a: {  	_ =	shalt  }
0x5b: {  	_ =	shalt  }
0x5c: {  	_ =	shalt  }
0x5d: {  	_ =	shalt  }
0x5e: {  	_ =	shalt  }
0x5f: {  	_ =	shalt  }
0x60: {  	_ =	shalt  }
0x61: {  	_ =	shalt  }
0x62: {  	_ =	shalt  }
0x63: {  	_ =	shalt  }
0x64: {  	_ =	shalt  }
0x65: {  	_ =	shalt  }
0x66: {  	_ =	shalt  }
0x67: {  	_ =	shalt  }
0x68: {  	_ =	shalt  }
0x69: {  	_ =	shalt  }
0x6a: {  	_ =	shalt  }
0x6b: {  	_ =	shalt  }
0x6c: {  	_ =	shalt  }
0x6d: {  	_ =	shalt  }
0x6e: {  	_ =	shalt  }
0x6f: {  	_ =	shalt  }
0x70: {  	_ =	shalt  }
0x71: {  	_ =	shalt  }
0x72: {  	_ =	shalt  }
0x73: {  	_ =	shalt  }
0x74: {  	_ =	shalt  }
0x75: {  	_ =	shalt  }
0x76: {  	_ =	shalt  }
0x77: {  	_ =	shalt  }
0x78: {  	_ =	shalt  }
0x79: {  	_ =	shalt  }
0x7a: {  	_ =	shalt  }
0x7b: {  	_ =	shalt  }
0x7c: {  	_ =	shalt  }
0x7d: {  	_ =	shalt  }
0x7e: {  	_ =	shalt  }
0x7f: {  	_ =	shalt  }
0x80: {  	_ =	shalt  }
0x81: {  	_ =	shalt  }
0x82: {  	_ =	shalt  }
0x83: {  	_ =	shalt  }
0x84: {  	_ =	shalt  }
0x85: {  	_ =	shalt  }
0x86: {  	_ =	shalt  }
0x87: {  	_ =	shalt  }
.Lfunc_end0:
.L_simem_size_0:
called_computation.1_lowered:
.L_overlay_start_0:
0x88: {  	s2 =	sld [smem:$0x3FD9]  }
0x89: {  	s3 =	sld [smem:$0x3FFE];
	_ =	sdelay $0x1  }
0x8a: {  	s1 =	srdreg.scid  }
0x8b: {  	s0 =	sand.u32 $0x1, s1  }
0x8c: {  	s16 =	sshll.u32 s0, $0xA;
	s2 =	sadd.s32 s3, s2  }
0x8d: {  	s2 =	sadd.s32 s2, s16  }
0x8e: {  	[smem:$0x3FB7] =	sst s2  }
0x8f: {  	_ = 	snop  }
0x90: {  	(tm) =	ssettm $0x1  }
0x91: {  	s17 =	sld [smem:$0x3FFB];
	_ =	sdelay $0x3  }
0x92: {  	_ =	strace s17  }
0x93: {  	s2 =	sld [smem:$0x3FFC];
	_ =	sdelay $0x3  }
0x94: {  	_ =	strace s2  }
0x95: {  	s2 =	sld [smem:$0x3FFD];
	_ =	sdelay $0x3  }
0x96: {  	_ =	strace s2  }
0x97: {  	_ =	strace $0x8FFFFFFF  }
0x98: {  	s18 =	sld [smem:$0x3FDB];
	_ =	sdelay $0x1  }
0x99: {  	s19 =	simm.s32 $_scs_section_size  }
0x9a: {  	s4 =	simm.s32 $_size__tile_overlayer_lowered;
	s5 =	simm.s32 $_tile_overlayer_lowered  }
0x9b: {  	s22 =	simm.s32 $0x1BFF;
	s21 =	sshll.u32 s5, $0x1;
	s2 =	sadd.s32 s19, s18  }
0x9c: {  	s6 =	simm.s32 $0x0;
	s20 =	sshll.u32 s4, $0x1;
	s4 =	sadd.s32 s21, s2  }
0x9d: {  	[timem:s6], [sflag:s22] =	dma.local [hbm:s4], s20  }
0x9e: {  	_ =	swait.ge [sflag:s22], s20  }
0x9f: {  	s3 =	ssub.s32 $0x0, s20;
	[sflag:s22] =	ssyncset.done $0x0  }
0xa0: {  	[sflag:s22] =	ssyncadd.s32 s3;
	_ =	sdelay $0x1  }
0xa1: {  	s23 =	simm.s32 $0x1B8B  }
0xa2: {  	_ =	swait.ge [sflag:s23], $0x1  }
0xa3: {  	[sflag:s23] =	ssyncset.done $0x0  }
0xa4: {  	s25 =	simm.s32 $0x1B8E;
	s24 =	sld [smem:$0x3FFE];
	[sflag:s23] =	ssyncadd.s32 $0xFFFFFFFF  }
0xa5: {  	s26 =	simm.s32 $execute0_lowered;
	[smem:$0x3FD2] =	sst s25  }
0xa6: {  	s4 =	sshll.u32 s26, $0x1;
	_ =	strace $0x80000049;
	[dreg:$0x1] =	wrdreg $0xFFFFFFFF  }
0xa7: {  	s28 =	simm.s32 $_size_execute0_lowered;
	s2 =	sadd.s32 s2, s4;
	[dreg:$0x0] =	wrdreg $0x0  }
0xa8: {  	s4 =	sshll.u32 s28, $0x1;
	[dreg:$0x2] =	wrdreg s2  }
0xa9: {  	[dreg:$0x3] =	wrdreg s4  }
0xaa: {  	[dreg:$0x4] =	wrdreg $0xC0  }
0xab: {  	_ =	task [dreg:s6], $0x5FFFF  }
0xac: {  	[dreg:$0x1] =	wrdreg $0xFFFFFFFF  }
0xad: {  	[dreg:$0x0] =	wrdreg $0x60  }
0xae: {  	[dreg:$0x2] =	wrdreg s24  }
0xaf: {  	[dreg:$0x3] =	wrdreg $0x9  }
0xb0: {  	_ =	task.clear_ibuf [dreg:s6], $0x4FFFF;
	_ =	strace $0x90000049  }
0xb1: {  	s29 =	simm.s32 $0x9;
	_ =	strace $0x8000004B  }
0xb2: {  	_ =	swait.ge [sflag:s29], $0x1  }
0xb3: {  	[sflag:s29] =	ssyncadd.s32 $0xFFFFFFFF  }
0xb4: {  	_ =	strace $0x9000004B  }
0xb5: {  	_ =	sfence  }
0xb6: {  	s30 =	sld [smem:$0x0];
	_ =	sdelay $0x2  }
0xb7: {  	s31 =	sshll.u32 s1, $0xD;
	s1 =	sshrl.u32 s1, $0x2  }
0xb8: {  	s3 =	sand.u32 $0x4000, s31;
	s1 =	sadd.s32 s1, s30  }
0xb9: {  	s0 =	sor.u32 s3, s0;
	s1 =	sshll.u32 s1, $0x11  }
0xba: {  	s0 =	sor.u32 s1, s0  }
0xbb: {  	s0 =	sadd.s32 $0x8F2B, s0  }
0xbc: {  	[sflag:s0] =	ssyncadd.remote.s32 $0x1  }
0xbd: {  	_ =	sfence.sel $0xFFFF  }
0xbe: {  	[dreg:$0x0] =	wrdreg $0xFFFFFFFF;
	(pc) =	sbr.abs _section_cstart, $3  }
0xbf: {  	[dreg:$0x1] =	wrdreg $0xFFFFFFFF  }
0xc0: {  	_ =	task.clear_ibuf [dreg:s6], $0x2FFFF;
	_ =	strace $0x9FFFFFFF  }
0xc1: {  	(tm) =	ssettm $0x7FFFFFFF  }
tec
execute0_lowered:
.L_overlay_start_1:
0x0: {  	(tag) =	ssettag $0x1  }
0x1: {  	s8 =	rddreg [dreg:$0x0]  }
0x2: {  	s0 =	rddreg [dreg:$0x1];
	_ =	strace $0x8000004A;
	s1 =	stileid.u32  }
0x3: {  	s3 =	srdreg.scid;
	s4 =	simm.s32 $0x1;
	s7 =	simm.s32 $0x1  }
0x4: {  	s9 =	simm.s32 $0x1;
	s10 =	simm.s32 $0x3;
	s13 =	simm.s32 $0x0  }
0x5: {  	s12 =	simm.s32 $0x0;
	s5 =	sand.u32 $0x1, s3;
	s6 =	sshll.u32 s1, $0x1  }
0x6: {  	s2 =	sadd.s32 $0x5C00, s8;
	s3 =	sadd.s32 $0xFC00, s8;
	s5 =	sor.u32 s6, s5  }
.Ltmp0:
0x7: {  	[sflag:s4] =	ssyncpa.u1 $0x0;
	p0 =	slt.u32 s5, $0x9;
	(pc) =	sbr.rel .LBB2_1-.Ltmp0, $4  }
0x8: {  	s6 =	simm.s32 $0x2;
	s7 =	simm.s32 @!p0 $0x0;
	p0 =	sne.s32 s5, $0x8  }
0x9: {  	[sflag:s6] =	ssyncpa.u1 $0x0;
	s5 =	smul.u32 $0xFA0, s5;
	s9 =	simm.s32 @!p0 $0x0  }
0xa: {  	s8 =	sadd.s32 $0x3CC00, s8;
	[sflag:s10] =	ssyncpa.u1 $0x0;
	s7 =	sadd.s32 s9, s7  }
0xb: {  	vm0 =	vmmov $0xffff;
	s10 =	simm.s32 $0x0;
	s11 =	smov.u32 s5;
	s9 =	sadd.s32 $0x1, s7  }
.LBB2_4:
0xc: {  	v2 =	vnsel vm1, $0x0, v2  }
0xd: {  	vm1 =	vgt.s32 v0, $0x0;
	v2 =	vmin.u32 v2, $0x270FF  }
0xe: {  	v0 =	vnsel vm1, $0x0, v0  }
0xf: {  	v0 =	vmin.u32 v0, $0x270FF  }
0x10: {  	[tilespmem:s18], [sflag:$0x1] =	stream.indirect_vreg.gather [hbm4b:s2+s10], $0x1, v1, vm0, $0x4038;
	[tilespmem:$0x3E80] =	vst v63  }
0x11: {  	(ifvalue) =	ssetifvalue $0x7FFFFFFF  }
0x12: {  	[tilespmem:s15], [sflag:$0x1] =	stream.indirect_vreg.gather [hbm4b:s2+s10], $0x1, v2, vm0, $0x4038;
	[tilespmem:$0x3E80] =	vst v63  }
0x13: {  	s29 =	sadd.s32 $0x10, s15;
	(ifvalue) =	ssetifvalue $0x7FFFFFFF  }
0x14: {  	[tilespmem:s29], [sflag:$0x1] =	stream.indirect_vreg.gather [hbm4b:s2+s10], $0x1, v0, vm0, $0x4038;
	[tilespmem:$0x3E80] =	vst v63  }
0x15: {  	_ =	swait.ge [sflag:s4], $0xFA0  }
0x16: {  	s30 =	sshrl.u32 s13, $0x3;
	[sflag:s4] =	ssyncset.done $0x0  }
0x17: {  	s31 =	sand.u32 $0x7, s13;
	s15 =	sadd.s32 s8, s30;
	[sflag:s4] =	ssyncadd.s32 $0xFFFFF060  }
0x18: {  	[hbm4b:s15+s31] =	stream.linear.scatter [tilespmem:s14], [sflag:$0x3], $0xFA0, $0x38;
	[tilespmem:$0x3E80] =	vst v63  }
.LBB2_5:
0x19: {  	s15 =	sadd.s32 $0x1F400, s11  }
0x1a: {  	p1 =	sgt.s32 s15, $0x270FF  }
0x1b: {  	s15 =	smov.u32 @p1 s5;
	p1 =	sne.s32 s12, s9  }
.Ltmp1:
0x1c: {  	p0 =	slt.u32 s12, $0x2;
	(pc) =	sbr.rel @!p1 .LBB2_6-.Ltmp1, $4  }
0x1d: {  	s14 =	simm.s32 @!p0 $0x3  }
0x1e: {  	_ =	swait.ge @!p0 [sflag:s14], $0xFA0  }
0x1f: {  	s16 =	sadd.s32 $0x1, s12;
	s13 =	smov.u32 s11;
	[sflag:s14] =	ssyncset.done @!p0 $0x0  }
0x20: {  	s12 =	smov.u32 s16;
	s11 =	smov.u32 s15;
	[sflag:s14] =	ssyncadd.s32 @!p0 $0xFFFFF060  }
.LBB2_1:
0x21: {  	p0 =	sge.u32 s12, s7  }
0x22: {  	s14 =	sxor.u32 @!p0 $0x1, s12  }
0x23: {  	s14 =	smul.u32 @!p0 $0x3E80, s14  }
0x24: {  	s31 =	sadd.s32 $0xFFFFFFFF, s12;
	s15 =	sshrl.u32 @!p0 s11, $0x3  }
0x25: {  	s16 =	sand.u32 @!p0 $0x7, s11;
	s15 =	sadd.s32 @!p0 s3, s15;
	s14 =	sshra.s32 @!p0 s14, $0x2  }
0x26: {  	[tilespmem:s14], [sflag:$0x2] =	stream.linear.gather @!p0 [hbm4b:s15+s16], $0xFA0, $0x38;
	[tilespmem:$0x3E80] =	vst v63  }
0x27: {  	p0 =	sge.u32 s31, s7  }
.Ltmp2:
0x28: {  	_ = 	snop;
	(pc) =	sbr.rel @p0 .LBB2_5-.Ltmp2, $1  }
0x29: {  	_ =	sdelay $0x3  }
0x2a: {  	s14 =	sand.u32 $0x1, s12  }
0x2b: {  	_ =	swait.ge [sflag:s6], $0xFA0;
	p0 =	seq.s32 s14, $0x1;
	s14 =	simm.s32 $0xFA0  }
0x2c: {  	[sflag:s6] =	ssyncset.done $0x0;
	s14 =	simm.s32 @!p0 $0x0  }
0x2d: {  	[sflag:s6] =	ssyncadd.s32 $0xFFFFF060;
	(ifvalue) =	ssetifvalue $0x7FFFFFFF;
	v0 =	vld.msk [tilespmem:s14+$0x0 ss:$0x1], $0xffff;
	_ =	sdelay $0x4  }
0x2e: {  	s15 =	sadd.s32 $0x10, s14;
	vm1 =	vgt.s32 v0, $0x0  }
0x2f: {  	v2 =	vld.msk [tilespmem:s15+$0x0 ss:$0x1], $0xffff;
	v1 =	vnsel vm1, $0x0, v0  }
0x30: {  	v1 =	vmin.u32 v1, $0x270FF;
	_ =	sdelay $0x2  }
0x31: {  	s17 =	simm.s32 $0x20;
	s14 =	sadd.s32 $0x1F40, s14;
	s16 =	sadd.s32 $0x10, s15  }
0x32: {  	s15 =	sadd.s32 $0x10, s14;
	s18 =	smov.u32 s14;
	v0 =	vld.msk [tilespmem:s16+$0x0 ss:$0x1], $0xffff;
	vm1 =	vgt.s32 v2, $0x0;
	(ifvalue) =	ssetifvalue $0x7FFFFFFF  }
.LBB2_3:
0x33: {  	[tilespmem:s18], [sflag:$0x1] =	stream.indirect_vreg.gather [hbm4b:s2+s10], $0x1, v1, vm0, $0x4038;
	[tilespmem:$0x3E80] =	vst v63  }
0x34: {  	s17 =	sadd.s32 $0x10, s17  }
0x35: {  	v2 =	vnsel vm1, $0x0, v2;
	p0 =	slt.u32 s17, $0xF90  }
.Ltmp3:
0x36: {  	s18 =	smov.u32 s15;
	v1 =	vmin.u32 v2, $0x270FF;
	(pc) =	sbr.rel @p0 .LBB2_3-.Ltmp3, $3  }
0x37: {  	_ =	sdelay $0x1  }
0x38: {  	s16 =	sadd.s32 $0x10, s16  }
0x39: {  	vm1 =	vgt.s32 v0, $0x0;
	s15 =	sadd.s32 $0x10, s15;
	v2 =	vmov v0;
	(ifvalue) =	ssetifvalue $0x7FFFFFFF;
	v0 =	vld.msk [tilespmem:s16+$0x0 ss:$0x1], $0xffff  }
.Ltmp4:
0x3a: {  	_ = 	snop;
	(pc) =	sbr.rel .LBB2_4-.Ltmp4, $1  }
0x3b: {  	_ =	sdelay $0x3  }
.LBB2_6:
0x3c: {  	_ =	sfence.sel $0x180000  }
0x3d: {  	s2 =	simm.s32 $0x2;
	[bflag:$0x0] =	sbarrier.arrive $0xFFFF  }
0x3e: {  	s30 =	simm.s32 $0x3;
	[sflag:s2] =	ssyncpa.u1 $0x1  }
0x3f: {  	s31 =	simm.s32 $0x1;
	[sflag:s30] =	ssyncpa.u1 $0x1  }
0x40: {  	[sflag:s31] =	ssyncpa.u1 $0x1  }
0x41: {  	p0 =	sne.s32 s1, $0x0;
	_ =	strace $0x9000004A  }
0x42: {  	s0 =	sadd.s32 @!p0 $0x100000, s0;
	[bflag:$0x2] =	sbarrier.arrive $0xFFFF  }
0x43: {  	[sflag:s0] =	ssyncadd.tile.s32 @!p0 $0x1;
	_ =	shalt  }
.Lfunc_end2:
_tile_overlayer_lowered:
.L_overlay_start_2:
0x44: {  	(tag) =	ssettag $0x2  }
0x45: {  	s0 =	rddreg [dreg:$0x0];
	s2 =	stileid.u32  }
0x46: {  	s1 =	rddreg [dreg:$0x1];
	p0 =	sne.s32 s2, $0x0  }
0x47: {  	s3 =	rddreg [dreg:$0x2];
	[bflag:$0x3] =	sbarrier.arrive $0xFFFF;
	s2 =	simm.s32 @!p0 $0x1C01  }
0x48: {  	[timem:s3], [sflag:s2] =	dma.local @!p0 [hbm:s0], s1  }
0x49: {  	s0 =	simm.s32 @!p0 $0x1  }
0x4a: {  	_ =	swait.ge @!p0 [sflag:s0], s1  }
0x4b: {  	s1 =	ssub.s32 @!p0 $0x0, s1;
	[sflag:s0] =	ssyncset.done @!p0 $0x0  }
0x4c: {  	[sflag:s0] =	ssyncadd.s32 @!p0 s1  }
0x4d: {  	[bflag:$0x3] =	sbarrier.arrive $0xFFFF  }
0x4e: {  	_ =	shalt  }

// kernel: gather_offload_async_start.2
scs
__scs_entry_jumppad:
0x0: {  	(pc) =	sbr.rel $0x88, $3  }
0x1: {  	(tag) =	ssettag $0x0;
	lr =	simm.s32 $0x1  }
0x2: {  	[smem:$0x3F90] =	sst lr;
	_ =	strace $0xD0000000  }
0x3: {  	_ = 	snop  }
0x4: {  	_ = 	snop  }
0x5: {  	_ = 	snop  }
0x6: {  	_ = 	snop  }
0x7: {  	_ = 	snop  }
__scs_overlays_trampoline_lowered:
0x8: {  	[smem:$0x3F9F] =	sst s0  }
0x9: {  	[smem:$0x3FA0] =	sst s1  }
0xa: {  	[smem:$0x3FA1] =	sst s2  }
0xb: {  	[smem:$0x3FA2] =	sst s3  }
0xc: {  	[smem:$0x3FA3] =	sst s4  }
0xd: {  	[smem:$0x3FA4] =	sst s5  }
0xe: {  	[smem:$0x3FA5] =	sst s6  }
0xf: {  	[smem:$0x3FA6] =	sst s7  }
0x10: {  	[smem:$0x3FA7] =	sst s8  }
0x11: {  	[smem:$0x3FA8] =	sst s9;
	s0 =	simm.s32 @!p0 $0x0  }
0x12: {  	s1 =	sld [smem:$0x3F8E];
	s0 =	simm.s32 @p0 $0x1  }
0x13: {  	[smem:$0x3FA9] =	sst s0;
	s0 =	simm.s32 @!p1 $0x0  }
0x14: {  	s2 =	sld [smem:$0x3F8D];
	s0 =	simm.s32 @p1 $0x1  }
0x15: {  	[smem:$0x3FAA] =	sst s0;
	s0 =	simm.s32 @!p2 $0x0  }
0x16: {  	s3 =	sld [smem:$0x3FDB];
	s0 =	simm.s32 @p2 $0x1  }
0x17: {  	s4 =	simm.s32 $0x1BF5;
	[smem:$0x3FAC] =	sst s0  }
0x18: {  	s0 =	sld [smem:$0x3F8F];
	_ =	swait.ge [sflag:s4], $0x0  }
0x19: {  	s7 =	sld [smem:$0x3F90]  }
0x1a: {  	s8 =	sadd.s32 $0xFFFFE003, lr  }
0x1b: {  	s9 =	sadd.s32 $0xFFFFFEF7, lr;
	s5 =	simm.s32 $0xFFFFFFFF;
	p2 =	slt.u32 s8, $0xFFFFF086  }
0x1c: {  	p1 =	slt.u32 s9, $0xF7A;
	s5 =	simm.s32 @!p2 $0x0  }
0x1d: {  	s5 =	simm.s32 @p1 $0x1;
	p0 =	seq.s32 s7, s2  }
0x1e: {  	s7 =	smul.u32 @!p0 $0xF7A, s2;
	p2 =	seq.s32 @!p0 s5, $0x0  }
0x1f: {  	s9 =	smul.u32 $0xF7A, s1;
	s8 =	simm.s32 @!p0 $0x1BF5;
	p2 =	por !p2, p0  }
0x20: {  	[sflag:s8] =	ssyncset.s32 @!p0 $0xFFFFF086;
	s6 =	sadd.s32 @!p0 s3, s7;
	s7 =	simm.s32 @!p0 $0x108  }
0x21: {  	s3 =	sadd.s32 s3, s9;
	s6 =	sadd.s32 @!p0 $0x88, s6;
	s7 =	simm.s32 @p2 $0x1082  }
0x22: {  	[simem:s7], [sflag:s8] =	dma.local @!p0 [hbm:s6], $0xF7A  }
0x23: {  	s9 =	sor.u32 $0xD0000000, s2;
	s6 =	simm.s32 $0x108;
	_ =	swait.ge @!p0 [sflag:s8], $0x0  }
0x24: {  	s3 =	sadd.s32 $0x88, s3;
	s6 =	simm.s32 @!p1 $0x1082;
	[sflag:s4] =	ssyncset.s32 $0xFFFFF086  }
0x25: {  	[simem:s6], [sflag:s4] =	dma.local [hbm:s3], $0xF7A  }
0x26: {  	[smem:$0x3F90] =	sst s1;
	(tag) =	ssettag s2;
	_ =	strace s9  }
0x27: {  	s1 =	sld [smem:$0x3FA0]  }
0x28: {  	s2 =	sld [smem:$0x3FA1]  }
0x29: {  	s4 =	sld [smem:$0x3FA3]  }
0x2a: {  	p0 =	seq.s32 s5, $0x0;
	s5 =	sld [smem:$0x3FA4]  }
0x2b: {  	s6 =	sld [smem:$0x3FA5]  }
0x2c: {  	s7 =	sld [smem:$0x3FA6]  }
0x2d: {  	s3 =	simm.s32 $0x108;
	s8 =	sld [smem:$0x3FA7]  }
0x2e: {  	s3 =	simm.s32 @!p0 $0x1082;
	s9 =	sld [smem:$0x3FA8]  }
0x2f: {  	lr =	sadd.s32 s0, s3;
	s0 =	sld [smem:$0x3F9F]  }
0x30: {  	s3 =	sld [smem:$0x3FA2]  }
0x31: {  	[smem:$0x3FAB] =	sst s10  }
0x32: {  	s10 =	sld [smem:$0x3FA9];
	_ =	sdelay $0x3  }
0x33: {  	p0 =	seq.s32 s10, $0x1;
	s10 =	sld [smem:$0x3FAB];
	_ =	sdelay $0x3  }
0x34: {  	[smem:$0x3FAB] =	sst s10  }
0x35: {  	s10 =	sld [smem:$0x3FAA];
	_ =	sdelay $0x3  }
0x36: {  	p1 =	seq.s32 s10, $0x1;
	s10 =	sld [smem:$0x3FAB];
	_ =	sdelay $0x3  }
0x37: {  	[smem:$0x3FAB] =	sst s10  }
0x38: {  	s10 =	sld [smem:$0x3FAC]  }
0x39: {  	_ = 	snop;
	(pc) =	sbr.ind lr, $3  }
0x3a: {  	_ = 	snop  }
0x3b: {  	_ = 	snop  }
0x3c: {  	p2 =	seq.s32 s10, $0x1;
	s10 =	sld [smem:$0x3FAB]  }
0x3d: {  	_ =	shalt  }
0x3e: {  	_ =	shalt  }
0x3f: {  	_ =	shalt  }
0x40: {  	_ =	shalt  }
0x41: {  	_ =	shalt  }
0x42: {  	_ =	shalt  }
0x43: {  	_ =	shalt  }
0x44: {  	_ =	shalt  }
0x45: {  	_ =	shalt  }
0x46: {  	_ =	shalt  }
0x47: {  	_ =	shalt  }
0x48: {  	_ =	shalt  }
0x49: {  	_ =	shalt  }
0x4a: {  	_ =	shalt  }
0x4b: {  	_ =	shalt  }
0x4c: {  	_ =	shalt  }
0x4d: {  	_ =	shalt  }
0x4e: {  	_ =	shalt  }
0x4f: {  	_ =	shalt  }
0x50: {  	_ =	shalt  }
0x51: {  	_ =	shalt  }
0x52: {  	_ =	shalt  }
0x53: {  	_ =	shalt  }
0x54: {  	_ =	shalt  }
0x55: {  	_ =	shalt  }
0x56: {  	_ =	shalt  }
0x57: {  	_ =	shalt  }
0x58: {  	_ =	shalt  }
0x59: {  	_ =	shalt  }
0x5a: {  	_ =	shalt  }
0x5b: {  	_ =	shalt  }
0x5c: {  	_ =	shalt  }
0x5d: {  	_ =	shalt  }
0x5e: {  	_ =	shalt  }
0x5f: {  	_ =	shalt  }
0x60: {  	_ =	shalt  }
0x61: {  	_ =	shalt  }
0x62: {  	_ =	shalt  }
0x63: {  	_ =	shalt  }
0x64: {  	_ =	shalt  }
0x65: {  	_ =	shalt  }
0x66: {  	_ =	shalt  }
0x67: {  	_ =	shalt  }
0x68: {  	_ =	shalt  }
0x69: {  	_ =	shalt  }
0x6a: {  	_ =	shalt  }
0x6b: {  	_ =	shalt  }
0x6c: {  	_ =	shalt  }
0x6d: {  	_ =	shalt  }
0x6e: {  	_ =	shalt  }
0x6f: {  	_ =	shalt  }
0x70: {  	_ =	shalt  }
0x71: {  	_ =	shalt  }
0x72: {  	_ =	shalt  }
0x73: {  	_ =	shalt  }
0x74: {  	_ =	shalt  }
0x75: {  	_ =	shalt  }
0x76: {  	_ =	shalt  }
0x77: {  	_ =	shalt  }
0x78: {  	_ =	shalt  }
0x79: {  	_ =	shalt  }
0x7a: {  	_ =	shalt  }
0x7b: {  	_ =	shalt  }
0x7c: {  	_ =	shalt  }
0x7d: {  	_ =	shalt  }
0x7e: {  	_ =	shalt  }
0x7f: {  	_ =	shalt  }
0x80: {  	_ =	shalt  }
0x81: {  	_ =	shalt  }
0x82: {  	_ =	shalt  }
0x83: {  	_ =	shalt  }
0x84: {  	_ =	shalt  }
0x85: {  	_ =	shalt  }
0x86: {  	_ =	shalt  }
0x87: {  	_ =	shalt  }
.Lfunc_end0:
.L_simem_size_0:
called_computation.2_lowered:
.L_overlay_start_0:
0x88: {  	s2 =	sld [smem:$0x3FD9]  }
0x89: {  	s3 =	sld [smem:$0x3FFE];
	_ =	sdelay $0x1  }
0x8a: {  	s1 =	srdreg.scid  }
0x8b: {  	s0 =	sand.u32 $0x1, s1  }
0x8c: {  	s16 =	sshll.u32 s0, $0xA;
	s2 =	sadd.s32 s3, s2  }
0x8d: {  	s2 =	sadd.s32 s2, s16  }
0x8e: {  	[smem:$0x3FB7] =	sst s2  }
0x8f: {  	_ = 	snop  }
0x90: {  	(tm) =	ssettm $0x1  }
0x91: {  	s17 =	sld [smem:$0x3FFB];
	_ =	sdelay $0x3  }
0x92: {  	_ =	strace s17  }
0x93: {  	s2 =	sld [smem:$0x3FFC];
	_ =	sdelay $0x3  }
0x94: {  	_ =	strace s2  }
0x95: {  	s2 =	sld [smem:$0x3FFD];
	_ =	sdelay $0x3  }
0x96: {  	_ =	strace s2  }
0x97: {  	_ =	strace $0x8FFFFFFF  }
0x98: {  	s18 =	sld [smem:$0x3FDB];
	_ =	sdelay $0x1  }
0x99: {  	s19 =	simm.s32 $_scs_section_size  }
0x9a: {  	s4 =	simm.s32 $_size__tile_overlayer_lowered;
	s5 =	simm.s32 $_tile_overlayer_lowered  }
0x9b: {  	s22 =	simm.s32 $0x1BFF;
	s21 =	sshll.u32 s5, $0x1;
	s2 =	sadd.s32 s19, s18  }
0x9c: {  	s6 =	simm.s32 $0x0;
	s20 =	sshll.u32 s4, $0x1;
	s4 =	sadd.s32 s21, s2  }
0x9d: {  	[timem:s6], [sflag:s22] =	dma.local [hbm:s4], s20  }
0x9e: {  	_ =	swait.ge [sflag:s22], s20  }
0x9f: {  	s3 =	ssub.s32 $0x0, s20;
	[sflag:s22] =	ssyncset.done $0x0  }
0xa0: {  	[sflag:s22] =	ssyncadd.s32 s3;
	_ =	sdelay $0x1  }
0xa1: {  	s23 =	simm.s32 $0x1B8B  }
0xa2: {  	_ =	swait.ge [sflag:s23], $0x1  }
0xa3: {  	[sflag:s23] =	ssyncset.done $0x0  }
0xa4: {  	s25 =	simm.s32 $0x1B8E;
	s24 =	sld [smem:$0x3FFE];
	[sflag:s23] =	ssyncadd.s32 $0xFFFFFFFF  }
0xa5: {  	s26 =	simm.s32 $execute0_lowered;
	[smem:$0x3FD2] =	sst s25  }
0xa6: {  	s4 =	sshll.u32 s26, $0x1;
	_ =	strace $0x80000046;
	[dreg:$0x1] =	wrdreg $0xFFFFFFFF  }
0xa7: {  	s28 =	simm.s32 $_size_execute0_lowered;
	s2 =	sadd.s32 s2, s4;
	[dreg:$0x0] =	wrdreg $0x0  }
0xa8: {  	s4 =	sshll.u32 s28, $0x1;
	[dreg:$0x2] =	wrdreg s2  }
0xa9: {  	[dreg:$0x3] =	wrdreg s4  }
0xaa: {  	[dreg:$0x4] =	wrdreg $0xC0  }
0xab: {  	_ =	task [dreg:s6], $0x5FFFF  }
0xac: {  	[dreg:$0x1] =	wrdreg $0xFFFFFFFF  }
0xad: {  	[dreg:$0x0] =	wrdreg $0x60  }
0xae: {  	[dreg:$0x2] =	wrdreg s24  }
0xaf: {  	[dreg:$0x3] =	wrdreg $0x9  }
0xb0: {  	_ =	task.clear_ibuf [dreg:s6], $0x4FFFF;
	_ =	strace $0x90000046  }
0xb1: {  	s29 =	simm.s32 $0x9;
	_ =	strace $0x80000048  }
0xb2: {  	_ =	swait.ge [sflag:s29], $0x1  }
0xb3: {  	[sflag:s29] =	ssyncadd.s32 $0xFFFFFFFF  }
0xb4: {  	_ =	strace $0x90000048  }
0xb5: {  	_ =	sfence  }
0xb6: {  	s30 =	sld [smem:$0x0];
	_ =	sdelay $0x2  }
0xb7: {  	s31 =	sshll.u32 s1, $0xD;
	s1 =	sshrl.u32 s1, $0x2  }
0xb8: {  	s3 =	sand.u32 $0x4000, s31;
	s1 =	sadd.s32 s1, s30  }
0xb9: {  	s0 =	sor.u32 s3, s0;
	s1 =	sshll.u32 s1, $0x11  }
0xba: {  	s0 =	sor.u32 s1, s0  }
0xbb: {  	s0 =	sadd.s32 $0x8F2B, s0  }
0xbc: {  	[sflag:s0] =	ssyncadd.remote.s32 $0x1  }
0xbd: {  	_ =	sfence.sel $0xFFFF  }
0xbe: {  	[dreg:$0x0] =	wrdreg $0xFFFFFFFF;
	(pc) =	sbr.abs _section_cstart, $3  }
0xbf: {  	[dreg:$0x1] =	wrdreg $0xFFFFFFFF  }
0xc0: {  	_ =	task.clear_ibuf [dreg:s6], $0x2FFFF;
	_ =	strace $0x9FFFFFFF  }
0xc1: {  	(tm) =	ssettm $0x7FFFFFFF  }
tec
execute0_lowered:
.L_overlay_start_1:
0x0: {  	(tag) =	ssettag $0x1  }
0x1: {  	s8 =	rddreg [dreg:$0x0]  }
0x2: {  	s0 =	rddreg [dreg:$0x1];
	_ =	strace $0x80000047;
	s1 =	stileid.u32  }
0x3: {  	s3 =	srdreg.scid;
	s4 =	simm.s32 $0x1;
	s7 =	simm.s32 $0x1  }
0x4: {  	s9 =	simm.s32 $0x1;
	s10 =	simm.s32 $0x3;
	s13 =	simm.s32 $0x0  }
0x5: {  	s12 =	simm.s32 $0x0;
	s5 =	sand.u32 $0x1, s3;
	s6 =	sshll.u32 s1, $0x1  }
0x6: {  	s2 =	sadd.s32 $0xAC00, s8;
	s3 =	sadd.s32 $0xFC00, s8;
	s5 =	sor.u32 s6, s5  }
.Ltmp0:
0x7: {  	[sflag:s4] =	ssyncpa.u1 $0x0;
	p0 =	slt.u32 s5, $0x9;
	(pc) =	sbr.rel .LBB2_1-.Ltmp0, $4  }
0x8: {  	s6 =	simm.s32 $0x2;
	s7 =	simm.s32 @!p0 $0x0;
	p0 =	sne.s32 s5, $0x8  }
0x9: {  	[sflag:s6] =	ssyncpa.u1 $0x0;
	s5 =	smul.u32 $0xFA0, s5;
	s9 =	simm.s32 @!p0 $0x0  }
0xa: {  	s8 =	sadd.s32 $0x14C00, s8;
	[sflag:s10] =	ssyncpa.u1 $0x0;
	s7 =	sadd.s32 s9, s7  }
0xb: {  	vm0 =	vmmov $0xffff;
	s10 =	simm.s32 $0x0;
	s11 =	smov.u32 s5;
	s9 =	sadd.s32 $0x1, s7  }
.LBB2_4:
0xc: {  	v2 =	vnsel vm1, $0x0, v2  }
0xd: {  	vm1 =	vgt.s32 v0, $0x0;
	v2 =	vmin.u32 v2, $0x270FF  }
0xe: {  	v0 =	vnsel vm1, $0x0, v0  }
0xf: {  	v0 =	vmin.u32 v0, $0x270FF  }
0x10: {  	[tilespmem:s18], [sflag:$0x1] =	stream.indirect_vreg.gather [hbm4b:s2+s10], $0x1, v1, vm0, $0x4038;
	[tilespmem:$0x3E80] =	vst v63  }
0x11: {  	(ifvalue) =	ssetifvalue $0x7FFFFFFF  }
0x12: {  	[tilespmem:s15], [sflag:$0x1] =	stream.indirect_vreg.gather [hbm4b:s2+s10], $0x1, v2, vm0, $0x4038;
	[tilespmem:$0x3E80] =	vst v63  }
0x13: {  	s29 =	sadd.s32 $0x10, s15;
	(ifvalue) =	ssetifvalue $0x7FFFFFFF  }
0x14: {  	[tilespmem:s29], [sflag:$0x1] =	stream.indirect_vreg.gather [hbm4b:s2+s10], $0x1, v0, vm0, $0x4038;
	[tilespmem:$0x3E80] =	vst v63  }
0x15: {  	_ =	swait.ge [sflag:s4], $0xFA0  }
0x16: {  	s30 =	sshrl.u32 s13, $0x3;
	[sflag:s4] =	ssyncset.done $0x0  }
0x17: {  	s31 =	sand.u32 $0x7, s13;
	s15 =	sadd.s32 s8, s30;
	[sflag:s4] =	ssyncadd.s32 $0xFFFFF060  }
0x18: {  	[hbm4b:s15+s31] =	stream.linear.scatter [tilespmem:s14], [sflag:$0x3], $0xFA0, $0x38;
	[tilespmem:$0x3E80] =	vst v63  }
.LBB2_5:
0x19: {  	s15 =	sadd.s32 $0x1F400, s11  }
0x1a: {  	p1 =	sgt.s32 s15, $0x270FF  }
0x1b: {  	s15 =	smov.u32 @p1 s5;
	p1 =	sne.s32 s12, s9  }
.Ltmp1:
0x1c: {  	p0 =	slt.u32 s12, $0x2;
	(pc) =	sbr.rel @!p1 .LBB2_6-.Ltmp1, $4  }
0x1d: {  	s14 =	simm.s32 @!p0 $0x3  }
0x1e: {  	_ =	swait.ge @!p0 [sflag:s14], $0xFA0  }
0x1f: {  	s16 =	sadd.s32 $0x1, s12;
	s13 =	smov.u32 s11;
	[sflag:s14] =	ssyncset.done @!p0 $0x0  }
0x20: {  	s12 =	smov.u32 s16;
	s11 =	smov.u32 s15;
	[sflag:s14] =	ssyncadd.s32 @!p0 $0xFFFFF060  }
.LBB2_1:
0x21: {  	p0 =	sge.u32 s12, s7  }
0x22: {  	s14 =	sxor.u32 @!p0 $0x1, s12  }
0x23: {  	s14 =	smul.u32 @!p0 $0x3E80, s14  }
0x24: {  	s31 =	sadd.s32 $0xFFFFFFFF, s12;
	s15 =	sshrl.u32 @!p0 s11, $0x3  }
0x25: {  	s16 =	sand.u32 @!p0 $0x7, s11;
	s15 =	sadd.s32 @!p0 s3, s15;
	s14 =	sshra.s32 @!p0 s14, $0x2  }
0x26: {  	[tilespmem:s14], [sflag:$0x2] =	stream.linear.gather @!p0 [hbm4b:s15+s16], $0xFA0, $0x38;
	[tilespmem:$0x3E80] =	vst v63  }
0x27: {  	p0 =	sge.u32 s31, s7  }
.Ltmp2:
0x28: {  	_ = 	snop;
	(pc) =	sbr.rel @p0 .LBB2_5-.Ltmp2, $1  }
0x29: {  	_ =	sdelay $0x3  }
0x2a: {  	s14 =	sand.u32 $0x1, s12  }
0x2b: {  	_ =	swait.ge [sflag:s6], $0xFA0;
	p0 =	seq.s32 s14, $0x1;
	s14 =	simm.s32 $0xFA0  }
0x2c: {  	[sflag:s6] =	ssyncset.done $0x0;
	s14 =	simm.s32 @!p0 $0x0  }
0x2d: {  	[sflag:s6] =	ssyncadd.s32 $0xFFFFF060;
	(ifvalue) =	ssetifvalue $0x7FFFFFFF;
	v0 =	vld.msk [tilespmem:s14+$0x0 ss:$0x1], $0xffff;
	_ =	sdelay $0x4  }
0x2e: {  	s15 =	sadd.s32 $0x10, s14;
	vm1 =	vgt.s32 v0, $0x0  }
0x2f: {  	v2 =	vld.msk [tilespmem:s15+$0x0 ss:$0x1], $0xffff;
	v1 =	vnsel vm1, $0x0, v0  }
0x30: {  	v1 =	vmin.u32 v1, $0x270FF;
	_ =	sdelay $0x2  }
0x31: {  	s17 =	simm.s32 $0x20;
	s14 =	sadd.s32 $0x1F40, s14;
	s16 =	sadd.s32 $0x10, s15  }
0x32: {  	s15 =	sadd.s32 $0x10, s14;
	s18 =	smov.u32 s14;
	v0 =	vld.msk [tilespmem:s16+$0x0 ss:$0x1], $0xffff;
	vm1 =	vgt.s32 v2, $0x0;
	(ifvalue) =	ssetifvalue $0x7FFFFFFF  }
.LBB2_3:
0x33: {  	[tilespmem:s18], [sflag:$0x1] =	stream.indirect_vreg.gather [hbm4b:s2+s10], $0x1, v1, vm0, $0x4038;
	[tilespmem:$0x3E80] =	vst v63  }
0x34: {  	s17 =	sadd.s32 $0x10, s17  }
0x35: {  	v2 =	vnsel vm1, $0x0, v2;
	p0 =	slt.u32 s17, $0xF90  }
.Ltmp3:
0x36: {  	s18 =	smov.u32 s15;
	v1 =	vmin.u32 v2, $0x270FF;
	(pc) =	sbr.rel @p0 .LBB2_3-.Ltmp3, $3  }
0x37: {  	_ =	sdelay $0x1  }
0x38: {  	s16 =	sadd.s32 $0x10, s16  }
0x39: {  	vm1 =	vgt.s32 v0, $0x0;
	s15 =	sadd.s32 $0x10, s15;
	v2 =	vmov v0;
	(ifvalue) =	ssetifvalue $0x7FFFFFFF;
	v0 =	vld.msk [tilespmem:s16+$0x0 ss:$0x1], $0xffff  }
.Ltmp4:
0x3a: {  	_ = 	snop;
	(pc) =	sbr.rel .LBB2_4-.Ltmp4, $1  }
0x3b: {  	_ =	sdelay $0x3  }
.LBB2_6:
0x3c: {  	_ =	sfence.sel $0x180000  }
0x3d: {  	s2 =	simm.s32 $0x2;
	[bflag:$0x0] =	sbarrier.arrive $0xFFFF  }
0x3e: {  	s30 =	simm.s32 $0x3;
	[sflag:s2] =	ssyncpa.u1 $0x1  }
0x3f: {  	s31 =	simm.s32 $0x1;
	[sflag:s30] =	ssyncpa.u1 $0x1  }
0x40: {  	[sflag:s31] =	ssyncpa.u1 $0x1  }
0x41: {  	p0 =	sne.s32 s1, $0x0;
	_ =	strace $0x90000047  }
0x42: {  	s0 =	sadd.s32 @!p0 $0x100000, s0;
	[bflag:$0x2] =	sbarrier.arrive $0xFFFF  }
0x43: {  	[sflag:s0] =	ssyncadd.tile.s32 @!p0 $0x1;
	_ =	shalt  }
.Lfunc_end2:
_tile_overlayer_lowered:
.L_overlay_start_2:
0x44: {  	(tag) =	ssettag $0x2  }
0x45: {  	s0 =	rddreg [dreg:$0x0];
	s2 =	stileid.u32  }
0x46: {  	s1 =	rddreg [dreg:$0x1];
	p0 =	sne.s32 s2, $0x0  }
0x47: {  	s3 =	rddreg [dreg:$0x2];
	[bflag:$0x3] =	sbarrier.arrive $0xFFFF;
	s2 =	simm.s32 @!p0 $0x1C01  }
0x48: {  	[timem:s3], [sflag:s2] =	dma.local @!p0 [hbm:s0], s1  }
0x49: {  	s0 =	simm.s32 @!p0 $0x1  }
0x4a: {  	_ =	swait.ge @!p0 [sflag:s0], s1  }
0x4b: {  	s1 =	ssub.s32 @!p0 $0x0, s1;
	[sflag:s0] =	ssyncset.done @!p0 $0x0  }
0x4c: {  	[sflag:s0] =	ssyncadd.s32 @!p0 s1  }
0x4d: {  	[bflag:$0x3] =	sbarrier.arrive $0xFFFF  }
0x4e: {  	_ =	shalt  }

// kernel: gather_offload_async_start
scs
__scs_entry_jumppad:
0x0: {  	(pc) =	sbr.rel $0x88, $3  }
0x1: {  	(tag) =	ssettag $0x0;
	lr =	simm.s32 $0x1  }
0x2: {  	[smem:$0x3F90] =	sst lr;
	_ =	strace $0xD0000000  }
0x3: {  	_ = 	snop  }
0x4: {  	_ = 	snop  }
0x5: {  	_ = 	snop  }
0x6: {  	_ = 	snop  }
0x7: {  	_ = 	snop  }
__scs_overlays_trampoline_lowered:
0x8: {  	[smem:$0x3F9F] =	sst s0  }
0x9: {  	[smem:$0x3FA0] =	sst s1  }
0xa: {  	[smem:$0x3FA1] =	sst s2  }
0xb: {  	[smem:$0x3FA2] =	sst s3  }
0xc: {  	[smem:$0x3FA3] =	sst s4  }
0xd: {  	[smem:$0x3FA4] =	sst s5  }
0xe: {  	[smem:$0x3FA5] =	sst s6  }
0xf: {  	[smem:$0x3FA6] =	sst s7  }
0x10: {  	[smem:$0x3FA7] =	sst s8  }
0x11: {  	[smem:$0x3FA8] =	sst s9;
	s0 =	simm.s32 @!p0 $0x0  }
0x12: {  	s1 =	sld [smem:$0x3F8E];
	s0 =	simm.s32 @p0 $0x1  }
0x13: {  	[smem:$0x3FA9] =	sst s0;
	s0 =	simm.s32 @!p1 $0x0  }
0x14: {  	s2 =	sld [smem:$0x3F8D];
	s0 =	simm.s32 @p1 $0x1  }
0x15: {  	[smem:$0x3FAA] =	sst s0;
	s0 =	simm.s32 @!p2 $0x0  }
0x16: {  	s3 =	sld [smem:$0x3FDB];
	s0 =	simm.s32 @p2 $0x1  }
0x17: {  	s4 =	simm.s32 $0x1BF5;
	[smem:$0x3FAC] =	sst s0  }
0x18: {  	s0 =	sld [smem:$0x3F8F];
	_ =	swait.ge [sflag:s4], $0x0  }
0x19: {  	s7 =	sld [smem:$0x3F90]  }
0x1a: {  	s8 =	sadd.s32 $0xFFFFE003, lr  }
0x1b: {  	s9 =	sadd.s32 $0xFFFFFEF7, lr;
	s5 =	simm.s32 $0xFFFFFFFF;
	p2 =	slt.u32 s8, $0xFFFFF086  }
0x1c: {  	p1 =	slt.u32 s9, $0xF7A;
	s5 =	simm.s32 @!p2 $0x0  }
0x1d: {  	s5 =	simm.s32 @p1 $0x1;
	p0 =	seq.s32 s7, s2  }
0x1e: {  	s7 =	smul.u32 @!p0 $0xF7A, s2;
	p2 =	seq.s32 @!p0 s5, $0x0  }
0x1f: {  	s9 =	smul.u32 $0xF7A, s1;
	s8 =	simm.s32 @!p0 $0x1BF5;
	p2 =	por !p2, p0  }
0x20: {  	[sflag:s8] =	ssyncset.s32 @!p0 $0xFFFFF086;
	s6 =	sadd.s32 @!p0 s3, s7;
	s7 =	simm.s32 @!p0 $0x108  }
0x21: {  	s3 =	sadd.s32 s3, s9;
	s6 =	sadd.s32 @!p0 $0x88, s6;
	s7 =	simm.s32 @p2 $0x1082  }
0x22: {  	[simem:s7], [sflag:s8] =	dma.local @!p0 [hbm:s6], $0xF7A  }
0x23: {  	s9 =	sor.u32 $0xD0000000, s2;
	s6 =	simm.s32 $0x108;
	_ =	swait.ge @!p0 [sflag:s8], $0x0  }
0x24: {  	s3 =	sadd.s32 $0x88, s3;
	s6 =	simm.s32 @!p1 $0x1082;
	[sflag:s4] =	ssyncset.s32 $0xFFFFF086  }
0x25: {  	[simem:s6], [sflag:s4] =	dma.local [hbm:s3], $0xF7A  }
0x26: {  	[smem:$0x3F90] =	sst s1;
	(tag) =	ssettag s2;
	_ =	strace s9  }
0x27: {  	s1 =	sld [smem:$0x3FA0]  }
0x28: {  	s2 =	sld [smem:$0x3FA1]  }
0x29: {  	s4 =	sld [smem:$0x3FA3]  }
0x2a: {  	p0 =	seq.s32 s5, $0x0;
	s5 =	sld [smem:$0x3FA4]  }
0x2b: {  	s6 =	sld [smem:$0x3FA5]  }
0x2c: {  	s7 =	sld [smem:$0x3FA6]  }
0x2d: {  	s3 =	simm.s32 $0x108;
	s8 =	sld [smem:$0x3FA7]  }
0x2e: {  	s3 =	simm.s32 @!p0 $0x1082;
	s9 =	sld [smem:$0x3FA8]  }
0x2f: {  	lr =	sadd.s32 s0, s3;
	s0 =	sld [smem:$0x3F9F]  }
0x30: {  	s3 =	sld [smem:$0x3FA2]  }
0x31: {  	[smem:$0x3FAB] =	sst s10  }
0x32: {  	s10 =	sld [smem:$0x3FA9];
	_ =	sdelay $0x3  }
0x33: {  	p0 =	seq.s32 s10, $0x1;
	s10 =	sld [smem:$0x3FAB];
	_ =	sdelay $0x3  }
0x34: {  	[smem:$0x3FAB] =	sst s10  }
0x35: {  	s10 =	sld [smem:$0x3FAA];
	_ =	sdelay $0x3  }
0x36: {  	p1 =	seq.s32 s10, $0x1;
	s10 =	sld [smem:$0x3FAB];
	_ =	sdelay $0x3  }
0x37: {  	[smem:$0x3FAB] =	sst s10  }
0x38: {  	s10 =	sld [smem:$0x3FAC]  }
0x39: {  	_ = 	snop;
	(pc) =	sbr.ind lr, $3  }
0x3a: {  	_ = 	snop  }
0x3b: {  	_ = 	snop  }
0x3c: {  	p2 =	seq.s32 s10, $0x1;
	s10 =	sld [smem:$0x3FAB]  }
0x3d: {  	_ =	shalt  }
0x3e: {  	_ =	shalt  }
0x3f: {  	_ =	shalt  }
0x40: {  	_ =	shalt  }
0x41: {  	_ =	shalt  }
0x42: {  	_ =	shalt  }
0x43: {  	_ =	shalt  }
0x44: {  	_ =	shalt  }
0x45: {  	_ =	shalt  }
0x46: {  	_ =	shalt  }
0x47: {  	_ =	shalt  }
0x48: {  	_ =	shalt  }
0x49: {  	_ =	shalt  }
0x4a: {  	_ =	shalt  }
0x4b: {  	_ =	shalt  }
0x4c: {  	_ =	shalt  }
0x4d: {  	_ =	shalt  }
0x4e: {  	_ =	shalt  }
0x4f: {  	_ =	shalt  }
0x50: {  	_ =	shalt  }
0x51: {  	_ =	shalt  }
0x52: {  	_ =	shalt  }
0x53: {  	_ =	shalt  }
0x54: {  	_ =	shalt  }
0x55: {  	_ =	shalt  }
0x56: {  	_ =	shalt  }
0x57: {  	_ =	shalt  }
0x58: {  	_ =	shalt  }
0x59: {  	_ =	shalt  }
0x5a: {  	_ =	shalt  }
0x5b: {  	_ =	shalt  }
0x5c: {  	_ =	shalt  }
0x5d: {  	_ =	shalt  }
0x5e: {  	_ =	shalt  }
0x5f: {  	_ =	shalt  }
0x60: {  	_ =	shalt  }
0x61: {  	_ =	shalt  }
0x62: {  	_ =	shalt  }
0x63: {  	_ =	shalt  }
0x64: {  	_ =	shalt  }
0x65: {  	_ =	shalt  }
0x66: {  	_ =	shalt  }
0x67: {  	_ =	shalt  }
0x68: {  	_ =	shalt  }
0x69: {  	_ =	shalt  }
0x6a: {  	_ =	shalt  }
0x6b: {  	_ =	shalt  }
0x6c: {  	_ =	shalt  }
0x6d: {  	_ =	shalt  }
0x6e: {  	_ =	shalt  }
0x6f: {  	_ =	shalt  }
0x70: {  	_ =	shalt  }
0x71: {  	_ =	shalt  }
0x72: {  	_ =	shalt  }
0x73: {  	_ =	shalt  }
0x74: {  	_ =	shalt  }
0x75: {  	_ =	shalt  }
0x76: {  	_ =	shalt  }
0x77: {  	_ =	shalt  }
0x78: {  	_ =	shalt  }
0x79: {  	_ =	shalt  }
0x7a: {  	_ =	shalt  }
0x7b: {  	_ =	shalt  }
0x7c: {  	_ =	shalt  }
0x7d: {  	_ =	shalt  }
0x7e: {  	_ =	shalt  }
0x7f: {  	_ =	shalt  }
0x80: {  	_ =	shalt  }
0x81: {  	_ =	shalt  }
0x82: {  	_ =	shalt  }
0x83: {  	_ =	shalt  }
0x84: {  	_ =	shalt  }
0x85: {  	_ =	shalt  }
0x86: {  	_ =	shalt  }
0x87: {  	_ =	shalt  }
.Lfunc_end0:
.L_simem_size_0:
called_computation_lowered:
.L_overlay_start_0:
0x88: {  	s2 =	sld [smem:$0x3FD9]  }
0x89: {  	s3 =	sld [smem:$0x3FFE];
	_ =	sdelay $0x1  }
0x8a: {  	s1 =	srdreg.scid  }
0x8b: {  	s0 =	sand.u32 $0x1, s1  }
0x8c: {  	s16 =	sshll.u32 s0, $0xA;
	s2 =	sadd.s32 s3, s2  }
0x8d: {  	s2 =	sadd.s32 s2, s16  }
0x8e: {  	[smem:$0x3FB7] =	sst s2  }
0x8f: {  	_ = 	snop  }
0x90: {  	(tm) =	ssettm $0x1  }
0x91: {  	s17 =	sld [smem:$0x3FFB];
	_ =	sdelay $0x3  }
0x92: {  	_ =	strace s17  }
0x93: {  	s2 =	sld [smem:$0x3FFC];
	_ =	sdelay $0x3  }
0x94: {  	_ =	strace s2  }
0x95: {  	s2 =	sld [smem:$0x3FFD];
	_ =	sdelay $0x3  }
0x96: {  	_ =	strace s2  }
0x97: {  	_ =	strace $0x8FFFFFFF  }
0x98: {  	s18 =	sld [smem:$0x3FDB];
	_ =	sdelay $0x1  }
0x99: {  	s19 =	simm.s32 $_scs_section_size  }
0x9a: {  	s4 =	simm.s32 $_size__tile_overlayer_lowered;
	s5 =	simm.s32 $_tile_overlayer_lowered  }
0x9b: {  	s22 =	simm.s32 $0x1BFF;
	s21 =	sshll.u32 s5, $0x1;
	s2 =	sadd.s32 s19, s18  }
0x9c: {  	s6 =	simm.s32 $0x0;
	s20 =	sshll.u32 s4, $0x1;
	s4 =	sadd.s32 s21, s2  }
0x9d: {  	[timem:s6], [sflag:s22] =	dma.local [hbm:s4], s20  }
0x9e: {  	_ =	swait.ge [sflag:s22], s20  }
0x9f: {  	s3 =	ssub.s32 $0x0, s20;
	[sflag:s22] =	ssyncset.done $0x0  }
0xa0: {  	[sflag:s22] =	ssyncadd.s32 s3;
	_ =	sdelay $0x1  }
0xa1: {  	s23 =	simm.s32 $0x1B8B  }
0xa2: {  	_ =	swait.ge [sflag:s23], $0x1  }
0xa3: {  	[sflag:s23] =	ssyncset.done $0x0  }
0xa4: {  	s25 =	simm.s32 $0x1B8E;
	s24 =	sld [smem:$0x3FFE];
	[sflag:s23] =	ssyncadd.s32 $0xFFFFFFFF  }
0xa5: {  	s26 =	simm.s32 $execute0_lowered;
	[smem:$0x3FD2] =	sst s25  }
0xa6: {  	s4 =	sshll.u32 s26, $0x1;
	_ =	strace $0x8000004C;
	[dreg:$0x1] =	wrdreg $0xFFFFFFFF  }
0xa7: {  	s28 =	simm.s32 $_size_execute0_lowered;
	s2 =	sadd.s32 s2, s4;
	[dreg:$0x0] =	wrdreg $0x0  }
0xa8: {  	s4 =	sshll.u32 s28, $0x1;
	[dreg:$0x2] =	wrdreg s2  }
0xa9: {  	[dreg:$0x3] =	wrdreg s4  }
0xaa: {  	[dreg:$0x4] =	wrdreg $0xC0  }
0xab: {  	_ =	task [dreg:s6], $0x5FFFF  }
0xac: {  	[dreg:$0x1] =	wrdreg $0xFFFFFFFF  }
0xad: {  	[dreg:$0x0] =	wrdreg $0x60  }
0xae: {  	[dreg:$0x2] =	wrdreg s24  }
0xaf: {  	[dreg:$0x3] =	wrdreg $0x9  }
0xb0: {  	_ =	task.clear_ibuf [dreg:s6], $0x4FFFF;
	_ =	strace $0x9000004C  }
0xb1: {  	s29 =	simm.s32 $0x9;
	_ =	strace $0x8000004E  }
0xb2: {  	_ =	swait.ge [sflag:s29], $0x1  }
0xb3: {  	[sflag:s29] =	ssyncadd.s32 $0xFFFFFFFF  }
0xb4: {  	_ =	strace $0x9000004E  }
0xb5: {  	_ =	sfence  }
0xb6: {  	s30 =	sld [smem:$0x0];
	_ =	sdelay $0x2  }
0xb7: {  	s31 =	sshll.u32 s1, $0xD;
	s1 =	sshrl.u32 s1, $0x2  }
0xb8: {  	s3 =	sand.u32 $0x4000, s31;
	s1 =	sadd.s32 s1, s30  }
0xb9: {  	s0 =	sor.u32 s3, s0;
	s1 =	sshll.u32 s1, $0x11  }
0xba: {  	s0 =	sor.u32 s1, s0  }
0xbb: {  	s0 =	sadd.s32 $0x8F2B, s0  }
0xbc: {  	[sflag:s0] =	ssyncadd.remote.s32 $0x1  }
0xbd: {  	_ =	sfence.sel $0xFFFF  }
0xbe: {  	[dreg:$0x0] =	wrdreg $0xFFFFFFFF;
	(pc) =	sbr.abs _section_cstart, $3  }
0xbf: {  	[dreg:$0x1] =	wrdreg $0xFFFFFFFF  }
0xc0: {  	_ =	task.clear_ibuf [dreg:s6], $0x2FFFF;
	_ =	strace $0x9FFFFFFF  }
0xc1: {  	(tm) =	ssettm $0x7FFFFFFF  }
tec
execute0_lowered:
.L_overlay_start_1:
0x0: {  	(tag) =	ssettag $0x1  }
0x1: {  	s8 =	rddreg [dreg:$0x0]  }
0x2: {  	s0 =	rddreg [dreg:$0x1];
	_ =	strace $0x8000004D;
	s1 =	stileid.u32  }
0x3: {  	s3 =	srdreg.scid;
	s4 =	simm.s32 $0x1;
	s7 =	simm.s32 $0x1  }
0x4: {  	s9 =	simm.s32 $0x1;
	s10 =	simm.s32 $0x3;
	s13 =	simm.s32 $0x0  }
0x5: {  	s12 =	simm.s32 $0x0;
	s5 =	sand.u32 $0x1, s3;
	s6 =	sshll.u32 s1, $0x1  }
0x6: {  	s2 =	sadd.s32 $0xC00, s8;
	s3 =	sadd.s32 $0xFC00, s8;
	s5 =	sor.u32 s6, s5  }
.Ltmp0:
0x7: {  	[sflag:s4] =	ssyncpa.u1 $0x0;
	p0 =	slt.u32 s5, $0x9;
	(pc) =	sbr.rel .LBB2_1-.Ltmp0, $4  }
0x8: {  	s6 =	simm.s32 $0x2;
	s7 =	simm.s32 @!p0 $0x0;
	p0 =	sne.s32 s5, $0x8  }
0x9: {  	[sflag:s6] =	ssyncpa.u1 $0x0;
	s5 =	smul.u32 $0xFA0, s5;
	s9 =	simm.s32 @!p0 $0x0  }
0xa: {  	s8 =	sadd.s32 $0x14C00, s8;
	[sflag:s10] =	ssyncpa.u1 $0x0;
	s7 =	sadd.s32 s9, s7  }
0xb: {  	vm0 =	vmmov $0xffff;
	s10 =	simm.s32 $0x0;
	s11 =	smov.u32 s5;
	s9 =	sadd.s32 $0x1, s7  }
.LBB2_4:
0xc: {  	v2 =	vnsel vm1, $0x0, v2  }
0xd: {  	vm1 =	vgt.s32 v0, $0x0;
	v2 =	vmin.u32 v2, $0x270FF  }
0xe: {  	v0 =	vnsel vm1, $0x0, v0  }
0xf: {  	v0 =	vmin.u32 v0, $0x270FF  }
0x10: {  	[tilespmem:s18], [sflag:$0x1] =	stream.indirect_vreg.gather [hbm4b:s2+s10], $0x1, v1, vm0, $0x4038;
	[tilespmem:$0x3E80] =	vst v63  }
0x11: {  	(ifvalue) =	ssetifvalue $0x7FFFFFFF  }
0x12: {  	[tilespmem:s15], [sflag:$0x1] =	stream.indirect_vreg.gather [hbm4b:s2+s10], $0x1, v2, vm0, $0x4038;
	[tilespmem:$0x3E80] =	vst v63  }
0x13: {  	s29 =	sadd.s32 $0x10, s15;
	(ifvalue) =	ssetifvalue $0x7FFFFFFF  }
0x14: {  	[tilespmem:s29], [sflag:$0x1] =	stream.indirect_vreg.gather [hbm4b:s2+s10], $0x1, v0, vm0, $0x4038;
	[tilespmem:$0x3E80] =	vst v63  }
0x15: {  	_ =	swait.ge [sflag:s4], $0xFA0  }
0x16: {  	s30 =	sshrl.u32 s13, $0x3;
	[sflag:s4] =	ssyncset.done $0x0  }
0x17: {  	s31 =	sand.u32 $0x7, s13;
	s15 =	sadd.s32 s8, s30;
	[sflag:s4] =	ssyncadd.s32 $0xFFFFF060  }
0x18: {  	[hbm4b:s15+s31] =	stream.linear.scatter [tilespmem:s14], [sflag:$0x3], $0xFA0, $0x38;
	[tilespmem:$0x3E80] =	vst v63  }
.LBB2_5:
0x19: {  	s15 =	sadd.s32 $0x1F400, s11  }
0x1a: {  	p1 =	sgt.s32 s15, $0x270FF  }
0x1b: {  	s15 =	smov.u32 @p1 s5;
	p1 =	sne.s32 s12, s9  }
.Ltmp1:
0x1c: {  	p0 =	slt.u32 s12, $0x2;
	(pc) =	sbr.rel @!p1 .LBB2_6-.Ltmp1, $4  }
0x1d: {  	s14 =	simm.s32 @!p0 $0x3  }
0x1e: {  	_ =	swait.ge @!p0 [sflag:s14], $0xFA0  }
0x1f: {  	s16 =	sadd.s32 $0x1, s12;
	s13 =	smov.u32 s11;
	[sflag:s14] =	ssyncset.done @!p0 $0x0  }
0x20: {  	s12 =	smov.u32 s16;
	s11 =	smov.u32 s15;
	[sflag:s14] =	ssyncadd.s32 @!p0 $0xFFFFF060  }
.LBB2_1:
0x21: {  	p0 =	sge.u32 s12, s7  }
0x22: {  	s14 =	sxor.u32 @!p0 $0x1, s12  }
0x23: {  	s14 =	smul.u32 @!p0 $0x3E80, s14  }
0x24: {  	s31 =	sadd.s32 $0xFFFFFFFF, s12;
	s15 =	sshrl.u32 @!p0 s11, $0x3  }
0x25: {  	s16 =	sand.u32 @!p0 $0x7, s11;
	s15 =	sadd.s32 @!p0 s3, s15;
	s14 =	sshra.s32 @!p0 s14, $0x2  }
0x26: {  	[tilespmem:s14], [sflag:$0x2] =	stream.linear.gather @!p0 [hbm4b:s15+s16], $0xFA0, $0x38;
	[tilespmem:$0x3E80] =	vst v63  }
0x27: {  	p0 =	sge.u32 s31, s7  }
.Ltmp2:
0x28: {  	_ = 	snop;
	(pc) =	sbr.rel @p0 .LBB2_5-.Ltmp2, $1  }
0x29: {  	_ =	sdelay $0x3  }
0x2a: {  	s14 =	sand.u32 $0x1, s12  }
0x2b: {  	_ =	swait.ge [sflag:s6], $0xFA0;
	p0 =	seq.s32 s14, $0x1;
	s14 =	simm.s32 $0xFA0  }
0x2c: {  	[sflag:s6] =	ssyncset.done $0x0;
	s14 =	simm.s32 @!p0 $0x0  }
0x2d: {  	[sflag:s6] =	ssyncadd.s32 $0xFFFFF060;
	(ifvalue) =	ssetifvalue $0x7FFFFFFF;
	v0 =	vld.msk [tilespmem:s14+$0x0 ss:$0x1], $0xffff;
	_ =	sdelay $0x4  }
0x2e: {  	s15 =	sadd.s32 $0x10, s14;
	vm1 =	vgt.s32 v0, $0x0  }
0x2f: {  	v2 =	vld.msk [tilespmem:s15+$0x0 ss:$0x1], $0xffff;
	v1 =	vnsel vm1, $0x0, v0  }
0x30: {  	v1 =	vmin.u32 v1, $0x270FF;
	_ =	sdelay $0x2  }
0x31: {  	s17 =	simm.s32 $0x20;
	s14 =	sadd.s32 $0x1F40, s14;
	s16 =	sadd.s32 $0x10, s15  }
0x32: {  	s15 =	sadd.s32 $0x10, s14;
	s18 =	smov.u32 s14;
	v0 =	vld.msk [tilespmem:s16+$0x0 ss:$0x1], $0xffff;
	vm1 =	vgt.s32 v2, $0x0;
	(ifvalue) =	ssetifvalue $0x7FFFFFFF  }
.LBB2_3:
0x33: {  	[tilespmem:s18], [sflag:$0x1] =	stream.indirect_vreg.gather [hbm4b:s2+s10], $0x1, v1, vm0, $0x4038;
	[tilespmem:$0x3E80] =	vst v63  }
0x34: {  	s17 =	sadd.s32 $0x10, s17  }
0x35: {  	v2 =	vnsel vm1, $0x0, v2;
	p0 =	slt.u32 s17, $0xF90  }
.Ltmp3:
0x36: {  	s18 =	smov.u32 s15;
	v1 =	vmin.u32 v2, $0x270FF;
	(pc) =	sbr.rel @p0 .LBB2_3-.Ltmp3, $3  }
0x37: {  	_ =	sdelay $0x1  }
0x38: {  	s16 =	sadd.s32 $0x10, s16  }
0x39: {  	vm1 =	vgt.s32 v0, $0x0;
	s15 =	sadd.s32 $0x10, s15;
	v2 =	vmov v0;
	(ifvalue) =	ssetifvalue $0x7FFFFFFF;
	v0 =	vld.msk [tilespmem:s16+$0x0 ss:$0x1], $0xffff  }
.Ltmp4:
0x3a: {  	_ = 	snop;
	(pc) =	sbr.rel .LBB2_4-.Ltmp4, $1  }
0x3b: {  	_ =	sdelay $0x3  }
.LBB2_6:
0x3c: {  	_ =	sfence.sel $0x180000  }
0x3d: {  	s2 =	simm.s32 $0x2;
	[bflag:$0x0] =	sbarrier.arrive $0xFFFF  }
0x3e: {  	s30 =	simm.s32 $0x3;
	[sflag:s2] =	ssyncpa.u1 $0x1  }
0x3f: {  	s31 =	simm.s32 $0x1;
	[sflag:s30] =	ssyncpa.u1 $0x1  }
0x40: {  	[sflag:s31] =	ssyncpa.u1 $0x1  }
0x41: {  	p0 =	sne.s32 s1, $0x0;
	_ =	strace $0x9000004D  }
0x42: {  	s0 =	sadd.s32 @!p0 $0x100000, s0;
	[bflag:$0x2] =	sbarrier.arrive $0xFFFF  }
0x43: {  	[sflag:s0] =	ssyncadd.tile.s32 @!p0 $0x1;
	_ =	shalt  }
.Lfunc_end2:
_tile_overlayer_lowered:
.L_overlay_start_2:
0x44: {  	(tag) =	ssettag $0x2  }
0x45: {  	s0 =	rddreg [dreg:$0x0];
	s2 =	stileid.u32  }
0x46: {  	s1 =	rddreg [dreg:$0x1];
	p0 =	sne.s32 s2, $0x0  }
0x47: {  	s3 =	rddreg [dreg:$0x2];
	[bflag:$0x3] =	sbarrier.arrive $0xFFFF;
	s2 =	simm.s32 @!p0 $0x1C01  }
0x48: {  	[timem:s3], [sflag:s2] =	dma.local @!p0 [hbm:s0], s1  }
0x49: {  	s0 =	simm.s32 @!p0 $0x1  }
0x4a: {  	_ =	swait.ge @!p0 [sflag:s0], s1  }
0x4b: {  	s1 =	ssub.s32 @!p0 $0x0, s1;
	[sflag:s0] =	ssyncset.done @!p0 $0x0  }
0x4c: {  	[sflag:s0] =	ssyncadd.s32 @!p0 s1  }
0x4d: {  	[bflag:$0x3] =	sbarrier.arrive $0xFFFF  }
0x4e: {  	_ =	shalt  }

// kernel: kernel.11.cloned.1.call-start
scs
__scs_entry_jumppad:
0x0: {  	(pc) =	sbr.rel $0x88, $3  }
0x1: {  	(tag) =	ssettag $0x0;
	lr =	simm.s32 $0x1  }
0x2: {  	[smem:$0x3F90] =	sst lr;
	_ =	strace $0xD0000000  }
0x3: {  	_ = 	snop  }
0x4: {  	_ = 	snop  }
0x5: {  	_ = 	snop  }
0x6: {  	_ = 	snop  }
0x7: {  	_ = 	snop  }
__scs_overlays_trampoline_lowered:
0x8: {  	[smem:$0x3F9F] =	sst s0  }
0x9: {  	[smem:$0x3FA0] =	sst s1  }
0xa: {  	[smem:$0x3FA1] =	sst s2  }
0xb: {  	[smem:$0x3FA2] =	sst s3  }
0xc: {  	[smem:$0x3FA3] =	sst s4  }
0xd: {  	[smem:$0x3FA4] =	sst s5  }
0xe: {  	[smem:$0x3FA5] =	sst s6  }
0xf: {  	[smem:$0x3FA6] =	sst s7  }
0x10: {  	[smem:$0x3FA7] =	sst s8  }
0x11: {  	[smem:$0x3FA8] =	sst s9;
	s0 =	simm.s32 @!p0 $0x0  }
0x12: {  	s1 =	sld [smem:$0x3F8E];
	s0 =	simm.s32 @p0 $0x1  }
0x13: {  	[smem:$0x3FA9] =	sst s0;
	s0 =	simm.s32 @!p1 $0x0  }
0x14: {  	s2 =	sld [smem:$0x3F8D];
	s0 =	simm.s32 @p1 $0x1  }
0x15: {  	[smem:$0x3FAA] =	sst s0;
	s0 =	simm.s32 @!p2 $0x0  }
0x16: {  	s3 =	sld [smem:$0x3FDB];
	s0 =	simm.s32 @p2 $0x1  }
0x17: {  	s4 =	simm.s32 $0x1BF5;
	[smem:$0x3FAC] =	sst s0  }
0x18: {  	s0 =	sld [smem:$0x3F8F];
	_ =	swait.ge [sflag:s4], $0x0  }
0x19: {  	s7 =	sld [smem:$0x3F90]  }
0x1a: {  	s8 =	sadd.s32 $0xFFFFE003, lr  }
0x1b: {  	s9 =	sadd.s32 $0xFFFFFEF7, lr;
	s5 =	simm.s32 $0xFFFFFFFF;
	p2 =	slt.u32 s8, $0xFFFFF086  }
0x1c: {  	p1 =	slt.u32 s9, $0xF7A;
	s5 =	simm.s32 @!p2 $0x0  }
0x1d: {  	s5 =	simm.s32 @p1 $0x1;
	p0 =	seq.s32 s7, s2  }
0x1e: {  	s7 =	smul.u32 @!p0 $0xF7A, s2;
	p2 =	seq.s32 @!p0 s5, $0x0  }
0x1f: {  	s9 =	smul.u32 $0xF7A, s1;
	s8 =	simm.s32 @!p0 $0x1BF5;
	p2 =	por !p2, p0  }
0x20: {  	[sflag:s8] =	ssyncset.s32 @!p0 $0xFFFFF086;
	s6 =	sadd.s32 @!p0 s3, s7;
	s7 =	simm.s32 @!p0 $0x108  }
0x21: {  	s3 =	sadd.s32 s3, s9;
	s6 =	sadd.s32 @!p0 $0x88, s6;
	s7 =	simm.s32 @p2 $0x1082  }
0x22: {  	[simem:s7], [sflag:s8] =	dma.local @!p0 [hbm:s6], $0xF7A  }
0x23: {  	s9 =	sor.u32 $0xD0000000, s2;
	s6 =	simm.s32 $0x108;
	_ =	swait.ge @!p0 [sflag:s8], $0x0  }
0x24: {  	s3 =	sadd.s32 $0x88, s3;
	s6 =	simm.s32 @!p1 $0x1082;
	[sflag:s4] =	ssyncset.s32 $0xFFFFF086  }
0x25: {  	[simem:s6], [sflag:s4] =	dma.local [hbm:s3], $0xF7A  }
0x26: {  	[smem:$0x3F90] =	sst s1;
	(tag) =	ssettag s2;
	_ =	strace s9  }
0x27: {  	s1 =	sld [smem:$0x3FA0]  }
0x28: {  	s2 =	sld [smem:$0x3FA1]  }
0x29: {  	s4 =	sld [smem:$0x3FA3]  }
0x2a: {  	p0 =	seq.s32 s5, $0x0;
	s5 =	sld [smem:$0x3FA4]  }
0x2b: {  	s6 =	sld [smem:$0x3FA5]  }
0x2c: {  	s7 =	sld [smem:$0x3FA6]  }
0x2d: {  	s3 =	simm.s32 $0x108;
	s8 =	sld [smem:$0x3FA7]  }
0x2e: {  	s3 =	simm.s32 @!p0 $0x1082;
	s9 =	sld [smem:$0x3FA8]  }
0x2f: {  	lr =	sadd.s32 s0, s3;
	s0 =	sld [smem:$0x3F9F]  }
0x30: {  	s3 =	sld [smem:$0x3FA2]  }
0x31: {  	[smem:$0x3FAB] =	sst s10  }
0x32: {  	s10 =	sld [smem:$0x3FA9];
	_ =	sdelay $0x3  }
0x33: {  	p0 =	seq.s32 s10, $0x1;
	s10 =	sld [smem:$0x3FAB];
	_ =	sdelay $0x3  }
0x34: {  	[smem:$0x3FAB] =	sst s10  }
0x35: {  	s10 =	sld [smem:$0x3FAA];
	_ =	sdelay $0x3  }
0x36: {  	p1 =	seq.s32 s10, $0x1;
	s10 =	sld [smem:$0x3FAB];
	_ =	sdelay $0x3  }
0x37: {  	[smem:$0x3FAB] =	sst s10  }
0x38: {  	s10 =	sld [smem:$0x3FAC]  }
0x39: {  	_ = 	snop;
	(pc) =	sbr.ind lr, $3  }
0x3a: {  	_ = 	snop  }
0x3b: {  	_ = 	snop  }
0x3c: {  	p2 =	seq.s32 s10, $0x1;
	s10 =	sld [smem:$0x3FAB]  }
0x3d: {  	_ =	shalt  }
0x3e: {  	_ =	shalt  }
0x3f: {  	_ =	shalt  }
0x40: {  	_ =	shalt  }
0x41: {  	_ =	shalt  }
0x42: {  	_ =	shalt  }
0x43: {  	_ =	shalt  }
0x44: {  	_ =	shalt  }
0x45: {  	_ =	shalt  }
0x46: {  	_ =	shalt  }
0x47: {  	_ =	shalt  }
0x48: {  	_ =	shalt  }
0x49: {  	_ =	shalt  }
0x4a: {  	_ =	shalt  }
0x4b: {  	_ =	shalt  }
0x4c: {  	_ =	shalt  }
0x4d: {  	_ =	shalt  }
0x4e: {  	_ =	shalt  }
0x4f: {  	_ =	shalt  }
0x50: {  	_ =	shalt  }
0x51: {  	_ =	shalt  }
0x52: {  	_ =	shalt  }
0x53: {  	_ =	shalt  }
0x54: {  	_ =	shalt  }
0x55: {  	_ =	shalt  }
0x56: {  	_ =	shalt  }
0x57: {  	_ =	shalt  }
0x58: {  	_ =	shalt  }
0x59: {  	_ =	shalt  }
0x5a: {  	_ =	shalt  }
0x5b: {  	_ =	shalt  }
0x5c: {  	_ =	shalt  }
0x5d: {  	_ =	shalt  }
0x5e: {  	_ =	shalt  }
0x5f: {  	_ =	shalt  }
0x60: {  	_ =	shalt  }
0x61: {  	_ =	shalt  }
0x62: {  	_ =	shalt  }
0x63: {  	_ =	shalt  }
0x64: {  	_ =	shalt  }
0x65: {  	_ =	shalt  }
0x66: {  	_ =	shalt  }
0x67: {  	_ =	shalt  }
0x68: {  	_ =	shalt  }
0x69: {  	_ =	shalt  }
0x6a: {  	_ =	shalt  }
0x6b: {  	_ =	shalt  }
0x6c: {  	_ =	shalt  }
0x6d: {  	_ =	shalt  }
0x6e: {  	_ =	shalt  }
0x6f: {  	_ =	shalt  }
0x70: {  	_ =	shalt  }
0x71: {  	_ =	shalt  }
0x72: {  	_ =	shalt  }
0x73: {  	_ =	shalt  }
0x74: {  	_ =	shalt  }
0x75: {  	_ =	shalt  }
0x76: {  	_ =	shalt  }
0x77: {  	_ =	shalt  }
0x78: {  	_ =	shalt  }
0x79: {  	_ =	shalt  }
0x7a: {  	_ =	shalt  }
0x7b: {  	_ =	shalt  }
0x7c: {  	_ =	shalt  }
0x7d: {  	_ =	shalt  }
0x7e: {  	_ =	shalt  }
0x7f: {  	_ =	shalt  }
0x80: {  	_ =	shalt  }
0x81: {  	_ =	shalt  }
0x82: {  	_ =	shalt  }
0x83: {  	_ =	shalt  }
0x84: {  	_ =	shalt  }
0x85: {  	_ =	shalt  }
0x86: {  	_ =	shalt  }
0x87: {  	_ =	shalt  }
.Lfunc_end0:
.L_simem_size_0:
called_computation.3_lowered:
.L_overlay_start_0:
0x88: {  	s2 =	sld [smem:$0x3FD9]  }
0x89: {  	s3 =	sld [smem:$0x3FFE];
	_ =	sdelay $0x1  }
0x8a: {  	s1 =	srdreg.scid  }
0x8b: {  	s0 =	sand.u32 $0x1, s1  }
0x8c: {  	s17 =	sshll.u32 s0, $0xA;
	s2 =	sadd.s32 s3, s2  }
0x8d: {  	s2 =	sadd.s32 s2, s17  }
0x8e: {  	[smem:$0x3FB7] =	sst s2  }
0x8f: {  	_ = 	snop  }
0x90: {  	s2 =	sld [smem:$0x3FD0];
	(tm) =	ssettm $0x1  }
0x91: {  	s18 =	sld [smem:$0x3FFB];
	_ =	sdelay $0x3  }
0x92: {  	_ =	strace s18  }
0x93: {  	s3 =	sld [smem:$0x3FFC];
	_ =	sdelay $0x3  }
0x94: {  	_ =	strace s3  }
0x95: {  	s3 =	sld [smem:$0x3FFD];
	_ =	sdelay $0x3  }
0x96: {  	_ =	strace s3  }
0x97: {  	_ =	strace $0x8FFFFFFF  }
0x98: {  	s19 =	sld [smem:$0x3FDB];
	_ =	sdelay $0x1  }
0x99: {  	s4 =	simm.s32 $_scs_section_size  }
0x9a: {  	s5 =	simm.s32 $_size__tile_overlayer_lowered;
	s6 =	simm.s32 $_tile_overlayer_lowered  }
0x9b: {  	s22 =	simm.s32 $0x1BFF;
	s21 =	sshll.u32 s6, $0x1;
	s3 =	sadd.s32 s4, s19  }
0x9c: {  	s7 =	simm.s32 $0x0;
	s20 =	sshll.u32 s5, $0x1;
	s5 =	sadd.s32 s21, s3  }
0x9d: {  	[timem:s7], [sflag:s22] =	dma.local [hbm:s5], s20  }
0x9e: {  	_ =	swait.ge [sflag:s22], s20  }
0x9f: {  	s4 =	ssub.s32 $0x0, s20;
	[sflag:s22] =	ssyncset.done $0x0  }
0xa0: {  	[sflag:s22] =	ssyncadd.s32 s4;
	_ =	sdelay $0x1  }
0xa1: {  	s23 =	simm.s32 $0x1B8B  }
0xa2: {  	_ =	swait.ge [sflag:s23], $0x1  }
0xa3: {  	[sflag:s23] =	ssyncset.done $0x0  }
0xa4: {  	s25 =	simm.s32 $0x1B8E;
	s24 =	sld [smem:$0x3FFE];
	[sflag:s23] =	ssyncadd.s32 $0xFFFFFFFF  }
0xa5: {  	s26 =	simm.s32 $execute0_lowered;
	[smem:$0x3FD2] =	sst s25  }
0xa6: {  	s5 =	sshll.u32 s26, $0x1;
	_ =	strace $0x8000004F;
	[dreg:$0x1] =	wrdreg $0xFFFFFFFF  }
0xa7: {  	s28 =	simm.s32 $_size_execute0_lowered;
	s3 =	sadd.s32 s3, s5;
	[dreg:$0x0] =	wrdreg $0x0  }
0xa8: {  	s5 =	sshll.u32 s28, $0x1;
	[dreg:$0x2] =	wrdreg s3  }
0xa9: {  	[dreg:$0x3] =	wrdreg s5  }
0xaa: {  	[dreg:$0x4] =	wrdreg $0xC0  }
0xab: {  	_ =	task [dreg:s7], $0x5FFFF  }
0xac: {  	[dreg:$0x1] =	wrdreg $0xFFFFFFFF  }
0xad: {  	[dreg:$0x0] =	wrdreg $0x60  }
0xae: {  	[dreg:$0x2] =	wrdreg s2  }
0xaf: {  	[dreg:$0x3] =	wrdreg s24  }
0xb0: {  	[dreg:$0x4] =	wrdreg $0x9  }
0xb1: {  	_ =	task.clear_ibuf [dreg:s7], $0x5FFFF;
	_ =	strace $0x9000004F  }
0xb2: {  	s29 =	simm.s32 $0x9;
	_ =	strace $0x80000051  }
0xb3: {  	_ =	swait.ge [sflag:s29], $0x1  }
0xb4: {  	[sflag:s29] =	ssyncadd.s32 $0xFFFFFFFF  }
0xb5: {  	_ =	strace $0x90000051  }
0xb6: {  	_ =	sfence  }
0xb7: {  	s30 =	sld [smem:$0x0];
	_ =	sdelay $0x2  }
0xb8: {  	s31 =	sshll.u32 s1, $0xD;
	s1 =	sshrl.u32 s1, $0x2  }
0xb9: {  	s3 =	sand.u32 $0x4000, s31;
	s1 =	sadd.s32 s1, s30  }
0xba: {  	s0 =	sor.u32 s3, s0;
	s1 =	sshll.u32 s1, $0x11  }
0xbb: {  	s0 =	sor.u32 s1, s0  }
0xbc: {  	s0 =	sadd.s32 $0x8F2B, s0  }
0xbd: {  	[sflag:s0] =	ssyncadd.remote.s32 $0x1  }
0xbe: {  	_ =	sfence.sel $0xFFFF  }
0xbf: {  	[dreg:$0x0] =	wrdreg $0xFFFFFFFF;
	(pc) =	sbr.abs _section_cstart, $3  }
0xc0: {  	[dreg:$0x1] =	wrdreg $0xFFFFFFFF  }
0xc1: {  	_ =	task.clear_ibuf [dreg:s7], $0x2FFFF;
	_ =	strace $0x9FFFFFFF  }
0xc2: {  	(tm) =	ssettm $0x7FFFFFFF  }
0xc3: {  	_ =	shalt  }
tec
execute0_lowered:
.L_overlay_start_1:
0x0: {  	(tag) =	ssettag $0x1  }
0x1: {  	s2 =	rddreg [dreg:$0x0]  }
0x2: {  	s0 =	rddreg [dreg:$0x1];
	s1 =	srdreg.scid  }
0x3: {  	s3 =	stileid.u32;
	s8 =	simm.s32 $0x0;
	s11 =	simm.s32 $0x2  }
0x4: {  	s18 =	simm.s32 $0x16900;
	s19 =	simm.s32 $0x17100;
	s20 =	simm.s32 $0x17900  }
0x5: {  	s21 =	simm.s32 $0x18100;
	s22 =	simm.s32 $0x18900;
	s23 =	simm.s32 $0x19100  }
0x6: {  	s28 =	simm.s32 $0x1B100;
	s29 =	simm.s32 $0x1B900;
	s30 =	simm.s32 $0x1C100  }
0x7: {  	s31 =	simm.s32 $0x1;
	s1 =	sand.u32 $0x1, s1;
	s3 =	sshll.u32 s3, $0x1  }
0x8: {  	[smem:$0x7FF] =	sst s8;
	s4 =	sadd.s32 $0xB6200, s0;
	s5 =	sadd.s32 $0x19C00, s0  }
0x9: {  	s3 =	sor.u32 s1, s3;
	_ =	strace $0x80000050;
	s1 =	ssub.s32 $0x2, s1  }
0xa: {  	s6 =	smul.u32 $0x2800, s3;
	s7 =	sshll.u32 s3, $0x1;
	s24 =	sshrl.u32 s1, $0x1  }
.Ltmp0:
0xb: {  	s7 =	sadd.s32 s7, s0;
	s1 =	ssub.s32 s1, s24;
	(pc) =	sbr.rel .LBB2_1-.Ltmp0, $4  }
0xc: {  	s24 =	simm.s32 $0x19900;
	s0 =	sadd.s32 s6, s0;
	s25 =	sadd.s32 $0x400, s7  }
0xd: {  	v3 =	vlaneseq.u32;
	s6 =	smul.u32 $0x27180, s3;
	s26 =	smax.u32 s1, $0x1;
	[dreg:$0x3] =	wrdreg s25  }
0xe: {  	v0 =	vimm.f32 $0.0e+00;
	vm0 =	vmmov $0xffff;
	v2 =	vshrl.u32 v3, $0x3;
	s1 =	simm.s32 $0x0;
	s0 =	sadd.s32 $0x152800, s0;
	[dreg:$0x5] =	wrdreg s26  }
0xf: {  	v1 =	vand.u32 $0x7, v3;
	v3 =	vor.u32 $0x8, v3;
	v2 =	vmul.u32 $0x8, v2;
	s25 =	simm.s32 $0x1A100;
	s26 =	simm.s32 $0x1A900;
	[dreg:$0x4] =	wrdreg s0  }
.LBB2_40:
0x10: {  	s8 =	simm.s32 $0x0;
	s0 =	rddreg [dreg:$0x4]  }
0x11: {  	[hbm4b:s0+s8] =	stream.linear.scatter [tilespmem:s8], [sflag:$0x2], $0x14000, $0x38;
	[tilespmem:$0x1C980] =	vst v63  }
0x12: {  	_ =	swait.ge [sflag:s11], $0x14000  }
0x13: {  	s1 =	rddreg [dreg:$0x6]  }
0x14: {  	s17 =	rddreg [dreg:$0x5];
	s1 =	sadd.s32 $0x1, s1  }
0x15: {  	p0 =	sne.s32 s1, s17  }
.Ltmp1:
0x16: {  	_ = 	snop;
	(pc) =	sbr.rel @!p0 .LBB2_41-.Ltmp1, $3  }
0x17: {  	_ =	sdelay $0x1  }
0x18: {  	[sflag:s11] =	ssyncset.done $0x0  }
0x19: {  	[sflag:s11] =	ssyncadd.s32 $0xFFFEC000  }
.LBB2_1:
0x1a: {  	s0 =	sand.u32 $0x1F800, s8;
	s16 =	sand.u32 $0x380, s8  }
0x1b: {  	[dreg:$0x6] =	wrdreg s1;
	s1 =	sor.u32 s16, s0  }
0x1c: {  	[tilespmem:s1+$0x470] =	vst v0  }
0x1d: {  	[tilespmem:s1+$0x0] =	vst v0  }
0x1e: {  	[tilespmem:s1+$0x10] =	vst v0  }
0x1f: {  	[tilespmem:s1+$0x20] =	vst v0  }
0x20: {  	[tilespmem:s1+$0x30] =	vst v0  }
0x21: {  	[tilespmem:s1+$0x40] =	vst v0  }
0x22: {  	[tilespmem:s1+$0x50] =	vst v0  }
0x23: {  	[tilespmem:s1+$0x60] =	vst v0  }
0x24: {  	[tilespmem:s1+$0x70] =	vst v0  }
0x25: {  	[tilespmem:s1+$0x400] =	vst v0  }
0x26: {  	[tilespmem:s1+$0x410] =	vst v0  }
0x27: {  	[tilespmem:s1+$0x420] =	vst v0  }
0x28: {  	[tilespmem:s1+$0x430] =	vst v0  }
0x29: {  	s17 =	simm.s32 $0x100;
	s3 =	simm.s32 $0x80;
	[tilespmem:s1+$0x440] =	vst v0  }
0x2a: {  	s7 =	simm.s32 $0x200;
	s0 =	sand.u32 $0x1F800, s17;
	s8 =	sand.u32 $0x380, s3;
	[tilespmem:s1+$0x450] =	vst v0  }
.LBB2_2:
0x2b: {  	p0 =	sne.s32 s7, $0x14000;
	[tilespmem:s1+$0x460] =	vst v0;
	s1 =	sor.u32 s8, s0  }
0x2c: {  	[tilespmem:s1+$0x470] =	vst v0  }
0x2d: {  	[tilespmem:s1+$0x0] =	vst v0  }
0x2e: {  	[tilespmem:s1+$0x10] =	vst v0  }
0x2f: {  	[tilespmem:s1+$0x20] =	vst v0  }
0x30: {  	[tilespmem:s1+$0x30] =	vst v0  }
0x31: {  	[tilespmem:s1+$0x40] =	vst v0  }
0x32: {  	[tilespmem:s1+$0x50] =	vst v0  }
0x33: {  	[tilespmem:s1+$0x60] =	vst v0  }
0x34: {  	[tilespmem:s1+$0x70] =	vst v0  }
0x35: {  	[tilespmem:s1+$0x400] =	vst v0  }
.Ltmp2:
0x36: {  	[tilespmem:s1+$0x410] =	vst v0;
	(pc) =	sbr.rel @p0 .LBB2_2-.Ltmp2, $4  }
0x37: {  	[tilespmem:s1+$0x420] =	vst v0  }
0x38: {  	[tilespmem:s1+$0x430] =	vst v0  }
0x39: {  	s3 =	sadd.s32 $0x80, s3;
	[tilespmem:s1+$0x440] =	vst v0  }
0x3a: {  	s0 =	sand.u32 $0x1F800, s7;
	s7 =	sadd.s32 $0x100, s7;
	s8 =	sand.u32 $0x380, s3;
	[tilespmem:s1+$0x450] =	vst v0  }
0x3b: {  	s0 =	sor.u32 s8, s0;
	[tilespmem:s1+$0x460] =	vst v0  }
0x3c: {  	[tilespmem:s0+$0x470] =	vst v0  }
0x3d: {  	[tilespmem:s0+$0x0] =	vst v0  }
0x3e: {  	[tilespmem:s0+$0x10] =	vst v0  }
0x3f: {  	[tilespmem:s0+$0x20] =	vst v0  }
0x40: {  	[tilespmem:s0+$0x30] =	vst v0  }
0x41: {  	[tilespmem:s0+$0x40] =	vst v0  }
0x42: {  	[tilespmem:s0+$0x50] =	vst v0  }
0x43: {  	[tilespmem:s0+$0x60] =	vst v0  }
0x44: {  	[tilespmem:s0+$0x70] =	vst v0  }
0x45: {  	[tilespmem:s0+$0x400] =	vst v0  }
0x46: {  	[tilespmem:s0+$0x410] =	vst v0  }
0x47: {  	[tilespmem:s0+$0x420] =	vst v0  }
0x48: {  	[tilespmem:s0+$0x430] =	vst v0  }
0x49: {  	[tilespmem:s0+$0x440] =	vst v0  }
0x4a: {  	[tilespmem:s0+$0x450] =	vst v0  }
0x4b: {  	s1 =	simm.s32 $0x0;
	s17 =	rddreg [dreg:$0x3];
	s3 =	simm.s32 $0x1C900;
	[tilespmem:s0+$0x460] =	vst v0  }
0x4c: {  	[tilespmem:s3], [sflag:$0x2] =	stream.linear.gather [hbm4b:s17+s1], $0x10, $0x38;
	[tilespmem:$0x1C980] =	vst v63  }
0x4d: {  	_ =	swait.ge [sflag:s11], $0x10  }
0x4e: {  	[sflag:s11] =	ssyncset.done $0x0  }
0x4f: {  	[sflag:s11] =	ssyncadd.s32 $0xFFFFFFF0  }
0x50: {  	v4 =	vld [tilespmem:$0x1C900];
	_ =	sdelay $0x4  }
0x51: {  	(v2sf) =	vpush v4, $0x0;
	_ =	sdelay $0xa  }
.Ltmp3:
0x52: {  	_ = 	snop;
	(pc) =	sbr.rel .LBB2_4-.Ltmp3, $2  }
0x53: {  	_ =	sdelay $0x2  }
0x54: {  	s10 =	spop (v2sf)  }
.LBB2_39:
0x55: {  	s1 =	sadd.s32 $0x1, s1  }
0x56: {  	p0 =	sne.s32 s1, $0x4E3  }
.Ltmp4:
0x57: {  	_ = 	snop;
	(pc) =	sbr.rel @!p0 .LBB2_40-.Ltmp4, $1  }
0x58: {  	_ =	sdelay $0x3  }
.LBB2_4:
0x59: {  	s0 =	sshll.u32 s1, $0x7  }
0x5a: {  	p0 =	sge.s32 s0, s10  }
.Ltmp5:
0x5b: {  	_ = 	snop;
	(pc) =	sbr.rel @p0 .LBB2_39-.Ltmp5, $1  }
0x5c: {  	_ =	sdelay $0x3  }
0x5d: {  	s0 =	sadd.s32 s6, s0  }
0x5e: {  	s0 =	sshrl.u32 s0, $0x3  }
0x5f: {  	s7 =	simm.s32 $0x0;
	s8 =	simm.s32 $0x14800;
	s3 =	sadd.s32 s4, s0  }
0x60: {  	[tilespmem:s8], [sflag:$0x2] =	stream.linear.gather [hbm4b:s3+s7], $0x80, $0x38;
	[tilespmem:$0x1C980] =	vst v63  }
0x61: {  	_ =	swait.ge [sflag:s11], $0x80  }
0x62: {  	[sflag:s11] =	ssyncset.done $0x0  }
0x63: {  	s13 =	simm.s32 $0x14880;
	s0 =	sadd.s32 s5, s0;
	[sflag:s11] =	ssyncadd.s32 $0xFFFFFF80  }
0x64: {  	[tilespmem:s13], [sflag:$0x2] =	stream.linear.gather [hbm4b:s0+s7], $0x80, $0x38;
	[tilespmem:$0x1C980] =	vst v63  }
0x65: {  	_ =	swait.ge [sflag:s11], $0x80  }
0x66: {  	[sflag:s11] =	ssyncset.done $0x0  }
0x67: {  	[sflag:s11] =	ssyncadd.s32 $0xFFFFFF80  }
0x68: {  	v4 =	vld [tilespmem:$0x14800];
	_ =	sdelay $0x4  }
0x69: {  	v5 =	vshll.u32 v4, $0x1  }
0x6a: {  	v4 =	vand.u32 $0x7, v4;
	v5 =	vand.u32 $0xFFFFFFF0, v5  }
0x6b: {  	v4 =	vor.u32 v4, v5  }
0x6c: {  	v5 =	vperm.xlane v4, v1;
	_ =	sdelay $0x1  }
0x6d: {  	v4 =	vperm.xlane v4, v3;
	v5 =	vadd.s32 v2, v5;
	_ =	sdelay $0x1  }
0x6e: {  	v4 =	vadd.s32 v2, v4;
	_ =	sdelay $0x1  }
0x6f: {  	s14 =	simm.s32 $0x14900  }
0x70: {  	[tilespmem:s14], [sflag:$0x1] =	stream.indirect_vreg.gather [hbm4b:s2+s7], $0x80, v5, vm0, $0xb8;
	[tilespmem:$0x1C980] =	vst v63  }
0x71: {  	s15 =	simm.s32 $0x15100  }
0x72: {  	[tilespmem:s15], [sflag:$0x1] =	stream.indirect_vreg.gather [hbm4b:s2+s7], $0x80, v4, vm0, $0xb8;
	[tilespmem:$0x1C980] =	vst v63  }
0x73: {  	v4 =	vld [tilespmem:$0x14810];
	_ =	sdelay $0x4  }
0x74: {  	v5 =	vshll.u32 v4, $0x1  }
0x75: {  	v4 =	vand.u32 $0x7, v4;
	v5 =	vand.u32 $0xFFFFFFF0, v5  }
0x76: {  	v4 =	vor.u32 v4, v5  }
0x77: {  	v5 =	vperm.xlane v4, v1;
	_ =	sdelay $0x1  }
0x78: {  	v4 =	vperm.xlane v4, v3;
	v5 =	vadd.s32 v2, v5;
	_ =	sdelay $0x1  }
0x79: {  	v4 =	vadd.s32 v2, v4;
	_ =	sdelay $0x1  }
0x7a: {  	s16 =	simm.s32 $0x15900  }
0x7b: {  	[tilespmem:s16], [sflag:$0x1] =	stream.indirect_vreg.gather [hbm4b:s2+s7], $0x80, v5, vm0, $0xb8;
	[tilespmem:$0x1C980] =	vst v63  }
0x7c: {  	s17 =	simm.s32 $0x16100  }
0x7d: {  	[tilespmem:s17], [sflag:$0x1] =	stream.indirect_vreg.gather [hbm4b:s2+s7], $0x80, v4, vm0, $0xb8;
	[tilespmem:$0x1C980] =	vst v63  }
0x7e: {  	v4 =	vld [tilespmem:$0x14820];
	_ =	sdelay $0x4  }
0x7f: {  	v5 =	vshll.u32 v4, $0x1  }
0x80: {  	v4 =	vand.u32 $0x7, v4;
	v5 =	vand.u32 $0xFFFFFFF0, v5  }
0x81: {  	v4 =	vor.u32 v4, v5  }
0x82: {  	v5 =	vperm.xlane v4, v1;
	_ =	sdelay $0x1  }
0x83: {  	v4 =	vperm.xlane v4, v3;
	v5 =	vadd.s32 v2, v5;
	_ =	sdelay $0x1  }
0x84: {  	v4 =	vadd.s32 v2, v4;
	_ =	sdelay $0x2  }
0x85: {  	[tilespmem:s18], [sflag:$0x1] =	stream.indirect_vreg.gather [hbm4b:s2+s7], $0x80, v5, vm0, $0xb8;
	[tilespmem:$0x1C980] =	vst v63  }
0x86: {  	_ = 	snop  }
0x87: {  	[tilespmem:s19], [sflag:$0x1] =	stream.indirect_vreg.gather [hbm4b:s2+s7], $0x80, v4, vm0, $0xb8;
	[tilespmem:$0x1C980] =	vst v63  }
0x88: {  	v4 =	vld [tilespmem:$0x14830];
	_ =	sdelay $0x4  }
0x89: {  	v5 =	vshll.u32 v4, $0x1  }
0x8a: {  	v4 =	vand.u32 $0x7, v4;
	v5 =	vand.u32 $0xFFFFFFF0, v5  }
0x8b: {  	v4 =	vor.u32 v4, v5  }
0x8c: {  	v5 =	vperm.xlane v4, v1;
	_ =	sdelay $0x1  }
0x8d: {  	v4 =	vperm.xlane v4, v3;
	v5 =	vadd.s32 v2, v5;
	_ =	sdelay $0x1  }
0x8e: {  	v4 =	vadd.s32 v2, v4;
	_ =	sdelay $0x2  }
0x8f: {  	[tilespmem:s20], [sflag:$0x1] =	stream.indirect_vreg.gather [hbm4b:s2+s7], $0x80, v5, vm0, $0xb8;
	[tilespmem:$0x1C980] =	vst v63  }
0x90: {  	_ = 	snop  }
0x91: {  	[tilespmem:s21], [sflag:$0x1] =	stream.indirect_vreg.gather [hbm4b:s2+s7], $0x80, v4, vm0, $0xb8;
	[tilespmem:$0x1C980] =	vst v63  }
0x92: {  	v4 =	vld [tilespmem:$0x14840];
	_ =	sdelay $0x4  }
0x93: {  	v5 =	vshll.u32 v4, $0x1  }
0x94: {  	v4 =	vand.u32 $0x7, v4;
	v5 =	vand.u32 $0xFFFFFFF0, v5  }
0x95: {  	v4 =	vor.u32 v4, v5  }
0x96: {  	v5 =	vperm.xlane v4, v1;
	_ =	sdelay $0x1  }
0x97: {  	v4 =	vperm.xlane v4, v3;
	v5 =	vadd.s32 v2, v5;
	_ =	sdelay $0x1  }
0x98: {  	v4 =	vadd.s32 v2, v4;
	_ =	sdelay $0x2  }
0x99: {  	[tilespmem:s22], [sflag:$0x1] =	stream.indirect_vreg.gather [hbm4b:s2+s7], $0x80, v5, vm0, $0xb8;
	[tilespmem:$0x1C980] =	vst v63  }
0x9a: {  	_ = 	snop  }
0x9b: {  	[tilespmem:s23], [sflag:$0x1] =	stream.indirect_vreg.gather [hbm4b:s2+s7], $0x80, v4, vm0, $0xb8;
	[tilespmem:$0x1C980] =	vst v63  }
0x9c: {  	v4 =	vld [tilespmem:$0x14850];
	_ =	sdelay $0x4  }
0x9d: {  	v5 =	vshll.u32 v4, $0x1  }
0x9e: {  	v4 =	vand.u32 $0x7, v4;
	v5 =	vand.u32 $0xFFFFFFF0, v5  }
0x9f: {  	v4 =	vor.u32 v4, v5  }
0xa0: {  	v5 =	vperm.xlane v4, v1;
	_ =	sdelay $0x1  }
0xa1: {  	v4 =	vperm.xlane v4, v3;
	v5 =	vadd.s32 v2, v5;
	_ =	sdelay $0x1  }
0xa2: {  	v4 =	vadd.s32 v2, v4;
	_ =	sdelay $0x2  }
0xa3: {  	[tilespmem:s24], [sflag:$0x1] =	stream.indirect_vreg.gather [hbm4b:s2+s7], $0x80, v5, vm0, $0xb8;
	[tilespmem:$0x1C980] =	vst v63  }
0xa4: {  	_ = 	snop  }
0xa5: {  	[tilespmem:s25], [sflag:$0x1] =	stream.indirect_vreg.gather [hbm4b:s2+s7], $0x80, v4, vm0, $0xb8;
	[tilespmem:$0x1C980] =	vst v63  }
0xa6: {  	v4 =	vld [tilespmem:$0x14860];
	_ =	sdelay $0x4  }
0xa7: {  	v5 =	vshll.u32 v4, $0x1  }
0xa8: {  	v4 =	vand.u32 $0x7, v4;
	v5 =	vand.u32 $0xFFFFFFF0, v5  }
0xa9: {  	v4 =	vor.u32 v4, v5  }
0xaa: {  	v5 =	vperm.xlane v4, v1;
	_ =	sdelay $0x1  }
0xab: {  	v4 =	vperm.xlane v4, v3;
	v5 =	vadd.s32 v2, v5;
	_ =	sdelay $0x1  }
0xac: {  	v4 =	vadd.s32 v2, v4;
	_ =	sdelay $0x2  }
0xad: {  	[tilespmem:s26], [sflag:$0x1] =	stream.indirect_vreg.gather [hbm4b:s2+s7], $0x80, v5, vm0, $0xb8;
	[tilespmem:$0x1C980] =	vst v63  }
0xae: {  	_ = 	snop  }
0xaf: {  	[tilespmem:s28], [sflag:$0x1] =	stream.indirect_vreg.gather [hbm4b:s2+s7], $0x80, v4, vm0, $0xb8;
	[tilespmem:$0x1C980] =	vst v63  }
0xb0: {  	v4 =	vld [tilespmem:$0x14870];
	_ =	sdelay $0x4  }
0xb1: {  	v5 =	vshll.u32 v4, $0x1  }
0xb2: {  	v4 =	vand.u32 $0x7, v4;
	v5 =	vand.u32 $0xFFFFFFF0, v5  }
0xb3: {  	v4 =	vor.u32 v4, v5  }
0xb4: {  	v5 =	vperm.xlane v4, v1;
	_ =	sdelay $0x1  }
0xb5: {  	v4 =	vperm.xlane v4, v3;
	v5 =	vadd.s32 v2, v5;
	_ =	sdelay $0x1  }
0xb6: {  	v4 =	vadd.s32 v2, v4;
	_ =	sdelay $0x2  }
0xb7: {  	[tilespmem:s29], [sflag:$0x1] =	stream.indirect_vreg.gather [hbm4b:s2+s7], $0x80, v5, vm0, $0xb8;
	[tilespmem:$0x1C980] =	vst v63  }
0xb8: {  	_ = 	snop  }
0xb9: {  	[tilespmem:s30], [sflag:$0x1] =	stream.indirect_vreg.gather [hbm4b:s2+s7], $0x80, v4, vm0, $0xb8;
	[tilespmem:$0x1C980] =	vst v63  }
0xba: {  	_ =	swait.ge [sflag:s31], $0x8000  }
0xbb: {  	[sflag:s31] =	ssyncset.done $0x0  }
0xbc: {  	s8 =	simm.s32 $0x0;
	[sflag:s31] =	ssyncadd.s32 $0xFFFF8000  }
.LBB2_6:
0xbd: {  	s0 =	sshll.u32 s8, $0x4  }
0xbe: {  	s0 =	sand.u32 $0x3FFFFFF0, s0  }
0xbf: {  	v4 =	vld [tilespmem:s0+$0x14880];
	_ =	sdelay $0x4  }
0xc0: {  	(v2sf) =	vpush v4, $0x0;
	_ =	sdelay $0xe  }
0xc1: {  	s15 =	spop (v2sf)  }
0xc2: {  	s9 =	sshll.u32 s8, $0xC;
	s3 =	sshll.u32 s15, $0x8  }
0xc3: {  	s0 =	sshll.u32 s15, $0x7;
	s12 =	sand.u32 $0xFFFFF800, s3;
	s3 =	sand.u32 $0x3FFFF000, s9  }
0xc4: {  	s13 =	sand.u32 $0x400, s7;
	s0 =	sand.u32 $0x380, s0;
	s9 =	sadd.s32 $0x14900, s3  }
0xc5: {  	s16 =	sand.u32 $0x70, s7;
	s0 =	sor.u32 s0, s12;
	s14 =	sadd.s32 s13, s9  }
0xc6: {  	s13 =	sadd.s32 s13, s0;
	s14 =	sadd.s32 s16, s14  }
0xc7: {  	s12 =	sadd.s32 s16, s13;
	v5 =	vld [tilespmem:s14+$0x0]  }
0xc8: {  	v6 =	vld [tilespmem:s12+$0x0];
	_ =	sdelay $0x2  }
0xc9: {  	s13 =	simm.s32 $0x80  }
0xca: {  	s17 =	simm.s32 $0x10;
	s16 =	sand.u32 $0x400, s13  }
0xcb: {  	s15 =	sand.u32 $0x70, s17;
	s14 =	simm.s32 $0x20;
	s17 =	sadd.s32 s16, s9;
	v5 =	vmax.f32 v6, v5  }
.LBB2_7:
0xcc: {  	p0 =	sne.s32 s14, $0xF0;
	s16 =	sadd.s32 s16, s0;
	s17 =	sadd.s32 s15, s17;
	[tilespmem:s12+$0x0] =	vst v5  }
0xcd: {  	s12 =	sadd.s32 s15, s16;
	v5 =	vld [tilespmem:s17+$0x0]  }
0xce: {  	v6 =	vld [tilespmem:s12+$0x0]  }
.Ltmp6:
0xcf: {  	(pc) =	sbr.rel @p0 .LBB2_7-.Ltmp6, $4  }
0xd0: {  	_ = 	snop  }
0xd1: {  	s13 =	sadd.s32 $0x80, s13  }
0xd2: {  	s16 =	sand.u32 $0x400, s13  }
0xd3: {  	s15 =	sand.u32 $0x70, s14;
	s14 =	sadd.s32 $0x10, s14;
	s17 =	sadd.s32 s16, s9;
	v5 =	vmax.f32 v6, v5  }
0xd4: {  	(v2sf) =	vpush v4, $0x1;
	_ =	sdelay $0xa  }
0xd5: {  	s0 =	sadd.s32 s16, s0;
	s13 =	sadd.s32 s15, s17;
	[tilespmem:s12+$0x0] =	vst v5  }
0xd6: {  	s12 =	sadd.s32 s15, s0;
	v5 =	vld [tilespmem:s13+$0x0]  }
0xd7: {  	v6 =	vld [tilespmem:s12+$0x0];
	_ =	sdelay $0x1  }
0xd8: {  	s14 =	spop (v2sf)  }
0xd9: {  	s15 =	sshll.u32 s14, $0x8;
	s0 =	sshll.u32 s14, $0x7;
	s14 =	simm.s32 $0x0  }
0xda: {  	s13 =	sand.u32 $0xFFFFF800, s15;
	s0 =	sand.u32 $0x380, s0;
	s16 =	sand.u32 $0x400, s14  }
0xdb: {  	v5 =	vmax.f32 v6, v5;
	s0 =	sor.u32 s0, s13;
	s13 =	sand.u32 $0x70, s14;
	s17 =	sadd.s32 s16, s9  }
0xdc: {  	[tilespmem:s12+$0x0] =	vst v5;
	s16 =	sadd.s32 s16, s0;
	s14 =	sadd.s32 s13, s17  }
0xdd: {  	s12 =	sadd.s32 s13, s16;
	v5 =	vld [tilespmem:s14+$0x80]  }
0xde: {  	v6 =	vld [tilespmem:s12+$0x0];
	_ =	sdelay $0x2  }
0xdf: {  	s13 =	simm.s32 $0x80  }
0xe0: {  	s17 =	simm.s32 $0x10;
	s16 =	sand.u32 $0x400, s13  }
0xe1: {  	s15 =	sand.u32 $0x70, s17;
	s14 =	simm.s32 $0x20;
	s17 =	sadd.s32 s16, s9;
	v5 =	vmax.f32 v6, v5  }
.LBB2_9:
0xe2: {  	p0 =	sne.s32 s14, $0xF0;
	s16 =	sadd.s32 s16, s0;
	s17 =	sadd.s32 s15, s17;
	[tilespmem:s12+$0x0] =	vst v5  }
0xe3: {  	s12 =	sadd.s32 s15, s16;
	v5 =	vld [tilespmem:s17+$0x80]  }
0xe4: {  	v6 =	vld [tilespmem:s12+$0x0]  }
.Ltmp7:
0xe5: {  	(pc) =	sbr.rel @p0 .LBB2_9-.Ltmp7, $4  }
0xe6: {  	_ = 	snop  }
0xe7: {  	s13 =	sadd.s32 $0x80, s13  }
0xe8: {  	s16 =	sand.u32 $0x400, s13  }
0xe9: {  	s15 =	sand.u32 $0x70, s14;
	s14 =	sadd.s32 $0x10, s14;
	s17 =	sadd.s32 s16, s9;
	v5 =	vmax.f32 v6, v5  }
0xea: {  	(v2sf) =	vpush v4, $0x2;
	_ =	sdelay $0xa  }
0xeb: {  	s0 =	sadd.s32 s16, s0;
	s13 =	sadd.s32 s15, s17;
	[tilespmem:s12+$0x0] =	vst v5  }
0xec: {  	s12 =	sadd.s32 s15, s0;
	v5 =	vld [tilespmem:s13+$0x80]  }
0xed: {  	v6 =	vld [tilespmem:s12+$0x0];
	_ =	sdelay $0x1  }
0xee: {  	s14 =	spop (v2sf)  }
0xef: {  	s15 =	sshll.u32 s14, $0x8;
	s0 =	sshll.u32 s14, $0x7;
	s14 =	simm.s32 $0x0  }
0xf0: {  	s13 =	sand.u32 $0xFFFFF800, s15;
	s0 =	sand.u32 $0x380, s0;
	s16 =	sand.u32 $0x400, s14  }
0xf1: {  	v5 =	vmax.f32 v6, v5;
	s0 =	sor.u32 s0, s13;
	s13 =	sand.u32 $0x70, s14;
	s17 =	sadd.s32 s16, s9  }
0xf2: {  	[tilespmem:s12+$0x0] =	vst v5;
	s16 =	sadd.s32 s16, s0;
	s14 =	sadd.s32 s13, s17  }
0xf3: {  	s12 =	sadd.s32 s13, s16;
	v5 =	vld [tilespmem:s14+$0x100]  }
0xf4: {  	v6 =	vld [tilespmem:s12+$0x0];
	_ =	sdelay $0x2  }
0xf5: {  	s13 =	simm.s32 $0x80  }
0xf6: {  	s17 =	simm.s32 $0x10;
	s16 =	sand.u32 $0x400, s13  }
0xf7: {  	s15 =	sand.u32 $0x70, s17;
	s14 =	simm.s32 $0x20;
	s17 =	sadd.s32 s16, s9;
	v5 =	vmax.f32 v6, v5  }
.LBB2_11:
0xf8: {  	p0 =	sne.s32 s14, $0xF0;
	s16 =	sadd.s32 s16, s0;
	s17 =	sadd.s32 s15, s17;
	[tilespmem:s12+$0x0] =	vst v5  }
0xf9: {  	s12 =	sadd.s32 s15, s16;
	v5 =	vld [tilespmem:s17+$0x100]  }
0xfa: {  	v6 =	vld [tilespmem:s12+$0x0]  }
.Ltmp8:
0xfb: {  	(pc) =	sbr.rel @p0 .LBB2_11-.Ltmp8, $4  }
0xfc: {  	_ = 	snop  }
0xfd: {  	s13 =	sadd.s32 $0x80, s13  }
0xfe: {  	s16 =	sand.u32 $0x400, s13  }
0xff: {  	s15 =	sand.u32 $0x70, s14;
	s14 =	sadd.s32 $0x10, s14;
	s17 =	sadd.s32 s16, s9;
	v5 =	vmax.f32 v6, v5  }
0x100: {  	(v2sf) =	vpush v4, $0x3;
	_ =	sdelay $0xa  }
0x101: {  	s0 =	sadd.s32 s16, s0;
	s13 =	sadd.s32 s15, s17;
	[tilespmem:s12+$0x0] =	vst v5  }
0x102: {  	s12 =	sadd.s32 s15, s0;
	v5 =	vld [tilespmem:s13+$0x100]  }
0x103: {  	v6 =	vld [tilespmem:s12+$0x0];
	_ =	sdelay $0x1  }
0x104: {  	s14 =	spop (v2sf)  }
0x105: {  	s15 =	sshll.u32 s14, $0x8;
	s0 =	sshll.u32 s14, $0x7;
	s14 =	simm.s32 $0x0  }
0x106: {  	s13 =	sand.u32 $0xFFFFF800, s15;
	s0 =	sand.u32 $0x380, s0;
	s16 =	sand.u32 $0x400, s14  }
0x107: {  	v5 =	vmax.f32 v6, v5;
	s0 =	sor.u32 s0, s13;
	s13 =	sand.u32 $0x70, s14;
	s17 =	sadd.s32 s16, s9  }
0x108: {  	[tilespmem:s12+$0x0] =	vst v5;
	s16 =	sadd.s32 s16, s0;
	s14 =	sadd.s32 s13, s17  }
0x109: {  	s12 =	sadd.s32 s13, s16;
	v5 =	vld [tilespmem:s14+$0x180]  }
0x10a: {  	v6 =	vld [tilespmem:s12+$0x0];
	_ =	sdelay $0x2  }
0x10b: {  	s13 =	simm.s32 $0x80  }
0x10c: {  	s17 =	simm.s32 $0x10;
	s16 =	sand.u32 $0x400, s13  }
0x10d: {  	s15 =	sand.u32 $0x70, s17;
	s14 =	simm.s32 $0x20;
	s17 =	sadd.s32 s16, s9;
	v5 =	vmax.f32 v6, v5  }
.LBB2_13:
0x10e: {  	p0 =	sne.s32 s14, $0xF0;
	s16 =	sadd.s32 s16, s0;
	s17 =	sadd.s32 s15, s17;
	[tilespmem:s12+$0x0] =	vst v5  }
0x10f: {  	s12 =	sadd.s32 s15, s16;
	v5 =	vld [tilespmem:s17+$0x180]  }
0x110: {  	v6 =	vld [tilespmem:s12+$0x0]  }
.Ltmp9:
0x111: {  	(pc) =	sbr.rel @p0 .LBB2_13-.Ltmp9, $4  }
0x112: {  	_ = 	snop  }
0x113: {  	s13 =	sadd.s32 $0x80, s13  }
0x114: {  	s16 =	sand.u32 $0x400, s13  }
0x115: {  	s15 =	sand.u32 $0x70, s14;
	s14 =	sadd.s32 $0x10, s14;
	s17 =	sadd.s32 s16, s9;
	v5 =	vmax.f32 v6, v5  }
0x116: {  	(v2sf) =	vpush v4, $0x4;
	_ =	sdelay $0xa  }
0x117: {  	s0 =	sadd.s32 s16, s0;
	s13 =	sadd.s32 s15, s17;
	[tilespmem:s12+$0x0] =	vst v5  }
0x118: {  	s12 =	sadd.s32 s15, s0;
	v5 =	vld [tilespmem:s13+$0x180]  }
0x119: {  	v6 =	vld [tilespmem:s12+$0x0];
	_ =	sdelay $0x1  }
0x11a: {  	s14 =	spop (v2sf)  }
0x11b: {  	s15 =	sshll.u32 s14, $0x8;
	s0 =	sshll.u32 s14, $0x7;
	s14 =	simm.s32 $0x0  }
0x11c: {  	s13 =	sand.u32 $0xFFFFF800, s15;
	s0 =	sand.u32 $0x380, s0;
	s16 =	sand.u32 $0x400, s14  }
0x11d: {  	v5 =	vmax.f32 v6, v5;
	s0 =	sor.u32 s0, s13;
	s13 =	sand.u32 $0x70, s14;
	s17 =	sadd.s32 s16, s9  }
0x11e: {  	[tilespmem:s12+$0x0] =	vst v5;
	s16 =	sadd.s32 s16, s0;
	s14 =	sadd.s32 s13, s17  }
0x11f: {  	s12 =	sadd.s32 s13, s16;
	v5 =	vld [tilespmem:s14+$0x200]  }
0x120: {  	v6 =	vld [tilespmem:s12+$0x0];
	_ =	sdelay $0x2  }
0x121: {  	s13 =	simm.s32 $0x80  }
0x122: {  	s17 =	simm.s32 $0x10;
	s16 =	sand.u32 $0x400, s13  }
0x123: {  	s15 =	sand.u32 $0x70, s17;
	s14 =	simm.s32 $0x20;
	s17 =	sadd.s32 s16, s9;
	v5 =	vmax.f32 v6, v5  }
.LBB2_15:
0x124: {  	p0 =	sne.s32 s14, $0xF0;
	s16 =	sadd.s32 s16, s0;
	s17 =	sadd.s32 s15, s17;
	[tilespmem:s12+$0x0] =	vst v5  }
0x125: {  	s12 =	sadd.s32 s15, s16;
	v5 =	vld [tilespmem:s17+$0x200]  }
0x126: {  	v6 =	vld [tilespmem:s12+$0x0]  }
.Ltmp10:
0x127: {  	(pc) =	sbr.rel @p0 .LBB2_15-.Ltmp10, $4  }
0x128: {  	_ = 	snop  }
0x129: {  	s13 =	sadd.s32 $0x80, s13  }
0x12a: {  	s16 =	sand.u32 $0x400, s13  }
0x12b: {  	s15 =	sand.u32 $0x70, s14;
	s14 =	sadd.s32 $0x10, s14;
	s17 =	sadd.s32 s16, s9;
	v5 =	vmax.f32 v6, v5  }
0x12c: {  	(v2sf) =	vpush v4, $0x5;
	_ =	sdelay $0xa  }
0x12d: {  	s0 =	sadd.s32 s16, s0;
	s13 =	sadd.s32 s15, s17;
	[tilespmem:s12+$0x0] =	vst v5  }
0x12e: {  	s12 =	sadd.s32 s15, s0;
	v5 =	vld [tilespmem:s13+$0x200]  }
0x12f: {  	v6 =	vld [tilespmem:s12+$0x0];
	_ =	sdelay $0x1  }
0x130: {  	s14 =	spop (v2sf)  }
0x131: {  	s15 =	sshll.u32 s14, $0x8;
	s0 =	sshll.u32 s14, $0x7;
	s14 =	simm.s32 $0x0  }
0x132: {  	s13 =	sand.u32 $0xFFFFF800, s15;
	s0 =	sand.u32 $0x380, s0;
	s16 =	sand.u32 $0x400, s14  }
0x133: {  	v5 =	vmax.f32 v6, v5;
	s0 =	sor.u32 s0, s13;
	s13 =	sand.u32 $0x70, s14;
	s17 =	sadd.s32 s16, s9  }
0x134: {  	[tilespmem:s12+$0x0] =	vst v5;
	s16 =	sadd.s32 s16, s0;
	s14 =	sadd.s32 s13, s17  }
0x135: {  	s12 =	sadd.s32 s13, s16;
	v5 =	vld [tilespmem:s14+$0x280]  }
0x136: {  	v6 =	vld [tilespmem:s12+$0x0];
	_ =	sdelay $0x2  }
0x137: {  	s13 =	simm.s32 $0x80  }
0x138: {  	s17 =	simm.s32 $0x10;
	s16 =	sand.u32 $0x400, s13  }
0x139: {  	s15 =	sand.u32 $0x70, s17;
	s14 =	simm.s32 $0x20;
	s17 =	sadd.s32 s16, s9;
	v5 =	vmax.f32 v6, v5  }
.LBB2_17:
0x13a: {  	p0 =	sne.s32 s14, $0xF0;
	s16 =	sadd.s32 s16, s0;
	s17 =	sadd.s32 s15, s17;
	[tilespmem:s12+$0x0] =	vst v5  }
0x13b: {  	s12 =	sadd.s32 s15, s16;
	v5 =	vld [tilespmem:s17+$0x280]  }
0x13c: {  	v6 =	vld [tilespmem:s12+$0x0]  }
.Ltmp11:
0x13d: {  	(pc) =	sbr.rel @p0 .LBB2_17-.Ltmp11, $4  }
0x13e: {  	_ = 	snop  }
0x13f: {  	s13 =	sadd.s32 $0x80, s13  }
0x140: {  	s16 =	sand.u32 $0x400, s13  }
0x141: {  	s15 =	sand.u32 $0x70, s14;
	s14 =	sadd.s32 $0x10, s14;
	s17 =	sadd.s32 s16, s9;
	v5 =	vmax.f32 v6, v5  }
0x142: {  	(v2sf) =	vpush v4, $0x6;
	_ =	sdelay $0xa  }
0x143: {  	s0 =	sadd.s32 s16, s0;
	s13 =	sadd.s32 s15, s17;
	[tilespmem:s12+$0x0] =	vst v5  }
0x144: {  	s12 =	sadd.s32 s15, s0;
	v5 =	vld [tilespmem:s13+$0x280]  }
0x145: {  	v6 =	vld [tilespmem:s12+$0x0];
	_ =	sdelay $0x1  }
0x146: {  	s14 =	spop (v2sf)  }
0x147: {  	s15 =	sshll.u32 s14, $0x8;
	s0 =	sshll.u32 s14, $0x7;
	s14 =	simm.s32 $0x0  }
0x148: {  	s13 =	sand.u32 $0xFFFFF800, s15;
	s0 =	sand.u32 $0x380, s0;
	s16 =	sand.u32 $0x400, s14  }
0x149: {  	v5 =	vmax.f32 v6, v5;
	s0 =	sor.u32 s0, s13;
	s13 =	sand.u32 $0x70, s14;
	s17 =	sadd.s32 s16, s9  }
0x14a: {  	[tilespmem:s12+$0x0] =	vst v5;
	s16 =	sadd.s32 s16, s0;
	s14 =	sadd.s32 s13, s17  }
0x14b: {  	s12 =	sadd.s32 s13, s16;
	v5 =	vld [tilespmem:s14+$0x300]  }
0x14c: {  	v6 =	vld [tilespmem:s12+$0x0];
	_ =	sdelay $0x2  }
0x14d: {  	s13 =	simm.s32 $0x80  }
0x14e: {  	s17 =	simm.s32 $0x10;
	s16 =	sand.u32 $0x400, s13  }
0x14f: {  	s15 =	sand.u32 $0x70, s17;
	s14 =	simm.s32 $0x20;
	s17 =	sadd.s32 s16, s9;
	v5 =	vmax.f32 v6, v5  }
.LBB2_19:
0x150: {  	p0 =	sne.s32 s14, $0xF0;
	s16 =	sadd.s32 s16, s0;
	s17 =	sadd.s32 s15, s17;
	[tilespmem:s12+$0x0] =	vst v5  }
0x151: {  	s12 =	sadd.s32 s15, s16;
	v5 =	vld [tilespmem:s17+$0x300]  }
0x152: {  	v6 =	vld [tilespmem:s12+$0x0]  }
.Ltmp12:
0x153: {  	(pc) =	sbr.rel @p0 .LBB2_19-.Ltmp12, $4  }
0x154: {  	_ = 	snop  }
0x155: {  	s13 =	sadd.s32 $0x80, s13  }
0x156: {  	s16 =	sand.u32 $0x400, s13  }
0x157: {  	s15 =	sand.u32 $0x70, s14;
	s14 =	sadd.s32 $0x10, s14;
	s17 =	sadd.s32 s16, s9;
	v5 =	vmax.f32 v6, v5  }
0x158: {  	(v2sf) =	vpush v4, $0x7;
	_ =	sdelay $0xa  }
0x159: {  	s0 =	sadd.s32 s16, s0;
	s13 =	sadd.s32 s15, s17;
	[tilespmem:s12+$0x0] =	vst v5  }
0x15a: {  	s12 =	sadd.s32 s15, s0;
	v5 =	vld [tilespmem:s13+$0x300]  }
0x15b: {  	v6 =	vld [tilespmem:s12+$0x0];
	_ =	sdelay $0x1  }
0x15c: {  	s14 =	spop (v2sf)  }
0x15d: {  	s15 =	sshll.u32 s14, $0x8;
	s0 =	sshll.u32 s14, $0x7;
	s14 =	simm.s32 $0x0  }
0x15e: {  	s13 =	sand.u32 $0xFFFFF800, s15;
	s0 =	sand.u32 $0x380, s0;
	s16 =	sand.u32 $0x400, s14  }
0x15f: {  	v5 =	vmax.f32 v6, v5;
	s0 =	sor.u32 s0, s13;
	s13 =	sand.u32 $0x70, s14;
	s17 =	sadd.s32 s16, s9  }
0x160: {  	[tilespmem:s12+$0x0] =	vst v5;
	s16 =	sadd.s32 s16, s0;
	s14 =	sadd.s32 s13, s17  }
0x161: {  	s12 =	sadd.s32 s13, s16;
	v5 =	vld [tilespmem:s14+$0x380]  }
0x162: {  	v6 =	vld [tilespmem:s12+$0x0];
	_ =	sdelay $0x2  }
0x163: {  	s13 =	simm.s32 $0x80  }
0x164: {  	s17 =	simm.s32 $0x10;
	s16 =	sand.u32 $0x400, s13  }
0x165: {  	s15 =	sand.u32 $0x70, s17;
	s14 =	simm.s32 $0x20;
	s17 =	sadd.s32 s16, s9;
	v5 =	vmax.f32 v6, v5  }
.LBB2_21:
0x166: {  	p0 =	sne.s32 s14, $0xF0;
	s16 =	sadd.s32 s16, s0;
	s17 =	sadd.s32 s15, s17;
	[tilespmem:s12+$0x0] =	vst v5  }
0x167: {  	s12 =	sadd.s32 s15, s16;
	v5 =	vld [tilespmem:s17+$0x380]  }
0x168: {  	v6 =	vld [tilespmem:s12+$0x0]  }
.Ltmp13:
0x169: {  	(pc) =	sbr.rel @p0 .LBB2_21-.Ltmp13, $4  }
0x16a: {  	_ = 	snop  }
0x16b: {  	s13 =	sadd.s32 $0x80, s13  }
0x16c: {  	s16 =	sand.u32 $0x400, s13  }
0x16d: {  	s15 =	sand.u32 $0x70, s14;
	s14 =	sadd.s32 $0x10, s14;
	s17 =	sadd.s32 s16, s9;
	v5 =	vmax.f32 v6, v5  }
0x16e: {  	(v2sf) =	vpush v4, $0x8;
	_ =	sdelay $0xa  }
0x16f: {  	s0 =	sadd.s32 s16, s0;
	s13 =	sadd.s32 s15, s17;
	[tilespmem:s12+$0x0] =	vst v5  }
0x170: {  	s12 =	sadd.s32 s15, s0;
	v5 =	vld [tilespmem:s13+$0x380]  }
0x171: {  	v6 =	vld [tilespmem:s12+$0x0];
	_ =	sdelay $0x1  }
0x172: {  	s3 =	sadd.s32 $0x15100, s3;
	s14 =	spop (v2sf)  }
0x173: {  	s15 =	sshll.u32 s14, $0x8;
	s0 =	sshll.u32 s14, $0x7;
	s14 =	simm.s32 $0x0  }
0x174: {  	s13 =	sand.u32 $0xFFFFF800, s15;
	s0 =	sand.u32 $0x380, s0;
	s16 =	sand.u32 $0x400, s14  }
0x175: {  	v5 =	vmax.f32 v6, v5;
	s0 =	sor.u32 s0, s13;
	s13 =	sand.u32 $0x70, s14;
	s17 =	sadd.s32 s16, s3  }
0x176: {  	[tilespmem:s12+$0x0] =	vst v5;
	s16 =	sadd.s32 s16, s0;
	s14 =	sadd.s32 s13, s17  }
0x177: {  	s12 =	sadd.s32 s13, s16;
	v5 =	vld [tilespmem:s14+$0x0]  }
0x178: {  	v6 =	vld [tilespmem:s12+$0x0];
	_ =	sdelay $0x2  }
0x179: {  	s13 =	simm.s32 $0x80  }
0x17a: {  	s17 =	simm.s32 $0x10;
	s16 =	sand.u32 $0x400, s13  }
0x17b: {  	s15 =	sand.u32 $0x70, s17;
	s14 =	simm.s32 $0x20;
	s17 =	sadd.s32 s16, s3;
	v5 =	vmax.f32 v6, v5  }
.LBB2_23:
0x17c: {  	p0 =	sne.s32 s14, $0xF0;
	s16 =	sadd.s32 s16, s0;
	s17 =	sadd.s32 s15, s17;
	[tilespmem:s12+$0x0] =	vst v5  }
0x17d: {  	s12 =	sadd.s32 s15, s16;
	v5 =	vld [tilespmem:s17+$0x0]  }
0x17e: {  	v6 =	vld [tilespmem:s12+$0x0]  }
.Ltmp14:
0x17f: {  	(pc) =	sbr.rel @p0 .LBB2_23-.Ltmp14, $4  }
0x180: {  	_ = 	snop  }
0x181: {  	s13 =	sadd.s32 $0x80, s13  }
0x182: {  	s16 =	sand.u32 $0x400, s13  }
0x183: {  	s15 =	sand.u32 $0x70, s14;
	s14 =	sadd.s32 $0x10, s14;
	s17 =	sadd.s32 s16, s3;
	v5 =	vmax.f32 v6, v5  }
0x184: {  	(v2sf) =	vpush v4, $0x9;
	_ =	sdelay $0xa  }
0x185: {  	s0 =	sadd.s32 s16, s0;
	s3 =	sadd.s32 s15, s17;
	[tilespmem:s12+$0x0] =	vst v5  }
0x186: {  	s12 =	sadd.s32 s15, s0;
	v5 =	vld [tilespmem:s3+$0x0]  }
0x187: {  	v6 =	vld [tilespmem:s12+$0x0];
	_ =	sdelay $0x1  }
0x188: {  	s15 =	spop (v2sf)  }
0x189: {  	s13 =	simm.s32 $0x0;
	s16 =	sshll.u32 s15, $0x8;
	s0 =	sshll.u32 s15, $0x7  }
0x18a: {  	s14 =	sand.u32 $0x400, s13;
	s3 =	sand.u32 $0xFFFFF800, s16;
	s0 =	sand.u32 $0x380, s0  }
0x18b: {  	s17 =	sand.u32 $0x70, s13;
	v5 =	vmax.f32 v6, v5;
	s15 =	sadd.s32 s14, s9;
	s0 =	sor.u32 s0, s3  }
0x18c: {  	[tilespmem:s12+$0x0] =	vst v5;
	s13 =	sadd.s32 s17, s15;
	s16 =	sadd.s32 s14, s0  }
0x18d: {  	v5 =	vld [tilespmem:s13+$0x880];
	s3 =	sadd.s32 s17, s16  }
0x18e: {  	v6 =	vld [tilespmem:s3+$0x0];
	_ =	sdelay $0x2  }
0x18f: {  	s12 =	simm.s32 $0x80  }
0x190: {  	s15 =	sand.u32 $0x400, s12;
	s17 =	simm.s32 $0x10  }
0x191: {  	s13 =	simm.s32 $0x20;
	s16 =	sadd.s32 s15, s9;
	s14 =	sand.u32 $0x70, s17;
	v5 =	vmax.f32 v6, v5  }
.LBB2_25:
0x192: {  	p0 =	sne.s32 s13, $0xF0;
	s15 =	sadd.s32 s15, s0;
	s16 =	sadd.s32 s14, s16;
	[tilespmem:s3+$0x0] =	vst v5  }
0x193: {  	s3 =	sadd.s32 s14, s15;
	v5 =	vld [tilespmem:s16+$0x880]  }
0x194: {  	v6 =	vld [tilespmem:s3+$0x0]  }
.Ltmp15:
0x195: {  	(pc) =	sbr.rel @p0 .LBB2_25-.Ltmp15, $4  }
0x196: {  	_ = 	snop  }
0x197: {  	s12 =	sadd.s32 $0x80, s12  }
0x198: {  	s15 =	sand.u32 $0x400, s12  }
0x199: {  	s14 =	sand.u32 $0x70, s13;
	s13 =	sadd.s32 $0x10, s13;
	s16 =	sadd.s32 s15, s9;
	v5 =	vmax.f32 v6, v5  }
0x19a: {  	(v2sf) =	vpush v4, $0xA;
	_ =	sdelay $0xa  }
0x19b: {  	s0 =	sadd.s32 s15, s0;
	s12 =	sadd.s32 s14, s16;
	[tilespmem:s3+$0x0] =	vst v5  }
0x19c: {  	s3 =	sadd.s32 s14, s0;
	v5 =	vld [tilespmem:s12+$0x880]  }
0x19d: {  	v6 =	vld [tilespmem:s3+$0x0];
	_ =	sdelay $0x1  }
0x19e: {  	s14 =	spop (v2sf)  }
0x19f: {  	s13 =	simm.s32 $0x0;
	s15 =	sshll.u32 s14, $0x8;
	s0 =	sshll.u32 s14, $0x7  }
0x1a0: {  	s16 =	sand.u32 $0x400, s13;
	s12 =	sand.u32 $0xFFFFF800, s15;
	s0 =	sand.u32 $0x380, s0  }
0x1a1: {  	s17 =	sand.u32 $0x70, s13;
	v5 =	vmax.f32 v6, v5;
	s15 =	sadd.s32 s16, s9;
	s0 =	sor.u32 s0, s12  }
0x1a2: {  	[tilespmem:s3+$0x0] =	vst v5;
	s13 =	sadd.s32 s17, s15;
	s16 =	sadd.s32 s16, s0  }
0x1a3: {  	v5 =	vld [tilespmem:s13+$0x900];
	s3 =	sadd.s32 s17, s16  }
0x1a4: {  	v6 =	vld [tilespmem:s3+$0x0];
	_ =	sdelay $0x2  }
0x1a5: {  	s12 =	simm.s32 $0x80  }
0x1a6: {  	s15 =	sand.u32 $0x400, s12;
	s17 =	simm.s32 $0x10  }
0x1a7: {  	s13 =	simm.s32 $0x20;
	s16 =	sadd.s32 s15, s9;
	s14 =	sand.u32 $0x70, s17;
	v5 =	vmax.f32 v6, v5  }
.LBB2_27:
0x1a8: {  	p0 =	sne.s32 s13, $0xF0;
	s15 =	sadd.s32 s15, s0;
	s16 =	sadd.s32 s14, s16;
	[tilespmem:s3+$0x0] =	vst v5  }
0x1a9: {  	s3 =	sadd.s32 s14, s15;
	v5 =	vld [tilespmem:s16+$0x900]  }
0x1aa: {  	v6 =	vld [tilespmem:s3+$0x0]  }
.Ltmp16:
0x1ab: {  	(pc) =	sbr.rel @p0 .LBB2_27-.Ltmp16, $4  }
0x1ac: {  	_ = 	snop  }
0x1ad: {  	s12 =	sadd.s32 $0x80, s12  }
0x1ae: {  	s15 =	sand.u32 $0x400, s12  }
0x1af: {  	s14 =	sand.u32 $0x70, s13;
	s13 =	sadd.s32 $0x10, s13;
	s16 =	sadd.s32 s15, s9;
	v5 =	vmax.f32 v6, v5  }
0x1b0: {  	(v2sf) =	vpush v4, $0xB;
	_ =	sdelay $0xa  }
0x1b1: {  	s0 =	sadd.s32 s15, s0;
	s12 =	sadd.s32 s14, s16;
	[tilespmem:s3+$0x0] =	vst v5  }
0x1b2: {  	s3 =	sadd.s32 s14, s0;
	v5 =	vld [tilespmem:s12+$0x900]  }
0x1b3: {  	v6 =	vld [tilespmem:s3+$0x0];
	_ =	sdelay $0x1  }
0x1b4: {  	s14 =	spop (v2sf)  }
0x1b5: {  	s13 =	simm.s32 $0x0;
	s15 =	sshll.u32 s14, $0x8;
	s0 =	sshll.u32 s14, $0x7  }
0x1b6: {  	s16 =	sand.u32 $0x400, s13;
	s12 =	sand.u32 $0xFFFFF800, s15;
	s0 =	sand.u32 $0x380, s0  }
0x1b7: {  	s17 =	sand.u32 $0x70, s13;
	v5 =	vmax.f32 v6, v5;
	s15 =	sadd.s32 s16, s9;
	s0 =	sor.u32 s0, s12  }
0x1b8: {  	[tilespmem:s3+$0x0] =	vst v5;
	s13 =	sadd.s32 s17, s15;
	s16 =	sadd.s32 s16, s0  }
0x1b9: {  	v5 =	vld [tilespmem:s13+$0x980];
	s3 =	sadd.s32 s17, s16  }
0x1ba: {  	v6 =	vld [tilespmem:s3+$0x0];
	_ =	sdelay $0x2  }
0x1bb: {  	s12 =	simm.s32 $0x80  }
0x1bc: {  	s15 =	sand.u32 $0x400, s12;
	s17 =	simm.s32 $0x10  }
0x1bd: {  	s13 =	simm.s32 $0x20;
	s16 =	sadd.s32 s15, s9;
	s14 =	sand.u32 $0x70, s17;
	v5 =	vmax.f32 v6, v5  }
.LBB2_29:
0x1be: {  	p0 =	sne.s32 s13, $0xF0;
	s15 =	sadd.s32 s15, s0;
	s16 =	sadd.s32 s14, s16;
	[tilespmem:s3+$0x0] =	vst v5  }
0x1bf: {  	s3 =	sadd.s32 s14, s15;
	v5 =	vld [tilespmem:s16+$0x980]  }
0x1c0: {  	v6 =	vld [tilespmem:s3+$0x0]  }
.Ltmp17:
0x1c1: {  	(pc) =	sbr.rel @p0 .LBB2_29-.Ltmp17, $4  }
0x1c2: {  	_ = 	snop  }
0x1c3: {  	s12 =	sadd.s32 $0x80, s12  }
0x1c4: {  	s15 =	sand.u32 $0x400, s12  }
0x1c5: {  	s14 =	sand.u32 $0x70, s13;
	s13 =	sadd.s32 $0x10, s13;
	s16 =	sadd.s32 s15, s9;
	v5 =	vmax.f32 v6, v5  }
0x1c6: {  	(v2sf) =	vpush v4, $0xC;
	_ =	sdelay $0xa  }
0x1c7: {  	s0 =	sadd.s32 s15, s0;
	s12 =	sadd.s32 s14, s16;
	[tilespmem:s3+$0x0] =	vst v5  }
0x1c8: {  	s3 =	sadd.s32 s14, s0;
	v5 =	vld [tilespmem:s12+$0x980]  }
0x1c9: {  	v6 =	vld [tilespmem:s3+$0x0];
	_ =	sdelay $0x1  }
0x1ca: {  	s14 =	spop (v2sf)  }
0x1cb: {  	s13 =	simm.s32 $0x0;
	s15 =	sshll.u32 s14, $0x8;
	s0 =	sshll.u32 s14, $0x7  }
0x1cc: {  	s16 =	sand.u32 $0x400, s13;
	s12 =	sand.u32 $0xFFFFF800, s15;
	s0 =	sand.u32 $0x380, s0  }
0x1cd: {  	s17 =	sand.u32 $0x70, s13;
	v5 =	vmax.f32 v6, v5;
	s15 =	sadd.s32 s16, s9;
	s0 =	sor.u32 s0, s12  }
0x1ce: {  	[tilespmem:s3+$0x0] =	vst v5;
	s13 =	sadd.s32 s17, s15;
	s16 =	sadd.s32 s16, s0  }
0x1cf: {  	v5 =	vld [tilespmem:s13+$0xA00];
	s3 =	sadd.s32 s17, s16  }
0x1d0: {  	v6 =	vld [tilespmem:s3+$0x0];
	_ =	sdelay $0x2  }
0x1d1: {  	s12 =	simm.s32 $0x80  }
0x1d2: {  	s15 =	sand.u32 $0x400, s12;
	s17 =	simm.s32 $0x10  }
0x1d3: {  	s13 =	simm.s32 $0x20;
	s16 =	sadd.s32 s15, s9;
	s14 =	sand.u32 $0x70, s17;
	v5 =	vmax.f32 v6, v5  }
.LBB2_31:
0x1d4: {  	p0 =	sne.s32 s13, $0xF0;
	s15 =	sadd.s32 s15, s0;
	s16 =	sadd.s32 s14, s16;
	[tilespmem:s3+$0x0] =	vst v5  }
0x1d5: {  	s3 =	sadd.s32 s14, s15;
	v5 =	vld [tilespmem:s16+$0xA00]  }
0x1d6: {  	v6 =	vld [tilespmem:s3+$0x0]  }
.Ltmp18:
0x1d7: {  	(pc) =	sbr.rel @p0 .LBB2_31-.Ltmp18, $4  }
0x1d8: {  	_ = 	snop  }
0x1d9: {  	s12 =	sadd.s32 $0x80, s12  }
0x1da: {  	s15 =	sand.u32 $0x400, s12  }
0x1db: {  	s14 =	sand.u32 $0x70, s13;
	s13 =	sadd.s32 $0x10, s13;
	s16 =	sadd.s32 s15, s9;
	v5 =	vmax.f32 v6, v5  }
0x1dc: {  	(v2sf) =	vpush v4, $0xD;
	_ =	sdelay $0xa  }
0x1dd: {  	s0 =	sadd.s32 s15, s0;
	s12 =	sadd.s32 s14, s16;
	[tilespmem:s3+$0x0] =	vst v5  }
0x1de: {  	s3 =	sadd.s32 s14, s0;
	v5 =	vld [tilespmem:s12+$0xA00]  }
0x1df: {  	v6 =	vld [tilespmem:s3+$0x0];
	_ =	sdelay $0x1  }
0x1e0: {  	s14 =	spop (v2sf)  }
0x1e1: {  	s13 =	simm.s32 $0x0;
	s15 =	sshll.u32 s14, $0x8;
	s0 =	sshll.u32 s14, $0x7  }
0x1e2: {  	s16 =	sand.u32 $0x400, s13;
	s12 =	sand.u32 $0xFFFFF800, s15;
	s0 =	sand.u32 $0x380, s0  }
0x1e3: {  	s17 =	sand.u32 $0x70, s13;
	v5 =	vmax.f32 v6, v5;
	s15 =	sadd.s32 s16, s9;
	s0 =	sor.u32 s0, s12  }
0x1e4: {  	[tilespmem:s3+$0x0] =	vst v5;
	s13 =	sadd.s32 s17, s15;
	s16 =	sadd.s32 s16, s0  }
0x1e5: {  	v5 =	vld [tilespmem:s13+$0xA80];
	s3 =	sadd.s32 s17, s16  }
0x1e6: {  	v6 =	vld [tilespmem:s3+$0x0];
	_ =	sdelay $0x2  }
0x1e7: {  	s12 =	simm.s32 $0x80  }
0x1e8: {  	s15 =	sand.u32 $0x400, s12;
	s17 =	simm.s32 $0x10  }
0x1e9: {  	s13 =	simm.s32 $0x20;
	s16 =	sadd.s32 s15, s9;
	s14 =	sand.u32 $0x70, s17;
	v5 =	vmax.f32 v6, v5  }
.LBB2_33:
0x1ea: {  	p0 =	sne.s32 s13, $0xF0;
	s15 =	sadd.s32 s15, s0;
	s16 =	sadd.s32 s14, s16;
	[tilespmem:s3+$0x0] =	vst v5  }
0x1eb: {  	s3 =	sadd.s32 s14, s15;
	v5 =	vld [tilespmem:s16+$0xA80]  }
0x1ec: {  	v6 =	vld [tilespmem:s3+$0x0]  }
.Ltmp19:
0x1ed: {  	(pc) =	sbr.rel @p0 .LBB2_33-.Ltmp19, $4  }
0x1ee: {  	_ = 	snop  }
0x1ef: {  	s12 =	sadd.s32 $0x80, s12  }
0x1f0: {  	s15 =	sand.u32 $0x400, s12  }
0x1f1: {  	s14 =	sand.u32 $0x70, s13;
	s13 =	sadd.s32 $0x10, s13;
	s16 =	sadd.s32 s15, s9;
	v5 =	vmax.f32 v6, v5  }
0x1f2: {  	(v2sf) =	vpush v4, $0xE;
	_ =	sdelay $0xa  }
0x1f3: {  	s0 =	sadd.s32 s15, s0;
	s12 =	sadd.s32 s14, s16;
	[tilespmem:s3+$0x0] =	vst v5  }
0x1f4: {  	s3 =	sadd.s32 s14, s0;
	v5 =	vld [tilespmem:s12+$0xA80]  }
0x1f5: {  	v6 =	vld [tilespmem:s3+$0x0];
	_ =	sdelay $0x1  }
0x1f6: {  	s14 =	spop (v2sf)  }
0x1f7: {  	s13 =	simm.s32 $0x0;
	s15 =	sshll.u32 s14, $0x8;
	s0 =	sshll.u32 s14, $0x7  }
0x1f8: {  	s16 =	sand.u32 $0x400, s13;
	s12 =	sand.u32 $0xFFFFF800, s15;
	s0 =	sand.u32 $0x380, s0  }
0x1f9: {  	s17 =	sand.u32 $0x70, s13;
	v5 =	vmax.f32 v6, v5;
	s15 =	sadd.s32 s16, s9;
	s0 =	sor.u32 s0, s12  }
0x1fa: {  	[tilespmem:s3+$0x0] =	vst v5;
	s13 =	sadd.s32 s17, s15;
	s16 =	sadd.s32 s16, s0  }
0x1fb: {  	v5 =	vld [tilespmem:s13+$0xB00];
	s3 =	sadd.s32 s17, s16  }
0x1fc: {  	v6 =	vld [tilespmem:s3+$0x0];
	_ =	sdelay $0x2  }
0x1fd: {  	s12 =	simm.s32 $0x80  }
0x1fe: {  	s15 =	sand.u32 $0x400, s12;
	s17 =	simm.s32 $0x10  }
0x1ff: {  	s13 =	simm.s32 $0x20;
	s16 =	sadd.s32 s15, s9;
	s14 =	sand.u32 $0x70, s17;
	v5 =	vmax.f32 v6, v5  }
.LBB2_35:
0x200: {  	p0 =	sne.s32 s13, $0xF0;
	s15 =	sadd.s32 s15, s0;
	s16 =	sadd.s32 s14, s16;
	[tilespmem:s3+$0x0] =	vst v5  }
0x201: {  	s3 =	sadd.s32 s14, s15;
	v5 =	vld [tilespmem:s16+$0xB00]  }
0x202: {  	v6 =	vld [tilespmem:s3+$0x0]  }
.Ltmp20:
0x203: {  	(pc) =	sbr.rel @p0 .LBB2_35-.Ltmp20, $4  }
0x204: {  	_ = 	snop  }
0x205: {  	s12 =	sadd.s32 $0x80, s12  }
0x206: {  	s15 =	sand.u32 $0x400, s12  }
0x207: {  	s14 =	sand.u32 $0x70, s13;
	s13 =	sadd.s32 $0x10, s13;
	s16 =	sadd.s32 s15, s9;
	v5 =	vmax.f32 v6, v5  }
0x208: {  	(v2sf) =	vpush v4, $0xF;
	_ =	sdelay $0xa  }
0x209: {  	s0 =	sadd.s32 s15, s0;
	s12 =	sadd.s32 s14, s16;
	[tilespmem:s3+$0x0] =	vst v5  }
0x20a: {  	s3 =	sadd.s32 s14, s0;
	v4 =	vld [tilespmem:s12+$0xB00]  }
0x20b: {  	v5 =	vld [tilespmem:s3+$0x0];
	_ =	sdelay $0x1  }
0x20c: {  	s14 =	spop (v2sf)  }
0x20d: {  	s13 =	simm.s32 $0x0;
	s15 =	sshll.u32 s14, $0x8;
	s0 =	sshll.u32 s14, $0x7  }
0x20e: {  	s16 =	sand.u32 $0x400, s13;
	s12 =	sand.u32 $0xFFFFF800, s15;
	s0 =	sand.u32 $0x380, s0  }
0x20f: {  	s17 =	sand.u32 $0x70, s13;
	v4 =	vmax.f32 v5, v4;
	s15 =	sadd.s32 s16, s9;
	s0 =	sor.u32 s0, s12  }
0x210: {  	[tilespmem:s3+$0x0] =	vst v4;
	s13 =	sadd.s32 s17, s15;
	s16 =	sadd.s32 s16, s0  }
0x211: {  	v4 =	vld [tilespmem:s13+$0xB80];
	s3 =	sadd.s32 s17, s16  }
0x212: {  	v5 =	vld [tilespmem:s3+$0x0];
	_ =	sdelay $0x2  }
0x213: {  	s12 =	simm.s32 $0x80  }
0x214: {  	s15 =	sand.u32 $0x400, s12;
	s17 =	simm.s32 $0x10  }
0x215: {  	s13 =	simm.s32 $0x20;
	s16 =	sadd.s32 s15, s9;
	s14 =	sand.u32 $0x70, s17;
	v4 =	vmax.f32 v5, v4  }
.LBB2_37:
0x216: {  	p0 =	sne.s32 s13, $0xF0;
	s15 =	sadd.s32 s15, s0;
	s16 =	sadd.s32 s14, s16;
	[tilespmem:s3+$0x0] =	vst v4  }
0x217: {  	s3 =	sadd.s32 s14, s15;
	v4 =	vld [tilespmem:s16+$0xB80]  }
0x218: {  	v5 =	vld [tilespmem:s3+$0x0]  }
.Ltmp21:
0x219: {  	(pc) =	sbr.rel @p0 .LBB2_37-.Ltmp21, $4  }
0x21a: {  	_ = 	snop  }
0x21b: {  	s12 =	sadd.s32 $0x80, s12  }
0x21c: {  	s15 =	sand.u32 $0x400, s12  }
0x21d: {  	s14 =	sand.u32 $0x70, s13;
	s13 =	sadd.s32 $0x10, s13;
	s16 =	sadd.s32 s15, s9;
	v4 =	vmax.f32 v5, v4  }
0x21e: {  	s0 =	sadd.s32 s15, s0;
	s9 =	sadd.s32 s14, s16;
	[tilespmem:s3+$0x0] =	vst v4  }
0x21f: {  	s0 =	sadd.s32 s14, s0;
	v4 =	vld [tilespmem:s9+$0xB80]  }
0x220: {  	s8 =	sadd.s32 $0x1, s8;
	v5 =	vld [tilespmem:s0+$0x0]  }
0x221: {  	p0 =	sne.s32 s8, $0x8  }
.Ltmp22:
0x222: {  	_ = 	snop;
	(pc) =	sbr.rel @p0 .LBB2_6-.Ltmp22, $4  }
.Ltmp23:
0x223: {  	_ = 	snop;
	(pc) =	sbr.rel @!p0 .LBB2_39-.Ltmp23, $4  }
0x224: {  	_ = 	snop  }
0x225: {  	v4 =	vmax.f32 v5, v4  }
0x226: {  	[tilespmem:s0+$0x0] =	vst v4  }
0x227: {  	_ = 	snop  }
.LBB2_41:
0x228: {  	_ =	sfence.sel $0x180000  }
0x229: {  	[bflag:$0x0] =	sbarrier.arrive $0xFFFF  }
0x22a: {  	_ =	strace $0x90000050  }
0x22b: {  	s0 =	stileid.u32;
	[bflag:$0x2] =	sbarrier.arrive $0xFFFF  }
0x22c: {  	p0 =	sne.s32 s0, $0x0;
	s0 =	rddreg [dreg:$0x2]  }
0x22d: {  	s0 =	sadd.s32 @!p0 $0x100000, s0  }
0x22e: {  	[sflag:s0] =	ssyncadd.tile.s32 @!p0 $0x1;
	_ =	shalt  }
.Lfunc_end2:
_tile_overlayer_lowered:
.L_overlay_start_2:
0x22f: {  	(tag) =	ssettag $0x2  }
0x230: {  	s0 =	rddreg [dreg:$0x0];
	s2 =	stileid.u32  }
0x231: {  	s1 =	rddreg [dreg:$0x1];
	p0 =	sne.s32 s2, $0x0  }
0x232: {  	s3 =	rddreg [dreg:$0x2];
	[bflag:$0x3] =	sbarrier.arrive $0xFFFF;
	s2 =	simm.s32 @!p0 $0x1C02  }
0x233: {  	[timem:s3], [sflag:s2] =	dma.local @!p0 [hbm:s0], s1  }
0x234: {  	s0 =	simm.s32 @!p0 $0x2  }
0x235: {  	_ =	swait.ge @!p0 [sflag:s0], s1  }
0x236: {  	s1 =	ssub.s32 @!p0 $0x0, s1;
	[sflag:s0] =	ssyncset.done @!p0 $0x0  }
0x237: {  	[sflag:s0] =	ssyncadd.s32 @!p0 s1  }
0x238: {  	[bflag:$0x3] =	sbarrier.arrive $0xFFFF  }
0x239: {  	_ =	shalt  }

// kernel: kernel.14.cloned.1.call-start
scs
__scs_entry_jumppad:
0x0: {  	(pc) =	sbr.rel $0x88, $3  }
0x1: {  	(tag) =	ssettag $0x0;
	lr =	simm.s32 $0x1  }
0x2: {  	[smem:$0x3F90] =	sst lr;
	_ =	strace $0xD0000000  }
0x3: {  	_ = 	snop  }
0x4: {  	_ = 	snop  }
0x5: {  	_ = 	snop  }
0x6: {  	_ = 	snop  }
0x7: {  	_ = 	snop  }
__scs_overlays_trampoline_lowered:
0x8: {  	[smem:$0x3F9F] =	sst s0  }
0x9: {  	[smem:$0x3FA0] =	sst s1  }
0xa: {  	[smem:$0x3FA1] =	sst s2  }
0xb: {  	[smem:$0x3FA2] =	sst s3  }
0xc: {  	[smem:$0x3FA3] =	sst s4  }
0xd: {  	[smem:$0x3FA4] =	sst s5  }
0xe: {  	[smem:$0x3FA5] =	sst s6  }
0xf: {  	[smem:$0x3FA6] =	sst s7  }
0x10: {  	[smem:$0x3FA7] =	sst s8  }
0x11: {  	[smem:$0x3FA8] =	sst s9;
	s0 =	simm.s32 @!p0 $0x0  }
0x12: {  	s1 =	sld [smem:$0x3F8E];
	s0 =	simm.s32 @p0 $0x1  }
0x13: {  	[smem:$0x3FA9] =	sst s0;
	s0 =	simm.s32 @!p1 $0x0  }
0x14: {  	s2 =	sld [smem:$0x3F8D];
	s0 =	simm.s32 @p1 $0x1  }
0x15: {  	[smem:$0x3FAA] =	sst s0;
	s0 =	simm.s32 @!p2 $0x0  }
0x16: {  	s3 =	sld [smem:$0x3FDB];
	s0 =	simm.s32 @p2 $0x1  }
0x17: {  	s4 =	simm.s32 $0x1BF5;
	[smem:$0x3FAC] =	sst s0  }
0x18: {  	s0 =	sld [smem:$0x3F8F];
	_ =	swait.ge [sflag:s4], $0x0  }
0x19: {  	s7 =	sld [smem:$0x3F90]  }
0x1a: {  	s8 =	sadd.s32 $0xFFFFE003, lr  }
0x1b: {  	s9 =	sadd.s32 $0xFFFFFEF7, lr;
	s5 =	simm.s32 $0xFFFFFFFF;
	p2 =	slt.u32 s8, $0xFFFFF086  }
0x1c: {  	p1 =	slt.u32 s9, $0xF7A;
	s5 =	simm.s32 @!p2 $0x0  }
0x1d: {  	s5 =	simm.s32 @p1 $0x1;
	p0 =	seq.s32 s7, s2  }
0x1e: {  	s7 =	smul.u32 @!p0 $0xF7A, s2;
	p2 =	seq.s32 @!p0 s5, $0x0  }
0x1f: {  	s9 =	smul.u32 $0xF7A, s1;
	s8 =	simm.s32 @!p0 $0x1BF5;
	p2 =	por !p2, p0  }
0x20: {  	[sflag:s8] =	ssyncset.s32 @!p0 $0xFFFFF086;
	s6 =	sadd.s32 @!p0 s3, s7;
	s7 =	simm.s32 @!p0 $0x108  }
0x21: {  	s3 =	sadd.s32 s3, s9;
	s6 =	sadd.s32 @!p0 $0x88, s6;
	s7 =	simm.s32 @p2 $0x1082  }
0x22: {  	[simem:s7], [sflag:s8] =	dma.local @!p0 [hbm:s6], $0xF7A  }
0x23: {  	s9 =	sor.u32 $0xD0000000, s2;
	s6 =	simm.s32 $0x108;
	_ =	swait.ge @!p0 [sflag:s8], $0x0  }
0x24: {  	s3 =	sadd.s32 $0x88, s3;
	s6 =	simm.s32 @!p1 $0x1082;
	[sflag:s4] =	ssyncset.s32 $0xFFFFF086  }
0x25: {  	[simem:s6], [sflag:s4] =	dma.local [hbm:s3], $0xF7A  }
0x26: {  	[smem:$0x3F90] =	sst s1;
	(tag) =	ssettag s2;
	_ =	strace s9  }
0x27: {  	s1 =	sld [smem:$0x3FA0]  }
0x28: {  	s2 =	sld [smem:$0x3FA1]  }
0x29: {  	s4 =	sld [smem:$0x3FA3]  }
0x2a: {  	p0 =	seq.s32 s5, $0x0;
	s5 =	sld [smem:$0x3FA4]  }
0x2b: {  	s6 =	sld [smem:$0x3FA5]  }
0x2c: {  	s7 =	sld [smem:$0x3FA6]  }
0x2d: {  	s3 =	simm.s32 $0x108;
	s8 =	sld [smem:$0x3FA7]  }
0x2e: {  	s3 =	simm.s32 @!p0 $0x1082;
	s9 =	sld [smem:$0x3FA8]  }
0x2f: {  	lr =	sadd.s32 s0, s3;
	s0 =	sld [smem:$0x3F9F]  }
0x30: {  	s3 =	sld [smem:$0x3FA2]  }
0x31: {  	[smem:$0x3FAB] =	sst s10  }
0x32: {  	s10 =	sld [smem:$0x3FA9];
	_ =	sdelay $0x3  }
0x33: {  	p0 =	seq.s32 s10, $0x1;
	s10 =	sld [smem:$0x3FAB];
	_ =	sdelay $0x3  }
0x34: {  	[smem:$0x3FAB] =	sst s10  }
0x35: {  	s10 =	sld [smem:$0x3FAA];
	_ =	sdelay $0x3  }
0x36: {  	p1 =	seq.s32 s10, $0x1;
	s10 =	sld [smem:$0x3FAB];
	_ =	sdelay $0x3  }
0x37: {  	[smem:$0x3FAB] =	sst s10  }
0x38: {  	s10 =	sld [smem:$0x3FAC]  }
0x39: {  	_ = 	snop;
	(pc) =	sbr.ind lr, $3  }
0x3a: {  	_ = 	snop  }
0x3b: {  	_ = 	snop  }
0x3c: {  	p2 =	seq.s32 s10, $0x1;
	s10 =	sld [smem:$0x3FAB]  }
0x3d: {  	_ =	shalt  }
0x3e: {  	_ =	shalt  }
0x3f: {  	_ =	shalt  }
0x40: {  	_ =	shalt  }
0x41: {  	_ =	shalt  }
0x42: {  	_ =	shalt  }
0x43: {  	_ =	shalt  }
0x44: {  	_ =	shalt  }
0x45: {  	_ =	shalt  }
0x46: {  	_ =	shalt  }
0x47: {  	_ =	shalt  }
0x48: {  	_ =	shalt  }
0x49: {  	_ =	shalt  }
0x4a: {  	_ =	shalt  }
0x4b: {  	_ =	shalt  }
0x4c: {  	_ =	shalt  }
0x4d: {  	_ =	shalt  }
0x4e: {  	_ =	shalt  }
0x4f: {  	_ =	shalt  }
0x50: {  	_ =	shalt  }
0x51: {  	_ =	shalt  }
0x52: {  	_ =	shalt  }
0x53: {  	_ =	shalt  }
0x54: {  	_ =	shalt  }
0x55: {  	_ =	shalt  }
0x56: {  	_ =	shalt  }
0x57: {  	_ =	shalt  }
0x58: {  	_ =	shalt  }
0x59: {  	_ =	shalt  }
0x5a: {  	_ =	shalt  }
0x5b: {  	_ =	shalt  }
0x5c: {  	_ =	shalt  }
0x5d: {  	_ =	shalt  }
0x5e: {  	_ =	shalt  }
0x5f: {  	_ =	shalt  }
0x60: {  	_ =	shalt  }
0x61: {  	_ =	shalt  }
0x62: {  	_ =	shalt  }
0x63: {  	_ =	shalt  }
0x64: {  	_ =	shalt  }
0x65: {  	_ =	shalt  }
0x66: {  	_ =	shalt  }
0x67: {  	_ =	shalt  }
0x68: {  	_ =	shalt  }
0x69: {  	_ =	shalt  }
0x6a: {  	_ =	shalt  }
0x6b: {  	_ =	shalt  }
0x6c: {  	_ =	shalt  }
0x6d: {  	_ =	shalt  }
0x6e: {  	_ =	shalt  }
0x6f: {  	_ =	shalt  }
0x70: {  	_ =	shalt  }
0x71: {  	_ =	shalt  }
0x72: {  	_ =	shalt  }
0x73: {  	_ =	shalt  }
0x74: {  	_ =	shalt  }
0x75: {  	_ =	shalt  }
0x76: {  	_ =	shalt  }
0x77: {  	_ =	shalt  }
0x78: {  	_ =	shalt  }
0x79: {  	_ =	shalt  }
0x7a: {  	_ =	shalt  }
0x7b: {  	_ =	shalt  }
0x7c: {  	_ =	shalt  }
0x7d: {  	_ =	shalt  }
0x7e: {  	_ =	shalt  }
0x7f: {  	_ =	shalt  }
0x80: {  	_ =	shalt  }
0x81: {  	_ =	shalt  }
0x82: {  	_ =	shalt  }
0x83: {  	_ =	shalt  }
0x84: {  	_ =	shalt  }
0x85: {  	_ =	shalt  }
0x86: {  	_ =	shalt  }
0x87: {  	_ =	shalt  }
.Lfunc_end0:
.L_simem_size_0:
called_computation.4_lowered:
.L_overlay_start_0:
0x88: {  	s2 =	sld [smem:$0x3FD9]  }
0x89: {  	s3 =	sld [smem:$0x3FFE];
	_ =	sdelay $0x1  }
0x8a: {  	s1 =	srdreg.scid  }
0x8b: {  	s0 =	sand.u32 $0x1, s1  }
0x8c: {  	s16 =	sshll.u32 s0, $0xA;
	s2 =	sadd.s32 s3, s2  }
0x8d: {  	s2 =	sadd.s32 s2, s16  }
0x8e: {  	[smem:$0x3FB7] =	sst s2  }
0x8f: {  	_ = 	snop  }
0x90: {  	(tm) =	ssettm $0x1  }
0x91: {  	s17 =	sld [smem:$0x3FFB];
	_ =	sdelay $0x3  }
0x92: {  	_ =	strace s17  }
0x93: {  	s2 =	sld [smem:$0x3FFC];
	_ =	sdelay $0x3  }
0x94: {  	_ =	strace s2  }
0x95: {  	s2 =	sld [smem:$0x3FFD];
	_ =	sdelay $0x3  }
0x96: {  	_ =	strace s2  }
0x97: {  	_ =	strace $0x8FFFFFFF  }
0x98: {  	s18 =	sld [smem:$0x3FDB];
	_ =	sdelay $0x1  }
0x99: {  	s19 =	simm.s32 $_scs_section_size  }
0x9a: {  	s4 =	simm.s32 $_size__tile_overlayer_lowered;
	s5 =	simm.s32 $_tile_overlayer_lowered  }
0x9b: {  	s22 =	simm.s32 $0x1BFF;
	s21 =	sshll.u32 s5, $0x1;
	s2 =	sadd.s32 s19, s18  }
0x9c: {  	s6 =	simm.s32 $0x0;
	s20 =	sshll.u32 s4, $0x1;
	s4 =	sadd.s32 s21, s2  }
0x9d: {  	[timem:s6], [sflag:s22] =	dma.local [hbm:s4], s20  }
0x9e: {  	_ =	swait.ge [sflag:s22], s20  }
0x9f: {  	s3 =	ssub.s32 $0x0, s20;
	[sflag:s22] =	ssyncset.done $0x0  }
0xa0: {  	[sflag:s22] =	ssyncadd.s32 s3;
	_ =	sdelay $0x1  }
0xa1: {  	s23 =	simm.s32 $0x1B8B  }
0xa2: {  	_ =	swait.ge [sflag:s23], $0x1  }
0xa3: {  	[sflag:s23] =	ssyncset.done $0x0  }
0xa4: {  	s25 =	simm.s32 $0x1B8E;
	s24 =	sld [smem:$0x3FFE];
	[sflag:s23] =	ssyncadd.s32 $0xFFFFFFFF  }
0xa5: {  	s26 =	simm.s32 $execute0_lowered;
	[smem:$0x3FD2] =	sst s25  }
0xa6: {  	s4 =	sshll.u32 s26, $0x1;
	_ =	strace $0x80000052;
	[dreg:$0x1] =	wrdreg $0xFFFFFFFF  }
0xa7: {  	s28 =	simm.s32 $_size_execute0_lowered;
	s2 =	sadd.s32 s2, s4;
	[dreg:$0x0] =	wrdreg $0x0  }
0xa8: {  	s4 =	sshll.u32 s28, $0x1;
	[dreg:$0x2] =	wrdreg s2  }
0xa9: {  	[dreg:$0x3] =	wrdreg s4  }
0xaa: {  	[dreg:$0x4] =	wrdreg $0xC0  }
0xab: {  	_ =	task [dreg:s6], $0x5FFFF  }
0xac: {  	[dreg:$0x1] =	wrdreg $0xFFFFFFFF  }
0xad: {  	[dreg:$0x0] =	wrdreg $0x60  }
0xae: {  	[dreg:$0x2] =	wrdreg s24  }
0xaf: {  	[dreg:$0x3] =	wrdreg $0x9  }
0xb0: {  	_ =	task.clear_ibuf [dreg:s6], $0x4FFFF;
	_ =	strace $0x90000052  }
0xb1: {  	s29 =	simm.s32 $0x9;
	_ =	strace $0x80000054  }
0xb2: {  	_ =	swait.ge [sflag:s29], $0x1  }
0xb3: {  	[sflag:s29] =	ssyncadd.s32 $0xFFFFFFFF  }
0xb4: {  	_ =	strace $0x90000054  }
0xb5: {  	_ =	sfence  }
0xb6: {  	s30 =	sld [smem:$0x0];
	_ =	sdelay $0x2  }
0xb7: {  	s31 =	sshll.u32 s1, $0xD;
	s1 =	sshrl.u32 s1, $0x2  }
0xb8: {  	s3 =	sand.u32 $0x4000, s31;
	s1 =	sadd.s32 s1, s30  }
0xb9: {  	s0 =	sor.u32 s3, s0;
	s1 =	sshll.u32 s1, $0x11  }
0xba: {  	s0 =	sor.u32 s1, s0  }
0xbb: {  	s0 =	sadd.s32 $0x8F2B, s0  }
0xbc: {  	[sflag:s0] =	ssyncadd.remote.s32 $0x1  }
0xbd: {  	_ =	sfence.sel $0xFFFF  }
0xbe: {  	[dreg:$0x0] =	wrdreg $0xFFFFFFFF;
	(pc) =	sbr.abs _section_cstart, $3  }
0xbf: {  	[dreg:$0x1] =	wrdreg $0xFFFFFFFF  }
0xc0: {  	_ =	task.clear_ibuf [dreg:s6], $0x2FFFF;
	_ =	strace $0x9FFFFFFF  }
0xc1: {  	(tm) =	ssettm $0x7FFFFFFF  }
tec
execute0_lowered:
.L_overlay_start_1:
0x0: {  	(tag) =	ssettag $0x1  }
0x1: {  	s0 =	rddreg [dreg:$0x0];
	s8 =	simm.s32 $0x0;
	s1 =	srdreg.scid  }
0x2: {  	s2 =	stileid.u32;
	s11 =	simm.s32 $0x2;
	s18 =	simm.s32 $0x16900  }
0x3: {  	s19 =	simm.s32 $0x17100;
	s20 =	simm.s32 $0x17900;
	s21 =	simm.s32 $0x18100  }
0x4: {  	s22 =	simm.s32 $0x18900;
	s23 =	simm.s32 $0x19100;
	s28 =	simm.s32 $0x1B100  }
0x5: {  	s29 =	simm.s32 $0x1B900;
	s30 =	simm.s32 $0x1C100;
	s31 =	simm.s32 $0x1  }
0x6: {  	[smem:$0x7FF] =	sst s8;
	s1 =	sand.u32 $0x1, s1;
	s2 =	sshll.u32 s2, $0x1  }
0x7: {  	s3 =	sadd.s32 $0x152800, s0;
	s4 =	sadd.s32 $0xB6200, s0;
	s5 =	sadd.s32 $0x19C00, s0  }
0x8: {  	_ =	strace $0x80000053;
	s2 =	sor.u32 s1, s2;
	s1 =	ssub.s32 $0x2, s1  }
0x9: {  	s6 =	smul.u32 $0x2800, s2;
	s7 =	sshll.u32 s2, $0x1;
	s24 =	sshrl.u32 s1, $0x1  }
.Ltmp0:
0xa: {  	s7 =	sadd.s32 s7, s0;
	s1 =	ssub.s32 s1, s24;
	(pc) =	sbr.rel .LBB2_1-.Ltmp0, $4  }
0xb: {  	s24 =	simm.s32 $0x19900;
	s0 =	sadd.s32 s6, s0;
	s25 =	sadd.s32 $0x400, s7  }
0xc: {  	v3 =	vlaneseq.u32;
	s6 =	smul.u32 $0x27180, s2;
	s26 =	smax.u32 s1, $0x1;
	[dreg:$0x2] =	wrdreg s25  }
0xd: {  	v0 =	vimm.f32 $0.0e+00;
	vm0 =	vmmov $0xffff;
	v2 =	vshrl.u32 v3, $0x3;
	s1 =	simm.s32 $0x0;
	s0 =	sadd.s32 $0x1A0A00, s0;
	[dreg:$0x4] =	wrdreg s26  }
0xe: {  	v1 =	vand.u32 $0x7, v3;
	v3 =	vor.u32 $0x8, v3;
	v2 =	vmul.u32 $0x8, v2;
	s25 =	simm.s32 $0x1A100;
	s26 =	simm.s32 $0x1A900;
	[dreg:$0x3] =	wrdreg s0  }
.LBB2_40:
0xf: {  	s8 =	simm.s32 $0x0;
	s0 =	rddreg [dreg:$0x3]  }
0x10: {  	[hbm4b:s0+s8] =	stream.linear.scatter [tilespmem:s8], [sflag:$0x2], $0x14000, $0x38;
	[tilespmem:$0x1C980] =	vst v63  }
0x11: {  	_ =	swait.ge [sflag:s11], $0x14000  }
0x12: {  	s1 =	rddreg [dreg:$0x5]  }
0x13: {  	s17 =	rddreg [dreg:$0x4];
	s1 =	sadd.s32 $0x1, s1  }
0x14: {  	p0 =	sne.s32 s1, s17  }
.Ltmp1:
0x15: {  	_ = 	snop;
	(pc) =	sbr.rel @!p0 .LBB2_41-.Ltmp1, $3  }
0x16: {  	_ =	sdelay $0x1  }
0x17: {  	[sflag:s11] =	ssyncset.done $0x0  }
0x18: {  	[sflag:s11] =	ssyncadd.s32 $0xFFFEC000  }
.LBB2_1:
0x19: {  	s0 =	sand.u32 $0x1F800, s8;
	s16 =	sand.u32 $0x380, s8  }
0x1a: {  	[dreg:$0x5] =	wrdreg s1;
	s1 =	sor.u32 s16, s0  }
0x1b: {  	[tilespmem:s1+$0x470] =	vst v0  }
0x1c: {  	[tilespmem:s1+$0x0] =	vst v0  }
0x1d: {  	[tilespmem:s1+$0x10] =	vst v0  }
0x1e: {  	[tilespmem:s1+$0x20] =	vst v0  }
0x1f: {  	[tilespmem:s1+$0x30] =	vst v0  }
0x20: {  	[tilespmem:s1+$0x40] =	vst v0  }
0x21: {  	[tilespmem:s1+$0x50] =	vst v0  }
0x22: {  	[tilespmem:s1+$0x60] =	vst v0  }
0x23: {  	[tilespmem:s1+$0x70] =	vst v0  }
0x24: {  	[tilespmem:s1+$0x400] =	vst v0  }
0x25: {  	[tilespmem:s1+$0x410] =	vst v0  }
0x26: {  	[tilespmem:s1+$0x420] =	vst v0  }
0x27: {  	[tilespmem:s1+$0x430] =	vst v0  }
0x28: {  	s17 =	simm.s32 $0x100;
	s2 =	simm.s32 $0x80;
	[tilespmem:s1+$0x440] =	vst v0  }
0x29: {  	s7 =	simm.s32 $0x200;
	s0 =	sand.u32 $0x1F800, s17;
	s8 =	sand.u32 $0x380, s2;
	[tilespmem:s1+$0x450] =	vst v0  }
.LBB2_2:
0x2a: {  	p0 =	sne.s32 s7, $0x14000;
	[tilespmem:s1+$0x460] =	vst v0;
	s1 =	sor.u32 s8, s0  }
0x2b: {  	[tilespmem:s1+$0x470] =	vst v0  }
0x2c: {  	[tilespmem:s1+$0x0] =	vst v0  }
0x2d: {  	[tilespmem:s1+$0x10] =	vst v0  }
0x2e: {  	[tilespmem:s1+$0x20] =	vst v0  }
0x2f: {  	[tilespmem:s1+$0x30] =	vst v0  }
0x30: {  	[tilespmem:s1+$0x40] =	vst v0  }
0x31: {  	[tilespmem:s1+$0x50] =	vst v0  }
0x32: {  	[tilespmem:s1+$0x60] =	vst v0  }
0x33: {  	[tilespmem:s1+$0x70] =	vst v0  }
0x34: {  	[tilespmem:s1+$0x400] =	vst v0  }
.Ltmp2:
0x35: {  	[tilespmem:s1+$0x410] =	vst v0;
	(pc) =	sbr.rel @p0 .LBB2_2-.Ltmp2, $4  }
0x36: {  	[tilespmem:s1+$0x420] =	vst v0  }
0x37: {  	[tilespmem:s1+$0x430] =	vst v0  }
0x38: {  	s2 =	sadd.s32 $0x80, s2;
	[tilespmem:s1+$0x440] =	vst v0  }
0x39: {  	s0 =	sand.u32 $0x1F800, s7;
	s7 =	sadd.s32 $0x100, s7;
	s8 =	sand.u32 $0x380, s2;
	[tilespmem:s1+$0x450] =	vst v0  }
0x3a: {  	s0 =	sor.u32 s8, s0;
	[tilespmem:s1+$0x460] =	vst v0  }
0x3b: {  	[tilespmem:s0+$0x470] =	vst v0  }
0x3c: {  	[tilespmem:s0+$0x0] =	vst v0  }
0x3d: {  	[tilespmem:s0+$0x10] =	vst v0  }
0x3e: {  	[tilespmem:s0+$0x20] =	vst v0  }
0x3f: {  	[tilespmem:s0+$0x30] =	vst v0  }
0x40: {  	[tilespmem:s0+$0x40] =	vst v0  }
0x41: {  	[tilespmem:s0+$0x50] =	vst v0  }
0x42: {  	[tilespmem:s0+$0x60] =	vst v0  }
0x43: {  	[tilespmem:s0+$0x70] =	vst v0  }
0x44: {  	[tilespmem:s0+$0x400] =	vst v0  }
0x45: {  	[tilespmem:s0+$0x410] =	vst v0  }
0x46: {  	[tilespmem:s0+$0x420] =	vst v0  }
0x47: {  	[tilespmem:s0+$0x430] =	vst v0  }
0x48: {  	[tilespmem:s0+$0x440] =	vst v0  }
0x49: {  	[tilespmem:s0+$0x450] =	vst v0  }
0x4a: {  	s1 =	simm.s32 $0x0;
	s17 =	rddreg [dreg:$0x2];
	s2 =	simm.s32 $0x1C900;
	[tilespmem:s0+$0x460] =	vst v0  }
0x4b: {  	[tilespmem:s2], [sflag:$0x2] =	stream.linear.gather [hbm4b:s17+s1], $0x10, $0x38;
	[tilespmem:$0x1C980] =	vst v63  }
0x4c: {  	_ =	swait.ge [sflag:s11], $0x10  }
0x4d: {  	[sflag:s11] =	ssyncset.done $0x0  }
0x4e: {  	[sflag:s11] =	ssyncadd.s32 $0xFFFFFFF0  }
0x4f: {  	v4 =	vld [tilespmem:$0x1C900];
	_ =	sdelay $0x4  }
0x50: {  	(v2sf) =	vpush v4, $0x0;
	_ =	sdelay $0xa  }
.Ltmp3:
0x51: {  	_ = 	snop;
	(pc) =	sbr.rel .LBB2_4-.Ltmp3, $2  }
0x52: {  	_ =	sdelay $0x2  }
0x53: {  	s10 =	spop (v2sf)  }
.LBB2_39:
0x54: {  	s1 =	sadd.s32 $0x1, s1  }
0x55: {  	p0 =	sne.s32 s1, $0x4E3  }
.Ltmp4:
0x56: {  	_ = 	snop;
	(pc) =	sbr.rel @!p0 .LBB2_40-.Ltmp4, $1  }
0x57: {  	_ =	sdelay $0x3  }
.LBB2_4:
0x58: {  	s0 =	sshll.u32 s1, $0x7  }
0x59: {  	p0 =	sge.s32 s0, s10  }
.Ltmp5:
0x5a: {  	_ = 	snop;
	(pc) =	sbr.rel @p0 .LBB2_39-.Ltmp5, $1  }
0x5b: {  	_ =	sdelay $0x3  }
0x5c: {  	s0 =	sadd.s32 s6, s0  }
0x5d: {  	s0 =	sshrl.u32 s0, $0x3  }
0x5e: {  	s7 =	simm.s32 $0x0;
	s8 =	simm.s32 $0x14800;
	s2 =	sadd.s32 s4, s0  }
0x5f: {  	[tilespmem:s8], [sflag:$0x2] =	stream.linear.gather [hbm4b:s2+s7], $0x80, $0x38;
	[tilespmem:$0x1C980] =	vst v63  }
0x60: {  	_ =	swait.ge [sflag:s11], $0x80  }
0x61: {  	[sflag:s11] =	ssyncset.done $0x0  }
0x62: {  	s13 =	simm.s32 $0x14880;
	s0 =	sadd.s32 s5, s0;
	[sflag:s11] =	ssyncadd.s32 $0xFFFFFF80  }
0x63: {  	[tilespmem:s13], [sflag:$0x2] =	stream.linear.gather [hbm4b:s0+s7], $0x80, $0x38;
	[tilespmem:$0x1C980] =	vst v63  }
0x64: {  	_ =	swait.ge [sflag:s11], $0x80  }
0x65: {  	[sflag:s11] =	ssyncset.done $0x0  }
0x66: {  	[sflag:s11] =	ssyncadd.s32 $0xFFFFFF80  }
0x67: {  	v4 =	vld [tilespmem:$0x14800];
	_ =	sdelay $0x4  }
0x68: {  	v5 =	vshll.u32 v4, $0x1  }
0x69: {  	v4 =	vand.u32 $0x7, v4;
	v5 =	vand.u32 $0xFFFFFFF0, v5  }
0x6a: {  	v4 =	vor.u32 v4, v5  }
0x6b: {  	v5 =	vperm.xlane v4, v1;
	_ =	sdelay $0x1  }
0x6c: {  	v4 =	vperm.xlane v4, v3;
	v5 =	vadd.s32 v2, v5;
	_ =	sdelay $0x1  }
0x6d: {  	v4 =	vadd.s32 v2, v4;
	_ =	sdelay $0x1  }
0x6e: {  	s14 =	simm.s32 $0x14900  }
0x6f: {  	[tilespmem:s14], [sflag:$0x1] =	stream.indirect_vreg.gather [hbm4b:s3+s7], $0x80, v5, vm0, $0xb8;
	[tilespmem:$0x1C980] =	vst v63  }
0x70: {  	s15 =	simm.s32 $0x15100  }
0x71: {  	[tilespmem:s15], [sflag:$0x1] =	stream.indirect_vreg.gather [hbm4b:s3+s7], $0x80, v4, vm0, $0xb8;
	[tilespmem:$0x1C980] =	vst v63  }
0x72: {  	v4 =	vld [tilespmem:$0x14810];
	_ =	sdelay $0x4  }
0x73: {  	v5 =	vshll.u32 v4, $0x1  }
0x74: {  	v4 =	vand.u32 $0x7, v4;
	v5 =	vand.u32 $0xFFFFFFF0, v5  }
0x75: {  	v4 =	vor.u32 v4, v5  }
0x76: {  	v5 =	vperm.xlane v4, v1;
	_ =	sdelay $0x1  }
0x77: {  	v4 =	vperm.xlane v4, v3;
	v5 =	vadd.s32 v2, v5;
	_ =	sdelay $0x1  }
0x78: {  	v4 =	vadd.s32 v2, v4;
	_ =	sdelay $0x1  }
0x79: {  	s16 =	simm.s32 $0x15900  }
0x7a: {  	[tilespmem:s16], [sflag:$0x1] =	stream.indirect_vreg.gather [hbm4b:s3+s7], $0x80, v5, vm0, $0xb8;
	[tilespmem:$0x1C980] =	vst v63  }
0x7b: {  	s17 =	simm.s32 $0x16100  }
0x7c: {  	[tilespmem:s17], [sflag:$0x1] =	stream.indirect_vreg.gather [hbm4b:s3+s7], $0x80, v4, vm0, $0xb8;
	[tilespmem:$0x1C980] =	vst v63  }
0x7d: {  	v4 =	vld [tilespmem:$0x14820];
	_ =	sdelay $0x4  }
0x7e: {  	v5 =	vshll.u32 v4, $0x1  }
0x7f: {  	v4 =	vand.u32 $0x7, v4;
	v5 =	vand.u32 $0xFFFFFFF0, v5  }
0x80: {  	v4 =	vor.u32 v4, v5  }
0x81: {  	v5 =	vperm.xlane v4, v1;
	_ =	sdelay $0x1  }
0x82: {  	v4 =	vperm.xlane v4, v3;
	v5 =	vadd.s32 v2, v5;
	_ =	sdelay $0x1  }
0x83: {  	v4 =	vadd.s32 v2, v4;
	_ =	sdelay $0x2  }
0x84: {  	[tilespmem:s18], [sflag:$0x1] =	stream.indirect_vreg.gather [hbm4b:s3+s7], $0x80, v5, vm0, $0xb8;
	[tilespmem:$0x1C980] =	vst v63  }
0x85: {  	_ = 	snop  }
0x86: {  	[tilespmem:s19], [sflag:$0x1] =	stream.indirect_vreg.gather [hbm4b:s3+s7], $0x80, v4, vm0, $0xb8;
	[tilespmem:$0x1C980] =	vst v63  }
0x87: {  	v4 =	vld [tilespmem:$0x14830];
	_ =	sdelay $0x4  }
0x88: {  	v5 =	vshll.u32 v4, $0x1  }
0x89: {  	v4 =	vand.u32 $0x7, v4;
	v5 =	vand.u32 $0xFFFFFFF0, v5  }
0x8a: {  	v4 =	vor.u32 v4, v5  }
0x8b: {  	v5 =	vperm.xlane v4, v1;
	_ =	sdelay $0x1  }
0x8c: {  	v4 =	vperm.xlane v4, v3;
	v5 =	vadd.s32 v2, v5;
	_ =	sdelay $0x1  }
0x8d: {  	v4 =	vadd.s32 v2, v4;
	_ =	sdelay $0x2  }
0x8e: {  	[tilespmem:s20], [sflag:$0x1] =	stream.indirect_vreg.gather [hbm4b:s3+s7], $0x80, v5, vm0, $0xb8;
	[tilespmem:$0x1C980] =	vst v63  }
0x8f: {  	_ = 	snop  }
0x90: {  	[tilespmem:s21], [sflag:$0x1] =	stream.indirect_vreg.gather [hbm4b:s3+s7], $0x80, v4, vm0, $0xb8;
	[tilespmem:$0x1C980] =	vst v63  }
0x91: {  	v4 =	vld [tilespmem:$0x14840];
	_ =	sdelay $0x4  }
0x92: {  	v5 =	vshll.u32 v4, $0x1  }
0x93: {  	v4 =	vand.u32 $0x7, v4;
	v5 =	vand.u32 $0xFFFFFFF0, v5  }
0x94: {  	v4 =	vor.u32 v4, v5  }
0x95: {  	v5 =	vperm.xlane v4, v1;
	_ =	sdelay $0x1  }
0x96: {  	v4 =	vperm.xlane v4, v3;
	v5 =	vadd.s32 v2, v5;
	_ =	sdelay $0x1  }
0x97: {  	v4 =	vadd.s32 v2, v4;
	_ =	sdelay $0x2  }
0x98: {  	[tilespmem:s22], [sflag:$0x1] =	stream.indirect_vreg.gather [hbm4b:s3+s7], $0x80, v5, vm0, $0xb8;
	[tilespmem:$0x1C980] =	vst v63  }
0x99: {  	_ = 	snop  }
0x9a: {  	[tilespmem:s23], [sflag:$0x1] =	stream.indirect_vreg.gather [hbm4b:s3+s7], $0x80, v4, vm0, $0xb8;
	[tilespmem:$0x1C980] =	vst v63  }
0x9b: {  	v4 =	vld [tilespmem:$0x14850];
	_ =	sdelay $0x4  }
0x9c: {  	v5 =	vshll.u32 v4, $0x1  }
0x9d: {  	v4 =	vand.u32 $0x7, v4;
	v5 =	vand.u32 $0xFFFFFFF0, v5  }
0x9e: {  	v4 =	vor.u32 v4, v5  }
0x9f: {  	v5 =	vperm.xlane v4, v1;
	_ =	sdelay $0x1  }
0xa0: {  	v4 =	vperm.xlane v4, v3;
	v5 =	vadd.s32 v2, v5;
	_ =	sdelay $0x1  }
0xa1: {  	v4 =	vadd.s32 v2, v4;
	_ =	sdelay $0x2  }
0xa2: {  	[tilespmem:s24], [sflag:$0x1] =	stream.indirect_vreg.gather [hbm4b:s3+s7], $0x80, v5, vm0, $0xb8;
	[tilespmem:$0x1C980] =	vst v63  }
0xa3: {  	_ = 	snop  }
0xa4: {  	[tilespmem:s25], [sflag:$0x1] =	stream.indirect_vreg.gather [hbm4b:s3+s7], $0x80, v4, vm0, $0xb8;
	[tilespmem:$0x1C980] =	vst v63  }
0xa5: {  	v4 =	vld [tilespmem:$0x14860];
	_ =	sdelay $0x4  }
0xa6: {  	v5 =	vshll.u32 v4, $0x1  }
0xa7: {  	v4 =	vand.u32 $0x7, v4;
	v5 =	vand.u32 $0xFFFFFFF0, v5  }
0xa8: {  	v4 =	vor.u32 v4, v5  }
0xa9: {  	v5 =	vperm.xlane v4, v1;
	_ =	sdelay $0x1  }
0xaa: {  	v4 =	vperm.xlane v4, v3;
	v5 =	vadd.s32 v2, v5;
	_ =	sdelay $0x1  }
0xab: {  	v4 =	vadd.s32 v2, v4;
	_ =	sdelay $0x2  }
0xac: {  	[tilespmem:s26], [sflag:$0x1] =	stream.indirect_vreg.gather [hbm4b:s3+s7], $0x80, v5, vm0, $0xb8;
	[tilespmem:$0x1C980] =	vst v63  }
0xad: {  	_ = 	snop  }
0xae: {  	[tilespmem:s28], [sflag:$0x1] =	stream.indirect_vreg.gather [hbm4b:s3+s7], $0x80, v4, vm0, $0xb8;
	[tilespmem:$0x1C980] =	vst v63  }
0xaf: {  	v4 =	vld [tilespmem:$0x14870];
	_ =	sdelay $0x4  }
0xb0: {  	v5 =	vshll.u32 v4, $0x1  }
0xb1: {  	v4 =	vand.u32 $0x7, v4;
	v5 =	vand.u32 $0xFFFFFFF0, v5  }
0xb2: {  	v4 =	vor.u32 v4, v5  }
0xb3: {  	v5 =	vperm.xlane v4, v1;
	_ =	sdelay $0x1  }
0xb4: {  	v4 =	vperm.xlane v4, v3;
	v5 =	vadd.s32 v2, v5;
	_ =	sdelay $0x1  }
0xb5: {  	v4 =	vadd.s32 v2, v4;
	_ =	sdelay $0x2  }
0xb6: {  	[tilespmem:s29], [sflag:$0x1] =	stream.indirect_vreg.gather [hbm4b:s3+s7], $0x80, v5, vm0, $0xb8;
	[tilespmem:$0x1C980] =	vst v63  }
0xb7: {  	_ = 	snop  }
0xb8: {  	[tilespmem:s30], [sflag:$0x1] =	stream.indirect_vreg.gather [hbm4b:s3+s7], $0x80, v4, vm0, $0xb8;
	[tilespmem:$0x1C980] =	vst v63  }
0xb9: {  	_ =	swait.ge [sflag:s31], $0x8000  }
0xba: {  	[sflag:s31] =	ssyncset.done $0x0  }
0xbb: {  	s8 =	simm.s32 $0x0;
	[sflag:s31] =	ssyncadd.s32 $0xFFFF8000  }
.LBB2_6:
0xbc: {  	s0 =	sshll.u32 s8, $0x4  }
0xbd: {  	s0 =	sand.u32 $0x3FFFFFF0, s0  }
0xbe: {  	v4 =	vld [tilespmem:s0+$0x14880];
	_ =	sdelay $0x4  }
0xbf: {  	(v2sf) =	vpush v4, $0x0;
	_ =	sdelay $0xe  }
0xc0: {  	s15 =	spop (v2sf)  }
0xc1: {  	s9 =	sshll.u32 s8, $0xC;
	s2 =	sshll.u32 s15, $0x8  }
0xc2: {  	s0 =	sshll.u32 s15, $0x7;
	s12 =	sand.u32 $0xFFFFF800, s2;
	s2 =	sand.u32 $0x3FFFF000, s9  }
0xc3: {  	s13 =	sand.u32 $0x400, s7;
	s0 =	sand.u32 $0x380, s0;
	s9 =	sadd.s32 $0x14900, s2  }
0xc4: {  	s16 =	sand.u32 $0x70, s7;
	s0 =	sor.u32 s0, s12;
	s14 =	sadd.s32 s13, s9  }
0xc5: {  	s13 =	sadd.s32 s13, s0;
	s14 =	sadd.s32 s16, s14  }
0xc6: {  	s12 =	sadd.s32 s16, s13;
	v5 =	vld [tilespmem:s14+$0x0]  }
0xc7: {  	v6 =	vld [tilespmem:s12+$0x0];
	_ =	sdelay $0x2  }
0xc8: {  	s13 =	simm.s32 $0x80  }
0xc9: {  	s17 =	simm.s32 $0x10;
	s16 =	sand.u32 $0x400, s13  }
0xca: {  	s15 =	sand.u32 $0x70, s17;
	s14 =	simm.s32 $0x20;
	s17 =	sadd.s32 s16, s9;
	v5 =	vmax.f32 v6, v5  }
.LBB2_7:
0xcb: {  	p0 =	sne.s32 s14, $0xF0;
	s16 =	sadd.s32 s16, s0;
	s17 =	sadd.s32 s15, s17;
	[tilespmem:s12+$0x0] =	vst v5  }
0xcc: {  	s12 =	sadd.s32 s15, s16;
	v5 =	vld [tilespmem:s17+$0x0]  }
0xcd: {  	v6 =	vld [tilespmem:s12+$0x0]  }
.Ltmp6:
0xce: {  	(pc) =	sbr.rel @p0 .LBB2_7-.Ltmp6, $4  }
0xcf: {  	_ = 	snop  }
0xd0: {  	s13 =	sadd.s32 $0x80, s13  }
0xd1: {  	s16 =	sand.u32 $0x400, s13  }
0xd2: {  	s15 =	sand.u32 $0x70, s14;
	s14 =	sadd.s32 $0x10, s14;
	s17 =	sadd.s32 s16, s9;
	v5 =	vmax.f32 v6, v5  }
0xd3: {  	(v2sf) =	vpush v4, $0x1;
	_ =	sdelay $0xa  }
0xd4: {  	s0 =	sadd.s32 s16, s0;
	s13 =	sadd.s32 s15, s17;
	[tilespmem:s12+$0x0] =	vst v5  }
0xd5: {  	s12 =	sadd.s32 s15, s0;
	v5 =	vld [tilespmem:s13+$0x0]  }
0xd6: {  	v6 =	vld [tilespmem:s12+$0x0];
	_ =	sdelay $0x1  }
0xd7: {  	s14 =	spop (v2sf)  }
0xd8: {  	s15 =	sshll.u32 s14, $0x8;
	s0 =	sshll.u32 s14, $0x7;
	s14 =	simm.s32 $0x0  }
0xd9: {  	s13 =	sand.u32 $0xFFFFF800, s15;
	s0 =	sand.u32 $0x380, s0;
	s16 =	sand.u32 $0x400, s14  }
0xda: {  	v5 =	vmax.f32 v6, v5;
	s0 =	sor.u32 s0, s13;
	s13 =	sand.u32 $0x70, s14;
	s17 =	sadd.s32 s16, s9  }
0xdb: {  	[tilespmem:s12+$0x0] =	vst v5;
	s16 =	sadd.s32 s16, s0;
	s14 =	sadd.s32 s13, s17  }
0xdc: {  	s12 =	sadd.s32 s13, s16;
	v5 =	vld [tilespmem:s14+$0x80]  }
0xdd: {  	v6 =	vld [tilespmem:s12+$0x0];
	_ =	sdelay $0x2  }
0xde: {  	s13 =	simm.s32 $0x80  }
0xdf: {  	s17 =	simm.s32 $0x10;
	s16 =	sand.u32 $0x400, s13  }
0xe0: {  	s15 =	sand.u32 $0x70, s17;
	s14 =	simm.s32 $0x20;
	s17 =	sadd.s32 s16, s9;
	v5 =	vmax.f32 v6, v5  }
.LBB2_9:
0xe1: {  	p0 =	sne.s32 s14, $0xF0;
	s16 =	sadd.s32 s16, s0;
	s17 =	sadd.s32 s15, s17;
	[tilespmem:s12+$0x0] =	vst v5  }
0xe2: {  	s12 =	sadd.s32 s15, s16;
	v5 =	vld [tilespmem:s17+$0x80]  }
0xe3: {  	v6 =	vld [tilespmem:s12+$0x0]  }
.Ltmp7:
0xe4: {  	(pc) =	sbr.rel @p0 .LBB2_9-.Ltmp7, $4  }
0xe5: {  	_ = 	snop  }
0xe6: {  	s13 =	sadd.s32 $0x80, s13  }
0xe7: {  	s16 =	sand.u32 $0x400, s13  }
0xe8: {  	s15 =	sand.u32 $0x70, s14;
	s14 =	sadd.s32 $0x10, s14;
	s17 =	sadd.s32 s16, s9;
	v5 =	vmax.f32 v6, v5  }
0xe9: {  	(v2sf) =	vpush v4, $0x2;
	_ =	sdelay $0xa  }
0xea: {  	s0 =	sadd.s32 s16, s0;
	s13 =	sadd.s32 s15, s17;
	[tilespmem:s12+$0x0] =	vst v5  }
0xeb: {  	s12 =	sadd.s32 s15, s0;
	v5 =	vld [tilespmem:s13+$0x80]  }
0xec: {  	v6 =	vld [tilespmem:s12+$0x0];
	_ =	sdelay $0x1  }
0xed: {  	s14 =	spop (v2sf)  }
0xee: {  	s15 =	sshll.u32 s14, $0x8;
	s0 =	sshll.u32 s14, $0x7;
	s14 =	simm.s32 $0x0  }
0xef: {  	s13 =	sand.u32 $0xFFFFF800, s15;
	s0 =	sand.u32 $0x380, s0;
	s16 =	sand.u32 $0x400, s14  }
0xf0: {  	v5 =	vmax.f32 v6, v5;
	s0 =	sor.u32 s0, s13;
	s13 =	sand.u32 $0x70, s14;
	s17 =	sadd.s32 s16, s9  }
0xf1: {  	[tilespmem:s12+$0x0] =	vst v5;
	s16 =	sadd.s32 s16, s0;
	s14 =	sadd.s32 s13, s17  }
0xf2: {  	s12 =	sadd.s32 s13, s16;
	v5 =	vld [tilespmem:s14+$0x100]  }
0xf3: {  	v6 =	vld [tilespmem:s12+$0x0];
	_ =	sdelay $0x2  }
0xf4: {  	s13 =	simm.s32 $0x80  }
0xf5: {  	s17 =	simm.s32 $0x10;
	s16 =	sand.u32 $0x400, s13  }
0xf6: {  	s15 =	sand.u32 $0x70, s17;
	s14 =	simm.s32 $0x20;
	s17 =	sadd.s32 s16, s9;
	v5 =	vmax.f32 v6, v5  }
.LBB2_11:
0xf7: {  	p0 =	sne.s32 s14, $0xF0;
	s16 =	sadd.s32 s16, s0;
	s17 =	sadd.s32 s15, s17;
	[tilespmem:s12+$0x0] =	vst v5  }
0xf8: {  	s12 =	sadd.s32 s15, s16;
	v5 =	vld [tilespmem:s17+$0x100]  }
0xf9: {  	v6 =	vld [tilespmem:s12+$0x0]  }
.Ltmp8:
0xfa: {  	(pc) =	sbr.rel @p0 .LBB2_11-.Ltmp8, $4  }
0xfb: {  	_ = 	snop  }
0xfc: {  	s13 =	sadd.s32 $0x80, s13  }
0xfd: {  	s16 =	sand.u32 $0x400, s13  }
0xfe: {  	s15 =	sand.u32 $0x70, s14;
	s14 =	sadd.s32 $0x10, s14;
	s17 =	sadd.s32 s16, s9;
	v5 =	vmax.f32 v6, v5  }
0xff: {  	(v2sf) =	vpush v4, $0x3;
	_ =	sdelay $0xa  }
0x100: {  	s0 =	sadd.s32 s16, s0;
	s13 =	sadd.s32 s15, s17;
	[tilespmem:s12+$0x0] =	vst v5  }
0x101: {  	s12 =	sadd.s32 s15, s0;
	v5 =	vld [tilespmem:s13+$0x100]  }
0x102: {  	v6 =	vld [tilespmem:s12+$0x0];
	_ =	sdelay $0x1  }
0x103: {  	s14 =	spop (v2sf)  }
0x104: {  	s15 =	sshll.u32 s14, $0x8;
	s0 =	sshll.u32 s14, $0x7;
	s14 =	simm.s32 $0x0  }
0x105: {  	s13 =	sand.u32 $0xFFFFF800, s15;
	s0 =	sand.u32 $0x380, s0;
	s16 =	sand.u32 $0x400, s14  }
0x106: {  	v5 =	vmax.f32 v6, v5;
	s0 =	sor.u32 s0, s13;
	s13 =	sand.u32 $0x70, s14;
	s17 =	sadd.s32 s16, s9  }
0x107: {  	[tilespmem:s12+$0x0] =	vst v5;
	s16 =	sadd.s32 s16, s0;
	s14 =	sadd.s32 s13, s17  }
0x108: {  	s12 =	sadd.s32 s13, s16;
	v5 =	vld [tilespmem:s14+$0x180]  }
0x109: {  	v6 =	vld [tilespmem:s12+$0x0];
	_ =	sdelay $0x2  }
0x10a: {  	s13 =	simm.s32 $0x80  }
0x10b: {  	s17 =	simm.s32 $0x10;
	s16 =	sand.u32 $0x400, s13  }
0x10c: {  	s15 =	sand.u32 $0x70, s17;
	s14 =	simm.s32 $0x20;
	s17 =	sadd.s32 s16, s9;
	v5 =	vmax.f32 v6, v5  }
.LBB2_13:
0x10d: {  	p0 =	sne.s32 s14, $0xF0;
	s16 =	sadd.s32 s16, s0;
	s17 =	sadd.s32 s15, s17;
	[tilespmem:s12+$0x0] =	vst v5  }
0x10e: {  	s12 =	sadd.s32 s15, s16;
	v5 =	vld [tilespmem:s17+$0x180]  }
0x10f: {  	v6 =	vld [tilespmem:s12+$0x0]  }
.Ltmp9:
0x110: {  	(pc) =	sbr.rel @p0 .LBB2_13-.Ltmp9, $4  }
0x111: {  	_ = 	snop  }
0x112: {  	s13 =	sadd.s32 $0x80, s13  }
0x113: {  	s16 =	sand.u32 $0x400, s13  }
0x114: {  	s15 =	sand.u32 $0x70, s14;
	s14 =	sadd.s32 $0x10, s14;
	s17 =	sadd.s32 s16, s9;
	v5 =	vmax.f32 v6, v5  }
0x115: {  	(v2sf) =	vpush v4, $0x4;
	_ =	sdelay $0xa  }
0x116: {  	s0 =	sadd.s32 s16, s0;
	s13 =	sadd.s32 s15, s17;
	[tilespmem:s12+$0x0] =	vst v5  }
0x117: {  	s12 =	sadd.s32 s15, s0;
	v5 =	vld [tilespmem:s13+$0x180]  }
0x118: {  	v6 =	vld [tilespmem:s12+$0x0];
	_ =	sdelay $0x1  }
0x119: {  	s14 =	spop (v2sf)  }
0x11a: {  	s15 =	sshll.u32 s14, $0x8;
	s0 =	sshll.u32 s14, $0x7;
	s14 =	simm.s32 $0x0  }
0x11b: {  	s13 =	sand.u32 $0xFFFFF800, s15;
	s0 =	sand.u32 $0x380, s0;
	s16 =	sand.u32 $0x400, s14  }
0x11c: {  	v5 =	vmax.f32 v6, v5;
	s0 =	sor.u32 s0, s13;
	s13 =	sand.u32 $0x70, s14;
	s17 =	sadd.s32 s16, s9  }
0x11d: {  	[tilespmem:s12+$0x0] =	vst v5;
	s16 =	sadd.s32 s16, s0;
	s14 =	sadd.s32 s13, s17  }
0x11e: {  	s12 =	sadd.s32 s13, s16;
	v5 =	vld [tilespmem:s14+$0x200]  }
0x11f: {  	v6 =	vld [tilespmem:s12+$0x0];
	_ =	sdelay $0x2  }
0x120: {  	s13 =	simm.s32 $0x80  }
0x121: {  	s17 =	simm.s32 $0x10;
	s16 =	sand.u32 $0x400, s13  }
0x122: {  	s15 =	sand.u32 $0x70, s17;
	s14 =	simm.s32 $0x20;
	s17 =	sadd.s32 s16, s9;
	v5 =	vmax.f32 v6, v5  }
.LBB2_15:
0x123: {  	p0 =	sne.s32 s14, $0xF0;
	s16 =	sadd.s32 s16, s0;
	s17 =	sadd.s32 s15, s17;
	[tilespmem:s12+$0x0] =	vst v5  }
0x124: {  	s12 =	sadd.s32 s15, s16;
	v5 =	vld [tilespmem:s17+$0x200]  }
0x125: {  	v6 =	vld [tilespmem:s12+$0x0]  }
.Ltmp10:
0x126: {  	(pc) =	sbr.rel @p0 .LBB2_15-.Ltmp10, $4  }
0x127: {  	_ = 	snop  }
0x128: {  	s13 =	sadd.s32 $0x80, s13  }
0x129: {  	s16 =	sand.u32 $0x400, s13  }
0x12a: {  	s15 =	sand.u32 $0x70, s14;
	s14 =	sadd.s32 $0x10, s14;
	s17 =	sadd.s32 s16, s9;
	v5 =	vmax.f32 v6, v5  }
0x12b: {  	(v2sf) =	vpush v4, $0x5;
	_ =	sdelay $0xa  }
0x12c: {  	s0 =	sadd.s32 s16, s0;
	s13 =	sadd.s32 s15, s17;
	[tilespmem:s12+$0x0] =	vst v5  }
0x12d: {  	s12 =	sadd.s32 s15, s0;
	v5 =	vld [tilespmem:s13+$0x200]  }
0x12e: {  	v6 =	vld [tilespmem:s12+$0x0];
	_ =	sdelay $0x1  }
0x12f: {  	s14 =	spop (v2sf)  }
0x130: {  	s15 =	sshll.u32 s14, $0x8;
	s0 =	sshll.u32 s14, $0x7;
	s14 =	simm.s32 $0x0  }
0x131: {  	s13 =	sand.u32 $0xFFFFF800, s15;
	s0 =	sand.u32 $0x380, s0;
	s16 =	sand.u32 $0x400, s14  }
0x132: {  	v5 =	vmax.f32 v6, v5;
	s0 =	sor.u32 s0, s13;
	s13 =	sand.u32 $0x70, s14;
	s17 =	sadd.s32 s16, s9  }
0x133: {  	[tilespmem:s12+$0x0] =	vst v5;
	s16 =	sadd.s32 s16, s0;
	s14 =	sadd.s32 s13, s17  }
0x134: {  	s12 =	sadd.s32 s13, s16;
	v5 =	vld [tilespmem:s14+$0x280]  }
0x135: {  	v6 =	vld [tilespmem:s12+$0x0];
	_ =	sdelay $0x2  }
0x136: {  	s13 =	simm.s32 $0x80  }
0x137: {  	s17 =	simm.s32 $0x10;
	s16 =	sand.u32 $0x400, s13  }
0x138: {  	s15 =	sand.u32 $0x70, s17;
	s14 =	simm.s32 $0x20;
	s17 =	sadd.s32 s16, s9;
	v5 =	vmax.f32 v6, v5  }
.LBB2_17:
0x139: {  	p0 =	sne.s32 s14, $0xF0;
	s16 =	sadd.s32 s16, s0;
	s17 =	sadd.s32 s15, s17;
	[tilespmem:s12+$0x0] =	vst v5  }
0x13a: {  	s12 =	sadd.s32 s15, s16;
	v5 =	vld [tilespmem:s17+$0x280]  }
0x13b: {  	v6 =	vld [tilespmem:s12+$0x0]  }
.Ltmp11:
0x13c: {  	(pc) =	sbr.rel @p0 .LBB2_17-.Ltmp11, $4  }
0x13d: {  	_ = 	snop  }
0x13e: {  	s13 =	sadd.s32 $0x80, s13  }
0x13f: {  	s16 =	sand.u32 $0x400, s13  }
0x140: {  	s15 =	sand.u32 $0x70, s14;
	s14 =	sadd.s32 $0x10, s14;
	s17 =	sadd.s32 s16, s9;
	v5 =	vmax.f32 v6, v5  }
0x141: {  	(v2sf) =	vpush v4, $0x6;
	_ =	sdelay $0xa  }
0x142: {  	s0 =	sadd.s32 s16, s0;
	s13 =	sadd.s32 s15, s17;
	[tilespmem:s12+$0x0] =	vst v5  }
0x143: {  	s12 =	sadd.s32 s15, s0;
	v5 =	vld [tilespmem:s13+$0x280]  }
0x144: {  	v6 =	vld [tilespmem:s12+$0x0];
	_ =	sdelay $0x1  }
0x145: {  	s14 =	spop (v2sf)  }
0x146: {  	s15 =	sshll.u32 s14, $0x8;
	s0 =	sshll.u32 s14, $0x7;
	s14 =	simm.s32 $0x0  }
0x147: {  	s13 =	sand.u32 $0xFFFFF800, s15;
	s0 =	sand.u32 $0x380, s0;
	s16 =	sand.u32 $0x400, s14  }
0x148: {  	v5 =	vmax.f32 v6, v5;
	s0 =	sor.u32 s0, s13;
	s13 =	sand.u32 $0x70, s14;
	s17 =	sadd.s32 s16, s9  }
0x149: {  	[tilespmem:s12+$0x0] =	vst v5;
	s16 =	sadd.s32 s16, s0;
	s14 =	sadd.s32 s13, s17  }
0x14a: {  	s12 =	sadd.s32 s13, s16;
	v5 =	vld [tilespmem:s14+$0x300]  }
0x14b: {  	v6 =	vld [tilespmem:s12+$0x0];
	_ =	sdelay $0x2  }
0x14c: {  	s13 =	simm.s32 $0x80  }
0x14d: {  	s17 =	simm.s32 $0x10;
	s16 =	sand.u32 $0x400, s13  }
0x14e: {  	s15 =	sand.u32 $0x70, s17;
	s14 =	simm.s32 $0x20;
	s17 =	sadd.s32 s16, s9;
	v5 =	vmax.f32 v6, v5  }
.LBB2_19:
0x14f: {  	p0 =	sne.s32 s14, $0xF0;
	s16 =	sadd.s32 s16, s0;
	s17 =	sadd.s32 s15, s17;
	[tilespmem:s12+$0x0] =	vst v5  }
0x150: {  	s12 =	sadd.s32 s15, s16;
	v5 =	vld [tilespmem:s17+$0x300]  }
0x151: {  	v6 =	vld [tilespmem:s12+$0x0]  }
.Ltmp12:
0x152: {  	(pc) =	sbr.rel @p0 .LBB2_19-.Ltmp12, $4  }
0x153: {  	_ = 	snop  }
0x154: {  	s13 =	sadd.s32 $0x80, s13  }
0x155: {  	s16 =	sand.u32 $0x400, s13  }
0x156: {  	s15 =	sand.u32 $0x70, s14;
	s14 =	sadd.s32 $0x10, s14;
	s17 =	sadd.s32 s16, s9;
	v5 =	vmax.f32 v6, v5  }
0x157: {  	(v2sf) =	vpush v4, $0x7;
	_ =	sdelay $0xa  }
0x158: {  	s0 =	sadd.s32 s16, s0;
	s13 =	sadd.s32 s15, s17;
	[tilespmem:s12+$0x0] =	vst v5  }
0x159: {  	s12 =	sadd.s32 s15, s0;
	v5 =	vld [tilespmem:s13+$0x300]  }
0x15a: {  	v6 =	vld [tilespmem:s12+$0x0];
	_ =	sdelay $0x1  }
0x15b: {  	s14 =	spop (v2sf)  }
0x15c: {  	s15 =	sshll.u32 s14, $0x8;
	s0 =	sshll.u32 s14, $0x7;
	s14 =	simm.s32 $0x0  }
0x15d: {  	s13 =	sand.u32 $0xFFFFF800, s15;
	s0 =	sand.u32 $0x380, s0;
	s16 =	sand.u32 $0x400, s14  }
0x15e: {  	v5 =	vmax.f32 v6, v5;
	s0 =	sor.u32 s0, s13;
	s13 =	sand.u32 $0x70, s14;
	s17 =	sadd.s32 s16, s9  }
0x15f: {  	[tilespmem:s12+$0x0] =	vst v5;
	s16 =	sadd.s32 s16, s0;
	s14 =	sadd.s32 s13, s17  }
0x160: {  	s12 =	sadd.s32 s13, s16;
	v5 =	vld [tilespmem:s14+$0x380]  }
0x161: {  	v6 =	vld [tilespmem:s12+$0x0];
	_ =	sdelay $0x2  }
0x162: {  	s13 =	simm.s32 $0x80  }
0x163: {  	s17 =	simm.s32 $0x10;
	s16 =	sand.u32 $0x400, s13  }
0x164: {  	s15 =	sand.u32 $0x70, s17;
	s14 =	simm.s32 $0x20;
	s17 =	sadd.s32 s16, s9;
	v5 =	vmax.f32 v6, v5  }
.LBB2_21:
0x165: {  	p0 =	sne.s32 s14, $0xF0;
	s16 =	sadd.s32 s16, s0;
	s17 =	sadd.s32 s15, s17;
	[tilespmem:s12+$0x0] =	vst v5  }
0x166: {  	s12 =	sadd.s32 s15, s16;
	v5 =	vld [tilespmem:s17+$0x380]  }
0x167: {  	v6 =	vld [tilespmem:s12+$0x0]  }
.Ltmp13:
0x168: {  	(pc) =	sbr.rel @p0 .LBB2_21-.Ltmp13, $4  }
0x169: {  	_ = 	snop  }
0x16a: {  	s13 =	sadd.s32 $0x80, s13  }
0x16b: {  	s16 =	sand.u32 $0x400, s13  }
0x16c: {  	s15 =	sand.u32 $0x70, s14;
	s14 =	sadd.s32 $0x10, s14;
	s17 =	sadd.s32 s16, s9;
	v5 =	vmax.f32 v6, v5  }
0x16d: {  	(v2sf) =	vpush v4, $0x8;
	_ =	sdelay $0xa  }
0x16e: {  	s0 =	sadd.s32 s16, s0;
	s13 =	sadd.s32 s15, s17;
	[tilespmem:s12+$0x0] =	vst v5  }
0x16f: {  	s12 =	sadd.s32 s15, s0;
	v5 =	vld [tilespmem:s13+$0x380]  }
0x170: {  	v6 =	vld [tilespmem:s12+$0x0];
	_ =	sdelay $0x1  }
0x171: {  	s2 =	sadd.s32 $0x15100, s2;
	s14 =	spop (v2sf)  }
0x172: {  	s15 =	sshll.u32 s14, $0x8;
	s0 =	sshll.u32 s14, $0x7;
	s14 =	simm.s32 $0x0  }
0x173: {  	s13 =	sand.u32 $0xFFFFF800, s15;
	s0 =	sand.u32 $0x380, s0;
	s16 =	sand.u32 $0x400, s14  }
0x174: {  	v5 =	vmax.f32 v6, v5;
	s0 =	sor.u32 s0, s13;
	s13 =	sand.u32 $0x70, s14;
	s17 =	sadd.s32 s16, s2  }
0x175: {  	[tilespmem:s12+$0x0] =	vst v5;
	s16 =	sadd.s32 s16, s0;
	s14 =	sadd.s32 s13, s17  }
0x176: {  	s12 =	sadd.s32 s13, s16;
	v5 =	vld [tilespmem:s14+$0x0]  }
0x177: {  	v6 =	vld [tilespmem:s12+$0x0];
	_ =	sdelay $0x2  }
0x178: {  	s13 =	simm.s32 $0x80  }
0x179: {  	s17 =	simm.s32 $0x10;
	s16 =	sand.u32 $0x400, s13  }
0x17a: {  	s15 =	sand.u32 $0x70, s17;
	s14 =	simm.s32 $0x20;
	s17 =	sadd.s32 s16, s2;
	v5 =	vmax.f32 v6, v5  }
.LBB2_23:
0x17b: {  	p0 =	sne.s32 s14, $0xF0;
	s16 =	sadd.s32 s16, s0;
	s17 =	sadd.s32 s15, s17;
	[tilespmem:s12+$0x0] =	vst v5  }
0x17c: {  	s12 =	sadd.s32 s15, s16;
	v5 =	vld [tilespmem:s17+$0x0]  }
0x17d: {  	v6 =	vld [tilespmem:s12+$0x0]  }
.Ltmp14:
0x17e: {  	(pc) =	sbr.rel @p0 .LBB2_23-.Ltmp14, $4  }
0x17f: {  	_ = 	snop  }
0x180: {  	s13 =	sadd.s32 $0x80, s13  }
0x181: {  	s16 =	sand.u32 $0x400, s13  }
0x182: {  	s15 =	sand.u32 $0x70, s14;
	s14 =	sadd.s32 $0x10, s14;
	s17 =	sadd.s32 s16, s2;
	v5 =	vmax.f32 v6, v5  }
0x183: {  	(v2sf) =	vpush v4, $0x9;
	_ =	sdelay $0xa  }
0x184: {  	s0 =	sadd.s32 s16, s0;
	s2 =	sadd.s32 s15, s17;
	[tilespmem:s12+$0x0] =	vst v5  }
0x185: {  	s12 =	sadd.s32 s15, s0;
	v5 =	vld [tilespmem:s2+$0x0]  }
0x186: {  	v6 =	vld [tilespmem:s12+$0x0];
	_ =	sdelay $0x1  }
0x187: {  	s15 =	spop (v2sf)  }
0x188: {  	s13 =	simm.s32 $0x0;
	s16 =	sshll.u32 s15, $0x8;
	s0 =	sshll.u32 s15, $0x7  }
0x189: {  	s14 =	sand.u32 $0x400, s13;
	s2 =	sand.u32 $0xFFFFF800, s16;
	s0 =	sand.u32 $0x380, s0  }
0x18a: {  	s17 =	sand.u32 $0x70, s13;
	v5 =	vmax.f32 v6, v5;
	s15 =	sadd.s32 s14, s9;
	s0 =	sor.u32 s0, s2  }
0x18b: {  	[tilespmem:s12+$0x0] =	vst v5;
	s13 =	sadd.s32 s17, s15;
	s16 =	sadd.s32 s14, s0  }
0x18c: {  	v5 =	vld [tilespmem:s13+$0x880];
	s2 =	sadd.s32 s17, s16  }
0x18d: {  	v6 =	vld [tilespmem:s2+$0x0];
	_ =	sdelay $0x2  }
0x18e: {  	s12 =	simm.s32 $0x80  }
0x18f: {  	s15 =	sand.u32 $0x400, s12;
	s17 =	simm.s32 $0x10  }
0x190: {  	s13 =	simm.s32 $0x20;
	s16 =	sadd.s32 s15, s9;
	s14 =	sand.u32 $0x70, s17;
	v5 =	vmax.f32 v6, v5  }
.LBB2_25:
0x191: {  	p0 =	sne.s32 s13, $0xF0;
	s15 =	sadd.s32 s15, s0;
	s16 =	sadd.s32 s14, s16;
	[tilespmem:s2+$0x0] =	vst v5  }
0x192: {  	s2 =	sadd.s32 s14, s15;
	v5 =	vld [tilespmem:s16+$0x880]  }
0x193: {  	v6 =	vld [tilespmem:s2+$0x0]  }
.Ltmp15:
0x194: {  	(pc) =	sbr.rel @p0 .LBB2_25-.Ltmp15, $4  }
0x195: {  	_ = 	snop  }
0x196: {  	s12 =	sadd.s32 $0x80, s12  }
0x197: {  	s15 =	sand.u32 $0x400, s12  }
0x198: {  	s14 =	sand.u32 $0x70, s13;
	s13 =	sadd.s32 $0x10, s13;
	s16 =	sadd.s32 s15, s9;
	v5 =	vmax.f32 v6, v5  }
0x199: {  	(v2sf) =	vpush v4, $0xA;
	_ =	sdelay $0xa  }
0x19a: {  	s0 =	sadd.s32 s15, s0;
	s12 =	sadd.s32 s14, s16;
	[tilespmem:s2+$0x0] =	vst v5  }
0x19b: {  	s2 =	sadd.s32 s14, s0;
	v5 =	vld [tilespmem:s12+$0x880]  }
0x19c: {  	v6 =	vld [tilespmem:s2+$0x0];
	_ =	sdelay $0x1  }
0x19d: {  	s14 =	spop (v2sf)  }
0x19e: {  	s13 =	simm.s32 $0x0;
	s15 =	sshll.u32 s14, $0x8;
	s0 =	sshll.u32 s14, $0x7  }
0x19f: {  	s16 =	sand.u32 $0x400, s13;
	s12 =	sand.u32 $0xFFFFF800, s15;
	s0 =	sand.u32 $0x380, s0  }
0x1a0: {  	s17 =	sand.u32 $0x70, s13;
	v5 =	vmax.f32 v6, v5;
	s15 =	sadd.s32 s16, s9;
	s0 =	sor.u32 s0, s12  }
0x1a1: {  	[tilespmem:s2+$0x0] =	vst v5;
	s13 =	sadd.s32 s17, s15;
	s16 =	sadd.s32 s16, s0  }
0x1a2: {  	v5 =	vld [tilespmem:s13+$0x900];
	s2 =	sadd.s32 s17, s16  }
0x1a3: {  	v6 =	vld [tilespmem:s2+$0x0];
	_ =	sdelay $0x2  }
0x1a4: {  	s12 =	simm.s32 $0x80  }
0x1a5: {  	s15 =	sand.u32 $0x400, s12;
	s17 =	simm.s32 $0x10  }
0x1a6: {  	s13 =	simm.s32 $0x20;
	s16 =	sadd.s32 s15, s9;
	s14 =	sand.u32 $0x70, s17;
	v5 =	vmax.f32 v6, v5  }
.LBB2_27:
0x1a7: {  	p0 =	sne.s32 s13, $0xF0;
	s15 =	sadd.s32 s15, s0;
	s16 =	sadd.s32 s14, s16;
	[tilespmem:s2+$0x0] =	vst v5  }
0x1a8: {  	s2 =	sadd.s32 s14, s15;
	v5 =	vld [tilespmem:s16+$0x900]  }
0x1a9: {  	v6 =	vld [tilespmem:s2+$0x0]  }
.Ltmp16:
0x1aa: {  	(pc) =	sbr.rel @p0 .LBB2_27-.Ltmp16, $4  }
0x1ab: {  	_ = 	snop  }
0x1ac: {  	s12 =	sadd.s32 $0x80, s12  }
0x1ad: {  	s15 =	sand.u32 $0x400, s12  }
0x1ae: {  	s14 =	sand.u32 $0x70, s13;
	s13 =	sadd.s32 $0x10, s13;
	s16 =	sadd.s32 s15, s9;
	v5 =	vmax.f32 v6, v5  }
0x1af: {  	(v2sf) =	vpush v4, $0xB;
	_ =	sdelay $0xa  }
0x1b0: {  	s0 =	sadd.s32 s15, s0;
	s12 =	sadd.s32 s14, s16;
	[tilespmem:s2+$0x0] =	vst v5  }
0x1b1: {  	s2 =	sadd.s32 s14, s0;
	v5 =	vld [tilespmem:s12+$0x900]  }
0x1b2: {  	v6 =	vld [tilespmem:s2+$0x0];
	_ =	sdelay $0x1  }
0x1b3: {  	s14 =	spop (v2sf)  }
0x1b4: {  	s13 =	simm.s32 $0x0;
	s15 =	sshll.u32 s14, $0x8;
	s0 =	sshll.u32 s14, $0x7  }
0x1b5: {  	s16 =	sand.u32 $0x400, s13;
	s12 =	sand.u32 $0xFFFFF800, s15;
	s0 =	sand.u32 $0x380, s0  }
0x1b6: {  	s17 =	sand.u32 $0x70, s13;
	v5 =	vmax.f32 v6, v5;
	s15 =	sadd.s32 s16, s9;
	s0 =	sor.u32 s0, s12  }
0x1b7: {  	[tilespmem:s2+$0x0] =	vst v5;
	s13 =	sadd.s32 s17, s15;
	s16 =	sadd.s32 s16, s0  }
0x1b8: {  	v5 =	vld [tilespmem:s13+$0x980];
	s2 =	sadd.s32 s17, s16  }
0x1b9: {  	v6 =	vld [tilespmem:s2+$0x0];
	_ =	sdelay $0x2  }
0x1ba: {  	s12 =	simm.s32 $0x80  }
0x1bb: {  	s15 =	sand.u32 $0x400, s12;
	s17 =	simm.s32 $0x10  }
0x1bc: {  	s13 =	simm.s32 $0x20;
	s16 =	sadd.s32 s15, s9;
	s14 =	sand.u32 $0x70, s17;
	v5 =	vmax.f32 v6, v5  }
.LBB2_29:
0x1bd: {  	p0 =	sne.s32 s13, $0xF0;
	s15 =	sadd.s32 s15, s0;
	s16 =	sadd.s32 s14, s16;
	[tilespmem:s2+$0x0] =	vst v5  }
0x1be: {  	s2 =	sadd.s32 s14, s15;
	v5 =	vld [tilespmem:s16+$0x980]  }
0x1bf: {  	v6 =	vld [tilespmem:s2+$0x0]  }
.Ltmp17:
0x1c0: {  	(pc) =	sbr.rel @p0 .LBB2_29-.Ltmp17, $4  }
0x1c1: {  	_ = 	snop  }
0x1c2: {  	s12 =	sadd.s32 $0x80, s12  }
0x1c3: {  	s15 =	sand.u32 $0x400, s12  }
0x1c4: {  	s14 =	sand.u32 $0x70, s13;
	s13 =	sadd.s32 $0x10, s13;
	s16 =	sadd.s32 s15, s9;
	v5 =	vmax.f32 v6, v5  }
0x1c5: {  	(v2sf) =	vpush v4, $0xC;
	_ =	sdelay $0xa  }
0x1c6: {  	s0 =	sadd.s32 s15, s0;
	s12 =	sadd.s32 s14, s16;
	[tilespmem:s2+$0x0] =	vst v5  }
0x1c7: {  	s2 =	sadd.s32 s14, s0;
	v5 =	vld [tilespmem:s12+$0x980]  }
0x1c8: {  	v6 =	vld [tilespmem:s2+$0x0];
	_ =	sdelay $0x1  }
0x1c9: {  	s14 =	spop (v2sf)  }
0x1ca: {  	s13 =	simm.s32 $0x0;
	s15 =	sshll.u32 s14, $0x8;
	s0 =	sshll.u32 s14, $0x7  }
0x1cb: {  	s16 =	sand.u32 $0x400, s13;
	s12 =	sand.u32 $0xFFFFF800, s15;
	s0 =	sand.u32 $0x380, s0  }
0x1cc: {  	s17 =	sand.u32 $0x70, s13;
	v5 =	vmax.f32 v6, v5;
	s15 =	sadd.s32 s16, s9;
	s0 =	sor.u32 s0, s12  }
0x1cd: {  	[tilespmem:s2+$0x0] =	vst v5;
	s13 =	sadd.s32 s17, s15;
	s16 =	sadd.s32 s16, s0  }
0x1ce: {  	v5 =	vld [tilespmem:s13+$0xA00];
	s2 =	sadd.s32 s17, s16  }
0x1cf: {  	v6 =	vld [tilespmem:s2+$0x0];
	_ =	sdelay $0x2  }
0x1d0: {  	s12 =	simm.s32 $0x80  }
0x1d1: {  	s15 =	sand.u32 $0x400, s12;
	s17 =	simm.s32 $0x10  }
0x1d2: {  	s13 =	simm.s32 $0x20;
	s16 =	sadd.s32 s15, s9;
	s14 =	sand.u32 $0x70, s17;
	v5 =	vmax.f32 v6, v5  }
.LBB2_31:
0x1d3: {  	p0 =	sne.s32 s13, $0xF0;
	s15 =	sadd.s32 s15, s0;
	s16 =	sadd.s32 s14, s16;
	[tilespmem:s2+$0x0] =	vst v5  }
0x1d4: {  	s2 =	sadd.s32 s14, s15;
	v5 =	vld [tilespmem:s16+$0xA00]  }
0x1d5: {  	v6 =	vld [tilespmem:s2+$0x0]  }
.Ltmp18:
0x1d6: {  	(pc) =	sbr.rel @p0 .LBB2_31-.Ltmp18, $4  }
0x1d7: {  	_ = 	snop  }
0x1d8: {  	s12 =	sadd.s32 $0x80, s12  }
0x1d9: {  	s15 =	sand.u32 $0x400, s12  }
0x1da: {  	s14 =	sand.u32 $0x70, s13;
	s13 =	sadd.s32 $0x10, s13;
	s16 =	sadd.s32 s15, s9;
	v5 =	vmax.f32 v6, v5  }
0x1db: {  	(v2sf) =	vpush v4, $0xD;
	_ =	sdelay $0xa  }
0x1dc: {  	s0 =	sadd.s32 s15, s0;
	s12 =	sadd.s32 s14, s16;
	[tilespmem:s2+$0x0] =	vst v5  }
0x1dd: {  	s2 =	sadd.s32 s14, s0;
	v5 =	vld [tilespmem:s12+$0xA00]  }
0x1de: {  	v6 =	vld [tilespmem:s2+$0x0];
	_ =	sdelay $0x1  }
0x1df: {  	s14 =	spop (v2sf)  }
0x1e0: {  	s13 =	simm.s32 $0x0;
	s15 =	sshll.u32 s14, $0x8;
	s0 =	sshll.u32 s14, $0x7  }
0x1e1: {  	s16 =	sand.u32 $0x400, s13;
	s12 =	sand.u32 $0xFFFFF800, s15;
	s0 =	sand.u32 $0x380, s0  }
0x1e2: {  	s17 =	sand.u32 $0x70, s13;
	v5 =	vmax.f32 v6, v5;
	s15 =	sadd.s32 s16, s9;
	s0 =	sor.u32 s0, s12  }
0x1e3: {  	[tilespmem:s2+$0x0] =	vst v5;
	s13 =	sadd.s32 s17, s15;
	s16 =	sadd.s32 s16, s0  }
0x1e4: {  	v5 =	vld [tilespmem:s13+$0xA80];
	s2 =	sadd.s32 s17, s16  }
0x1e5: {  	v6 =	vld [tilespmem:s2+$0x0];
	_ =	sdelay $0x2  }
0x1e6: {  	s12 =	simm.s32 $0x80  }
0x1e7: {  	s15 =	sand.u32 $0x400, s12;
	s17 =	simm.s32 $0x10  }
0x1e8: {  	s13 =	simm.s32 $0x20;
	s16 =	sadd.s32 s15, s9;
	s14 =	sand.u32 $0x70, s17;
	v5 =	vmax.f32 v6, v5  }
.LBB2_33:
0x1e9: {  	p0 =	sne.s32 s13, $0xF0;
	s15 =	sadd.s32 s15, s0;
	s16 =	sadd.s32 s14, s16;
	[tilespmem:s2+$0x0] =	vst v5  }
0x1ea: {  	s2 =	sadd.s32 s14, s15;
	v5 =	vld [tilespmem:s16+$0xA80]  }
0x1eb: {  	v6 =	vld [tilespmem:s2+$0x0]  }
.Ltmp19:
0x1ec: {  	(pc) =	sbr.rel @p0 .LBB2_33-.Ltmp19, $4  }
0x1ed: {  	_ = 	snop  }
0x1ee: {  	s12 =	sadd.s32 $0x80, s12  }
0x1ef: {  	s15 =	sand.u32 $0x400, s12  }
0x1f0: {  	s14 =	sand.u32 $0x70, s13;
	s13 =	sadd.s32 $0x10, s13;
	s16 =	sadd.s32 s15, s9;
	v5 =	vmax.f32 v6, v5  }
0x1f1: {  	(v2sf) =	vpush v4, $0xE;
	_ =	sdelay $0xa  }
0x1f2: {  	s0 =	sadd.s32 s15, s0;
	s12 =	sadd.s32 s14, s16;
	[tilespmem:s2+$0x0] =	vst v5  }
0x1f3: {  	s2 =	sadd.s32 s14, s0;
	v5 =	vld [tilespmem:s12+$0xA80]  }
0x1f4: {  	v6 =	vld [tilespmem:s2+$0x0];
	_ =	sdelay $0x1  }
0x1f5: {  	s14 =	spop (v2sf)  }
0x1f6: {  	s13 =	simm.s32 $0x0;
	s15 =	sshll.u32 s14, $0x8;
	s0 =	sshll.u32 s14, $0x7  }
0x1f7: {  	s16 =	sand.u32 $0x400, s13;
	s12 =	sand.u32 $0xFFFFF800, s15;
	s0 =	sand.u32 $0x380, s0  }
0x1f8: {  	s17 =	sand.u32 $0x70, s13;
	v5 =	vmax.f32 v6, v5;
	s15 =	sadd.s32 s16, s9;
	s0 =	sor.u32 s0, s12  }
0x1f9: {  	[tilespmem:s2+$0x0] =	vst v5;
	s13 =	sadd.s32 s17, s15;
	s16 =	sadd.s32 s16, s0  }
0x1fa: {  	v5 =	vld [tilespmem:s13+$0xB00];
	s2 =	sadd.s32 s17, s16  }
0x1fb: {  	v6 =	vld [tilespmem:s2+$0x0];
	_ =	sdelay $0x2  }
0x1fc: {  	s12 =	simm.s32 $0x80  }
0x1fd: {  	s15 =	sand.u32 $0x400, s12;
	s17 =	simm.s32 $0x10  }
0x1fe: {  	s13 =	simm.s32 $0x20;
	s16 =	sadd.s32 s15, s9;
	s14 =	sand.u32 $0x70, s17;
	v5 =	vmax.f32 v6, v5  }
.LBB2_35:
0x1ff: {  	p0 =	sne.s32 s13, $0xF0;
	s15 =	sadd.s32 s15, s0;
	s16 =	sadd.s32 s14, s16;
	[tilespmem:s2+$0x0] =	vst v5  }
0x200: {  	s2 =	sadd.s32 s14, s15;
	v5 =	vld [tilespmem:s16+$0xB00]  }
0x201: {  	v6 =	vld [tilespmem:s2+$0x0]  }
.Ltmp20:
0x202: {  	(pc) =	sbr.rel @p0 .LBB2_35-.Ltmp20, $4  }
0x203: {  	_ = 	snop  }
0x204: {  	s12 =	sadd.s32 $0x80, s12  }
0x205: {  	s15 =	sand.u32 $0x400, s12  }
0x206: {  	s14 =	sand.u32 $0x70, s13;
	s13 =	sadd.s32 $0x10, s13;
	s16 =	sadd.s32 s15, s9;
	v5 =	vmax.f32 v6, v5  }
0x207: {  	(v2sf) =	vpush v4, $0xF;
	_ =	sdelay $0xa  }
0x208: {  	s0 =	sadd.s32 s15, s0;
	s12 =	sadd.s32 s14, s16;
	[tilespmem:s2+$0x0] =	vst v5  }
0x209: {  	s2 =	sadd.s32 s14, s0;
	v4 =	vld [tilespmem:s12+$0xB00]  }
0x20a: {  	v5 =	vld [tilespmem:s2+$0x0];
	_ =	sdelay $0x1  }
0x20b: {  	s14 =	spop (v2sf)  }
0x20c: {  	s13 =	simm.s32 $0x0;
	s15 =	sshll.u32 s14, $0x8;
	s0 =	sshll.u32 s14, $0x7  }
0x20d: {  	s16 =	sand.u32 $0x400, s13;
	s12 =	sand.u32 $0xFFFFF800, s15;
	s0 =	sand.u32 $0x380, s0  }
0x20e: {  	s17 =	sand.u32 $0x70, s13;
	v4 =	vmax.f32 v5, v4;
	s15 =	sadd.s32 s16, s9;
	s0 =	sor.u32 s0, s12  }
0x20f: {  	[tilespmem:s2+$0x0] =	vst v4;
	s13 =	sadd.s32 s17, s15;
	s16 =	sadd.s32 s16, s0  }
0x210: {  	v4 =	vld [tilespmem:s13+$0xB80];
	s2 =	sadd.s32 s17, s16  }
0x211: {  	v5 =	vld [tilespmem:s2+$0x0];
	_ =	sdelay $0x2  }
0x212: {  	s12 =	simm.s32 $0x80  }
0x213: {  	s15 =	sand.u32 $0x400, s12;
	s17 =	simm.s32 $0x10  }
0x214: {  	s13 =	simm.s32 $0x20;
	s16 =	sadd.s32 s15, s9;
	s14 =	sand.u32 $0x70, s17;
	v4 =	vmax.f32 v5, v4  }
.LBB2_37:
0x215: {  	p0 =	sne.s32 s13, $0xF0;
	s15 =	sadd.s32 s15, s0;
	s16 =	sadd.s32 s14, s16;
	[tilespmem:s2+$0x0] =	vst v4  }
0x216: {  	s2 =	sadd.s32 s14, s15;
	v4 =	vld [tilespmem:s16+$0xB80]  }
0x217: {  	v5 =	vld [tilespmem:s2+$0x0]  }
.Ltmp21:
0x218: {  	(pc) =	sbr.rel @p0 .LBB2_37-.Ltmp21, $4  }
0x219: {  	_ = 	snop  }
0x21a: {  	s12 =	sadd.s32 $0x80, s12  }
0x21b: {  	s15 =	sand.u32 $0x400, s12  }
0x21c: {  	s14 =	sand.u32 $0x70, s13;
	s13 =	sadd.s32 $0x10, s13;
	s16 =	sadd.s32 s15, s9;
	v4 =	vmax.f32 v5, v4  }
0x21d: {  	s0 =	sadd.s32 s15, s0;
	s9 =	sadd.s32 s14, s16;
	[tilespmem:s2+$0x0] =	vst v4  }
0x21e: {  	s0 =	sadd.s32 s14, s0;
	v4 =	vld [tilespmem:s9+$0xB80]  }
0x21f: {  	s8 =	sadd.s32 $0x1, s8;
	v5 =	vld [tilespmem:s0+$0x0]  }
0x220: {  	p0 =	sne.s32 s8, $0x8  }
.Ltmp22:
0x221: {  	_ = 	snop;
	(pc) =	sbr.rel @p0 .LBB2_6-.Ltmp22, $4  }
.Ltmp23:
0x222: {  	_ = 	snop;
	(pc) =	sbr.rel @!p0 .LBB2_39-.Ltmp23, $4  }
0x223: {  	_ = 	snop  }
0x224: {  	v4 =	vmax.f32 v5, v4  }
0x225: {  	[tilespmem:s0+$0x0] =	vst v4  }
0x226: {  	_ = 	snop  }
.LBB2_41:
0x227: {  	_ =	sfence.sel $0x180000  }
0x228: {  	[bflag:$0x0] =	sbarrier.arrive $0xFFFF  }
0x229: {  	_ =	strace $0x90000053  }
0x22a: {  	s0 =	stileid.u32;
	[bflag:$0x2] =	sbarrier.arrive $0xFFFF  }
0x22b: {  	p0 =	sne.s32 s0, $0x0;
	s0 =	rddreg [dreg:$0x1]  }
0x22c: {  	s0 =	sadd.s32 @!p0 $0x100000, s0  }
0x22d: {  	[sflag:s0] =	ssyncadd.tile.s32 @!p0 $0x1;
	_ =	shalt  }
.Lfunc_end2:
_tile_overlayer_lowered:
.L_overlay_start_2:
0x22e: {  	(tag) =	ssettag $0x2  }
0x22f: {  	s0 =	rddreg [dreg:$0x0];
	s2 =	stileid.u32  }
0x230: {  	s1 =	rddreg [dreg:$0x1];
	p0 =	sne.s32 s2, $0x0  }
0x231: {  	s3 =	rddreg [dreg:$0x2];
	[bflag:$0x3] =	sbarrier.arrive $0xFFFF;
	s2 =	simm.s32 @!p0 $0x1C02  }
0x232: {  	[timem:s3], [sflag:s2] =	dma.local @!p0 [hbm:s0], s1  }
0x233: {  	s0 =	simm.s32 @!p0 $0x2  }
0x234: {  	_ =	swait.ge @!p0 [sflag:s0], s1  }
0x235: {  	s1 =	ssub.s32 @!p0 $0x0, s1;
	[sflag:s0] =	ssyncset.done @!p0 $0x0  }
0x236: {  	[sflag:s0] =	ssyncadd.s32 @!p0 s1  }
0x237: {  	[bflag:$0x3] =	sbarrier.arrive $0xFFFF  }
0x238: {  	_ =	shalt  }

// kernel: kernel.17.cloned.1.call-start
scs
__scs_entry_jumppad:
0x0: {  	(pc) =	sbr.rel $0x88, $3  }
0x1: {  	(tag) =	ssettag $0x0;
	lr =	simm.s32 $0x1  }
0x2: {  	[smem:$0x3F90] =	sst lr;
	_ =	strace $0xD0000000  }
0x3: {  	_ = 	snop  }
0x4: {  	_ = 	snop  }
0x5: {  	_ = 	snop  }
0x6: {  	_ = 	snop  }
0x7: {  	_ = 	snop  }
__scs_overlays_trampoline_lowered:
0x8: {  	[smem:$0x3F9F] =	sst s0  }
0x9: {  	[smem:$0x3FA0] =	sst s1  }
0xa: {  	[smem:$0x3FA1] =	sst s2  }
0xb: {  	[smem:$0x3FA2] =	sst s3  }
0xc: {  	[smem:$0x3FA3] =	sst s4  }
0xd: {  	[smem:$0x3FA4] =	sst s5  }
0xe: {  	[smem:$0x3FA5] =	sst s6  }
0xf: {  	[smem:$0x3FA6] =	sst s7  }
0x10: {  	[smem:$0x3FA7] =	sst s8  }
0x11: {  	[smem:$0x3FA8] =	sst s9;
	s0 =	simm.s32 @!p0 $0x0  }
0x12: {  	s1 =	sld [smem:$0x3F8E];
	s0 =	simm.s32 @p0 $0x1  }
0x13: {  	[smem:$0x3FA9] =	sst s0;
	s0 =	simm.s32 @!p1 $0x0  }
0x14: {  	s2 =	sld [smem:$0x3F8D];
	s0 =	simm.s32 @p1 $0x1  }
0x15: {  	[smem:$0x3FAA] =	sst s0;
	s0 =	simm.s32 @!p2 $0x0  }
0x16: {  	s3 =	sld [smem:$0x3FDB];
	s0 =	simm.s32 @p2 $0x1  }
0x17: {  	s4 =	simm.s32 $0x1BF5;
	[smem:$0x3FAC] =	sst s0  }
0x18: {  	s0 =	sld [smem:$0x3F8F];
	_ =	swait.ge [sflag:s4], $0x0  }
0x19: {  	s7 =	sld [smem:$0x3F90]  }
0x1a: {  	s8 =	sadd.s32 $0xFFFFE003, lr  }
0x1b: {  	s9 =	sadd.s32 $0xFFFFFEF7, lr;
	s5 =	simm.s32 $0xFFFFFFFF;
	p2 =	slt.u32 s8, $0xFFFFF086  }
0x1c: {  	p1 =	slt.u32 s9, $0xF7A;
	s5 =	simm.s32 @!p2 $0x0  }
0x1d: {  	s5 =	simm.s32 @p1 $0x1;
	p0 =	seq.s32 s7, s2  }
0x1e: {  	s7 =	smul.u32 @!p0 $0xF7A, s2;
	p2 =	seq.s32 @!p0 s5, $0x0  }
0x1f: {  	s9 =	smul.u32 $0xF7A, s1;
	s8 =	simm.s32 @!p0 $0x1BF5;
	p2 =	por !p2, p0  }
0x20: {  	[sflag:s8] =	ssyncset.s32 @!p0 $0xFFFFF086;
	s6 =	sadd.s32 @!p0 s3, s7;
	s7 =	simm.s32 @!p0 $0x108  }
0x21: {  	s3 =	sadd.s32 s3, s9;
	s6 =	sadd.s32 @!p0 $0x88, s6;
	s7 =	simm.s32 @p2 $0x1082  }
0x22: {  	[simem:s7], [sflag:s8] =	dma.local @!p0 [hbm:s6], $0xF7A  }
0x23: {  	s9 =	sor.u32 $0xD0000000, s2;
	s6 =	simm.s32 $0x108;
	_ =	swait.ge @!p0 [sflag:s8], $0x0  }
0x24: {  	s3 =	sadd.s32 $0x88, s3;
	s6 =	simm.s32 @!p1 $0x1082;
	[sflag:s4] =	ssyncset.s32 $0xFFFFF086  }
0x25: {  	[simem:s6], [sflag:s4] =	dma.local [hbm:s3], $0xF7A  }
0x26: {  	[smem:$0x3F90] =	sst s1;
	(tag) =	ssettag s2;
	_ =	strace s9  }
0x27: {  	s1 =	sld [smem:$0x3FA0]  }
0x28: {  	s2 =	sld [smem:$0x3FA1]  }
0x29: {  	s4 =	sld [smem:$0x3FA3]  }
0x2a: {  	p0 =	seq.s32 s5, $0x0;
	s5 =	sld [smem:$0x3FA4]  }
0x2b: {  	s6 =	sld [smem:$0x3FA5]  }
0x2c: {  	s7 =	sld [smem:$0x3FA6]  }
0x2d: {  	s3 =	simm.s32 $0x108;
	s8 =	sld [smem:$0x3FA7]  }
0x2e: {  	s3 =	simm.s32 @!p0 $0x1082;
	s9 =	sld [smem:$0x3FA8]  }
0x2f: {  	lr =	sadd.s32 s0, s3;
	s0 =	sld [smem:$0x3F9F]  }
0x30: {  	s3 =	sld [smem:$0x3FA2]  }
0x31: {  	[smem:$0x3FAB] =	sst s10  }
0x32: {  	s10 =	sld [smem:$0x3FA9];
	_ =	sdelay $0x3  }
0x33: {  	p0 =	seq.s32 s10, $0x1;
	s10 =	sld [smem:$0x3FAB];
	_ =	sdelay $0x3  }
0x34: {  	[smem:$0x3FAB] =	sst s10  }
0x35: {  	s10 =	sld [smem:$0x3FAA];
	_ =	sdelay $0x3  }
0x36: {  	p1 =	seq.s32 s10, $0x1;
	s10 =	sld [smem:$0x3FAB];
	_ =	sdelay $0x3  }
0x37: {  	[smem:$0x3FAB] =	sst s10  }
0x38: {  	s10 =	sld [smem:$0x3FAC]  }
0x39: {  	_ = 	snop;
	(pc) =	sbr.ind lr, $3  }
0x3a: {  	_ = 	snop  }
0x3b: {  	_ = 	snop  }
0x3c: {  	p2 =	seq.s32 s10, $0x1;
	s10 =	sld [smem:$0x3FAB]  }
0x3d: {  	_ =	shalt  }
0x3e: {  	_ =	shalt  }
0x3f: {  	_ =	shalt  }
0x40: {  	_ =	shalt  }
0x41: {  	_ =	shalt  }
0x42: {  	_ =	shalt  }
0x43: {  	_ =	shalt  }
0x44: {  	_ =	shalt  }
0x45: {  	_ =	shalt  }
0x46: {  	_ =	shalt  }
0x47: {  	_ =	shalt  }
0x48: {  	_ =	shalt  }
0x49: {  	_ =	shalt  }
0x4a: {  	_ =	shalt  }
0x4b: {  	_ =	shalt  }
0x4c: {  	_ =	shalt  }
0x4d: {  	_ =	shalt  }
0x4e: {  	_ =	shalt  }
0x4f: {  	_ =	shalt  }
0x50: {  	_ =	shalt  }
0x51: {  	_ =	shalt  }
0x52: {  	_ =	shalt  }
0x53: {  	_ =	shalt  }
0x54: {  	_ =	shalt  }
0x55: {  	_ =	shalt  }
0x56: {  	_ =	shalt  }
0x57: {  	_ =	shalt  }
0x58: {  	_ =	shalt  }
0x59: {  	_ =	shalt  }
0x5a: {  	_ =	shalt  }
0x5b: {  	_ =	shalt  }
0x5c: {  	_ =	shalt  }
0x5d: {  	_ =	shalt  }
0x5e: {  	_ =	shalt  }
0x5f: {  	_ =	shalt  }
0x60: {  	_ =	shalt  }
0x61: {  	_ =	shalt  }
0x62: {  	_ =	shalt  }
0x63: {  	_ =	shalt  }
0x64: {  	_ =	shalt  }
0x65: {  	_ =	shalt  }
0x66: {  	_ =	shalt  }
0x67: {  	_ =	shalt  }
0x68: {  	_ =	shalt  }
0x69: {  	_ =	shalt  }
0x6a: {  	_ =	shalt  }
0x6b: {  	_ =	shalt  }
0x6c: {  	_ =	shalt  }
0x6d: {  	_ =	shalt  }
0x6e: {  	_ =	shalt  }
0x6f: {  	_ =	shalt  }
0x70: {  	_ =	shalt  }
0x71: {  	_ =	shalt  }
0x72: {  	_ =	shalt  }
0x73: {  	_ =	shalt  }
0x74: {  	_ =	shalt  }
0x75: {  	_ =	shalt  }
0x76: {  	_ =	shalt  }
0x77: {  	_ =	shalt  }
0x78: {  	_ =	shalt  }
0x79: {  	_ =	shalt  }
0x7a: {  	_ =	shalt  }
0x7b: {  	_ =	shalt  }
0x7c: {  	_ =	shalt  }
0x7d: {  	_ =	shalt  }
0x7e: {  	_ =	shalt  }
0x7f: {  	_ =	shalt  }
0x80: {  	_ =	shalt  }
0x81: {  	_ =	shalt  }
0x82: {  	_ =	shalt  }
0x83: {  	_ =	shalt  }
0x84: {  	_ =	shalt  }
0x85: {  	_ =	shalt  }
0x86: {  	_ =	shalt  }
0x87: {  	_ =	shalt  }
.Lfunc_end0:
.L_simem_size_0:
called_computation.5_lowered:
.L_overlay_start_0:
0x88: {  	s2 =	sld [smem:$0x3FD9]  }
0x89: {  	s3 =	sld [smem:$0x3FFE];
	_ =	sdelay $0x1  }
0x8a: {  	s1 =	srdreg.scid  }
0x8b: {  	s0 =	sand.u32 $0x1, s1  }
0x8c: {  	s17 =	sshll.u32 s0, $0xA;
	s2 =	sadd.s32 s3, s2  }
0x8d: {  	s2 =	sadd.s32 s2, s17  }
0x8e: {  	[smem:$0x3FB7] =	sst s2  }
0x8f: {  	_ = 	snop  }
0x90: {  	s2 =	sld [smem:$0x3FD0];
	(tm) =	ssettm $0x1  }
0x91: {  	s18 =	sld [smem:$0x3FFB];
	_ =	sdelay $0x3  }
0x92: {  	_ =	strace s18  }
0x93: {  	s3 =	sld [smem:$0x3FFC];
	_ =	sdelay $0x3  }
0x94: {  	_ =	strace s3  }
0x95: {  	s3 =	sld [smem:$0x3FFD];
	_ =	sdelay $0x3  }
0x96: {  	_ =	strace s3  }
0x97: {  	_ =	strace $0x8FFFFFFF  }
0x98: {  	s19 =	sld [smem:$0x3FDB];
	_ =	sdelay $0x1  }
0x99: {  	s4 =	simm.s32 $_scs_section_size  }
0x9a: {  	s5 =	simm.s32 $_size__tile_overlayer_lowered;
	s6 =	simm.s32 $_tile_overlayer_lowered  }
0x9b: {  	s22 =	simm.s32 $0x1BFF;
	s21 =	sshll.u32 s6, $0x1;
	s3 =	sadd.s32 s4, s19  }
0x9c: {  	s7 =	simm.s32 $0x0;
	s20 =	sshll.u32 s5, $0x1;
	s5 =	sadd.s32 s21, s3  }
0x9d: {  	[timem:s7], [sflag:s22] =	dma.local [hbm:s5], s20  }
0x9e: {  	_ =	swait.ge [sflag:s22], s20  }
0x9f: {  	s4 =	ssub.s32 $0x0, s20;
	[sflag:s22] =	ssyncset.done $0x0  }
0xa0: {  	[sflag:s22] =	ssyncadd.s32 s4;
	_ =	sdelay $0x1  }
0xa1: {  	s23 =	simm.s32 $0x1B8B  }
0xa2: {  	_ =	swait.ge [sflag:s23], $0x1  }
0xa3: {  	[sflag:s23] =	ssyncset.done $0x0  }
0xa4: {  	s25 =	simm.s32 $0x1B8E;
	s24 =	sld [smem:$0x3FFE];
	[sflag:s23] =	ssyncadd.s32 $0xFFFFFFFF  }
0xa5: {  	s26 =	simm.s32 $execute0_lowered;
	[smem:$0x3FD2] =	sst s25  }
0xa6: {  	s5 =	sshll.u32 s26, $0x1;
	_ =	strace $0x80000055;
	[dreg:$0x1] =	wrdreg $0xFFFFFFFF  }
0xa7: {  	s28 =	simm.s32 $_size_execute0_lowered;
	s3 =	sadd.s32 s3, s5;
	[dreg:$0x0] =	wrdreg $0x0  }
0xa8: {  	s5 =	sshll.u32 s28, $0x1;
	[dreg:$0x2] =	wrdreg s3  }
0xa9: {  	[dreg:$0x3] =	wrdreg s5  }
0xaa: {  	[dreg:$0x4] =	wrdreg $0xC0  }
0xab: {  	_ =	task [dreg:s7], $0x5FFFF  }
0xac: {  	[dreg:$0x1] =	wrdreg $0xFFFFFFFF  }
0xad: {  	[dreg:$0x0] =	wrdreg $0x60  }
0xae: {  	[dreg:$0x2] =	wrdreg s2  }
0xaf: {  	[dreg:$0x3] =	wrdreg s24  }
0xb0: {  	[dreg:$0x4] =	wrdreg $0x9  }
0xb1: {  	_ =	task.clear_ibuf [dreg:s7], $0x5FFFF;
	_ =	strace $0x90000055  }
0xb2: {  	s29 =	simm.s32 $0x9;
	_ =	strace $0x80000057  }
0xb3: {  	_ =	swait.ge [sflag:s29], $0x1  }
0xb4: {  	[sflag:s29] =	ssyncadd.s32 $0xFFFFFFFF  }
0xb5: {  	_ =	strace $0x90000057  }
0xb6: {  	_ =	sfence  }
0xb7: {  	s30 =	sld [smem:$0x0];
	_ =	sdelay $0x2  }
0xb8: {  	s31 =	sshll.u32 s1, $0xD;
	s1 =	sshrl.u32 s1, $0x2  }
0xb9: {  	s3 =	sand.u32 $0x4000, s31;
	s1 =	sadd.s32 s1, s30  }
0xba: {  	s0 =	sor.u32 s3, s0;
	s1 =	sshll.u32 s1, $0x11  }
0xbb: {  	s0 =	sor.u32 s1, s0  }
0xbc: {  	s0 =	sadd.s32 $0x8F2B, s0  }
0xbd: {  	[sflag:s0] =	ssyncadd.remote.s32 $0x1  }
0xbe: {  	_ =	sfence.sel $0xFFFF  }
0xbf: {  	[dreg:$0x0] =	wrdreg $0xFFFFFFFF;
	(pc) =	sbr.abs _section_cstart, $3  }
0xc0: {  	[dreg:$0x1] =	wrdreg $0xFFFFFFFF  }
0xc1: {  	_ =	task.clear_ibuf [dreg:s7], $0x2FFFF;
	_ =	strace $0x9FFFFFFF  }
0xc2: {  	(tm) =	ssettm $0x7FFFFFFF  }
0xc3: {  	_ =	shalt  }
tec
execute0_lowered:
.L_overlay_start_1:
0x0: {  	(tag) =	ssettag $0x1  }
0x1: {  	s2 =	rddreg [dreg:$0x0]  }
0x2: {  	s0 =	rddreg [dreg:$0x1];
	s1 =	srdreg.scid  }
0x3: {  	s3 =	stileid.u32;
	s8 =	simm.s32 $0x0;
	s11 =	simm.s32 $0x2  }
0x4: {  	s18 =	simm.s32 $0x16900;
	s19 =	simm.s32 $0x17100;
	s20 =	simm.s32 $0x17900  }
0x5: {  	s21 =	simm.s32 $0x18100;
	s22 =	simm.s32 $0x18900;
	s23 =	simm.s32 $0x19100  }
0x6: {  	s28 =	simm.s32 $0x1B100;
	s29 =	simm.s32 $0x1B900;
	s30 =	simm.s32 $0x1C100  }
0x7: {  	s31 =	simm.s32 $0x1;
	s1 =	sand.u32 $0x1, s1;
	s3 =	sshll.u32 s3, $0x1  }
0x8: {  	[smem:$0x7FF] =	sst s8;
	s4 =	sadd.s32 $0xB6200, s0;
	s5 =	sadd.s32 $0x19C00, s0  }
0x9: {  	s3 =	sor.u32 s1, s3;
	_ =	strace $0x80000056;
	s1 =	ssub.s32 $0x2, s1  }
0xa: {  	s6 =	smul.u32 $0x2800, s3;
	s7 =	sshll.u32 s3, $0x1;
	s24 =	sshrl.u32 s1, $0x1  }
.Ltmp0:
0xb: {  	s7 =	sadd.s32 s7, s0;
	s1 =	ssub.s32 s1, s24;
	(pc) =	sbr.rel .LBB2_1-.Ltmp0, $4  }
0xc: {  	s24 =	simm.s32 $0x19900;
	s0 =	sadd.s32 s6, s0;
	s25 =	sadd.s32 $0x400, s7  }
0xd: {  	v3 =	vlaneseq.u32;
	s6 =	smul.u32 $0x27180, s3;
	s26 =	smax.u32 s1, $0x1;
	[dreg:$0x3] =	wrdreg s25  }
0xe: {  	v0 =	vimm.f32 $0.0e+00;
	vm0 =	vmmov $0xffff;
	v2 =	vshrl.u32 v3, $0x3;
	s1 =	simm.s32 $0x0;
	s0 =	sadd.s32 $0x152800, s0;
	[dreg:$0x5] =	wrdreg s26  }
0xf: {  	v1 =	vand.u32 $0x7, v3;
	v3 =	vor.u32 $0x8, v3;
	v2 =	vmul.u32 $0x8, v2;
	s25 =	simm.s32 $0x1A100;
	s26 =	simm.s32 $0x1A900;
	[dreg:$0x4] =	wrdreg s0  }
.LBB2_40:
0x10: {  	s8 =	simm.s32 $0x0;
	s0 =	rddreg [dreg:$0x4]  }
0x11: {  	[hbm4b:s0+s8] =	stream.linear.scatter [tilespmem:s8], [sflag:$0x2], $0x14000, $0x38;
	[tilespmem:$0x1C980] =	vst v63  }
0x12: {  	_ =	swait.ge [sflag:s11], $0x14000  }
0x13: {  	s1 =	rddreg [dreg:$0x6]  }
0x14: {  	s17 =	rddreg [dreg:$0x5];
	s1 =	sadd.s32 $0x1, s1  }
0x15: {  	p0 =	sne.s32 s1, s17  }
.Ltmp1:
0x16: {  	_ = 	snop;
	(pc) =	sbr.rel @!p0 .LBB2_41-.Ltmp1, $3  }
0x17: {  	_ =	sdelay $0x1  }
0x18: {  	[sflag:s11] =	ssyncset.done $0x0  }
0x19: {  	[sflag:s11] =	ssyncadd.s32 $0xFFFEC000  }
.LBB2_1:
0x1a: {  	s0 =	sand.u32 $0x1F800, s8;
	s16 =	sand.u32 $0x380, s8  }
0x1b: {  	[dreg:$0x6] =	wrdreg s1;
	s1 =	sor.u32 s16, s0  }
0x1c: {  	[tilespmem:s1+$0x470] =	vst v0  }
0x1d: {  	[tilespmem:s1+$0x0] =	vst v0  }
0x1e: {  	[tilespmem:s1+$0x10] =	vst v0  }
0x1f: {  	[tilespmem:s1+$0x20] =	vst v0  }
0x20: {  	[tilespmem:s1+$0x30] =	vst v0  }
0x21: {  	[tilespmem:s1+$0x40] =	vst v0  }
0x22: {  	[tilespmem:s1+$0x50] =	vst v0  }
0x23: {  	[tilespmem:s1+$0x60] =	vst v0  }
0x24: {  	[tilespmem:s1+$0x70] =	vst v0  }
0x25: {  	[tilespmem:s1+$0x400] =	vst v0  }
0x26: {  	[tilespmem:s1+$0x410] =	vst v0  }
0x27: {  	[tilespmem:s1+$0x420] =	vst v0  }
0x28: {  	[tilespmem:s1+$0x430] =	vst v0  }
0x29: {  	s17 =	simm.s32 $0x100;
	s3 =	simm.s32 $0x80;
	[tilespmem:s1+$0x440] =	vst v0  }
0x2a: {  	s7 =	simm.s32 $0x200;
	s0 =	sand.u32 $0x1F800, s17;
	s8 =	sand.u32 $0x380, s3;
	[tilespmem:s1+$0x450] =	vst v0  }
.LBB2_2:
0x2b: {  	p0 =	sne.s32 s7, $0x14000;
	[tilespmem:s1+$0x460] =	vst v0;
	s1 =	sor.u32 s8, s0  }
0x2c: {  	[tilespmem:s1+$0x470] =	vst v0  }
0x2d: {  	[tilespmem:s1+$0x0] =	vst v0  }
0x2e: {  	[tilespmem:s1+$0x10] =	vst v0  }
0x2f: {  	[tilespmem:s1+$0x20] =	vst v0  }
0x30: {  	[tilespmem:s1+$0x30] =	vst v0  }
0x31: {  	[tilespmem:s1+$0x40] =	vst v0  }
0x32: {  	[tilespmem:s1+$0x50] =	vst v0  }
0x33: {  	[tilespmem:s1+$0x60] =	vst v0  }
0x34: {  	[tilespmem:s1+$0x70] =	vst v0  }
0x35: {  	[tilespmem:s1+$0x400] =	vst v0  }
.Ltmp2:
0x36: {  	[tilespmem:s1+$0x410] =	vst v0;
	(pc) =	sbr.rel @p0 .LBB2_2-.Ltmp2, $4  }
0x37: {  	[tilespmem:s1+$0x420] =	vst v0  }
0x38: {  	[tilespmem:s1+$0x430] =	vst v0  }
0x39: {  	s3 =	sadd.s32 $0x80, s3;
	[tilespmem:s1+$0x440] =	vst v0  }
0x3a: {  	s0 =	sand.u32 $0x1F800, s7;
	s7 =	sadd.s32 $0x100, s7;
	s8 =	sand.u32 $0x380, s3;
	[tilespmem:s1+$0x450] =	vst v0  }
0x3b: {  	s0 =	sor.u32 s8, s0;
	[tilespmem:s1+$0x460] =	vst v0  }
0x3c: {  	[tilespmem:s0+$0x470] =	vst v0  }
0x3d: {  	[tilespmem:s0+$0x0] =	vst v0  }
0x3e: {  	[tilespmem:s0+$0x10] =	vst v0  }
0x3f: {  	[tilespmem:s0+$0x20] =	vst v0  }
0x40: {  	[tilespmem:s0+$0x30] =	vst v0  }
0x41: {  	[tilespmem:s0+$0x40] =	vst v0  }
0x42: {  	[tilespmem:s0+$0x50] =	vst v0  }
0x43: {  	[tilespmem:s0+$0x60] =	vst v0  }
0x44: {  	[tilespmem:s0+$0x70] =	vst v0  }
0x45: {  	[tilespmem:s0+$0x400] =	vst v0  }
0x46: {  	[tilespmem:s0+$0x410] =	vst v0  }
0x47: {  	[tilespmem:s0+$0x420] =	vst v0  }
0x48: {  	[tilespmem:s0+$0x430] =	vst v0  }
0x49: {  	[tilespmem:s0+$0x440] =	vst v0  }
0x4a: {  	[tilespmem:s0+$0x450] =	vst v0  }
0x4b: {  	s1 =	simm.s32 $0x0;
	s17 =	rddreg [dreg:$0x3];
	s3 =	simm.s32 $0x1C900;
	[tilespmem:s0+$0x460] =	vst v0  }
0x4c: {  	[tilespmem:s3], [sflag:$0x2] =	stream.linear.gather [hbm4b:s17+s1], $0x10, $0x38;
	[tilespmem:$0x1C980] =	vst v63  }
0x4d: {  	_ =	swait.ge [sflag:s11], $0x10  }
0x4e: {  	[sflag:s11] =	ssyncset.done $0x0  }
0x4f: {  	[sflag:s11] =	ssyncadd.s32 $0xFFFFFFF0  }
0x50: {  	v4 =	vld [tilespmem:$0x1C900];
	_ =	sdelay $0x4  }
0x51: {  	(v2sf) =	vpush v4, $0x0;
	_ =	sdelay $0xa  }
.Ltmp3:
0x52: {  	_ = 	snop;
	(pc) =	sbr.rel .LBB2_4-.Ltmp3, $2  }
0x53: {  	_ =	sdelay $0x2  }
0x54: {  	s10 =	spop (v2sf)  }
.LBB2_39:
0x55: {  	s1 =	sadd.s32 $0x1, s1  }
0x56: {  	p0 =	sne.s32 s1, $0x4E3  }
.Ltmp4:
0x57: {  	_ = 	snop;
	(pc) =	sbr.rel @!p0 .LBB2_40-.Ltmp4, $1  }
0x58: {  	_ =	sdelay $0x3  }
.LBB2_4:
0x59: {  	s0 =	sshll.u32 s1, $0x7  }
0x5a: {  	p0 =	sge.s32 s0, s10  }
.Ltmp5:
0x5b: {  	_ = 	snop;
	(pc) =	sbr.rel @p0 .LBB2_39-.Ltmp5, $1  }
0x5c: {  	_ =	sdelay $0x3  }
0x5d: {  	s0 =	sadd.s32 s6, s0  }
0x5e: {  	s0 =	sshrl.u32 s0, $0x3  }
0x5f: {  	s7 =	simm.s32 $0x0;
	s8 =	simm.s32 $0x14800;
	s3 =	sadd.s32 s4, s0  }
0x60: {  	[tilespmem:s8], [sflag:$0x2] =	stream.linear.gather [hbm4b:s3+s7], $0x80, $0x38;
	[tilespmem:$0x1C980] =	vst v63  }
0x61: {  	_ =	swait.ge [sflag:s11], $0x80  }
0x62: {  	[sflag:s11] =	ssyncset.done $0x0  }
0x63: {  	s13 =	simm.s32 $0x14880;
	s0 =	sadd.s32 s5, s0;
	[sflag:s11] =	ssyncadd.s32 $0xFFFFFF80  }
0x64: {  	[tilespmem:s13], [sflag:$0x2] =	stream.linear.gather [hbm4b:s0+s7], $0x80, $0x38;
	[tilespmem:$0x1C980] =	vst v63  }
0x65: {  	_ =	swait.ge [sflag:s11], $0x80  }
0x66: {  	[sflag:s11] =	ssyncset.done $0x0  }
0x67: {  	[sflag:s11] =	ssyncadd.s32 $0xFFFFFF80  }
0x68: {  	v4 =	vld [tilespmem:$0x14800];
	_ =	sdelay $0x4  }
0x69: {  	v5 =	vshll.u32 v4, $0x1  }
0x6a: {  	v4 =	vand.u32 $0x7, v4;
	v5 =	vand.u32 $0xFFFFFFF0, v5  }
0x6b: {  	v4 =	vor.u32 v4, v5  }
0x6c: {  	v5 =	vperm.xlane v4, v1;
	_ =	sdelay $0x1  }
0x6d: {  	v4 =	vperm.xlane v4, v3;
	v5 =	vadd.s32 v2, v5;
	_ =	sdelay $0x1  }
0x6e: {  	v4 =	vadd.s32 v2, v4;
	_ =	sdelay $0x1  }
0x6f: {  	s14 =	simm.s32 $0x14900  }
0x70: {  	[tilespmem:s14], [sflag:$0x1] =	stream.indirect_vreg.gather [hbm4b:s2+s7], $0x80, v5, vm0, $0xb8;
	[tilespmem:$0x1C980] =	vst v63  }
0x71: {  	s15 =	simm.s32 $0x15100  }
0x72: {  	[tilespmem:s15], [sflag:$0x1] =	stream.indirect_vreg.gather [hbm4b:s2+s7], $0x80, v4, vm0, $0xb8;
	[tilespmem:$0x1C980] =	vst v63  }
0x73: {  	v4 =	vld [tilespmem:$0x14810];
	_ =	sdelay $0x4  }
0x74: {  	v5 =	vshll.u32 v4, $0x1  }
0x75: {  	v4 =	vand.u32 $0x7, v4;
	v5 =	vand.u32 $0xFFFFFFF0, v5  }
0x76: {  	v4 =	vor.u32 v4, v5  }
0x77: {  	v5 =	vperm.xlane v4, v1;
	_ =	sdelay $0x1  }
0x78: {  	v4 =	vperm.xlane v4, v3;
	v5 =	vadd.s32 v2, v5;
	_ =	sdelay $0x1  }
0x79: {  	v4 =	vadd.s32 v2, v4;
	_ =	sdelay $0x1  }
0x7a: {  	s16 =	simm.s32 $0x15900  }
0x7b: {  	[tilespmem:s16], [sflag:$0x1] =	stream.indirect_vreg.gather [hbm4b:s2+s7], $0x80, v5, vm0, $0xb8;
	[tilespmem:$0x1C980] =	vst v63  }
0x7c: {  	s17 =	simm.s32 $0x16100  }
0x7d: {  	[tilespmem:s17], [sflag:$0x1] =	stream.indirect_vreg.gather [hbm4b:s2+s7], $0x80, v4, vm0, $0xb8;
	[tilespmem:$0x1C980] =	vst v63  }
0x7e: {  	v4 =	vld [tilespmem:$0x14820];
	_ =	sdelay $0x4  }
0x7f: {  	v5 =	vshll.u32 v4, $0x1  }
0x80: {  	v4 =	vand.u32 $0x7, v4;
	v5 =	vand.u32 $0xFFFFFFF0, v5  }
0x81: {  	v4 =	vor.u32 v4, v5  }
0x82: {  	v5 =	vperm.xlane v4, v1;
	_ =	sdelay $0x1  }
0x83: {  	v4 =	vperm.xlane v4, v3;
	v5 =	vadd.s32 v2, v5;
	_ =	sdelay $0x1  }
0x84: {  	v4 =	vadd.s32 v2, v4;
	_ =	sdelay $0x2  }
0x85: {  	[tilespmem:s18], [sflag:$0x1] =	stream.indirect_vreg.gather [hbm4b:s2+s7], $0x80, v5, vm0, $0xb8;
	[tilespmem:$0x1C980] =	vst v63  }
0x86: {  	_ = 	snop  }
0x87: {  	[tilespmem:s19], [sflag:$0x1] =	stream.indirect_vreg.gather [hbm4b:s2+s7], $0x80, v4, vm0, $0xb8;
	[tilespmem:$0x1C980] =	vst v63  }
0x88: {  	v4 =	vld [tilespmem:$0x14830];
	_ =	sdelay $0x4  }
0x89: {  	v5 =	vshll.u32 v4, $0x1  }
0x8a: {  	v4 =	vand.u32 $0x7, v4;
	v5 =	vand.u32 $0xFFFFFFF0, v5  }
0x8b: {  	v4 =	vor.u32 v4, v5  }
0x8c: {  	v5 =	vperm.xlane v4, v1;
	_ =	sdelay $0x1  }
0x8d: {  	v4 =	vperm.xlane v4, v3;
	v5 =	vadd.s32 v2, v5;
	_ =	sdelay $0x1  }
0x8e: {  	v4 =	vadd.s32 v2, v4;
	_ =	sdelay $0x2  }
0x8f: {  	[tilespmem:s20], [sflag:$0x1] =	stream.indirect_vreg.gather [hbm4b:s2+s7], $0x80, v5, vm0, $0xb8;
	[tilespmem:$0x1C980] =	vst v63  }
0x90: {  	_ = 	snop  }
0x91: {  	[tilespmem:s21], [sflag:$0x1] =	stream.indirect_vreg.gather [hbm4b:s2+s7], $0x80, v4, vm0, $0xb8;
	[tilespmem:$0x1C980] =	vst v63  }
0x92: {  	v4 =	vld [tilespmem:$0x14840];
	_ =	sdelay $0x4  }
0x93: {  	v5 =	vshll.u32 v4, $0x1  }
0x94: {  	v4 =	vand.u32 $0x7, v4;
	v5 =	vand.u32 $0xFFFFFFF0, v5  }
0x95: {  	v4 =	vor.u32 v4, v5  }
0x96: {  	v5 =	vperm.xlane v4, v1;
	_ =	sdelay $0x1  }
0x97: {  	v4 =	vperm.xlane v4, v3;
	v5 =	vadd.s32 v2, v5;
	_ =	sdelay $0x1  }
0x98: {  	v4 =	vadd.s32 v2, v4;
	_ =	sdelay $0x2  }
0x99: {  	[tilespmem:s22], [sflag:$0x1] =	stream.indirect_vreg.gather [hbm4b:s2+s7], $0x80, v5, vm0, $0xb8;
	[tilespmem:$0x1C980] =	vst v63  }
0x9a: {  	_ = 	snop  }
0x9b: {  	[tilespmem:s23], [sflag:$0x1] =	stream.indirect_vreg.gather [hbm4b:s2+s7], $0x80, v4, vm0, $0xb8;
	[tilespmem:$0x1C980] =	vst v63  }
0x9c: {  	v4 =	vld [tilespmem:$0x14850];
	_ =	sdelay $0x4  }
0x9d: {  	v5 =	vshll.u32 v4, $0x1  }
0x9e: {  	v4 =	vand.u32 $0x7, v4;
	v5 =	vand.u32 $0xFFFFFFF0, v5  }
0x9f: {  	v4 =	vor.u32 v4, v5  }
0xa0: {  	v5 =	vperm.xlane v4, v1;
	_ =	sdelay $0x1  }
0xa1: {  	v4 =	vperm.xlane v4, v3;
	v5 =	vadd.s32 v2, v5;
	_ =	sdelay $0x1  }
0xa2: {  	v4 =	vadd.s32 v2, v4;
	_ =	sdelay $0x2  }
0xa3: {  	[tilespmem:s24], [sflag:$0x1] =	stream.indirect_vreg.gather [hbm4b:s2+s7], $0x80, v5, vm0, $0xb8;
	[tilespmem:$0x1C980] =	vst v63  }
0xa4: {  	_ = 	snop  }
0xa5: {  	[tilespmem:s25], [sflag:$0x1] =	stream.indirect_vreg.gather [hbm4b:s2+s7], $0x80, v4, vm0, $0xb8;
	[tilespmem:$0x1C980] =	vst v63  }
0xa6: {  	v4 =	vld [tilespmem:$0x14860];
	_ =	sdelay $0x4  }
0xa7: {  	v5 =	vshll.u32 v4, $0x1  }
0xa8: {  	v4 =	vand.u32 $0x7, v4;
	v5 =	vand.u32 $0xFFFFFFF0, v5  }
0xa9: {  	v4 =	vor.u32 v4, v5  }
0xaa: {  	v5 =	vperm.xlane v4, v1;
	_ =	sdelay $0x1  }
0xab: {  	v4 =	vperm.xlane v4, v3;
	v5 =	vadd.s32 v2, v5;
	_ =	sdelay $0x1  }
0xac: {  	v4 =	vadd.s32 v2, v4;
	_ =	sdelay $0x2  }
0xad: {  	[tilespmem:s26], [sflag:$0x1] =	stream.indirect_vreg.gather [hbm4b:s2+s7], $0x80, v5, vm0, $0xb8;
	[tilespmem:$0x1C980] =	vst v63  }
0xae: {  	_ = 	snop  }
0xaf: {  	[tilespmem:s28], [sflag:$0x1] =	stream.indirect_vreg.gather [hbm4b:s2+s7], $0x80, v4, vm0, $0xb8;
	[tilespmem:$0x1C980] =	vst v63  }
0xb0: {  	v4 =	vld [tilespmem:$0x14870];
	_ =	sdelay $0x4  }
0xb1: {  	v5 =	vshll.u32 v4, $0x1  }
0xb2: {  	v4 =	vand.u32 $0x7, v4;
	v5 =	vand.u32 $0xFFFFFFF0, v5  }
0xb3: {  	v4 =	vor.u32 v4, v5  }
0xb4: {  	v5 =	vperm.xlane v4, v1;
	_ =	sdelay $0x1  }
0xb5: {  	v4 =	vperm.xlane v4, v3;
	v5 =	vadd.s32 v2, v5;
	_ =	sdelay $0x1  }
0xb6: {  	v4 =	vadd.s32 v2, v4;
	_ =	sdelay $0x2  }
0xb7: {  	[tilespmem:s29], [sflag:$0x1] =	stream.indirect_vreg.gather [hbm4b:s2+s7], $0x80, v5, vm0, $0xb8;
	[tilespmem:$0x1C980] =	vst v63  }
0xb8: {  	_ = 	snop  }
0xb9: {  	[tilespmem:s30], [sflag:$0x1] =	stream.indirect_vreg.gather [hbm4b:s2+s7], $0x80, v4, vm0, $0xb8;
	[tilespmem:$0x1C980] =	vst v63  }
0xba: {  	_ =	swait.ge [sflag:s31], $0x8000  }
0xbb: {  	[sflag:s31] =	ssyncset.done $0x0  }
0xbc: {  	s8 =	simm.s32 $0x0;
	[sflag:s31] =	ssyncadd.s32 $0xFFFF8000  }
.LBB2_6:
0xbd: {  	s0 =	sshll.u32 s8, $0x4  }
0xbe: {  	s0 =	sand.u32 $0x3FFFFFF0, s0  }
0xbf: {  	v4 =	vld [tilespmem:s0+$0x14880];
	_ =	sdelay $0x4  }
0xc0: {  	(v2sf) =	vpush v4, $0x0;
	_ =	sdelay $0xe  }
0xc1: {  	s15 =	spop (v2sf)  }
0xc2: {  	s9 =	sshll.u32 s8, $0xC;
	s3 =	sshll.u32 s15, $0x8  }
0xc3: {  	s0 =	sshll.u32 s15, $0x7;
	s12 =	sand.u32 $0xFFFFF800, s3;
	s3 =	sand.u32 $0x3FFFF000, s9  }
0xc4: {  	s13 =	sand.u32 $0x400, s7;
	s0 =	sand.u32 $0x380, s0;
	s9 =	sadd.s32 $0x14900, s3  }
0xc5: {  	s16 =	sand.u32 $0x70, s7;
	s0 =	sor.u32 s0, s12;
	s14 =	sadd.s32 s13, s9  }
0xc6: {  	s13 =	sadd.s32 s13, s0;
	s14 =	sadd.s32 s16, s14  }
0xc7: {  	s12 =	sadd.s32 s16, s13;
	v5 =	vld [tilespmem:s14+$0x0]  }
0xc8: {  	v6 =	vld [tilespmem:s12+$0x0];
	_ =	sdelay $0x2  }
0xc9: {  	s13 =	simm.s32 $0x80  }
0xca: {  	s17 =	simm.s32 $0x10;
	s16 =	sand.u32 $0x400, s13  }
0xcb: {  	s15 =	sand.u32 $0x70, s17;
	s14 =	simm.s32 $0x20;
	s17 =	sadd.s32 s16, s9;
	v5 =	vmax.f32 v6, v5  }
.LBB2_7:
0xcc: {  	p0 =	sne.s32 s14, $0xF0;
	s16 =	sadd.s32 s16, s0;
	s17 =	sadd.s32 s15, s17;
	[tilespmem:s12+$0x0] =	vst v5  }
0xcd: {  	s12 =	sadd.s32 s15, s16;
	v5 =	vld [tilespmem:s17+$0x0]  }
0xce: {  	v6 =	vld [tilespmem:s12+$0x0]  }
.Ltmp6:
0xcf: {  	(pc) =	sbr.rel @p0 .LBB2_7-.Ltmp6, $4  }
0xd0: {  	_ = 	snop  }
0xd1: {  	s13 =	sadd.s32 $0x80, s13  }
0xd2: {  	s16 =	sand.u32 $0x400, s13  }
0xd3: {  	s15 =	sand.u32 $0x70, s14;
	s14 =	sadd.s32 $0x10, s14;
	s17 =	sadd.s32 s16, s9;
	v5 =	vmax.f32 v6, v5  }
0xd4: {  	(v2sf) =	vpush v4, $0x1;
	_ =	sdelay $0xa  }
0xd5: {  	s0 =	sadd.s32 s16, s0;
	s13 =	sadd.s32 s15, s17;
	[tilespmem:s12+$0x0] =	vst v5  }
0xd6: {  	s12 =	sadd.s32 s15, s0;
	v5 =	vld [tilespmem:s13+$0x0]  }
0xd7: {  	v6 =	vld [tilespmem:s12+$0x0];
	_ =	sdelay $0x1  }
0xd8: {  	s14 =	spop (v2sf)  }
0xd9: {  	s15 =	sshll.u32 s14, $0x8;
	s0 =	sshll.u32 s14, $0x7;
	s14 =	simm.s32 $0x0  }
0xda: {  	s13 =	sand.u32 $0xFFFFF800, s15;
	s0 =	sand.u32 $0x380, s0;
	s16 =	sand.u32 $0x400, s14  }
0xdb: {  	v5 =	vmax.f32 v6, v5;
	s0 =	sor.u32 s0, s13;
	s13 =	sand.u32 $0x70, s14;
	s17 =	sadd.s32 s16, s9  }
0xdc: {  	[tilespmem:s12+$0x0] =	vst v5;
	s16 =	sadd.s32 s16, s0;
	s14 =	sadd.s32 s13, s17  }
0xdd: {  	s12 =	sadd.s32 s13, s16;
	v5 =	vld [tilespmem:s14+$0x80]  }
0xde: {  	v6 =	vld [tilespmem:s12+$0x0];
	_ =	sdelay $0x2  }
0xdf: {  	s13 =	simm.s32 $0x80  }
0xe0: {  	s17 =	simm.s32 $0x10;
	s16 =	sand.u32 $0x400, s13  }
0xe1: {  	s15 =	sand.u32 $0x70, s17;
	s14 =	simm.s32 $0x20;
	s17 =	sadd.s32 s16, s9;
	v5 =	vmax.f32 v6, v5  }
.LBB2_9:
0xe2: {  	p0 =	sne.s32 s14, $0xF0;
	s16 =	sadd.s32 s16, s0;
	s17 =	sadd.s32 s15, s17;
	[tilespmem:s12+$0x0] =	vst v5  }
0xe3: {  	s12 =	sadd.s32 s15, s16;
	v5 =	vld [tilespmem:s17+$0x80]  }
0xe4: {  	v6 =	vld [tilespmem:s12+$0x0]  }
.Ltmp7:
0xe5: {  	(pc) =	sbr.rel @p0 .LBB2_9-.Ltmp7, $4  }
0xe6: {  	_ = 	snop  }
0xe7: {  	s13 =	sadd.s32 $0x80, s13  }
0xe8: {  	s16 =	sand.u32 $0x400, s13  }
0xe9: {  	s15 =	sand.u32 $0x70, s14;
	s14 =	sadd.s32 $0x10, s14;
	s17 =	sadd.s32 s16, s9;
	v5 =	vmax.f32 v6, v5  }
0xea: {  	(v2sf) =	vpush v4, $0x2;
	_ =	sdelay $0xa  }
0xeb: {  	s0 =	sadd.s32 s16, s0;
	s13 =	sadd.s32 s15, s17;
	[tilespmem:s12+$0x0] =	vst v5  }
0xec: {  	s12 =	sadd.s32 s15, s0;
	v5 =	vld [tilespmem:s13+$0x80]  }
0xed: {  	v6 =	vld [tilespmem:s12+$0x0];
	_ =	sdelay $0x1  }
0xee: {  	s14 =	spop (v2sf)  }
0xef: {  	s15 =	sshll.u32 s14, $0x8;
	s0 =	sshll.u32 s14, $0x7;
	s14 =	simm.s32 $0x0  }
0xf0: {  	s13 =	sand.u32 $0xFFFFF800, s15;
	s0 =	sand.u32 $0x380, s0;
	s16 =	sand.u32 $0x400, s14  }
0xf1: {  	v5 =	vmax.f32 v6, v5;
	s0 =	sor.u32 s0, s13;
	s13 =	sand.u32 $0x70, s14;
	s17 =	sadd.s32 s16, s9  }
0xf2: {  	[tilespmem:s12+$0x0] =	vst v5;
	s16 =	sadd.s32 s16, s0;
	s14 =	sadd.s32 s13, s17  }
0xf3: {  	s12 =	sadd.s32 s13, s16;
	v5 =	vld [tilespmem:s14+$0x100]  }
0xf4: {  	v6 =	vld [tilespmem:s12+$0x0];
	_ =	sdelay $0x2  }
0xf5: {  	s13 =	simm.s32 $0x80  }
0xf6: {  	s17 =	simm.s32 $0x10;
	s16 =	sand.u32 $0x400, s13  }
0xf7: {  	s15 =	sand.u32 $0x70, s17;
	s14 =	simm.s32 $0x20;
	s17 =	sadd.s32 s16, s9;
	v5 =	vmax.f32 v6, v5  }
.LBB2_11:
0xf8: {  	p0 =	sne.s32 s14, $0xF0;
	s16 =	sadd.s32 s16, s0;
	s17 =	sadd.s32 s15, s17;
	[tilespmem:s12+$0x0] =	vst v5  }
0xf9: {  	s12 =	sadd.s32 s15, s16;
	v5 =	vld [tilespmem:s17+$0x100]  }
0xfa: {  	v6 =	vld [tilespmem:s12+$0x0]  }
.Ltmp8:
0xfb: {  	(pc) =	sbr.rel @p0 .LBB2_11-.Ltmp8, $4  }
0xfc: {  	_ = 	snop  }
0xfd: {  	s13 =	sadd.s32 $0x80, s13  }
0xfe: {  	s16 =	sand.u32 $0x400, s13  }
0xff: {  	s15 =	sand.u32 $0x70, s14;
	s14 =	sadd.s32 $0x10, s14;
	s17 =	sadd.s32 s16, s9;
	v5 =	vmax.f32 v6, v5  }
0x100: {  	(v2sf) =	vpush v4, $0x3;
	_ =	sdelay $0xa  }
0x101: {  	s0 =	sadd.s32 s16, s0;
	s13 =	sadd.s32 s15, s17;
	[tilespmem:s12+$0x0] =	vst v5  }
0x102: {  	s12 =	sadd.s32 s15, s0;
	v5 =	vld [tilespmem:s13+$0x100]  }
0x103: {  	v6 =	vld [tilespmem:s12+$0x0];
	_ =	sdelay $0x1  }
0x104: {  	s14 =	spop (v2sf)  }
0x105: {  	s15 =	sshll.u32 s14, $0x8;
	s0 =	sshll.u32 s14, $0x7;
	s14 =	simm.s32 $0x0  }
0x106: {  	s13 =	sand.u32 $0xFFFFF800, s15;
	s0 =	sand.u32 $0x380, s0;
	s16 =	sand.u32 $0x400, s14  }
0x107: {  	v5 =	vmax.f32 v6, v5;
	s0 =	sor.u32 s0, s13;
	s13 =	sand.u32 $0x70, s14;
	s17 =	sadd.s32 s16, s9  }
0x108: {  	[tilespmem:s12+$0x0] =	vst v5;
	s16 =	sadd.s32 s16, s0;
	s14 =	sadd.s32 s13, s17  }
0x109: {  	s12 =	sadd.s32 s13, s16;
	v5 =	vld [tilespmem:s14+$0x180]  }
0x10a: {  	v6 =	vld [tilespmem:s12+$0x0];
	_ =	sdelay $0x2  }
0x10b: {  	s13 =	simm.s32 $0x80  }
0x10c: {  	s17 =	simm.s32 $0x10;
	s16 =	sand.u32 $0x400, s13  }
0x10d: {  	s15 =	sand.u32 $0x70, s17;
	s14 =	simm.s32 $0x20;
	s17 =	sadd.s32 s16, s9;
	v5 =	vmax.f32 v6, v5  }
.LBB2_13:
0x10e: {  	p0 =	sne.s32 s14, $0xF0;
	s16 =	sadd.s32 s16, s0;
	s17 =	sadd.s32 s15, s17;
	[tilespmem:s12+$0x0] =	vst v5  }
0x10f: {  	s12 =	sadd.s32 s15, s16;
	v5 =	vld [tilespmem:s17+$0x180]  }
0x110: {  	v6 =	vld [tilespmem:s12+$0x0]  }
.Ltmp9:
0x111: {  	(pc) =	sbr.rel @p0 .LBB2_13-.Ltmp9, $4  }
0x112: {  	_ = 	snop  }
0x113: {  	s13 =	sadd.s32 $0x80, s13  }
0x114: {  	s16 =	sand.u32 $0x400, s13  }
0x115: {  	s15 =	sand.u32 $0x70, s14;
	s14 =	sadd.s32 $0x10, s14;
	s17 =	sadd.s32 s16, s9;
	v5 =	vmax.f32 v6, v5  }
0x116: {  	(v2sf) =	vpush v4, $0x4;
	_ =	sdelay $0xa  }
0x117: {  	s0 =	sadd.s32 s16, s0;
	s13 =	sadd.s32 s15, s17;
	[tilespmem:s12+$0x0] =	vst v5  }
0x118: {  	s12 =	sadd.s32 s15, s0;
	v5 =	vld [tilespmem:s13+$0x180]  }
0x119: {  	v6 =	vld [tilespmem:s12+$0x0];
	_ =	sdelay $0x1  }
0x11a: {  	s14 =	spop (v2sf)  }
0x11b: {  	s15 =	sshll.u32 s14, $0x8;
	s0 =	sshll.u32 s14, $0x7;
	s14 =	simm.s32 $0x0  }
0x11c: {  	s13 =	sand.u32 $0xFFFFF800, s15;
	s0 =	sand.u32 $0x380, s0;
	s16 =	sand.u32 $0x400, s14  }
0x11d: {  	v5 =	vmax.f32 v6, v5;
	s0 =	sor.u32 s0, s13;
	s13 =	sand.u32 $0x70, s14;
	s17 =	sadd.s32 s16, s9  }
0x11e: {  	[tilespmem:s12+$0x0] =	vst v5;
	s16 =	sadd.s32 s16, s0;
	s14 =	sadd.s32 s13, s17  }
0x11f: {  	s12 =	sadd.s32 s13, s16;
	v5 =	vld [tilespmem:s14+$0x200]  }
0x120: {  	v6 =	vld [tilespmem:s12+$0x0];
	_ =	sdelay $0x2  }
0x121: {  	s13 =	simm.s32 $0x80  }
0x122: {  	s17 =	simm.s32 $0x10;
	s16 =	sand.u32 $0x400, s13  }
0x123: {  	s15 =	sand.u32 $0x70, s17;
	s14 =	simm.s32 $0x20;
	s17 =	sadd.s32 s16, s9;
	v5 =	vmax.f32 v6, v5  }
.LBB2_15:
0x124: {  	p0 =	sne.s32 s14, $0xF0;
	s16 =	sadd.s32 s16, s0;
	s17 =	sadd.s32 s15, s17;
	[tilespmem:s12+$0x0] =	vst v5  }
0x125: {  	s12 =	sadd.s32 s15, s16;
	v5 =	vld [tilespmem:s17+$0x200]  }
0x126: {  	v6 =	vld [tilespmem:s12+$0x0]  }
.Ltmp10:
0x127: {  	(pc) =	sbr.rel @p0 .LBB2_15-.Ltmp10, $4  }
0x128: {  	_ = 	snop  }
0x129: {  	s13 =	sadd.s32 $0x80, s13  }
0x12a: {  	s16 =	sand.u32 $0x400, s13  }
0x12b: {  	s15 =	sand.u32 $0x70, s14;
	s14 =	sadd.s32 $0x10, s14;
	s17 =	sadd.s32 s16, s9;
	v5 =	vmax.f32 v6, v5  }
0x12c: {  	(v2sf) =	vpush v4, $0x5;
	_ =	sdelay $0xa  }
0x12d: {  	s0 =	sadd.s32 s16, s0;
	s13 =	sadd.s32 s15, s17;
	[tilespmem:s12+$0x0] =	vst v5  }
0x12e: {  	s12 =	sadd.s32 s15, s0;
	v5 =	vld [tilespmem:s13+$0x200]  }
0x12f: {  	v6 =	vld [tilespmem:s12+$0x0];
	_ =	sdelay $0x1  }
0x130: {  	s14 =	spop (v2sf)  }
0x131: {  	s15 =	sshll.u32 s14, $0x8;
	s0 =	sshll.u32 s14, $0x7;
	s14 =	simm.s32 $0x0  }
0x132: {  	s13 =	sand.u32 $0xFFFFF800, s15;
	s0 =	sand.u32 $0x380, s0;
	s16 =	sand.u32 $0x400, s14  }
0x133: {  	v5 =	vmax.f32 v6, v5;
	s0 =	sor.u32 s0, s13;
	s13 =	sand.u32 $0x70, s14;
	s17 =	sadd.s32 s16, s9  }
0x134: {  	[tilespmem:s12+$0x0] =	vst v5;
	s16 =	sadd.s32 s16, s0;
	s14 =	sadd.s32 s13, s17  }
0x135: {  	s12 =	sadd.s32 s13, s16;
	v5 =	vld [tilespmem:s14+$0x280]  }
0x136: {  	v6 =	vld [tilespmem:s12+$0x0];
	_ =	sdelay $0x2  }
0x137: {  	s13 =	simm.s32 $0x80  }
0x138: {  	s17 =	simm.s32 $0x10;
	s16 =	sand.u32 $0x400, s13  }
0x139: {  	s15 =	sand.u32 $0x70, s17;
	s14 =	simm.s32 $0x20;
	s17 =	sadd.s32 s16, s9;
	v5 =	vmax.f32 v6, v5  }
.LBB2_17:
0x13a: {  	p0 =	sne.s32 s14, $0xF0;
	s16 =	sadd.s32 s16, s0;
	s17 =	sadd.s32 s15, s17;
	[tilespmem:s12+$0x0] =	vst v5  }
0x13b: {  	s12 =	sadd.s32 s15, s16;
	v5 =	vld [tilespmem:s17+$0x280]  }
0x13c: {  	v6 =	vld [tilespmem:s12+$0x0]  }
.Ltmp11:
0x13d: {  	(pc) =	sbr.rel @p0 .LBB2_17-.Ltmp11, $4  }
0x13e: {  	_ = 	snop  }
0x13f: {  	s13 =	sadd.s32 $0x80, s13  }
0x140: {  	s16 =	sand.u32 $0x400, s13  }
0x141: {  	s15 =	sand.u32 $0x70, s14;
	s14 =	sadd.s32 $0x10, s14;
	s17 =	sadd.s32 s16, s9;
	v5 =	vmax.f32 v6, v5  }
0x142: {  	(v2sf) =	vpush v4, $0x6;
	_ =	sdelay $0xa  }
0x143: {  	s0 =	sadd.s32 s16, s0;
	s13 =	sadd.s32 s15, s17;
	[tilespmem:s12+$0x0] =	vst v5  }
0x144: {  	s12 =	sadd.s32 s15, s0;
	v5 =	vld [tilespmem:s13+$0x280]  }
0x145: {  	v6 =	vld [tilespmem:s12+$0x0];
	_ =	sdelay $0x1  }
0x146: {  	s14 =	spop (v2sf)  }
0x147: {  	s15 =	sshll.u32 s14, $0x8;
	s0 =	sshll.u32 s14, $0x7;
	s14 =	simm.s32 $0x0  }
0x148: {  	s13 =	sand.u32 $0xFFFFF800, s15;
	s0 =	sand.u32 $0x380, s0;
	s16 =	sand.u32 $0x400, s14  }
0x149: {  	v5 =	vmax.f32 v6, v5;
	s0 =	sor.u32 s0, s13;
	s13 =	sand.u32 $0x70, s14;
	s17 =	sadd.s32 s16, s9  }
0x14a: {  	[tilespmem:s12+$0x0] =	vst v5;
	s16 =	sadd.s32 s16, s0;
	s14 =	sadd.s32 s13, s17  }
0x14b: {  	s12 =	sadd.s32 s13, s16;
	v5 =	vld [tilespmem:s14+$0x300]  }
0x14c: {  	v6 =	vld [tilespmem:s12+$0x0];
	_ =	sdelay $0x2  }
0x14d: {  	s13 =	simm.s32 $0x80  }
0x14e: {  	s17 =	simm.s32 $0x10;
	s16 =	sand.u32 $0x400, s13  }
0x14f: {  	s15 =	sand.u32 $0x70, s17;
	s14 =	simm.s32 $0x20;
	s17 =	sadd.s32 s16, s9;
	v5 =	vmax.f32 v6, v5  }
.LBB2_19:
0x150: {  	p0 =	sne.s32 s14, $0xF0;
	s16 =	sadd.s32 s16, s0;
	s17 =	sadd.s32 s15, s17;
	[tilespmem:s12+$0x0] =	vst v5  }
0x151: {  	s12 =	sadd.s32 s15, s16;
	v5 =	vld [tilespmem:s17+$0x300]  }
0x152: {  	v6 =	vld [tilespmem:s12+$0x0]  }
.Ltmp12:
0x153: {  	(pc) =	sbr.rel @p0 .LBB2_19-.Ltmp12, $4  }
0x154: {  	_ = 	snop  }
0x155: {  	s13 =	sadd.s32 $0x80, s13  }
0x156: {  	s16 =	sand.u32 $0x400, s13  }
0x157: {  	s15 =	sand.u32 $0x70, s14;
	s14 =	sadd.s32 $0x10, s14;
	s17 =	sadd.s32 s16, s9;
	v5 =	vmax.f32 v6, v5  }
0x158: {  	(v2sf) =	vpush v4, $0x7;
	_ =	sdelay $0xa  }
0x159: {  	s0 =	sadd.s32 s16, s0;
	s13 =	sadd.s32 s15, s17;
	[tilespmem:s12+$0x0] =	vst v5  }
0x15a: {  	s12 =	sadd.s32 s15, s0;
	v5 =	vld [tilespmem:s13+$0x300]  }
0x15b: {  	v6 =	vld [tilespmem:s12+$0x0];
	_ =	sdelay $0x1  }
0x15c: {  	s14 =	spop (v2sf)  }
0x15d: {  	s15 =	sshll.u32 s14, $0x8;
	s0 =	sshll.u32 s14, $0x7;
	s14 =	simm.s32 $0x0  }
0x15e: {  	s13 =	sand.u32 $0xFFFFF800, s15;
	s0 =	sand.u32 $0x380, s0;
	s16 =	sand.u32 $0x400, s14  }
0x15f: {  	v5 =	vmax.f32 v6, v5;
	s0 =	sor.u32 s0, s13;
	s13 =	sand.u32 $0x70, s14;
	s17 =	sadd.s32 s16, s9  }
0x160: {  	[tilespmem:s12+$0x0] =	vst v5;
	s16 =	sadd.s32 s16, s0;
	s14 =	sadd.s32 s13, s17  }
0x161: {  	s12 =	sadd.s32 s13, s16;
	v5 =	vld [tilespmem:s14+$0x380]  }
0x162: {  	v6 =	vld [tilespmem:s12+$0x0];
	_ =	sdelay $0x2  }
0x163: {  	s13 =	simm.s32 $0x80  }
0x164: {  	s17 =	simm.s32 $0x10;
	s16 =	sand.u32 $0x400, s13  }
0x165: {  	s15 =	sand.u32 $0x70, s17;
	s14 =	simm.s32 $0x20;
	s17 =	sadd.s32 s16, s9;
	v5 =	vmax.f32 v6, v5  }
.LBB2_21:
0x166: {  	p0 =	sne.s32 s14, $0xF0;
	s16 =	sadd.s32 s16, s0;
	s17 =	sadd.s32 s15, s17;
	[tilespmem:s12+$0x0] =	vst v5  }
0x167: {  	s12 =	sadd.s32 s15, s16;
	v5 =	vld [tilespmem:s17+$0x380]  }
0x168: {  	v6 =	vld [tilespmem:s12+$0x0]  }
.Ltmp13:
0x169: {  	(pc) =	sbr.rel @p0 .LBB2_21-.Ltmp13, $4  }
0x16a: {  	_ = 	snop  }
0x16b: {  	s13 =	sadd.s32 $0x80, s13  }
0x16c: {  	s16 =	sand.u32 $0x400, s13  }
0x16d: {  	s15 =	sand.u32 $0x70, s14;
	s14 =	sadd.s32 $0x10, s14;
	s17 =	sadd.s32 s16, s9;
	v5 =	vmax.f32 v6, v5  }
0x16e: {  	(v2sf) =	vpush v4, $0x8;
	_ =	sdelay $0xa  }
0x16f: {  	s0 =	sadd.s32 s16, s0;
	s13 =	sadd.s32 s15, s17;
	[tilespmem:s12+$0x0] =	vst v5  }
0x170: {  	s12 =	sadd.s32 s15, s0;
	v5 =	vld [tilespmem:s13+$0x380]  }
0x171: {  	v6 =	vld [tilespmem:s12+$0x0];
	_ =	sdelay $0x1  }
0x172: {  	s3 =	sadd.s32 $0x15100, s3;
	s14 =	spop (v2sf)  }
0x173: {  	s15 =	sshll.u32 s14, $0x8;
	s0 =	sshll.u32 s14, $0x7;
	s14 =	simm.s32 $0x0  }
0x174: {  	s13 =	sand.u32 $0xFFFFF800, s15;
	s0 =	sand.u32 $0x380, s0;
	s16 =	sand.u32 $0x400, s14  }
0x175: {  	v5 =	vmax.f32 v6, v5;
	s0 =	sor.u32 s0, s13;
	s13 =	sand.u32 $0x70, s14;
	s17 =	sadd.s32 s16, s3  }
0x176: {  	[tilespmem:s12+$0x0] =	vst v5;
	s16 =	sadd.s32 s16, s0;
	s14 =	sadd.s32 s13, s17  }
0x177: {  	s12 =	sadd.s32 s13, s16;
	v5 =	vld [tilespmem:s14+$0x0]  }
0x178: {  	v6 =	vld [tilespmem:s12+$0x0];
	_ =	sdelay $0x2  }
0x179: {  	s13 =	simm.s32 $0x80  }
0x17a: {  	s17 =	simm.s32 $0x10;
	s16 =	sand.u32 $0x400, s13  }
0x17b: {  	s15 =	sand.u32 $0x70, s17;
	s14 =	simm.s32 $0x20;
	s17 =	sadd.s32 s16, s3;
	v5 =	vmax.f32 v6, v5  }
.LBB2_23:
0x17c: {  	p0 =	sne.s32 s14, $0xF0;
	s16 =	sadd.s32 s16, s0;
	s17 =	sadd.s32 s15, s17;
	[tilespmem:s12+$0x0] =	vst v5  }
0x17d: {  	s12 =	sadd.s32 s15, s16;
	v5 =	vld [tilespmem:s17+$0x0]  }
0x17e: {  	v6 =	vld [tilespmem:s12+$0x0]  }
.Ltmp14:
0x17f: {  	(pc) =	sbr.rel @p0 .LBB2_23-.Ltmp14, $4  }
0x180: {  	_ = 	snop  }
0x181: {  	s13 =	sadd.s32 $0x80, s13  }
0x182: {  	s16 =	sand.u32 $0x400, s13  }
0x183: {  	s15 =	sand.u32 $0x70, s14;
	s14 =	sadd.s32 $0x10, s14;
	s17 =	sadd.s32 s16, s3;
	v5 =	vmax.f32 v6, v5  }
0x184: {  	(v2sf) =	vpush v4, $0x9;
	_ =	sdelay $0xa  }
0x185: {  	s0 =	sadd.s32 s16, s0;
	s3 =	sadd.s32 s15, s17;
	[tilespmem:s12+$0x0] =	vst v5  }
0x186: {  	s12 =	sadd.s32 s15, s0;
	v5 =	vld [tilespmem:s3+$0x0]  }
0x187: {  	v6 =	vld [tilespmem:s12+$0x0];
	_ =	sdelay $0x1  }
0x188: {  	s15 =	spop (v2sf)  }
0x189: {  	s13 =	simm.s32 $0x0;
	s16 =	sshll.u32 s15, $0x8;
	s0 =	sshll.u32 s15, $0x7  }
0x18a: {  	s14 =	sand.u32 $0x400, s13;
	s3 =	sand.u32 $0xFFFFF800, s16;
	s0 =	sand.u32 $0x380, s0  }
0x18b: {  	s17 =	sand.u32 $0x70, s13;
	v5 =	vmax.f32 v6, v5;
	s15 =	sadd.s32 s14, s9;
	s0 =	sor.u32 s0, s3  }
0x18c: {  	[tilespmem:s12+$0x0] =	vst v5;
	s13 =	sadd.s32 s17, s15;
	s16 =	sadd.s32 s14, s0  }
0x18d: {  	v5 =	vld [tilespmem:s13+$0x880];
	s3 =	sadd.s32 s17, s16  }
0x18e: {  	v6 =	vld [tilespmem:s3+$0x0];
	_ =	sdelay $0x2  }
0x18f: {  	s12 =	simm.s32 $0x80  }
0x190: {  	s15 =	sand.u32 $0x400, s12;
	s17 =	simm.s32 $0x10  }
0x191: {  	s13 =	simm.s32 $0x20;
	s16 =	sadd.s32 s15, s9;
	s14 =	sand.u32 $0x70, s17;
	v5 =	vmax.f32 v6, v5  }
.LBB2_25:
0x192: {  	p0 =	sne.s32 s13, $0xF0;
	s15 =	sadd.s32 s15, s0;
	s16 =	sadd.s32 s14, s16;
	[tilespmem:s3+$0x0] =	vst v5  }
0x193: {  	s3 =	sadd.s32 s14, s15;
	v5 =	vld [tilespmem:s16+$0x880]  }
0x194: {  	v6 =	vld [tilespmem:s3+$0x0]  }
.Ltmp15:
0x195: {  	(pc) =	sbr.rel @p0 .LBB2_25-.Ltmp15, $4  }
0x196: {  	_ = 	snop  }
0x197: {  	s12 =	sadd.s32 $0x80, s12  }
0x198: {  	s15 =	sand.u32 $0x400, s12  }
0x199: {  	s14 =	sand.u32 $0x70, s13;
	s13 =	sadd.s32 $0x10, s13;
	s16 =	sadd.s32 s15, s9;
	v5 =	vmax.f32 v6, v5  }
0x19a: {  	(v2sf) =	vpush v4, $0xA;
	_ =	sdelay $0xa  }
0x19b: {  	s0 =	sadd.s32 s15, s0;
	s12 =	sadd.s32 s14, s16;
	[tilespmem:s3+$0x0] =	vst v5  }
0x19c: {  	s3 =	sadd.s32 s14, s0;
	v5 =	vld [tilespmem:s12+$0x880]  }
0x19d: {  	v6 =	vld [tilespmem:s3+$0x0];
	_ =	sdelay $0x1  }
0x19e: {  	s14 =	spop (v2sf)  }
0x19f: {  	s13 =	simm.s32 $0x0;
	s15 =	sshll.u32 s14, $0x8;
	s0 =	sshll.u32 s14, $0x7  }
0x1a0: {  	s16 =	sand.u32 $0x400, s13;
	s12 =	sand.u32 $0xFFFFF800, s15;
	s0 =	sand.u32 $0x380, s0  }
0x1a1: {  	s17 =	sand.u32 $0x70, s13;
	v5 =	vmax.f32 v6, v5;
	s15 =	sadd.s32 s16, s9;
	s0 =	sor.u32 s0, s12  }
0x1a2: {  	[tilespmem:s3+$0x0] =	vst v5;
	s13 =	sadd.s32 s17, s15;
	s16 =	sadd.s32 s16, s0  }
0x1a3: {  	v5 =	vld [tilespmem:s13+$0x900];
	s3 =	sadd.s32 s17, s16  }
0x1a4: {  	v6 =	vld [tilespmem:s3+$0x0];
	_ =	sdelay $0x2  }
0x1a5: {  	s12 =	simm.s32 $0x80  }
0x1a6: {  	s15 =	sand.u32 $0x400, s12;
	s17 =	simm.s32 $0x10  }
0x1a7: {  	s13 =	simm.s32 $0x20;
	s16 =	sadd.s32 s15, s9;
	s14 =	sand.u32 $0x70, s17;
	v5 =	vmax.f32 v6, v5  }
.LBB2_27:
0x1a8: {  	p0 =	sne.s32 s13, $0xF0;
	s15 =	sadd.s32 s15, s0;
	s16 =	sadd.s32 s14, s16;
	[tilespmem:s3+$0x0] =	vst v5  }
0x1a9: {  	s3 =	sadd.s32 s14, s15;
	v5 =	vld [tilespmem:s16+$0x900]  }
0x1aa: {  	v6 =	vld [tilespmem:s3+$0x0]  }
.Ltmp16:
0x1ab: {  	(pc) =	sbr.rel @p0 .LBB2_27-.Ltmp16, $4  }
0x1ac: {  	_ = 	snop  }
0x1ad: {  	s12 =	sadd.s32 $0x80, s12  }
0x1ae: {  	s15 =	sand.u32 $0x400, s12  }
0x1af: {  	s14 =	sand.u32 $0x70, s13;
	s13 =	sadd.s32 $0x10, s13;
	s16 =	sadd.s32 s15, s9;
	v5 =	vmax.f32 v6, v5  }
0x1b0: {  	(v2sf) =	vpush v4, $0xB;
	_ =	sdelay $0xa  }
0x1b1: {  	s0 =	sadd.s32 s15, s0;
	s12 =	sadd.s32 s14, s16;
	[tilespmem:s3+$0x0] =	vst v5  }
0x1b2: {  	s3 =	sadd.s32 s14, s0;
	v5 =	vld [tilespmem:s12+$0x900]  }
0x1b3: {  	v6 =	vld [tilespmem:s3+$0x0];
	_ =	sdelay $0x1  }
0x1b4: {  	s14 =	spop (v2sf)  }
0x1b5: {  	s13 =	simm.s32 $0x0;
	s15 =	sshll.u32 s14, $0x8;
	s0 =	sshll.u32 s14, $0x7  }
0x1b6: {  	s16 =	sand.u32 $0x400, s13;
	s12 =	sand.u32 $0xFFFFF800, s15;
	s0 =	sand.u32 $0x380, s0  }
0x1b7: {  	s17 =	sand.u32 $0x70, s13;
	v5 =	vmax.f32 v6, v5;
	s15 =	sadd.s32 s16, s9;
	s0 =	sor.u32 s0, s12  }
0x1b8: {  	[tilespmem:s3+$0x0] =	vst v5;
	s13 =	sadd.s32 s17, s15;
	s16 =	sadd.s32 s16, s0  }
0x1b9: {  	v5 =	vld [tilespmem:s13+$0x980];
	s3 =	sadd.s32 s17, s16  }
0x1ba: {  	v6 =	vld [tilespmem:s3+$0x0];
	_ =	sdelay $0x2  }
0x1bb: {  	s12 =	simm.s32 $0x80  }
0x1bc: {  	s15 =	sand.u32 $0x400, s12;
	s17 =	simm.s32 $0x10  }
0x1bd: {  	s13 =	simm.s32 $0x20;
	s16 =	sadd.s32 s15, s9;
	s14 =	sand.u32 $0x70, s17;
	v5 =	vmax.f32 v6, v5  }
.LBB2_29:
0x1be: {  	p0 =	sne.s32 s13, $0xF0;
	s15 =	sadd.s32 s15, s0;
	s16 =	sadd.s32 s14, s16;
	[tilespmem:s3+$0x0] =	vst v5  }
0x1bf: {  	s3 =	sadd.s32 s14, s15;
	v5 =	vld [tilespmem:s16+$0x980]  }
0x1c0: {  	v6 =	vld [tilespmem:s3+$0x0]  }
.Ltmp17:
0x1c1: {  	(pc) =	sbr.rel @p0 .LBB2_29-.Ltmp17, $4  }
0x1c2: {  	_ = 	snop  }
0x1c3: {  	s12 =	sadd.s32 $0x80, s12  }
0x1c4: {  	s15 =	sand.u32 $0x400, s12  }
0x1c5: {  	s14 =	sand.u32 $0x70, s13;
	s13 =	sadd.s32 $0x10, s13;
	s16 =	sadd.s32 s15, s9;
	v5 =	vmax.f32 v6, v5  }
0x1c6: {  	(v2sf) =	vpush v4, $0xC;
	_ =	sdelay $0xa  }
0x1c7: {  	s0 =	sadd.s32 s15, s0;
	s12 =	sadd.s32 s14, s16;
	[tilespmem:s3+$0x0] =	vst v5  }
0x1c8: {  	s3 =	sadd.s32 s14, s0;
	v5 =	vld [tilespmem:s12+$0x980]  }
0x1c9: {  	v6 =	vld [tilespmem:s3+$0x0];
	_ =	sdelay $0x1  }
0x1ca: {  	s14 =	spop (v2sf)  }
0x1cb: {  	s13 =	simm.s32 $0x0;
	s15 =	sshll.u32 s14, $0x8;
	s0 =	sshll.u32 s14, $0x7  }
0x1cc: {  	s16 =	sand.u32 $0x400, s13;
	s12 =	sand.u32 $0xFFFFF800, s15;
	s0 =	sand.u32 $0x380, s0  }
0x1cd: {  	s17 =	sand.u32 $0x70, s13;
	v5 =	vmax.f32 v6, v5;
	s15 =	sadd.s32 s16, s9;
	s0 =	sor.u32 s0, s12  }
0x1ce: {  	[tilespmem:s3+$0x0] =	vst v5;
	s13 =	sadd.s32 s17, s15;
	s16 =	sadd.s32 s16, s0  }
0x1cf: {  	v5 =	vld [tilespmem:s13+$0xA00];
	s3 =	sadd.s32 s17, s16  }
0x1d0: {  	v6 =	vld [tilespmem:s3+$0x0];
	_ =	sdelay $0x2  }
0x1d1: {  	s12 =	simm.s32 $0x80  }
0x1d2: {  	s15 =	sand.u32 $0x400, s12;
	s17 =	simm.s32 $0x10  }
0x1d3: {  	s13 =	simm.s32 $0x20;
	s16 =	sadd.s32 s15, s9;
	s14 =	sand.u32 $0x70, s17;
	v5 =	vmax.f32 v6, v5  }
.LBB2_31:
0x1d4: {  	p0 =	sne.s32 s13, $0xF0;
	s15 =	sadd.s32 s15, s0;
	s16 =	sadd.s32 s14, s16;
	[tilespmem:s3+$0x0] =	vst v5  }
0x1d5: {  	s3 =	sadd.s32 s14, s15;
	v5 =	vld [tilespmem:s16+$0xA00]  }
0x1d6: {  	v6 =	vld [tilespmem:s3+$0x0]  }
.Ltmp18:
0x1d7: {  	(pc) =	sbr.rel @p0 .LBB2_31-.Ltmp18, $4  }
0x1d8: {  	_ = 	snop  }
0x1d9: {  	s12 =	sadd.s32 $0x80, s12  }
0x1da: {  	s15 =	sand.u32 $0x400, s12  }
0x1db: {  	s14 =	sand.u32 $0x70, s13;
	s13 =	sadd.s32 $0x10, s13;
	s16 =	sadd.s32 s15, s9;
	v5 =	vmax.f32 v6, v5  }
0x1dc: {  	(v2sf) =	vpush v4, $0xD;
	_ =	sdelay $0xa  }
0x1dd: {  	s0 =	sadd.s32 s15, s0;
	s12 =	sadd.s32 s14, s16;
	[tilespmem:s3+$0x0] =	vst v5  }
0x1de: {  	s3 =	sadd.s32 s14, s0;
	v5 =	vld [tilespmem:s12+$0xA00]  }
0x1df: {  	v6 =	vld [tilespmem:s3+$0x0];
	_ =	sdelay $0x1  }
0x1e0: {  	s14 =	spop (v2sf)  }
0x1e1: {  	s13 =	simm.s32 $0x0;
	s15 =	sshll.u32 s14, $0x8;
	s0 =	sshll.u32 s14, $0x7  }
0x1e2: {  	s16 =	sand.u32 $0x400, s13;
	s12 =	sand.u32 $0xFFFFF800, s15;
	s0 =	sand.u32 $0x380, s0  }
0x1e3: {  	s17 =	sand.u32 $0x70, s13;
	v5 =	vmax.f32 v6, v5;
	s15 =	sadd.s32 s16, s9;
	s0 =	sor.u32 s0, s12  }
0x1e4: {  	[tilespmem:s3+$0x0] =	vst v5;
	s13 =	sadd.s32 s17, s15;
	s16 =	sadd.s32 s16, s0  }
0x1e5: {  	v5 =	vld [tilespmem:s13+$0xA80];
	s3 =	sadd.s32 s17, s16  }
0x1e6: {  	v6 =	vld [tilespmem:s3+$0x0];
	_ =	sdelay $0x2  }
0x1e7: {  	s12 =	simm.s32 $0x80  }
0x1e8: {  	s15 =	sand.u32 $0x400, s12;
	s17 =	simm.s32 $0x10  }
0x1e9: {  	s13 =	simm.s32 $0x20;
	s16 =	sadd.s32 s15, s9;
	s14 =	sand.u32 $0x70, s17;
	v5 =	vmax.f32 v6, v5  }
.LBB2_33:
0x1ea: {  	p0 =	sne.s32 s13, $0xF0;
	s15 =	sadd.s32 s15, s0;
	s16 =	sadd.s32 s14, s16;
	[tilespmem:s3+$0x0] =	vst v5  }
0x1eb: {  	s3 =	sadd.s32 s14, s15;
	v5 =	vld [tilespmem:s16+$0xA80]  }
0x1ec: {  	v6 =	vld [tilespmem:s3+$0x0]  }
.Ltmp19:
0x1ed: {  	(pc) =	sbr.rel @p0 .LBB2_33-.Ltmp19, $4  }
0x1ee: {  	_ = 	snop  }
0x1ef: {  	s12 =	sadd.s32 $0x80, s12  }
0x1f0: {  	s15 =	sand.u32 $0x400, s12  }
0x1f1: {  	s14 =	sand.u32 $0x70, s13;
	s13 =	sadd.s32 $0x10, s13;
	s16 =	sadd.s32 s15, s9;
	v5 =	vmax.f32 v6, v5  }
0x1f2: {  	(v2sf) =	vpush v4, $0xE;
	_ =	sdelay $0xa  }
0x1f3: {  	s0 =	sadd.s32 s15, s0;
	s12 =	sadd.s32 s14, s16;
	[tilespmem:s3+$0x0] =	vst v5  }
0x1f4: {  	s3 =	sadd.s32 s14, s0;
	v5 =	vld [tilespmem:s12+$0xA80]  }
0x1f5: {  	v6 =	vld [tilespmem:s3+$0x0];
	_ =	sdelay $0x1  }
0x1f6: {  	s14 =	spop (v2sf)  }
0x1f7: {  	s13 =	simm.s32 $0x0;
	s15 =	sshll.u32 s14, $0x8;
	s0 =	sshll.u32 s14, $0x7  }
0x1f8: {  	s16 =	sand.u32 $0x400, s13;
	s12 =	sand.u32 $0xFFFFF800, s15;
	s0 =	sand.u32 $0x380, s0  }
0x1f9: {  	s17 =	sand.u32 $0x70, s13;
	v5 =	vmax.f32 v6, v5;
	s15 =	sadd.s32 s16, s9;
	s0 =	sor.u32 s0, s12  }
0x1fa: {  	[tilespmem:s3+$0x0] =	vst v5;
	s13 =	sadd.s32 s17, s15;
	s16 =	sadd.s32 s16, s0  }
0x1fb: {  	v5 =	vld [tilespmem:s13+$0xB00];
	s3 =	sadd.s32 s17, s16  }
0x1fc: {  	v6 =	vld [tilespmem:s3+$0x0];
	_ =	sdelay $0x2  }
0x1fd: {  	s12 =	simm.s32 $0x80  }
0x1fe: {  	s15 =	sand.u32 $0x400, s12;
	s17 =	simm.s32 $0x10  }
0x1ff: {  	s13 =	simm.s32 $0x20;
	s16 =	sadd.s32 s15, s9;
	s14 =	sand.u32 $0x70, s17;
	v5 =	vmax.f32 v6, v5  }
.LBB2_35:
0x200: {  	p0 =	sne.s32 s13, $0xF0;
	s15 =	sadd.s32 s15, s0;
	s16 =	sadd.s32 s14, s16;
	[tilespmem:s3+$0x0] =	vst v5  }
0x201: {  	s3 =	sadd.s32 s14, s15;
	v5 =	vld [tilespmem:s16+$0xB00]  }
0x202: {  	v6 =	vld [tilespmem:s3+$0x0]  }
.Ltmp20:
0x203: {  	(pc) =	sbr.rel @p0 .LBB2_35-.Ltmp20, $4  }
0x204: {  	_ = 	snop  }
0x205: {  	s12 =	sadd.s32 $0x80, s12  }
0x206: {  	s15 =	sand.u32 $0x400, s12  }
0x207: {  	s14 =	sand.u32 $0x70, s13;
	s13 =	sadd.s32 $0x10, s13;
	s16 =	sadd.s32 s15, s9;
	v5 =	vmax.f32 v6, v5  }
0x208: {  	(v2sf) =	vpush v4, $0xF;
	_ =	sdelay $0xa  }
0x209: {  	s0 =	sadd.s32 s15, s0;
	s12 =	sadd.s32 s14, s16;
	[tilespmem:s3+$0x0] =	vst v5  }
0x20a: {  	s3 =	sadd.s32 s14, s0;
	v4 =	vld [tilespmem:s12+$0xB00]  }
0x20b: {  	v5 =	vld [tilespmem:s3+$0x0];
	_ =	sdelay $0x1  }
0x20c: {  	s14 =	spop (v2sf)  }
0x20d: {  	s13 =	simm.s32 $0x0;
	s15 =	sshll.u32 s14, $0x8;
	s0 =	sshll.u32 s14, $0x7  }
0x20e: {  	s16 =	sand.u32 $0x400, s13;
	s12 =	sand.u32 $0xFFFFF800, s15;
	s0 =	sand.u32 $0x380, s0  }
0x20f: {  	s17 =	sand.u32 $0x70, s13;
	v4 =	vmax.f32 v5, v4;
	s15 =	sadd.s32 s16, s9;
	s0 =	sor.u32 s0, s12  }
0x210: {  	[tilespmem:s3+$0x0] =	vst v4;
	s13 =	sadd.s32 s17, s15;
	s16 =	sadd.s32 s16, s0  }
0x211: {  	v4 =	vld [tilespmem:s13+$0xB80];
	s3 =	sadd.s32 s17, s16  }
0x212: {  	v5 =	vld [tilespmem:s3+$0x0];
	_ =	sdelay $0x2  }
0x213: {  	s12 =	simm.s32 $0x80  }
0x214: {  	s15 =	sand.u32 $0x400, s12;
	s17 =	simm.s32 $0x10  }
0x215: {  	s13 =	simm.s32 $0x20;
	s16 =	sadd.s32 s15, s9;
	s14 =	sand.u32 $0x70, s17;
	v4 =	vmax.f32 v5, v4  }
.LBB2_37:
0x216: {  	p0 =	sne.s32 s13, $0xF0;
	s15 =	sadd.s32 s15, s0;
	s16 =	sadd.s32 s14, s16;
	[tilespmem:s3+$0x0] =	vst v4  }
0x217: {  	s3 =	sadd.s32 s14, s15;
	v4 =	vld [tilespmem:s16+$0xB80]  }
0x218: {  	v5 =	vld [tilespmem:s3+$0x0]  }
.Ltmp21:
0x219: {  	(pc) =	sbr.rel @p0 .LBB2_37-.Ltmp21, $4  }
0x21a: {  	_ = 	snop  }
0x21b: {  	s12 =	sadd.s32 $0x80, s12  }
0x21c: {  	s15 =	sand.u32 $0x400, s12  }
0x21d: {  	s14 =	sand.u32 $0x70, s13;
	s13 =	sadd.s32 $0x10, s13;
	s16 =	sadd.s32 s15, s9;
	v4 =	vmax.f32 v5, v4  }
0x21e: {  	s0 =	sadd.s32 s15, s0;
	s9 =	sadd.s32 s14, s16;
	[tilespmem:s3+$0x0] =	vst v4  }
0x21f: {  	s0 =	sadd.s32 s14, s0;
	v4 =	vld [tilespmem:s9+$0xB80]  }
0x220: {  	s8 =	sadd.s32 $0x1, s8;
	v5 =	vld [tilespmem:s0+$0x0]  }
0x221: {  	p0 =	sne.s32 s8, $0x8  }
.Ltmp22:
0x222: {  	_ = 	snop;
	(pc) =	sbr.rel @p0 .LBB2_6-.Ltmp22, $4  }
.Ltmp23:
0x223: {  	_ = 	snop;
	(pc) =	sbr.rel @!p0 .LBB2_39-.Ltmp23, $4  }
0x224: {  	_ = 	snop  }
0x225: {  	v4 =	vmax.f32 v5, v4  }
0x226: {  	[tilespmem:s0+$0x0] =	vst v4  }
0x227: {  	_ = 	snop  }
.LBB2_41:
0x228: {  	_ =	sfence.sel $0x180000  }
0x229: {  	[bflag:$0x0] =	sbarrier.arrive $0xFFFF  }
0x22a: {  	_ =	strace $0x90000056  }
0x22b: {  	s0 =	stileid.u32;
	[bflag:$0x2] =	sbarrier.arrive $0xFFFF  }
0x22c: {  	p0 =	sne.s32 s0, $0x0;
	s0 =	rddreg [dreg:$0x2]  }
0x22d: {  	s0 =	sadd.s32 @!p0 $0x100000, s0  }
0x22e: {  	[sflag:s0] =	ssyncadd.tile.s32 @!p0 $0x1;
	_ =	shalt  }
.Lfunc_end2:
_tile_overlayer_lowered:
.L_overlay_start_2:
0x22f: {  	(tag) =	ssettag $0x2  }
0x230: {  	s0 =	rddreg [dreg:$0x0];
	s2 =	stileid.u32  }
0x231: {  	s1 =	rddreg [dreg:$0x1];
	p0 =	sne.s32 s2, $0x0  }
0x232: {  	s3 =	rddreg [dreg:$0x2];
	[bflag:$0x3] =	sbarrier.arrive $0xFFFF;
	s2 =	simm.s32 @!p0 $0x1C02  }
0x233: {  	[timem:s3], [sflag:s2] =	dma.local @!p0 [hbm:s0], s1  }
0x234: {  	s0 =	simm.s32 @!p0 $0x2  }
0x235: {  	_ =	swait.ge @!p0 [sflag:s0], s1  }
0x236: {  	s1 =	ssub.s32 @!p0 $0x0, s1;
	[sflag:s0] =	ssyncset.done @!p0 $0x0  }
0x237: {  	[sflag:s0] =	ssyncadd.s32 @!p0 s1  }
0x238: {  	[bflag:$0x3] =	sbarrier.arrive $0xFFFF  }
0x239: {  	_ =	shalt  }

</sc_bundles>
